<compile_context>
chip_gen: v7x
topology: tpu7x:2x2x1
jax: 0.10.2.dev20260603
libtpu: 0.0.44.dev20260713+nightly
codegen_flags: <defaults>
</compile_context>

<pallas_src>
import functools

import jax
import jax.numpy as jnp
from jax import lax
from jax.experimental import pallas as pl
from jax.experimental.pallas import tpu as pltpu
from jax.experimental.pallas import tpu_sc as plsc

_N_NODES = 100000
_HIDDEN = 128
_OUT_SIZE = 10
_NUM_GRAPHS = 512

_NC = 2
_NS = 16
_NW = _NC * _NS
_CHUNK = 128
_NBUF = 2
_CHUNKS_A = 25
_CHUNKS_B = 24
_NW_A = 13
_TAIL_BASE = 781 * _CHUNK
_TAIL = _N_NODES - _TAIL_BASE
_CNT_ROWS = 16
_GPT = _NUM_GRAPHS // _NS


def _build_seg_pool():
    mesh = plsc.VectorSubcoreMesh(core_axis_name="c", subcore_axis_name="s")

    @functools.partial(
        pl.kernel,
        mesh=mesh,
        out_type=[
            jax.ShapeDtypeStruct((_NC, _NUM_GRAPHS, _HIDDEN), jnp.float32),
            jax.ShapeDtypeStruct((_NC, _NUM_GRAPHS // _HIDDEN, _HIDDEN),
                                 jnp.float32),
        ],
        scratch_types=(
            [pltpu.VMEM((_CHUNK,), jnp.int32) for _ in range(_NBUF)]
            + [pltpu.VMEM((_CHUNK, _HIDDEN), jnp.float32)
               for _ in range(_NBUF)]
            + [
                pltpu.VMEM((_GPT, _HIDDEN), jnp.float32),
                pltpu.VMEM((_NUM_GRAPHS,), jnp.float32),
                pltpu.VMEM((_CNT_ROWS, _HIDDEN), jnp.float32),
                pltpu.VMEM((_CNT_ROWS,), jnp.int32),
                pltpu.VMEM((_TAIL,), jnp.int32),
                pltpu.VMEM((_TAIL, _HIDDEN), jnp.float32),
                pltpu.SMEM((_NUM_GRAPHS,), jnp.float32),
                pltpu.VMEM_SHARED((_NUM_GRAPHS, _HIDDEN), jnp.float32),
                pltpu.VMEM_SHARED((_CNT_ROWS, _HIDDEN), jnp.float32),
            ]
            + [pltpu.SemaphoreType.DMA for _ in range(_NBUF + 1)]
        ),
    )
    def seg_pool(x_hbm, batch_hbm, iota_hbm, sums_hbm, counts_hbm, *refs):
        idx_v = refs[0:_NBUF]
        rows_v = refs[_NBUF:2 * _NBUF]
        (zrow_v, cflat_v, c2d_v, idx4_v, idxt_v, rowst_v, hist_s,
         acc_sh, cnt_sh) = refs[2 * _NBUF:2 * _NBUF + 9]
        gsem = refs[2 * _NBUF + 9:2 * _NBUF + 9 + _NBUF]
        ssem = refs[2 * _NBUF + 9 + _NBUF]
        cid = lax.axis_index("c")
        sid = lax.axis_index("s")
        wid = sid * _NC + cid

        zero16 = jnp.zeros((16,), jnp.float32)
        for i in range(_GPT):
            for j in range(_HIDDEN // 16):
                zrow_v[i, pl.ds(j * 16, 16)] = zero16
        for i in range(_CNT_ROWS):
            for j in range(_HIDDEN // 16):
                c2d_v[i, pl.ds(j * 16, 16)] = zero16

        def zero_hist(i, carry):
            hist_s[i] = 0.0
            return carry

        lax.fori_loop(0, _NUM_GRAPHS, zero_hist, 0)
        pltpu.sync_copy(iota_hbm, idx4_v)

        g0 = sid * _GPT
        pltpu.sync_copy(zrow_v, acc_sh.at[pl.ds(g0, _GPT)])

        @pl.when(sid == 0)
        def _():
            pltpu.sync_copy(c2d_v, cnt_sh)

        plsc.subcore_barrier()

        base0 = jnp.where(
            wid < _NW_A,
            wid * _CHUNKS_A * _CHUNK,
            _NW_A * _CHUNKS_A * _CHUNK + (wid - _NW_A) * _CHUNKS_B * _CHUNK,
        )
        n_chunks = jnp.where(wid < _NW_A, _CHUNKS_A, _CHUNKS_B)

        def g_start(b, k):
            base = base0 + k * _CHUNK
            pltpu.async_copy(batch_hbm.at[pl.ds(base, _CHUNK)], idx_v[b],
                             gsem[b])
            pltpu.async_copy(x_hbm.at[pl.ds(base, _CHUNK)], rows_v[b],
                             gsem[b])

        def g_wait(b, k):
            base = base0 + k * _CHUNK
            pltpu.make_async_copy(batch_hbm.at[pl.ds(base, _CHUNK)], idx_v[b],
                                  gsem[b]).wait()
            pltpu.make_async_copy(x_hbm.at[pl.ds(base, _CHUNK)], rows_v[b],
                                  gsem[b]).wait()

        for b in range(_NBUF):
            g_start(b, b)

        def outer(o, carry):
            for j in range(_NBUF):
                k = o * _NBUF + j

                @pl.when(k < n_chunks)
                def _(j=j, k=k):
                    g_wait(j, k)
                    sc = pltpu.async_copy(rows_v[j], acc_sh.at[idx_v[j]],
                                          ssem, add=True)

                    def hist_body(v, carry, j=j):
                        ids16 = idx_v[j][pl.ds(v * 16, 16)]
                        for l in range(16):
                            g = ids16[l]
                            hist_s[g] = hist_s[g] + 1.0
                        return carry

                    lax.fori_loop(0, _CHUNK // 16, hist_body, 0)
                    sc.wait()

                @pl.when(k + _NBUF < n_chunks)
                def _(j=j, k=k):
                    g_start(j, k + _NBUF)
            return carry

        lax.fori_loop(0, (_CHUNKS_A + _NBUF - 1) // _NBUF, outer, 0)

        @pl.when(wid == _NW - 1)
        def _():
            pltpu.sync_copy(batch_hbm.at[pl.ds(_TAIL_BASE, _TAIL)], idxt_v)
            pltpu.sync_copy(x_hbm.at[pl.ds(_TAIL_BASE, _TAIL)], rowst_v)
            sc = pltpu.async_copy(rowst_v, acc_sh.at[idxt_v], ssem, add=True)
            for v in range(_TAIL // 16):
                ids16 = idxt_v[pl.ds(v * 16, 16)]
                for l in range(16):
                    g = ids16[l]
                    hist_s[g] = hist_s[g] + 1.0
            sc.wait()

        lane = lax.iota(jnp.int32, 16)

        def build_body(r, carry):
            v = jnp.zeros((16,), jnp.float32)
            for l in range(16):
                s = hist_s[r * 16 + l]
                v = jnp.where(lane == l, s, v)
            cflat_v[pl.ds(r * 16, 16)] = v
            return carry

        lax.fori_loop(0, _NUM_GRAPHS // 16, build_body, 0)
        for i in range(_NUM_GRAPHS // _HIDDEN):
            for j in range(_HIDDEN // 16):
                c2d_v[i, pl.ds(j * 16, 16)] = \
                    cflat_v[pl.ds(i * _HIDDEN + j * 16, 16)]
        pltpu.sync_copy(c2d_v, cnt_sh.at[idx4_v], add=True)
        plsc.subcore_barrier()

        @pl.when(sid == 0)
        def _():
            pltpu.sync_copy(acc_sh, sums_hbm.at[cid])
            pltpu.sync_copy(cnt_sh.at[pl.ds(0, _NUM_GRAPHS // _HIDDEN)],
                            counts_hbm.at[cid])

    return seg_pool


_seg_pool = _build_seg_pool()


def _mlp_body(sums_ref, cnts_ref, w1_ref, b1_ref, w2_ref, b2_ref, out_ref):
    sums = sums_ref[0] + sums_ref[1]
    c = jnp.maximum(cnts_ref[0] + cnts_ref[1], 1.0)
    pooled = sums / c
    h = jnp.tanh(
        jnp.dot(pooled, w1_ref[...], preferred_element_type=jnp.float32)
        + b1_ref[...]
    )
    out_ref[...] = (
        jnp.dot(h, w2_ref[...], preferred_element_type=jnp.float32)
        + b2_ref[...]
    )


def kernel(x, batch, W1, b1, W2, b2):
    batch_i32 = batch.astype(jnp.int32)
    iota16 = jnp.arange(_CNT_ROWS, dtype=jnp.int32)
    sums2, counts2 = _seg_pool(x, batch_i32, iota16)
    counts_col = counts2.reshape(_NC, _NUM_GRAPHS, 1)
    out = pl.pallas_call(
        _mlp_body,
        out_shape=jax.ShapeDtypeStruct((_NUM_GRAPHS, _OUT_SIZE), jnp.float32),
    )(sums2, counts_col, W1, b1.reshape(1, -1), W2, b2.reshape(1, -1))
    return out

# --- scband reference (transcript-rebuilt; emitter-appended) ---
"""Pipeline reference for scband-pooling-layer-26396869001533 (READ-ONLY COPY).

The authoritative reference and input builder live on the scoring server;
editing this copy changes nothing except your own understanding.
"""

import jax, jax.numpy as jnp
import numpy as np

N_NODES = 100000
HIDDEN = 128
OUT_SIZE = 10
NUM_GRAPHS = 512


def setup_inputs(seed: int = 0) -> dict:
    key = jax.random.key(seed)
    k1, k2, k3, k4 = jax.random.split(key, 4)
    x = jax.random.normal(k1, (N_NODES, HIDDEN), dtype=jnp.float32)
    batch = jnp.sort(jax.random.randint(k2, (N_NODES,), 0, NUM_GRAPHS, dtype=jnp.int64))
    # head: Linear(hidden, 2*hidden) with orthogonal init std=sqrt(2), then Tanh,
    # then Linear(2*hidden, out_size) with orthogonal init std=out_std. Bias = 0.
    # Approximate orthogonal init with scaled gaussians of matching column norm.
    W1 = jax.random.normal(k3, (HIDDEN, 2 * HIDDEN), dtype=jnp.float32) * (np.sqrt(2.0) / np.sqrt(HIDDEN))
    b1 = jnp.zeros((2 * HIDDEN,), dtype=jnp.float32)
    W2 = jax.random.normal(k4, (2 * HIDDEN, OUT_SIZE), dtype=jnp.float32) * (0.01 / np.sqrt(2 * HIDDEN))
    b2 = jnp.zeros((OUT_SIZE,), dtype=jnp.float32)
    return {"x": x, "batch": batch, "W1": W1, "b1": b1, "W2": W2, "b2": b2}


def reference(x, batch, W1, b1, W2, b2):
    # global_mean_pool: segment mean of node features per graph id
    sums = jax.ops.segment_sum(x, batch, num_segments=NUM_GRAPHS)
    counts = jax.ops.segment_sum(jnp.ones((x.shape[0],), dtype=x.dtype), batch, num_segments=NUM_GRAPHS)
    pooled = sums / jnp.clip(counts, 1.0)[:, None]
    # head MLP: Linear -> Tanh -> Linear
    h = jnp.tanh(pooled @ W1 + b1)
    out = h @ W2 + b2
    return out

if __name__ == "__main__":
    import jax
    _d = setup_inputs()
    print(jax.jit(kernel)(*tuple(_d.values())))

</pallas_src>

<mosaic_0001>
#map = affine_map<(d0, d1) -> (0, 0)>
#map1 = affine_map<(d0, d1) -> (0)>
#map2 = affine_map<(d0, d1) -> (0, 0, 0)>
module attributes {stable_mosaic.version = 14 : i64} {
  func.func @seg_pool(%arg0: i32, %arg1: i32, %arg2: memref<100000x128xf32, #tpu.memory_space<hbm>>, %arg3: memref<100000xi32, #tpu.memory_space<hbm>>, %arg4: memref<16xi32, #tpu.memory_space<hbm>>, %arg5: memref<2x512x128xf32, #tpu.memory_space<hbm>>, %arg6: memref<2x4x128xf32, #tpu.memory_space<hbm>>, %arg7: memref<128xi32, #tpu.memory_space<vmem>>, %arg8: memref<128xi32, #tpu.memory_space<vmem>>, %arg9: memref<128x128xf32, #tpu.memory_space<vmem>>, %arg10: memref<128x128xf32, #tpu.memory_space<vmem>>, %arg11: memref<32x128xf32, #tpu.memory_space<vmem>>, %arg12: memref<512xf32, #tpu.memory_space<vmem>>, %arg13: memref<16x128xf32, #tpu.memory_space<vmem>>, %arg14: memref<16xi32, #tpu.memory_space<vmem>>, %arg15: memref<32xi32, #tpu.memory_space<vmem>>, %arg16: memref<32x128xf32, #tpu.memory_space<vmem>>, %arg17: memref<512xf32, #tpu.memory_space<smem>>, %arg18: memref<512x128xf32, #tpu.memory_space<vmem_shared>>, %arg19: memref<16x128xf32, #tpu.memory_space<vmem_shared>>, %arg20: memref<!tpu.dma_semaphore, #tpu.memory_space<semaphore_mem>>, %arg21: memref<!tpu.dma_semaphore, #tpu.memory_space<semaphore_mem>>, %arg22: memref<!tpu.dma_semaphore, #tpu.memory_space<semaphore_mem>>) attributes {dimension_semantics = [#tpu.dimension_semantics<core_parallel>, #tpu.dimension_semantics<subcore_parallel>], iteration_bounds = array<i64: 2, 16>, scalar_prefetch = 0 : i64, scratch_operands = 16 : i64, tpu.core_type = #tpu.core_type<sc_vector_subcore>, window_params = [{transform_indices = #map}, {transform_indices = #map1}, {transform_indices = #map1}, {transform_indices = #map2}, {transform_indices = #map2}]} {
    %mul3A = arith.constant 2 : i32
    %mul3A_0 = arith.muli %arg1, %mul3A : i32
    %add3A = arith.addi %mul3A_0, %arg0 : i32
    %broadcast_in_dim3A = arith.constant 0.000000e+00 : f32
    %broadcast_in_dim3A_1 = vector.broadcast %broadcast_in_dim3A : f32 to vector<16xf32>
    %swap3A = arith.constant 0 : i32
    %swap3A_2 = arith.index_cast %swap3A : i32 to index
    %swap3A_3 = arith.constant 0 : index
    %swap3A_4 = tpu.vector_load %arg11[%swap3A_2, %swap3A_3] {strides = array<i32>} : memref<32x128xf32, #tpu.memory_space<vmem>>, vector<1x16xf32>,
    %swap3A_5 = vector.shape_cast %swap3A_4 : vector<1x16xf32> to vector<16xf32>
    %swap3A_6 = vector.shape_cast %broadcast_in_dim3A_1 : vector<16xf32> to vector<1x16xf32>
    tpu.vector_store %arg11[%swap3A_2, %swap3A_3], %swap3A_6 {strides = array<i32>} : memref<32x128xf32, #tpu.memory_space<vmem>>, vector<1x16xf32>,
    %swap3A_7 = arith.constant 0 : i32
    %swap3A_8 = arith.index_cast %swap3A_7 : i32 to index
    %swap3A_9 = arith.constant 16 : index
    %swap3A_10 = tpu.vector_load %arg11[%swap3A_8, %swap3A_9] {strides = array<i32>} : memref<32x128xf32, #tpu.memory_space<vmem>>, vector<1x16xf32>,
    %swap3A_11 = vector.shape_cast %swap3A_10 : vector<1x16xf32> to vector<16xf32>
    %swap3A_12 = vector.shape_cast %broadcast_in_dim3A_1 : vector<16xf32> to vector<1x16xf32>
    tpu.vector_store %arg11[%swap3A_8, %swap3A_9], %swap3A_12 {strides = array<i32>} : memref<32x128xf32, #tpu.memory_space<vmem>>, vector<1x16xf32>,
    %swap3A_13 = arith.constant 0 : i32
    %swap3A_14 = arith.index_cast %swap3A_13 : i32 to index
    %swap3A_15 = arith.constant 32 : index
    %swap3A_16 = tpu.vector_load %arg11[%swap3A_14, %swap3A_15] {strides = array<i32>} : memref<32x128xf32, #tpu.memory_space<vmem>>, vector<1x16xf32>,
    %swap3A_17 = vector.shape_cast %swap3A_16 : vector<1x16xf32> to vector<16xf32>
    %swap3A_18 = vector.shape_cast %broadcast_in_dim3A_1 : vector<16xf32> to vector<1x16xf32>
    tpu.vector_store %arg11[%swap3A_14, %swap3A_15], %swap3A_18 {strides = array<i32>} : memref<32x128xf32, #tpu.memory_space<vmem>>, vector<1x16xf32>,
    %swap3A_19 = arith.constant 0 : i32
    %swap3A_20 = arith.index_cast %swap3A_19 : i32 to index
    %swap3A_21 = arith.constant 48 : index
    %swap3A_22 = tpu.vector_load %arg11[%swap3A_20, %swap3A_21] {strides = array<i32>} : memref<32x128xf32, #tpu.memory_space<vmem>>, vector<1x16xf32>,
    %swap3A_23 = vector.shape_cast %swap3A_22 : vector<1x16xf32> to vector<16xf32>
    %swap3A_24 = vector.shape_cast %broadcast_in_dim3A_1 : vector<16xf32> to vector<1x16xf32>
    tpu.vector_store %arg11[%swap3A_20, %swap3A_21], %swap3A_24 {strides = array<i32>} : memref<32x128xf32, #tpu.memory_space<vmem>>, vector<1x16xf32>,
    %swap3A_25 = arith.constant 0 : i32
    %swap3A_26 = arith.index_cast %swap3A_25 : i32 to index
    %swap3A_27 = arith.constant 64 : index
    %swap3A_28 = tpu.vector_load %arg11[%swap3A_26, %swap3A_27] {strides = array<i32>} : memref<32x128xf32, #tpu.memory_space<vmem>>, vector<1x16xf32>,
    %swap3A_29 = vector.shape_cast %swap3A_28 : vector<1x16xf32> to vector<16xf32>
    %swap3A_30 = vector.shape_cast %broadcast_in_dim3A_1 : vector<16xf32> to vector<1x16xf32>
    tpu.vector_store %arg11[%swap3A_26, %swap3A_27], %swap3A_30 {strides = array<i32>} : memref<32x128xf32, #tpu.memory_space<vmem>>, vector<1x16xf32>,
    %swap3A_31 = arith.constant 0 : i32
    %swap3A_32 = arith.index_cast %swap3A_31 : i32 to index
    %swap3A_33 = arith.constant 80 : index
    %swap3A_34 = tpu.vector_load %arg11[%swap3A_32, %swap3A_33] {strides = array<i32>} : memref<32x128xf32, #tpu.memory_space<vmem>>, vector<1x16xf32>,
    %swap3A_35 = vector.shape_cast %swap3A_34 : vector<1x16xf32> to vector<16xf32>
    %swap3A_36 = vector.shape_cast %broadcast_in_dim3A_1 : vector<16xf32> to vector<1x16xf32>
    tpu.vector_store %arg11[%swap3A_32, %swap3A_33], %swap3A_36 {strides = array<i32>} : memref<32x128xf32, #tpu.memory_space<vmem>>, vector<1x16xf32>,
    %swap3A_37 = arith.constant 0 : i32
    %swap3A_38 = arith.index_cast %swap3A_37 : i32 to index
    %swap3A_39 = arith.constant 96 : index
    %swap3A_40 = tpu.vector_load %arg11[%swap3A_38, %swap3A_39] {strides = array<i32>} : memref<32x128xf32, #tpu.memory_space<vmem>>, vector<1x16xf32>,
    %swap3A_41 = vector.shape_cast %swap3A_40 : vector<1x16xf32> to vector<16xf32>
    %swap3A_42 = vector.shape_cast %broadcast_in_dim3A_1 : vector<16xf32> to vector<1x16xf32>
    tpu.vector_store %arg11[%swap3A_38, %swap3A_39], %swap3A_42 {strides = array<i32>} : memref<32x128xf32, #tpu.memory_space<vmem>>, vector<1x16xf32>,
    %swap3A_43 = arith.constant 0 : i32
    %swap3A_44 = arith.index_cast %swap3A_43 : i32 to index
    %swap3A_45 = arith.constant 112 : index
    %swap3A_46 = tpu.vector_load %arg11[%swap3A_44, %swap3A_45] {strides = array<i32>} : memref<32x128xf32, #tpu.memory_space<vmem>>, vector<1x16xf32>,
    %swap3A_47 = vector.shape_cast %swap3A_46 : vector<1x16xf32> to vector<16xf32>
    %swap3A_48 = vector.shape_cast %broadcast_in_dim3A_1 : vector<16xf32> to vector<1x16xf32>
    tpu.vector_store %arg11[%swap3A_44, %swap3A_45], %swap3A_48 {strides = array<i32>} : memref<32x128xf32, #tpu.memory_space<vmem>>, vector<1x16xf32>,
    %swap3A_49 = arith.constant 1 : i32
    %swap3A_50 = arith.index_cast %swap3A_49 : i32 to index
    %swap3A_51 = arith.constant 0 : index
    %swap3A_52 = tpu.vector_load %arg11[%swap3A_50, %swap3A_51] {strides = array<i32>} : memref<32x128xf32, #tpu.memory_space<vmem>>, vector<1x16xf32>,
    %swap3A_53 = vector.shape_cast %swap3A_52 : vector<1x16xf32> to vector<16xf32>
    %swap3A_54 = vector.shape_cast %broadcast_in_dim3A_1 : vector<16xf32> to vector<1x16xf32>
    tpu.vector_store %arg11[%swap3A_50, %swap3A_51], %swap3A_54 {strides = array<i32>} : memref<32x128xf32, #tpu.memory_space<vmem>>, vector<1x16xf32>,
    %swap3A_55 = arith.constant 1 : i32
    %swap3A_56 = arith.index_cast %swap3A_55 : i32 to index
    %swap3A_57 = arith.constant 16 : index
    %swap3A_58 = tpu.vector_load %arg11[%swap3A_56, %swap3A_57] {strides = array<i32>} : memref<32x128xf32, #tpu.memory_space<vmem>>, vector<1x16xf32>,
    %swap3A_59 = vector.shape_cast %swap3A_58 : vector<1x16xf32> to vector<16xf32>
    %swap3A_60 = vector.shape_cast %broadcast_in_dim3A_1 : vector<16xf32> to vector<1x16xf32>
    tpu.vector_store %arg11[%swap3A_56, %swap3A_57], %swap3A_60 {strides = array<i32>} : memref<32x128xf32, #tpu.memory_space<vmem>>, vector<1x16xf32>,
    %swap3A_61 = arith.constant 1 : i32
    %swap3A_62 = arith.index_cast %swap3A_61 : i32 to index
    %swap3A_63 = arith.constant 32 : index
    %swap3A_64 = tpu.vector_load %arg11[%swap3A_62, %swap3A_63] {strides = array<i32>} : memref<32x128xf32, #tpu.memory_space<vmem>>, vector<1x16xf32>,
    %swap3A_65 = vector.shape_cast %swap3A_64 : vector<1x16xf32> to vector<16xf32>
    %swap3A_66 = vector.shape_cast %broadcast_in_dim3A_1 : vector<16xf32> to vector<1x16xf32>
    tpu.vector_store %arg11[%swap3A_62, %swap3A_63], %swap3A_66 {strides = array<i32>} : memref<32x128xf32, #tpu.memory_space<vmem>>, vector<1x16xf32>,
    %swap3A_67 = arith.constant 1 : i32
    %swap3A_68 = arith.index_cast %swap3A_67 : i32 to index
    %swap3A_69 = arith.constant 48 : index
    %swap3A_70 = tpu.vector_load %arg11[%swap3A_68, %swap3A_69] {strides = array<i32>} : memref<32x128xf32, #tpu.memory_space<vmem>>, vector<1x16xf32>,
    %swap3A_71 = vector.shape_cast %swap3A_70 : vector<1x16xf32> to vector<16xf32>
    %swap3A_72 = vector.shape_cast %broadcast_in_dim3A_1 : vector<16xf32> to vector<1x16xf32>
    tpu.vector_store %arg11[%swap3A_68, %swap3A_69], %swap3A_72 {strides = array<i32>} : memref<32x128xf32, #tpu.memory_space<vmem>>, vector<1x16xf32>,
    %swap3A_73 = arith.constant 1 : i32
    %swap3A_74 = arith.index_cast %swap3A_73 : i32 to index
    %swap3A_75 = arith.constant 64 : index
    %swap3A_76 = tpu.vector_load %arg11[%swap3A_74, %swap3A_75] {strides = array<i32>} : memref<32x128xf32, #tpu.memory_space<vmem>>, vector<1x16xf32>,
    %swap3A_77 = vector.shape_cast %swap3A_76 : vector<1x16xf32> to vector<16xf32>
    %swap3A_78 = vector.shape_cast %broadcast_in_dim3A_1 : vector<16xf32> to vector<1x16xf32>
    tpu.vector_store %arg11[%swap3A_74, %swap3A_75], %swap3A_78 {strides = array<i32>} : memref<32x128xf32, #tpu.memory_space<vmem>>, vector<1x16xf32>,
    %swap3A_79 = arith.constant 1 : i32
    %swap3A_80 = arith.index_cast %swap3A_79 : i32 to index
    %swap3A_81 = arith.constant 80 : index
    %swap3A_82 = tpu.vector_load %arg11[%swap3A_80, %swap3A_81] {strides = array<i32>} : memref<32x128xf32, #tpu.memory_space<vmem>>, vector<1x16xf32>,
    %swap3A_83 = vector.shape_cast %swap3A_82 : vector<1x16xf32> to vector<16xf32>
    %swap3A_84 = vector.shape_cast %broadcast_in_dim3A_1 : vector<16xf32> to vector<1x16xf32>
    tpu.vector_store %arg11[%swap3A_80, %swap3A_81], %swap3A_84 {strides = array<i32>} : memref<32x128xf32, #tpu.memory_space<vmem>>, vector<1x16xf32>,
    %swap3A_85 = arith.constant 1 : i32
    %swap3A_86 = arith.index_cast %swap3A_85 : i32 to index
    %swap3A_87 = arith.constant 96 : index
    %swap3A_88 = tpu.vector_load %arg11[%swap3A_86, %swap3A_87] {strides = array<i32>} : memref<32x128xf32, #tpu.memory_space<vmem>>, vector<1x16xf32>,
    %swap3A_89 = vector.shape_cast %swap3A_88 : vector<1x16xf32> to vector<16xf32>
    %swap3A_90 = vector.shape_cast %broadcast_in_dim3A_1 : vector<16xf32> to vector<1x16xf32>
    tpu.vector_store %arg11[%swap3A_86, %swap3A_87], %swap3A_90 {strides = array<i32>} : memref<32x128xf32, #tpu.memory_space<vmem>>, vector<1x16xf32>,
    %swap3A_91 = arith.constant 1 : i32
    %swap3A_92 = arith.index_cast %swap3A_91 : i32 to index
    %swap3A_93 = arith.constant 112 : index
    %swap3A_94 = tpu.vector_load %arg11[%swap3A_92, %swap3A_93] {strides = array<i32>} : memref<32x128xf32, #tpu.memory_space<vmem>>, vector<1x16xf32>,
    %swap3A_95 = vector.shape_cast %swap3A_94 : vector<1x16xf32> to vector<16xf32>
    %swap3A_96 = vector.shape_cast %broadcast_in_dim3A_1 : vector<16xf32> to vector<1x16xf32>
    tpu.vector_store %arg11[%swap3A_92, %swap3A_93], %swap3A_96 {strides = array<i32>} : memref<32x128xf32, #tpu.memory_space<vmem>>, vector<1x16xf32>,
    %swap3A_97 = arith.constant 2 : i32
    %swap3A_98 = arith.index_cast %swap3A_97 : i32 to index
    %swap3A_99 = arith.constant 0 : index
    %swap3A_100 = tpu.vector_load %arg11[%swap3A_98, %swap3A_99] {strides = array<i32>} : memref<32x128xf32, #tpu.memory_space<vmem>>, vector<1x16xf32>,
    %swap3A_101 = vector.shape_cast %swap3A_100 : vector<1x16xf32> to vector<16xf32>
    %swap3A_102 = vector.shape_cast %broadcast_in_dim3A_1 : vector<16xf32> to vector<1x16xf32>
    tpu.vector_store %arg11[%swap3A_98, %swap3A_99], %swap3A_102 {strides = array<i32>} : memref<32x128xf32, #tpu.memory_space<vmem>>, vector<1x16xf32>,
    %swap3A_103 = arith.constant 2 : i32
    %swap3A_104 = arith.index_cast %swap3A_103 : i32 to index
    %swap3A_105 = arith.constant 16 : index
    %swap3A_106 = tpu.vector_load %arg11[%swap3A_104, %swap3A_105] {strides = array<i32>} : memref<32x128xf32, #tpu.memory_space<vmem>>, vector<1x16xf32>,
    %swap3A_107 = vector.shape_cast %swap3A_106 : vector<1x16xf32> to vector<16xf32>
    %swap3A_108 = vector.shape_cast %broadcast_in_dim3A_1 : vector<16xf32> to vector<1x16xf32>
    tpu.vector_store %arg11[%swap3A_104, %swap3A_105], %swap3A_108 {strides = array<i32>} : memref<32x128xf32, #tpu.memory_space<vmem>>, vector<1x16xf32>,
    %swap3A_109 = arith.constant 2 : i32
    %swap3A_110 = arith.index_cast %swap3A_109 : i32 to index
    %swap3A_111 = arith.constant 32 : index
    %swap3A_112 = tpu.vector_load %arg11[%swap3A_110, %swap3A_111] {strides = array<i32>} : memref<32x128xf32, #tpu.memory_space<vmem>>, vector<1x16xf32>,
    %swap3A_113 = vector.shape_cast %swap3A_112 : vector<1x16xf32> to vector<16xf32>
    %swap3A_114 = vector.shape_cast %broadcast_in_dim3A_1 : vector<16xf32> to vector<1x16xf32>
    tpu.vector_store %arg11[%swap3A_110, %swap3A_111], %swap3A_114 {strides = array<i32>} : memref<32x128xf32, #tpu.memory_space<vmem>>, vector<1x16xf32>,
    %swap3A_115 = arith.constant 2 : i32
    %swap3A_116 = arith.index_cast %swap3A_115 : i32 to index
    %swap3A_117 = arith.constant 48 : index
    %swap3A_118 = tpu.vector_load %arg11[%swap3A_116, %swap3A_117] {strides = array<i32>} : memref<32x128xf32, #tpu.memory_space<vmem>>, vector<1x16xf32>,
    %swap3A_119 = vector.shape_cast %swap3A_118 : vector<1x16xf32> to vector<16xf32>
    %swap3A_120 = vector.shape_cast %broadcast_in_dim3A_1 : vector<16xf32> to vector<1x16xf32>
    tpu.vector_store %arg11[%swap3A_116, %swap3A_117], %swap3A_120 {strides = array<i32>} : memref<32x128xf32, #tpu.memory_space<vmem>>, vector<1x16xf32>,
    %swap3A_121 = arith.constant 2 : i32
    %swap3A_122 = arith.index_cast %swap3A_121 : i32 to index
    %swap3A_123 = arith.constant 64 : index
    %swap3A_124 = tpu.vector_load %arg11[%swap3A_122, %swap3A_123] {strides = array<i32>} : memref<32x128xf32, #tpu.memory_space<vmem>>, vector<1x16xf32>,
    %swap3A_125 = vector.shape_cast %swap3A_124 : vector<1x16xf32> to vector<16xf32>
    %swap3A_126 = vector.shape_cast %broadcast_in_dim3A_1 : vector<16xf32> to vector<1x16xf32>
    tpu.vector_store %arg11[%swap3A_122, %swap3A_123], %swap3A_126 {strides = array<i32>} : memref<32x128xf32, #tpu.memory_space<vmem>>, vector<1x16xf32>,
    %swap3A_127 = arith.constant 2 : i32
    %swap3A_128 = arith.index_cast %swap3A_127 : i32 to index
    %swap3A_129 = arith.constant 80 : index
    %swap3A_130 = tpu.vector_load %arg11[%swap3A_128, %swap3A_129] {strides = array<i32>} : memref<32x128xf32, #tpu.memory_space<vmem>>, vector<1x16xf32>,
    %swap3A_131 = vector.shape_cast %swap3A_130 : vector<1x16xf32> to vector<16xf32>
    %swap3A_132 = vector.shape_cast %broadcast_in_dim3A_1 : vector<16xf32> to vector<1x16xf32>
    tpu.vector_store %arg11[%swap3A_128, %swap3A_129], %swap3A_132 {strides = array<i32>} : memref<32x128xf32, #tpu.memory_space<vmem>>, vector<1x16xf32>,
    %swap3A_133 = arith.constant 2 : i32
    %swap3A_134 = arith.index_cast %swap3A_133 : i32 to index
    %swap3A_135 = arith.constant 96 : index
    %swap3A_136 = tpu.vector_load %arg11[%swap3A_134, %swap3A_135] {strides = array<i32>} : memref<32x128xf32, #tpu.memory_space<vmem>>, vector<1x16xf32>,
    %swap3A_137 = vector.shape_cast %swap3A_136 : vector<1x16xf32> to vector<16xf32>
    %swap3A_138 = vector.shape_cast %broadcast_in_dim3A_1 : vector<16xf32> to vector<1x16xf32>
    tpu.vector_store %arg11[%swap3A_134, %swap3A_135], %swap3A_138 {strides = array<i32>} : memref<32x128xf32, #tpu.memory_space<vmem>>, vector<1x16xf32>,
    %swap3A_139 = arith.constant 2 : i32
    %swap3A_140 = arith.index_cast %swap3A_139 : i32 to index
    %swap3A_141 = arith.constant 112 : index
    %swap3A_142 = tpu.vector_load %arg11[%swap3A_140, %swap3A_141] {strides = array<i32>} : memref<32x128xf32, #tpu.memory_space<vmem>>, vector<1x16xf32>,
    %swap3A_143 = vector.shape_cast %swap3A_142 : vector<1x16xf32> to vector<16xf32>
    %swap3A_144 = vector.shape_cast %broadcast_in_dim3A_1 : vector<16xf32> to vector<1x16xf32>
    tpu.vector_store %arg11[%swap3A_140, %swap3A_141], %swap3A_144 {strides = array<i32>} : memref<32x128xf32, #tpu.memory_space<vmem>>, vector<1x16xf32>,
    %swap3A_145 = arith.constant 3 : i32
    %swap3A_146 = arith.index_cast %swap3A_145 : i32 to index
    %swap3A_147 = arith.constant 0 : index
    %swap3A_148 = tpu.vector_load %arg11[%swap3A_146, %swap3A_147] {strides = array<i32>} : memref<32x128xf32, #tpu.memory_space<vmem>>, vector<1x16xf32>,
    %swap3A_149 = vector.shape_cast %swap3A_148 : vector<1x16xf32> to vector<16xf32>
    %swap3A_150 = vector.shape_cast %broadcast_in_dim3A_1 : vector<16xf32> to vector<1x16xf32>
    tpu.vector_store %arg11[%swap3A_146, %swap3A_147], %swap3A_150 {strides = array<i32>} : memref<32x128xf32, #tpu.memory_space<vmem>>, vector<1x16xf32>,
    %swap3A_151 = arith.constant 3 : i32
    %swap3A_152 = arith.index_cast %swap3A_151 : i32 to index
    %swap3A_153 = arith.constant 16 : index
    %swap3A_154 = tpu.vector_load %arg11[%swap3A_152, %swap3A_153] {strides = array<i32>} : memref<32x128xf32, #tpu.memory_space<vmem>>, vector<1x16xf32>,
    %swap3A_155 = vector.shape_cast %swap3A_154 : vector<1x16xf32> to vector<16xf32>
    %swap3A_156 = vector.shape_cast %broadcast_in_dim3A_1 : vector<16xf32> to vector<1x16xf32>
    tpu.vector_store %arg11[%swap3A_152, %swap3A_153], %swap3A_156 {strides = array<i32>} : memref<32x128xf32, #tpu.memory_space<vmem>>, vector<1x16xf32>,
    %swap3A_157 = arith.constant 3 : i32
    %swap3A_158 = arith.index_cast %swap3A_157 : i32 to index
    %swap3A_159 = arith.constant 32 : index
    %swap3A_160 = tpu.vector_load %arg11[%swap3A_158, %swap3A_159] {strides = array<i32>} : memref<32x128xf32, #tpu.memory_space<vmem>>, vector<1x16xf32>,
    %swap3A_161 = vector.shape_cast %swap3A_160 : vector<1x16xf32> to vector<16xf32>
    %swap3A_162 = vector.shape_cast %broadcast_in_dim3A_1 : vector<16xf32> to vector<1x16xf32>
    tpu.vector_store %arg11[%swap3A_158, %swap3A_159], %swap3A_162 {strides = array<i32>} : memref<32x128xf32, #tpu.memory_space<vmem>>, vector<1x16xf32>,
    %swap3A_163 = arith.constant 3 : i32
    %swap3A_164 = arith.index_cast %swap3A_163 : i32 to index
    %swap3A_165 = arith.constant 48 : index
    %swap3A_166 = tpu.vector_load %arg11[%swap3A_164, %swap3A_165] {strides = array<i32>} : memref<32x128xf32, #tpu.memory_space<vmem>>, vector<1x16xf32>,
    %swap3A_167 = vector.shape_cast %swap3A_166 : vector<1x16xf32> to vector<16xf32>
    %swap3A_168 = vector.shape_cast %broadcast_in_dim3A_1 : vector<16xf32> to vector<1x16xf32>
    tpu.vector_store %arg11[%swap3A_164, %swap3A_165], %swap3A_168 {strides = array<i32>} : memref<32x128xf32, #tpu.memory_space<vmem>>, vector<1x16xf32>,
    %swap3A_169 = arith.constant 3 : i32
    %swap3A_170 = arith.index_cast %swap3A_169 : i32 to index
    %swap3A_171 = arith.constant 64 : index
    %swap3A_172 = tpu.vector_load %arg11[%swap3A_170, %swap3A_171] {strides = array<i32>} : memref<32x128xf32, #tpu.memory_space<vmem>>, vector<1x16xf32>,
    %swap3A_173 = vector.shape_cast %swap3A_172 : vector<1x16xf32> to vector<16xf32>
    %swap3A_174 = vector.shape_cast %broadcast_in_dim3A_1 : vector<16xf32> to vector<1x16xf32>
    tpu.vector_store %arg11[%swap3A_170, %swap3A_171], %swap3A_174 {strides = array<i32>} : memref<32x128xf32, #tpu.memory_space<vmem>>, vector<1x16xf32>,
    %swap3A_175 = arith.constant 3 : i32
    %swap3A_176 = arith.index_cast %swap3A_175 : i32 to index
    %swap3A_177 = arith.constant 80 : index
    %swap3A_178 = tpu.vector_load %arg11[%swap3A_176, %swap3A_177] {strides = array<i32>} : memref<32x128xf32, #tpu.memory_space<vmem>>, vector<1x16xf32>,
    %swap3A_179 = vector.shape_cast %swap3A_178 : vector<1x16xf32> to vector<16xf32>
    %swap3A_180 = vector.shape_cast %broadcast_in_dim3A_1 : vector<16xf32> to vector<1x16xf32>
    tpu.vector_store %arg11[%swap3A_176, %swap3A_177], %swap3A_180 {strides = array<i32>} : memref<32x128xf32, #tpu.memory_space<vmem>>, vector<1x16xf32>,
    %swap3A_181 = arith.constant 3 : i32
    %swap3A_182 = arith.index_cast %swap3A_181 : i32 to index
    %swap3A_183 = arith.constant 96 : index
    %swap3A_184 = tpu.vector_load %arg11[%swap3A_182, %swap3A_183] {strides = array<i32>} : memref<32x128xf32, #tpu.memory_space<vmem>>, vector<1x16xf32>,
    %swap3A_185 = vector.shape_cast %swap3A_184 : vector<1x16xf32> to vector<16xf32>
    %swap3A_186 = vector.shape_cast %broadcast_in_dim3A_1 : vector<16xf32> to vector<1x16xf32>
    tpu.vector_store %arg11[%swap3A_182, %swap3A_183], %swap3A_186 {strides = array<i32>} : memref<32x128xf32, #tpu.memory_space<vmem>>, vector<1x16xf32>,
    %swap3A_187 = arith.constant 3 : i32
    %swap3A_188 = arith.index_cast %swap3A_187 : i32 to index
    %swap3A_189 = arith.constant 112 : index
    %swap3A_190 = tpu.vector_load %arg11[%swap3A_188, %swap3A_189] {strides = array<i32>} : memref<32x128xf32, #tpu.memory_space<vmem>>, vector<1x16xf32>,
    %swap3A_191 = vector.shape_cast %swap3A_190 : vector<1x16xf32> to vector<16xf32>
    %swap3A_192 = vector.shape_cast %broadcast_in_dim3A_1 : vector<16xf32> to vector<1x16xf32>
    tpu.vector_store %arg11[%swap3A_188, %swap3A_189], %swap3A_192 {strides = array<i32>} : memref<32x128xf32, #tpu.memory_space<vmem>>, vector<1x16xf32>,
    %swap3A_193 = arith.constant 4 : i32
    %swap3A_194 = arith.index_cast %swap3A_193 : i32 to index
    %swap3A_195 = arith.constant 0 : index
    %swap3A_196 = tpu.vector_load %arg11[%swap3A_194, %swap3A_195] {strides = array<i32>} : memref<32x128xf32, #tpu.memory_space<vmem>>, vector<1x16xf32>,
    %swap3A_197 = vector.shape_cast %swap3A_196 : vector<1x16xf32> to vector<16xf32>
    %swap3A_198 = vector.shape_cast %broadcast_in_dim3A_1 : vector<16xf32> to vector<1x16xf32>
    tpu.vector_store %arg11[%swap3A_194, %swap3A_195], %swap3A_198 {strides = array<i32>} : memref<32x128xf32, #tpu.memory_space<vmem>>, vector<1x16xf32>,
    %swap3A_199 = arith.constant 4 : i32
    %swap3A_200 = arith.index_cast %swap3A_199 : i32 to index
    %swap3A_201 = arith.constant 16 : index
    %swap3A_202 = tpu.vector_load %arg11[%swap3A_200, %swap3A_201] {strides = array<i32>} : memref<32x128xf32, #tpu.memory_space<vmem>>, vector<1x16xf32>,
    %swap3A_203 = vector.shape_cast %swap3A_202 : vector<1x16xf32> to vector<16xf32>
    %swap3A_204 = vector.shape_cast %broadcast_in_dim3A_1 : vector<16xf32> to vector<1x16xf32>
    tpu.vector_store %arg11[%swap3A_200, %swap3A_201], %swap3A_204 {strides = array<i32>} : memref<32x128xf32, #tpu.memory_space<vmem>>, vector<1x16xf32>,
    %swap3A_205 = arith.constant 4 : i32
    %swap3A_206 = arith.index_cast %swap3A_205 : i32 to index
    %swap3A_207 = arith.constant 32 : index
    %swap3A_208 = tpu.vector_load %arg11[%swap3A_206, %swap3A_207] {strides = array<i32>} : memref<32x128xf32, #tpu.memory_space<vmem>>, vector<1x16xf32>,
    %swap3A_209 = vector.shape_cast %swap3A_208 : vector<1x16xf32> to vector<16xf32>
    %swap3A_210 = vector.shape_cast %broadcast_in_dim3A_1 : vector<16xf32> to vector<1x16xf32>
    tpu.vector_store %arg11[%swap3A_206, %swap3A_207], %swap3A_210 {strides = array<i32>} : memref<32x128xf32, #tpu.memory_space<vmem>>, vector<1x16xf32>,
    %swap3A_211 = arith.constant 4 : i32
    %swap3A_212 = arith.index_cast %swap3A_211 : i32 to index
    %swap3A_213 = arith.constant 48 : index
    %swap3A_214 = tpu.vector_load %arg11[%swap3A_212, %swap3A_213] {strides = array<i32>} : memref<32x128xf32, #tpu.memory_space<vmem>>, vector<1x16xf32>,
    %swap3A_215 = vector.shape_cast %swap3A_214 : vector<1x16xf32> to vector<16xf32>
    %swap3A_216 = vector.shape_cast %broadcast_in_dim3A_1 : vector<16xf32> to vector<1x16xf32>
    tpu.vector_store %arg11[%swap3A_212, %swap3A_213], %swap3A_216 {strides = array<i32>} : memref<32x128xf32, #tpu.memory_space<vmem>>, vector<1x16xf32>,
    %swap3A_217 = arith.constant 4 : i32
    %swap3A_218 = arith.index_cast %swap3A_217 : i32 to index
    %swap3A_219 = arith.constant 64 : index
    %swap3A_220 = tpu.vector_load %arg11[%swap3A_218, %swap3A_219] {strides = array<i32>} : memref<32x128xf32, #tpu.memory_space<vmem>>, vector<1x16xf32>,
    %swap3A_221 = vector.shape_cast %swap3A_220 : vector<1x16xf32> to vector<16xf32>
    %swap3A_222 = vector.shape_cast %broadcast_in_dim3A_1 : vector<16xf32> to vector<1x16xf32>
    tpu.vector_store %arg11[%swap3A_218, %swap3A_219], %swap3A_222 {strides = array<i32>} : memref<32x128xf32, #tpu.memory_space<vmem>>, vector<1x16xf32>,
    %swap3A_223 = arith.constant 4 : i32
    %swap3A_224 = arith.index_cast %swap3A_223 : i32 to index
    %swap3A_225 = arith.constant 80 : index
    %swap3A_226 = tpu.vector_load %arg11[%swap3A_224, %swap3A_225] {strides = array<i32>} : memref<32x128xf32, #tpu.memory_space<vmem>>, vector<1x16xf32>,
    %swap3A_227 = vector.shape_cast %swap3A_226 : vector<1x16xf32> to vector<16xf32>
    %swap3A_228 = vector.shape_cast %broadcast_in_dim3A_1 : vector<16xf32> to vector<1x16xf32>
    tpu.vector_store %arg11[%swap3A_224, %swap3A_225], %swap3A_228 {strides = array<i32>} : memref<32x128xf32, #tpu.memory_space<vmem>>, vector<1x16xf32>,
    %swap3A_229 = arith.constant 4 : i32
    %swap3A_230 = arith.index_cast %swap3A_229 : i32 to index
    %swap3A_231 = arith.constant 96 : index
    %swap3A_232 = tpu.vector_load %arg11[%swap3A_230, %swap3A_231] {strides = array<i32>} : memref<32x128xf32, #tpu.memory_space<vmem>>, vector<1x16xf32>,
    %swap3A_233 = vector.shape_cast %swap3A_232 : vector<1x16xf32> to vector<16xf32>
    %swap3A_234 = vector.shape_cast %broadcast_in_dim3A_1 : vector<16xf32> to vector<1x16xf32>
    tpu.vector_store %arg11[%swap3A_230, %swap3A_231], %swap3A_234 {strides = array<i32>} : memref<32x128xf32, #tpu.memory_space<vmem>>, vector<1x16xf32>,
    %swap3A_235 = arith.constant 4 : i32
    %swap3A_236 = arith.index_cast %swap3A_235 : i32 to index
    %swap3A_237 = arith.constant 112 : index
    %swap3A_238 = tpu.vector_load %arg11[%swap3A_236, %swap3A_237] {strides = array<i32>} : memref<32x128xf32, #tpu.memory_space<vmem>>, vector<1x16xf32>,
    %swap3A_239 = vector.shape_cast %swap3A_238 : vector<1x16xf32> to vector<16xf32>
    %swap3A_240 = vector.shape_cast %broadcast_in_dim3A_1 : vector<16xf32> to vector<1x16xf32>
    tpu.vector_store %arg11[%swap3A_236, %swap3A_237], %swap3A_240 {strides = array<i32>} : memref<32x128xf32, #tpu.memory_space<vmem>>, vector<1x16xf32>,
    %swap3A_241 = arith.constant 5 : i32
    %swap3A_242 = arith.index_cast %swap3A_241 : i32 to index
    %swap3A_243 = arith.constant 0 : index
    %swap3A_244 = tpu.vector_load %arg11[%swap3A_242, %swap3A_243] {strides = array<i32>} : memref<32x128xf32, #tpu.memory_space<vmem>>, vector<1x16xf32>,
    %swap3A_245 = vector.shape_cast %swap3A_244 : vector<1x16xf32> to vector<16xf32>
    %swap3A_246 = vector.shape_cast %broadcast_in_dim3A_1 : vector<16xf32> to vector<1x16xf32>
    tpu.vector_store %arg11[%swap3A_242, %swap3A_243], %swap3A_246 {strides = array<i32>} : memref<32x128xf32, #tpu.memory_space<vmem>>, vector<1x16xf32>,
    %swap3A_247 = arith.constant 5 : i32
    %swap3A_248 = arith.index_cast %swap3A_247 : i32 to index
    %swap3A_249 = arith.constant 16 : index
    %swap3A_250 = tpu.vector_load %arg11[%swap3A_248, %swap3A_249] {strides = array<i32>} : memref<32x128xf32, #tpu.memory_space<vmem>>, vector<1x16xf32>,
    %swap3A_251 = vector.shape_cast %swap3A_250 : vector<1x16xf32> to vector<16xf32>
    %swap3A_252 = vector.shape_cast %broadcast_in_dim3A_1 : vector<16xf32> to vector<1x16xf32>
    tpu.vector_store %arg11[%swap3A_248, %swap3A_249], %swap3A_252 {strides = array<i32>} : memref<32x128xf32, #tpu.memory_space<vmem>>, vector<1x16xf32>,
    %swap3A_253 = arith.constant 5 : i32
    %swap3A_254 = arith.index_cast %swap3A_253 : i32 to index
    %swap3A_255 = arith.constant 32 : index
    %swap3A_256 = tpu.vector_load %arg11[%swap3A_254, %swap3A_255] {strides = array<i32>} : memref<32x128xf32, #tpu.memory_space<vmem>>, vector<1x16xf32>,
    %swap3A_257 = vector.shape_cast %swap3A_256 : vector<1x16xf32> to vector<16xf32>
    %swap3A_258 = vector.shape_cast %broadcast_in_dim3A_1 : vector<16xf32> to vector<1x16xf32>
    tpu.vector_store %arg11[%swap3A_254, %swap3A_255], %swap3A_258 {strides = array<i32>} : memref<32x128xf32, #tpu.memory_space<vmem>>, vector<1x16xf32>,
    %swap3A_259 = arith.constant 5 : i32
    %swap3A_260 = arith.index_cast %swap3A_259 : i32 to index
    %swap3A_261 = arith.constant 48 : index
    %swap3A_262 = tpu.vector_load %arg11[%swap3A_260, %swap3A_261] {strides = array<i32>} : memref<32x128xf32, #tpu.memory_space<vmem>>, vector<1x16xf32>,
    %swap3A_263 = vector.shape_cast %swap3A_262 : vector<1x16xf32> to vector<16xf32>
    %swap3A_264 = vector.shape_cast %broadcast_in_dim3A_1 : vector<16xf32> to vector<1x16xf32>
    tpu.vector_store %arg11[%swap3A_260, %swap3A_261], %swap3A_264 {strides = array<i32>} : memref<32x128xf32, #tpu.memory_space<vmem>>, vector<1x16xf32>,
    %swap3A_265 = arith.constant 5 : i32
    %swap3A_266 = arith.index_cast %swap3A_265 : i32 to index
    %swap3A_267 = arith.constant 64 : index
    %swap3A_268 = tpu.vector_load %arg11[%swap3A_266, %swap3A_267] {strides = array<i32>} : memref<32x128xf32, #tpu.memory_space<vmem>>, vector<1x16xf32>,
    %swap3A_269 = vector.shape_cast %swap3A_268 : vector<1x16xf32> to vector<16xf32>
    %swap3A_270 = vector.shape_cast %broadcast_in_dim3A_1 : vector<16xf32> to vector<1x16xf32>
    tpu.vector_store %arg11[%swap3A_266, %swap3A_267], %swap3A_270 {strides = array<i32>} : memref<32x128xf32, #tpu.memory_space<vmem>>, vector<1x16xf32>,
    %swap3A_271 = arith.constant 5 : i32
    %swap3A_272 = arith.index_cast %swap3A_271 : i32 to index
    %swap3A_273 = arith.constant 80 : index
    %swap3A_274 = tpu.vector_load %arg11[%swap3A_272, %swap3A_273] {strides = array<i32>} : memref<32x128xf32, #tpu.memory_space<vmem>>, vector<1x16xf32>,
    %swap3A_275 = vector.shape_cast %swap3A_274 : vector<1x16xf32> to vector<16xf32>
    %swap3A_276 = vector.shape_cast %broadcast_in_dim3A_1 : vector<16xf32> to vector<1x16xf32>
    tpu.vector_store %arg11[%swap3A_272, %swap3A_273], %swap3A_276 {strides = array<i32>} : memref<32x128xf32, #tpu.memory_space<vmem>>, vector<1x16xf32>,
    %swap3A_277 = arith.constant 5 : i32
    %swap3A_278 = arith.index_cast %swap3A_277 : i32 to index
    %swap3A_279 = arith.constant 96 : index
    %swap3A_280 = tpu.vector_load %arg11[%swap3A_278, %swap3A_279] {strides = array<i32>} : memref<32x128xf32, #tpu.memory_space<vmem>>, vector<1x16xf32>,
    %swap3A_281 = vector.shape_cast %swap3A_280 : vector<1x16xf32> to vector<16xf32>
    %swap3A_282 = vector.shape_cast %broadcast_in_dim3A_1 : vector<16xf32> to vector<1x16xf32>
    tpu.vector_store %arg11[%swap3A_278, %swap3A_279], %swap3A_282 {strides = array<i32>} : memref<32x128xf32, #tpu.memory_space<vmem>>, vector<1x16xf32>,
    %swap3A_283 = arith.constant 5 : i32
    %swap3A_284 = arith.index_cast %swap3A_283 : i32 to index
    %swap3A_285 = arith.constant 112 : index
    %swap3A_286 = tpu.vector_load %arg11[%swap3A_284, %swap3A_285] {strides = array<i32>} : memref<32x128xf32, #tpu.memory_space<vmem>>, vector<1x16xf32>,
    %swap3A_287 = vector.shape_cast %swap3A_286 : vector<1x16xf32> to vector<16xf32>
    %swap3A_288 = vector.shape_cast %broadcast_in_dim3A_1 : vector<16xf32> to vector<1x16xf32>
    tpu.vector_store %arg11[%swap3A_284, %swap3A_285], %swap3A_288 {strides = array<i32>} : memref<32x128xf32, #tpu.memory_space<vmem>>, vector<1x16xf32>,
    %swap3A_289 = arith.constant 6 : i32
    %swap3A_290 = arith.index_cast %swap3A_289 : i32 to index
    %swap3A_291 = arith.constant 0 : index
    %swap3A_292 = tpu.vector_load %arg11[%swap3A_290, %swap3A_291] {strides = array<i32>} : memref<32x128xf32, #tpu.memory_space<vmem>>, vector<1x16xf32>,
    %swap3A_293 = vector.shape_cast %swap3A_292 : vector<1x16xf32> to vector<16xf32>
    %swap3A_294 = vector.shape_cast %broadcast_in_dim3A_1 : vector<16xf32> to vector<1x16xf32>
    tpu.vector_store %arg11[%swap3A_290, %swap3A_291], %swap3A_294 {strides = array<i32>} : memref<32x128xf32, #tpu.memory_space<vmem>>, vector<1x16xf32>,
    %swap3A_295 = arith.constant 6 : i32
    %swap3A_296 = arith.index_cast %swap3A_295 : i32 to index
    %swap3A_297 = arith.constant 16 : index
    %swap3A_298 = tpu.vector_load %arg11[%swap3A_296, %swap3A_297] {strides = array<i32>} : memref<32x128xf32, #tpu.memory_space<vmem>>, vector<1x16xf32>,
    %swap3A_299 = vector.shape_cast %swap3A_298 : vector<1x16xf32> to vector<16xf32>
    %swap3A_300 = vector.shape_cast %broadcast_in_dim3A_1 : vector<16xf32> to vector<1x16xf32>
    tpu.vector_store %arg11[%swap3A_296, %swap3A_297], %swap3A_300 {strides = array<i32>} : memref<32x128xf32, #tpu.memory_space<vmem>>, vector<1x16xf32>,
    %swap3A_301 = arith.constant 6 : i32
    %swap3A_302 = arith.index_cast %swap3A_301 : i32 to index
    %swap3A_303 = arith.constant 32 : index
    %swap3A_304 = tpu.vector_load %arg11[%swap3A_302, %swap3A_303] {strides = array<i32>} : memref<32x128xf32, #tpu.memory_space<vmem>>, vector<1x16xf32>,
    %swap3A_305 = vector.shape_cast %swap3A_304 : vector<1x16xf32> to vector<16xf32>
    %swap3A_306 = vector.shape_cast %broadcast_in_dim3A_1 : vector<16xf32> to vector<1x16xf32>
    tpu.vector_store %arg11[%swap3A_302, %swap3A_303], %swap3A_306 {strides = array<i32>} : memref<32x128xf32, #tpu.memory_space<vmem>>, vector<1x16xf32>,
    %swap3A_307 = arith.constant 6 : i32
    %swap3A_308 = arith.index_cast %swap3A_307 : i32 to index
    %swap3A_309 = arith.constant 48 : index
    %swap3A_310 = tpu.vector_load %arg11[%swap3A_308, %swap3A_309] {strides = array<i32>} : memref<32x128xf32, #tpu.memory_space<vmem>>, vector<1x16xf32>,
    %swap3A_311 = vector.shape_cast %swap3A_310 : vector<1x16xf32> to vector<16xf32>
    %swap3A_312 = vector.shape_cast %broadcast_in_dim3A_1 : vector<16xf32> to vector<1x16xf32>
    tpu.vector_store %arg11[%swap3A_308, %swap3A_309], %swap3A_312 {strides = array<i32>} : memref<32x128xf32, #tpu.memory_space<vmem>>, vector<1x16xf32>,
    %swap3A_313 = arith.constant 6 : i32
    %swap3A_314 = arith.index_cast %swap3A_313 : i32 to index
    %swap3A_315 = arith.constant 64 : index
    %swap3A_316 = tpu.vector_load %arg11[%swap3A_314, %swap3A_315] {strides = array<i32>} : memref<32x128xf32, #tpu.memory_space<vmem>>, vector<1x16xf32>,
    %swap3A_317 = vector.shape_cast %swap3A_316 : vector<1x16xf32> to vector<16xf32>
    %swap3A_318 = vector.shape_cast %broadcast_in_dim3A_1 : vector<16xf32> to vector<1x16xf32>
    tpu.vector_store %arg11[%swap3A_314, %swap3A_315], %swap3A_318 {strides = array<i32>} : memref<32x128xf32, #tpu.memory_space<vmem>>, vector<1x16xf32>,
    %swap3A_319 = arith.constant 6 : i32
    %swap3A_320 = arith.index_cast %swap3A_319 : i32 to index
    %swap3A_321 = arith.constant 80 : index
    %swap3A_322 = tpu.vector_load %arg11[%swap3A_320, %swap3A_321] {strides = array<i32>} : memref<32x128xf32, #tpu.memory_space<vmem>>, vector<1x16xf32>,
    %swap3A_323 = vector.shape_cast %swap3A_322 : vector<1x16xf32> to vector<16xf32>
    %swap3A_324 = vector.shape_cast %broadcast_in_dim3A_1 : vector<16xf32> to vector<1x16xf32>
    tpu.vector_store %arg11[%swap3A_320, %swap3A_321], %swap3A_324 {strides = array<i32>} : memref<32x128xf32, #tpu.memory_space<vmem>>, vector<1x16xf32>,
    %swap3A_325 = arith.constant 6 : i32
    %swap3A_326 = arith.index_cast %swap3A_325 : i32 to index
    %swap3A_327 = arith.constant 96 : index
    %swap3A_328 = tpu.vector_load %arg11[%swap3A_326, %swap3A_327] {strides = array<i32>} : memref<32x128xf32, #tpu.memory_space<vmem>>, vector<1x16xf32>,
    %swap3A_329 = vector.shape_cast %swap3A_328 : vector<1x16xf32> to vector<16xf32>
    %swap3A_330 = vector.shape_cast %broadcast_in_dim3A_1 : vector<16xf32> to vector<1x16xf32>
    tpu.vector_store %arg11[%swap3A_326, %swap3A_327], %swap3A_330 {strides = array<i32>} : memref<32x128xf32, #tpu.memory_space<vmem>>, vector<1x16xf32>,
    %swap3A_331 = arith.constant 6 : i32
    %swap3A_332 = arith.index_cast %swap3A_331 : i32 to index
    %swap3A_333 = arith.constant 112 : index
    %swap3A_334 = tpu.vector_load %arg11[%swap3A_332, %swap3A_333] {strides = array<i32>} : memref<32x128xf32, #tpu.memory_space<vmem>>, vector<1x16xf32>,
    %swap3A_335 = vector.shape_cast %swap3A_334 : vector<1x16xf32> to vector<16xf32>
    %swap3A_336 = vector.shape_cast %broadcast_in_dim3A_1 : vector<16xf32> to vector<1x16xf32>
    tpu.vector_store %arg11[%swap3A_332, %swap3A_333], %swap3A_336 {strides = array<i32>} : memref<32x128xf32, #tpu.memory_space<vmem>>, vector<1x16xf32>,
    %swap3A_337 = arith.constant 7 : i32
    %swap3A_338 = arith.index_cast %swap3A_337 : i32 to index
    %swap3A_339 = arith.constant 0 : index
    %swap3A_340 = tpu.vector_load %arg11[%swap3A_338, %swap3A_339] {strides = array<i32>} : memref<32x128xf32, #tpu.memory_space<vmem>>, vector<1x16xf32>,
    %swap3A_341 = vector.shape_cast %swap3A_340 : vector<1x16xf32> to vector<16xf32>
    %swap3A_342 = vector.shape_cast %broadcast_in_dim3A_1 : vector<16xf32> to vector<1x16xf32>
    tpu.vector_store %arg11[%swap3A_338, %swap3A_339], %swap3A_342 {strides = array<i32>} : memref<32x128xf32, #tpu.memory_space<vmem>>, vector<1x16xf32>,
    %swap3A_343 = arith.constant 7 : i32
    %swap3A_344 = arith.index_cast %swap3A_343 : i32 to index
    %swap3A_345 = arith.constant 16 : index
    %swap3A_346 = tpu.vector_load %arg11[%swap3A_344, %swap3A_345] {strides = array<i32>} : memref<32x128xf32, #tpu.memory_space<vmem>>, vector<1x16xf32>,
    %swap3A_347 = vector.shape_cast %swap3A_346 : vector<1x16xf32> to vector<16xf32>
    %swap3A_348 = vector.shape_cast %broadcast_in_dim3A_1 : vector<16xf32> to vector<1x16xf32>
    tpu.vector_store %arg11[%swap3A_344, %swap3A_345], %swap3A_348 {strides = array<i32>} : memref<32x128xf32, #tpu.memory_space<vmem>>, vector<1x16xf32>,
    %swap3A_349 = arith.constant 7 : i32
    %swap3A_350 = arith.index_cast %swap3A_349 : i32 to index
    %swap3A_351 = arith.constant 32 : index
    %swap3A_352 = tpu.vector_load %arg11[%swap3A_350, %swap3A_351] {strides = array<i32>} : memref<32x128xf32, #tpu.memory_space<vmem>>, vector<1x16xf32>,
    %swap3A_353 = vector.shape_cast %swap3A_352 : vector<1x16xf32> to vector<16xf32>
    %swap3A_354 = vector.shape_cast %broadcast_in_dim3A_1 : vector<16xf32> to vector<1x16xf32>
    tpu.vector_store %arg11[%swap3A_350, %swap3A_351], %swap3A_354 {strides = array<i32>} : memref<32x128xf32, #tpu.memory_space<vmem>>, vector<1x16xf32>,
    %swap3A_355 = arith.constant 7 : i32
    %swap3A_356 = arith.index_cast %swap3A_355 : i32 to index
    %swap3A_357 = arith.constant 48 : index
    %swap3A_358 = tpu.vector_load %arg11[%swap3A_356, %swap3A_357] {strides = array<i32>} : memref<32x128xf32, #tpu.memory_space<vmem>>, vector<1x16xf32>,
    %swap3A_359 = vector.shape_cast %swap3A_358 : vector<1x16xf32> to vector<16xf32>
    %swap3A_360 = vector.shape_cast %broadcast_in_dim3A_1 : vector<16xf32> to vector<1x16xf32>
    tpu.vector_store %arg11[%swap3A_356, %swap3A_357], %swap3A_360 {strides = array<i32>} : memref<32x128xf32, #tpu.memory_space<vmem>>, vector<1x16xf32>,
    %swap3A_361 = arith.constant 7 : i32
    %swap3A_362 = arith.index_cast %swap3A_361 : i32 to index
    %swap3A_363 = arith.constant 64 : index
    %swap3A_364 = tpu.vector_load %arg11[%swap3A_362, %swap3A_363] {strides = array<i32>} : memref<32x128xf32, #tpu.memory_space<vmem>>, vector<1x16xf32>,
    %swap3A_365 = vector.shape_cast %swap3A_364 : vector<1x16xf32> to vector<16xf32>
    %swap3A_366 = vector.shape_cast %broadcast_in_dim3A_1 : vector<16xf32> to vector<1x16xf32>
    tpu.vector_store %arg11[%swap3A_362, %swap3A_363], %swap3A_366 {strides = array<i32>} : memref<32x128xf32, #tpu.memory_space<vmem>>, vector<1x16xf32>,
    %swap3A_367 = arith.constant 7 : i32
    %swap3A_368 = arith.index_cast %swap3A_367 : i32 to index
    %swap3A_369 = arith.constant 80 : index
    %swap3A_370 = tpu.vector_load %arg11[%swap3A_368, %swap3A_369] {strides = array<i32>} : memref<32x128xf32, #tpu.memory_space<vmem>>, vector<1x16xf32>,
    %swap3A_371 = vector.shape_cast %swap3A_370 : vector<1x16xf32> to vector<16xf32>
    %swap3A_372 = vector.shape_cast %broadcast_in_dim3A_1 : vector<16xf32> to vector<1x16xf32>
    tpu.vector_store %arg11[%swap3A_368, %swap3A_369], %swap3A_372 {strides = array<i32>} : memref<32x128xf32, #tpu.memory_space<vmem>>, vector<1x16xf32>,
    %swap3A_373 = arith.constant 7 : i32
    %swap3A_374 = arith.index_cast %swap3A_373 : i32 to index
    %swap3A_375 = arith.constant 96 : index
    %swap3A_376 = tpu.vector_load %arg11[%swap3A_374, %swap3A_375] {strides = array<i32>} : memref<32x128xf32, #tpu.memory_space<vmem>>, vector<1x16xf32>,
    %swap3A_377 = vector.shape_cast %swap3A_376 : vector<1x16xf32> to vector<16xf32>
    %swap3A_378 = vector.shape_cast %broadcast_in_dim3A_1 : vector<16xf32> to vector<1x16xf32>
    tpu.vector_store %arg11[%swap3A_374, %swap3A_375], %swap3A_378 {strides = array<i32>} : memref<32x128xf32, #tpu.memory_space<vmem>>, vector<1x16xf32>,
    %swap3A_379 = arith.constant 7 : i32
    %swap3A_380 = arith.index_cast %swap3A_379 : i32 to index
    %swap3A_381 = arith.constant 112 : index
    %swap3A_382 = tpu.vector_load %arg11[%swap3A_380, %swap3A_381] {strides = array<i32>} : memref<32x128xf32, #tpu.memory_space<vmem>>, vector<1x16xf32>,
    %swap3A_383 = vector.shape_cast %swap3A_382 : vector<1x16xf32> to vector<16xf32>
    %swap3A_384 = vector.shape_cast %broadcast_in_dim3A_1 : vector<16xf32> to vector<1x16xf32>
    tpu.vector_store %arg11[%swap3A_380, %swap3A_381], %swap3A_384 {strides = array<i32>} : memref<32x128xf32, #tpu.memory_space<vmem>>, vector<1x16xf32>,
    %swap3A_385 = arith.constant 8 : i32
    %swap3A_386 = arith.index_cast %swap3A_385 : i32 to index
    %swap3A_387 = arith.constant 0 : index
    %swap3A_388 = tpu.vector_load %arg11[%swap3A_386, %swap3A_387] {strides = array<i32>} : memref<32x128xf32, #tpu.memory_space<vmem>>, vector<1x16xf32>,
    %swap3A_389 = vector.shape_cast %swap3A_388 : vector<1x16xf32> to vector<16xf32>
    %swap3A_390 = vector.shape_cast %broadcast_in_dim3A_1 : vector<16xf32> to vector<1x16xf32>
    tpu.vector_store %arg11[%swap3A_386, %swap3A_387], %swap3A_390 {strides = array<i32>} : memref<32x128xf32, #tpu.memory_space<vmem>>, vector<1x16xf32>,
    %swap3A_391 = arith.constant 8 : i32
    %swap3A_392 = arith.index_cast %swap3A_391 : i32 to index
    %swap3A_393 = arith.constant 16 : index
    %swap3A_394 = tpu.vector_load %arg11[%swap3A_392, %swap3A_393] {strides = array<i32>} : memref<32x128xf32, #tpu.memory_space<vmem>>, vector<1x16xf32>,
    %swap3A_395 = vector.shape_cast %swap3A_394 : vector<1x16xf32> to vector<16xf32>
    %swap3A_396 = vector.shape_cast %broadcast_in_dim3A_1 : vector<16xf32> to vector<1x16xf32>
    tpu.vector_store %arg11[%swap3A_392, %swap3A_393], %swap3A_396 {strides = array<i32>} : memref<32x128xf32, #tpu.memory_space<vmem>>, vector<1x16xf32>,
    %swap3A_397 = arith.constant 8 : i32
    %swap3A_398 = arith.index_cast %swap3A_397 : i32 to index
    %swap3A_399 = arith.constant 32 : index
    %swap3A_400 = tpu.vector_load %arg11[%swap3A_398, %swap3A_399] {strides = array<i32>} : memref<32x128xf32, #tpu.memory_space<vmem>>, vector<1x16xf32>,
    %swap3A_401 = vector.shape_cast %swap3A_400 : vector<1x16xf32> to vector<16xf32>
    %swap3A_402 = vector.shape_cast %broadcast_in_dim3A_1 : vector<16xf32> to vector<1x16xf32>
    tpu.vector_store %arg11[%swap3A_398, %swap3A_399], %swap3A_402 {strides = array<i32>} : memref<32x128xf32, #tpu.memory_space<vmem>>, vector<1x16xf32>,
    %swap3A_403 = arith.constant 8 : i32
    %swap3A_404 = arith.index_cast %swap3A_403 : i32 to index
    %swap3A_405 = arith.constant 48 : index
    %swap3A_406 = tpu.vector_load %arg11[%swap3A_404, %swap3A_405] {strides = array<i32>} : memref<32x128xf32, #tpu.memory_space<vmem>>, vector<1x16xf32>,
    %swap3A_407 = vector.shape_cast %swap3A_406 : vector<1x16xf32> to vector<16xf32>
    %swap3A_408 = vector.shape_cast %broadcast_in_dim3A_1 : vector<16xf32> to vector<1x16xf32>
    tpu.vector_store %arg11[%swap3A_404, %swap3A_405], %swap3A_408 {strides = array<i32>} : memref<32x128xf32, #tpu.memory_space<vmem>>, vector<1x16xf32>,
    %swap3A_409 = arith.constant 8 : i32
    %swap3A_410 = arith.index_cast %swap3A_409 : i32 to index
    %swap3A_411 = arith.constant 64 : index
    %swap3A_412 = tpu.vector_load %arg11[%swap3A_410, %swap3A_411] {strides = array<i32>} : memref<32x128xf32, #tpu.memory_space<vmem>>, vector<1x16xf32>,
    %swap3A_413 = vector.shape_cast %swap3A_412 : vector<1x16xf32> to vector<16xf32>
    %swap3A_414 = vector.shape_cast %broadcast_in_dim3A_1 : vector<16xf32> to vector<1x16xf32>
    tpu.vector_store %arg11[%swap3A_410, %swap3A_411], %swap3A_414 {strides = array<i32>} : memref<32x128xf32, #tpu.memory_space<vmem>>, vector<1x16xf32>,
    %swap3A_415 = arith.constant 8 : i32
    %swap3A_416 = arith.index_cast %swap3A_415 : i32 to index
    %swap3A_417 = arith.constant 80 : index
    %swap3A_418 = tpu.vector_load %arg11[%swap3A_416, %swap3A_417] {strides = array<i32>} : memref<32x128xf32, #tpu.memory_space<vmem>>, vector<1x16xf32>,
    %swap3A_419 = vector.shape_cast %swap3A_418 : vector<1x16xf32> to vector<16xf32>
    %swap3A_420 = vector.shape_cast %broadcast_in_dim3A_1 : vector<16xf32> to vector<1x16xf32>
    tpu.vector_store %arg11[%swap3A_416, %swap3A_417], %swap3A_420 {strides = array<i32>} : memref<32x128xf32, #tpu.memory_space<vmem>>, vector<1x16xf32>,
    %swap3A_421 = arith.constant 8 : i32
    %swap3A_422 = arith.index_cast %swap3A_421 : i32 to index
    %swap3A_423 = arith.constant 96 : index
    %swap3A_424 = tpu.vector_load %arg11[%swap3A_422, %swap3A_423] {strides = array<i32>} : memref<32x128xf32, #tpu.memory_space<vmem>>, vector<1x16xf32>,
    %swap3A_425 = vector.shape_cast %swap3A_424 : vector<1x16xf32> to vector<16xf32>
    %swap3A_426 = vector.shape_cast %broadcast_in_dim3A_1 : vector<16xf32> to vector<1x16xf32>
    tpu.vector_store %arg11[%swap3A_422, %swap3A_423], %swap3A_426 {strides = array<i32>} : memref<32x128xf32, #tpu.memory_space<vmem>>, vector<1x16xf32>,
    %swap3A_427 = arith.constant 8 : i32
    %swap3A_428 = arith.index_cast %swap3A_427 : i32 to index
    %swap3A_429 = arith.constant 112 : index
    %swap3A_430 = tpu.vector_load %arg11[%swap3A_428, %swap3A_429] {strides = array<i32>} : memref<32x128xf32, #tpu.memory_space<vmem>>, vector<1x16xf32>,
    %swap3A_431 = vector.shape_cast %swap3A_430 : vector<1x16xf32> to vector<16xf32>
    %swap3A_432 = vector.shape_cast %broadcast_in_dim3A_1 : vector<16xf32> to vector<1x16xf32>
    tpu.vector_store %arg11[%swap3A_428, %swap3A_429], %swap3A_432 {strides = array<i32>} : memref<32x128xf32, #tpu.memory_space<vmem>>, vector<1x16xf32>,
    %swap3A_433 = arith.constant 9 : i32
    %swap3A_434 = arith.index_cast %swap3A_433 : i32 to index
    %swap3A_435 = arith.constant 0 : index
    %swap3A_436 = tpu.vector_load %arg11[%swap3A_434, %swap3A_435] {strides = array<i32>} : memref<32x128xf32, #tpu.memory_space<vmem>>, vector<1x16xf32>,
    %swap3A_437 = vector.shape_cast %swap3A_436 : vector<1x16xf32> to vector<16xf32>
    %swap3A_438 = vector.shape_cast %broadcast_in_dim3A_1 : vector<16xf32> to vector<1x16xf32>
    tpu.vector_store %arg11[%swap3A_434, %swap3A_435], %swap3A_438 {strides = array<i32>} : memref<32x128xf32, #tpu.memory_space<vmem>>, vector<1x16xf32>,
    %swap3A_439 = arith.constant 9 : i32
    %swap3A_440 = arith.index_cast %swap3A_439 : i32 to index
    %swap3A_441 = arith.constant 16 : index
    %swap3A_442 = tpu.vector_load %arg11[%swap3A_440, %swap3A_441] {strides = array<i32>} : memref<32x128xf32, #tpu.memory_space<vmem>>, vector<1x16xf32>,
    %swap3A_443 = vector.shape_cast %swap3A_442 : vector<1x16xf32> to vector<16xf32>
    %swap3A_444 = vector.shape_cast %broadcast_in_dim3A_1 : vector<16xf32> to vector<1x16xf32>
    tpu.vector_store %arg11[%swap3A_440, %swap3A_441], %swap3A_444 {strides = array<i32>} : memref<32x128xf32, #tpu.memory_space<vmem>>, vector<1x16xf32>,
    %swap3A_445 = arith.constant 9 : i32
    %swap3A_446 = arith.index_cast %swap3A_445 : i32 to index
    %swap3A_447 = arith.constant 32 : index
    %swap3A_448 = tpu.vector_load %arg11[%swap3A_446, %swap3A_447] {strides = array<i32>} : memref<32x128xf32, #tpu.memory_space<vmem>>, vector<1x16xf32>,
    %swap3A_449 = vector.shape_cast %swap3A_448 : vector<1x16xf32> to vector<16xf32>
    %swap3A_450 = vector.shape_cast %broadcast_in_dim3A_1 : vector<16xf32> to vector<1x16xf32>
    tpu.vector_store %arg11[%swap3A_446, %swap3A_447], %swap3A_450 {strides = array<i32>} : memref<32x128xf32, #tpu.memory_space<vmem>>, vector<1x16xf32>,
    %swap3A_451 = arith.constant 9 : i32
    %swap3A_452 = arith.index_cast %swap3A_451 : i32 to index
    %swap3A_453 = arith.constant 48 : index
    %swap3A_454 = tpu.vector_load %arg11[%swap3A_452, %swap3A_453] {strides = array<i32>} : memref<32x128xf32, #tpu.memory_space<vmem>>, vector<1x16xf32>,
    %swap3A_455 = vector.shape_cast %swap3A_454 : vector<1x16xf32> to vector<16xf32>
    %swap3A_456 = vector.shape_cast %broadcast_in_dim3A_1 : vector<16xf32> to vector<1x16xf32>
    tpu.vector_store %arg11[%swap3A_452, %swap3A_453], %swap3A_456 {strides = array<i32>} : memref<32x128xf32, #tpu.memory_space<vmem>>, vector<1x16xf32>,
    %swap3A_457 = arith.constant 9 : i32
    %swap3A_458 = arith.index_cast %swap3A_457 : i32 to index
    %swap3A_459 = arith.constant 64 : index
    %swap3A_460 = tpu.vector_load %arg11[%swap3A_458, %swap3A_459] {strides = array<i32>} : memref<32x128xf32, #tpu.memory_space<vmem>>, vector<1x16xf32>,
    %swap3A_461 = vector.shape_cast %swap3A_460 : vector<1x16xf32> to vector<16xf32>
    %swap3A_462 = vector.shape_cast %broadcast_in_dim3A_1 : vector<16xf32> to vector<1x16xf32>
    tpu.vector_store %arg11[%swap3A_458, %swap3A_459], %swap3A_462 {strides = array<i32>} : memref<32x128xf32, #tpu.memory_space<vmem>>, vector<1x16xf32>,
    %swap3A_463 = arith.constant 9 : i32
    %swap3A_464 = arith.index_cast %swap3A_463 : i32 to index
    %swap3A_465 = arith.constant 80 : index
    %swap3A_466 = tpu.vector_load %arg11[%swap3A_464, %swap3A_465] {strides = array<i32>} : memref<32x128xf32, #tpu.memory_space<vmem>>, vector<1x16xf32>,
    %swap3A_467 = vector.shape_cast %swap3A_466 : vector<1x16xf32> to vector<16xf32>
    %swap3A_468 = vector.shape_cast %broadcast_in_dim3A_1 : vector<16xf32> to vector<1x16xf32>
    tpu.vector_store %arg11[%swap3A_464, %swap3A_465], %swap3A_468 {strides = array<i32>} : memref<32x128xf32, #tpu.memory_space<vmem>>, vector<1x16xf32>,
    %swap3A_469 = arith.constant 9 : i32
    %swap3A_470 = arith.index_cast %swap3A_469 : i32 to index
    %swap3A_471 = arith.constant 96 : index
    %swap3A_472 = tpu.vector_load %arg11[%swap3A_470, %swap3A_471] {strides = array<i32>} : memref<32x128xf32, #tpu.memory_space<vmem>>, vector<1x16xf32>,
    %swap3A_473 = vector.shape_cast %swap3A_472 : vector<1x16xf32> to vector<16xf32>
    %swap3A_474 = vector.shape_cast %broadcast_in_dim3A_1 : vector<16xf32> to vector<1x16xf32>
    tpu.vector_store %arg11[%swap3A_470, %swap3A_471], %swap3A_474 {strides = array<i32>} : memref<32x128xf32, #tpu.memory_space<vmem>>, vector<1x16xf32>,
    %swap3A_475 = arith.constant 9 : i32
    %swap3A_476 = arith.index_cast %swap3A_475 : i32 to index
    %swap3A_477 = arith.constant 112 : index
    %swap3A_478 = tpu.vector_load %arg11[%swap3A_476, %swap3A_477] {strides = array<i32>} : memref<32x128xf32, #tpu.memory_space<vmem>>, vector<1x16xf32>,
    %swap3A_479 = vector.shape_cast %swap3A_478 : vector<1x16xf32> to vector<16xf32>
    %swap3A_480 = vector.shape_cast %broadcast_in_dim3A_1 : vector<16xf32> to vector<1x16xf32>
    tpu.vector_store %arg11[%swap3A_476, %swap3A_477], %swap3A_480 {strides = array<i32>} : memref<32x128xf32, #tpu.memory_space<vmem>>, vector<1x16xf32>,
    %swap3A_481 = arith.constant 10 : i32
    %swap3A_482 = arith.index_cast %swap3A_481 : i32 to index
    %swap3A_483 = arith.constant 0 : index
    %swap3A_484 = tpu.vector_load %arg11[%swap3A_482, %swap3A_483] {strides = array<i32>} : memref<32x128xf32, #tpu.memory_space<vmem>>, vector<1x16xf32>,
    %swap3A_485 = vector.shape_cast %swap3A_484 : vector<1x16xf32> to vector<16xf32>
    %swap3A_486 = vector.shape_cast %broadcast_in_dim3A_1 : vector<16xf32> to vector<1x16xf32>
    tpu.vector_store %arg11[%swap3A_482, %swap3A_483], %swap3A_486 {strides = array<i32>} : memref<32x128xf32, #tpu.memory_space<vmem>>, vector<1x16xf32>,
    %swap3A_487 = arith.constant 10 : i32
    %swap3A_488 = arith.index_cast %swap3A_487 : i32 to index
    %swap3A_489 = arith.constant 16 : index
    %swap3A_490 = tpu.vector_load %arg11[%swap3A_488, %swap3A_489] {strides = array<i32>} : memref<32x128xf32, #tpu.memory_space<vmem>>, vector<1x16xf32>,
    %swap3A_491 = vector.shape_cast %swap3A_490 : vector<1x16xf32> to vector<16xf32>
    %swap3A_492 = vector.shape_cast %broadcast_in_dim3A_1 : vector<16xf32> to vector<1x16xf32>
    tpu.vector_store %arg11[%swap3A_488, %swap3A_489], %swap3A_492 {strides = array<i32>} : memref<32x128xf32, #tpu.memory_space<vmem>>, vector<1x16xf32>,
    %swap3A_493 = arith.constant 10 : i32
    %swap3A_494 = arith.index_cast %swap3A_493 : i32 to index
    %swap3A_495 = arith.constant 32 : index
    %swap3A_496 = tpu.vector_load %arg11[%swap3A_494, %swap3A_495] {strides = array<i32>} : memref<32x128xf32, #tpu.memory_space<vmem>>, vector<1x16xf32>,
    %swap3A_497 = vector.shape_cast %swap3A_496 : vector<1x16xf32> to vector<16xf32>
    %swap3A_498 = vector.shape_cast %broadcast_in_dim3A_1 : vector<16xf32> to vector<1x16xf32>
    tpu.vector_store %arg11[%swap3A_494, %swap3A_495], %swap3A_498 {strides = array<i32>} : memref<32x128xf32, #tpu.memory_space<vmem>>, vector<1x16xf32>,
    %swap3A_499 = arith.constant 10 : i32
    %swap3A_500 = arith.index_cast %swap3A_499 : i32 to index
    %swap3A_501 = arith.constant 48 : index
    %swap3A_502 = tpu.vector_load %arg11[%swap3A_500, %swap3A_501] {strides = array<i32>} : memref<32x128xf32, #tpu.memory_space<vmem>>, vector<1x16xf32>,
    %swap3A_503 = vector.shape_cast %swap3A_502 : vector<1x16xf32> to vector<16xf32>
    %swap3A_504 = vector.shape_cast %broadcast_in_dim3A_1 : vector<16xf32> to vector<1x16xf32>
    tpu.vector_store %arg11[%swap3A_500, %swap3A_501], %swap3A_504 {strides = array<i32>} : memref<32x128xf32, #tpu.memory_space<vmem>>, vector<1x16xf32>,
    %swap3A_505 = arith.constant 10 : i32
    %swap3A_506 = arith.index_cast %swap3A_505 : i32 to index
    %swap3A_507 = arith.constant 64 : index
    %swap3A_508 = tpu.vector_load %arg11[%swap3A_506, %swap3A_507] {strides = array<i32>} : memref<32x128xf32, #tpu.memory_space<vmem>>, vector<1x16xf32>,
    %swap3A_509 = vector.shape_cast %swap3A_508 : vector<1x16xf32> to vector<16xf32>
    %swap3A_510 = vector.shape_cast %broadcast_in_dim3A_1 : vector<16xf32> to vector<1x16xf32>
    tpu.vector_store %arg11[%swap3A_506, %swap3A_507], %swap3A_510 {strides = array<i32>} : memref<32x128xf32, #tpu.memory_space<vmem>>, vector<1x16xf32>,
    %swap3A_511 = arith.constant 10 : i32
    %swap3A_512 = arith.index_cast %swap3A_511 : i32 to index
    %swap3A_513 = arith.constant 80 : index
    %swap3A_514 = tpu.vector_load %arg11[%swap3A_512, %swap3A_513] {strides = array<i32>} : memref<32x128xf32, #tpu.memory_space<vmem>>, vector<1x16xf32>,
    %swap3A_515 = vector.shape_cast %swap3A_514 : vector<1x16xf32> to vector<16xf32>
    %swap3A_516 = vector.shape_cast %broadcast_in_dim3A_1 : vector<16xf32> to vector<1x16xf32>
    tpu.vector_store %arg11[%swap3A_512, %swap3A_513], %swap3A_516 {strides = array<i32>} : memref<32x128xf32, #tpu.memory_space<vmem>>, vector<1x16xf32>,
    %swap3A_517 = arith.constant 10 : i32
    %swap3A_518 = arith.index_cast %swap3A_517 : i32 to index
    %swap3A_519 = arith.constant 96 : index
    %swap3A_520 = tpu.vector_load %arg11[%swap3A_518, %swap3A_519] {strides = array<i32>} : memref<32x128xf32, #tpu.memory_space<vmem>>, vector<1x16xf32>,
    %swap3A_521 = vector.shape_cast %swap3A_520 : vector<1x16xf32> to vector<16xf32>
    %swap3A_522 = vector.shape_cast %broadcast_in_dim3A_1 : vector<16xf32> to vector<1x16xf32>
    tpu.vector_store %arg11[%swap3A_518, %swap3A_519], %swap3A_522 {strides = array<i32>} : memref<32x128xf32, #tpu.memory_space<vmem>>, vector<1x16xf32>,
    %swap3A_523 = arith.constant 10 : i32
    %swap3A_524 = arith.index_cast %swap3A_523 : i32 to index
    %swap3A_525 = arith.constant 112 : index
    %swap3A_526 = tpu.vector_load %arg11[%swap3A_524, %swap3A_525] {strides = array<i32>} : memref<32x128xf32, #tpu.memory_space<vmem>>, vector<1x16xf32>,
    %swap3A_527 = vector.shape_cast %swap3A_526 : vector<1x16xf32> to vector<16xf32>
    %swap3A_528 = vector.shape_cast %broadcast_in_dim3A_1 : vector<16xf32> to vector<1x16xf32>
    tpu.vector_store %arg11[%swap3A_524, %swap3A_525], %swap3A_528 {strides = array<i32>} : memref<32x128xf32, #tpu.memory_space<vmem>>, vector<1x16xf32>,
    %swap3A_529 = arith.constant 11 : i32
    %swap3A_530 = arith.index_cast %swap3A_529 : i32 to index
    %swap3A_531 = arith.constant 0 : index
    %swap3A_532 = tpu.vector_load %arg11[%swap3A_530, %swap3A_531] {strides = array<i32>} : memref<32x128xf32, #tpu.memory_space<vmem>>, vector<1x16xf32>,
    %swap3A_533 = vector.shape_cast %swap3A_532 : vector<1x16xf32> to vector<16xf32>
    %swap3A_534 = vector.shape_cast %broadcast_in_dim3A_1 : vector<16xf32> to vector<1x16xf32>
    tpu.vector_store %arg11[%swap3A_530, %swap3A_531], %swap3A_534 {strides = array<i32>} : memref<32x128xf32, #tpu.memory_space<vmem>>, vector<1x16xf32>,
    %swap3A_535 = arith.constant 11 : i32
    %swap3A_536 = arith.index_cast %swap3A_535 : i32 to index
    %swap3A_537 = arith.constant 16 : index
    %swap3A_538 = tpu.vector_load %arg11[%swap3A_536, %swap3A_537] {strides = array<i32>} : memref<32x128xf32, #tpu.memory_space<vmem>>, vector<1x16xf32>,
    %swap3A_539 = vector.shape_cast %swap3A_538 : vector<1x16xf32> to vector<16xf32>
    %swap3A_540 = vector.shape_cast %broadcast_in_dim3A_1 : vector<16xf32> to vector<1x16xf32>
    tpu.vector_store %arg11[%swap3A_536, %swap3A_537], %swap3A_540 {strides = array<i32>} : memref<32x128xf32, #tpu.memory_space<vmem>>, vector<1x16xf32>,
    %swap3A_541 = arith.constant 11 : i32
    %swap3A_542 = arith.index_cast %swap3A_541 : i32 to index
    %swap3A_543 = arith.constant 32 : index
    %swap3A_544 = tpu.vector_load %arg11[%swap3A_542, %swap3A_543] {strides = array<i32>} : memref<32x128xf32, #tpu.memory_space<vmem>>, vector<1x16xf32>,
    %swap3A_545 = vector.shape_cast %swap3A_544 : vector<1x16xf32> to vector<16xf32>
    %swap3A_546 = vector.shape_cast %broadcast_in_dim3A_1 : vector<16xf32> to vector<1x16xf32>
    tpu.vector_store %arg11[%swap3A_542, %swap3A_543], %swap3A_546 {strides = array<i32>} : memref<32x128xf32, #tpu.memory_space<vmem>>, vector<1x16xf32>,
    %swap3A_547 = arith.constant 11 : i32
    %swap3A_548 = arith.index_cast %swap3A_547 : i32 to index
    %swap3A_549 = arith.constant 48 : index
    %swap3A_550 = tpu.vector_load %arg11[%swap3A_548, %swap3A_549] {strides = array<i32>} : memref<32x128xf32, #tpu.memory_space<vmem>>, vector<1x16xf32>,
    %swap3A_551 = vector.shape_cast %swap3A_550 : vector<1x16xf32> to vector<16xf32>
    %swap3A_552 = vector.shape_cast %broadcast_in_dim3A_1 : vector<16xf32> to vector<1x16xf32>
    tpu.vector_store %arg11[%swap3A_548, %swap3A_549], %swap3A_552 {strides = array<i32>} : memref<32x128xf32, #tpu.memory_space<vmem>>, vector<1x16xf32>,
    %swap3A_553 = arith.constant 11 : i32
    %swap3A_554 = arith.index_cast %swap3A_553 : i32 to index
    %swap3A_555 = arith.constant 64 : index
    %swap3A_556 = tpu.vector_load %arg11[%swap3A_554, %swap3A_555] {strides = array<i32>} : memref<32x128xf32, #tpu.memory_space<vmem>>, vector<1x16xf32>,
    %swap3A_557 = vector.shape_cast %swap3A_556 : vector<1x16xf32> to vector<16xf32>
    %swap3A_558 = vector.shape_cast %broadcast_in_dim3A_1 : vector<16xf32> to vector<1x16xf32>
    tpu.vector_store %arg11[%swap3A_554, %swap3A_555], %swap3A_558 {strides = array<i32>} : memref<32x128xf32, #tpu.memory_space<vmem>>, vector<1x16xf32>,
    %swap3A_559 = arith.constant 11 : i32
    %swap3A_560 = arith.index_cast %swap3A_559 : i32 to index
    %swap3A_561 = arith.constant 80 : index
    %swap3A_562 = tpu.vector_load %arg11[%swap3A_560, %swap3A_561] {strides = array<i32>} : memref<32x128xf32, #tpu.memory_space<vmem>>, vector<1x16xf32>,
    %swap3A_563 = vector.shape_cast %swap3A_562 : vector<1x16xf32> to vector<16xf32>
    %swap3A_564 = vector.shape_cast %broadcast_in_dim3A_1 : vector<16xf32> to vector<1x16xf32>
    tpu.vector_store %arg11[%swap3A_560, %swap3A_561], %swap3A_564 {strides = array<i32>} : memref<32x128xf32, #tpu.memory_space<vmem>>, vector<1x16xf32>,
    %swap3A_565 = arith.constant 11 : i32
    %swap3A_566 = arith.index_cast %swap3A_565 : i32 to index
    %swap3A_567 = arith.constant 96 : index
    %swap3A_568 = tpu.vector_load %arg11[%swap3A_566, %swap3A_567] {strides = array<i32>} : memref<32x128xf32, #tpu.memory_space<vmem>>, vector<1x16xf32>,
    %swap3A_569 = vector.shape_cast %swap3A_568 : vector<1x16xf32> to vector<16xf32>
    %swap3A_570 = vector.shape_cast %broadcast_in_dim3A_1 : vector<16xf32> to vector<1x16xf32>
    tpu.vector_store %arg11[%swap3A_566, %swap3A_567], %swap3A_570 {strides = array<i32>} : memref<32x128xf32, #tpu.memory_space<vmem>>, vector<1x16xf32>,
    %swap3A_571 = arith.constant 11 : i32
    %swap3A_572 = arith.index_cast %swap3A_571 : i32 to index
    %swap3A_573 = arith.constant 112 : index
    %swap3A_574 = tpu.vector_load %arg11[%swap3A_572, %swap3A_573] {strides = array<i32>} : memref<32x128xf32, #tpu.memory_space<vmem>>, vector<1x16xf32>,
    %swap3A_575 = vector.shape_cast %swap3A_574 : vector<1x16xf32> to vector<16xf32>
    %swap3A_576 = vector.shape_cast %broadcast_in_dim3A_1 : vector<16xf32> to vector<1x16xf32>
    tpu.vector_store %arg11[%swap3A_572, %swap3A_573], %swap3A_576 {strides = array<i32>} : memref<32x128xf32, #tpu.memory_space<vmem>>, vector<1x16xf32>,
    %swap3A_577 = arith.constant 12 : i32
    %swap3A_578 = arith.index_cast %swap3A_577 : i32 to index
    %swap3A_579 = arith.constant 0 : index
    %swap3A_580 = tpu.vector_load %arg11[%swap3A_578, %swap3A_579] {strides = array<i32>} : memref<32x128xf32, #tpu.memory_space<vmem>>, vector<1x16xf32>,
    %swap3A_581 = vector.shape_cast %swap3A_580 : vector<1x16xf32> to vector<16xf32>
    %swap3A_582 = vector.shape_cast %broadcast_in_dim3A_1 : vector<16xf32> to vector<1x16xf32>
    tpu.vector_store %arg11[%swap3A_578, %swap3A_579], %swap3A_582 {strides = array<i32>} : memref<32x128xf32, #tpu.memory_space<vmem>>, vector<1x16xf32>,
    %swap3A_583 = arith.constant 12 : i32
    %swap3A_584 = arith.index_cast %swap3A_583 : i32 to index
    %swap3A_585 = arith.constant 16 : index
    %swap3A_586 = tpu.vector_load %arg11[%swap3A_584, %swap3A_585] {strides = array<i32>} : memref<32x128xf32, #tpu.memory_space<vmem>>, vector<1x16xf32>,
    %swap3A_587 = vector.shape_cast %swap3A_586 : vector<1x16xf32> to vector<16xf32>
    %swap3A_588 = vector.shape_cast %broadcast_in_dim3A_1 : vector<16xf32> to vector<1x16xf32>
    tpu.vector_store %arg11[%swap3A_584, %swap3A_585], %swap3A_588 {strides = array<i32>} : memref<32x128xf32, #tpu.memory_space<vmem>>, vector<1x16xf32>,
    %swap3A_589 = arith.constant 12 : i32
    %swap3A_590 = arith.index_cast %swap3A_589 : i32 to index
    %swap3A_591 = arith.constant 32 : index
    %swap3A_592 = tpu.vector_load %arg11[%swap3A_590, %swap3A_591] {strides = array<i32>} : memref<32x128xf32, #tpu.memory_space<vmem>>, vector<1x16xf32>,
    %swap3A_593 = vector.shape_cast %swap3A_592 : vector<1x16xf32> to vector<16xf32>
    %swap3A_594 = vector.shape_cast %broadcast_in_dim3A_1 : vector<16xf32> to vector<1x16xf32>
    tpu.vector_store %arg11[%swap3A_590, %swap3A_591], %swap3A_594 {strides = array<i32>} : memref<32x128xf32, #tpu.memory_space<vmem>>, vector<1x16xf32>,
    %swap3A_595 = arith.constant 12 : i32
    %swap3A_596 = arith.index_cast %swap3A_595 : i32 to index
    %swap3A_597 = arith.constant 48 : index
    %swap3A_598 = tpu.vector_load %arg11[%swap3A_596, %swap3A_597] {strides = array<i32>} : memref<32x128xf32, #tpu.memory_space<vmem>>, vector<1x16xf32>,
    %swap3A_599 = vector.shape_cast %swap3A_598 : vector<1x16xf32> to vector<16xf32>
    %swap3A_600 = vector.shape_cast %broadcast_in_dim3A_1 : vector<16xf32> to vector<1x16xf32>
    tpu.vector_store %arg11[%swap3A_596, %swap3A_597], %swap3A_600 {strides = array<i32>} : memref<32x128xf32, #tpu.memory_space<vmem>>, vector<1x16xf32>,
    %swap3A_601 = arith.constant 12 : i32
    %swap3A_602 = arith.index_cast %swap3A_601 : i32 to index
    %swap3A_603 = arith.constant 64 : index
    %swap3A_604 = tpu.vector_load %arg11[%swap3A_602, %swap3A_603] {strides = array<i32>} : memref<32x128xf32, #tpu.memory_space<vmem>>, vector<1x16xf32>,
    %swap3A_605 = vector.shape_cast %swap3A_604 : vector<1x16xf32> to vector<16xf32>
    %swap3A_606 = vector.shape_cast %broadcast_in_dim3A_1 : vector<16xf32> to vector<1x16xf32>
    tpu.vector_store %arg11[%swap3A_602, %swap3A_603], %swap3A_606 {strides = array<i32>} : memref<32x128xf32, #tpu.memory_space<vmem>>, vector<1x16xf32>,
    %swap3A_607 = arith.constant 12 : i32
    %swap3A_608 = arith.index_cast %swap3A_607 : i32 to index
    %swap3A_609 = arith.constant 80 : index
    %swap3A_610 = tpu.vector_load %arg11[%swap3A_608, %swap3A_609] {strides = array<i32>} : memref<32x128xf32, #tpu.memory_space<vmem>>, vector<1x16xf32>,
    %swap3A_611 = vector.shape_cast %swap3A_610 : vector<1x16xf32> to vector<16xf32>
    %swap3A_612 = vector.shape_cast %broadcast_in_dim3A_1 : vector<16xf32> to vector<1x16xf32>
    tpu.vector_store %arg11[%swap3A_608, %swap3A_609], %swap3A_612 {strides = array<i32>} : memref<32x128xf32, #tpu.memory_space<vmem>>, vector<1x16xf32>,
    %swap3A_613 = arith.constant 12 : i32
    %swap3A_614 = arith.index_cast %swap3A_613 : i32 to index
    %swap3A_615 = arith.constant 96 : index
    %swap3A_616 = tpu.vector_load %arg11[%swap3A_614, %swap3A_615] {strides = array<i32>} : memref<32x128xf32, #tpu.memory_space<vmem>>, vector<1x16xf32>,
    %swap3A_617 = vector.shape_cast %swap3A_616 : vector<1x16xf32> to vector<16xf32>
    %swap3A_618 = vector.shape_cast %broadcast_in_dim3A_1 : vector<16xf32> to vector<1x16xf32>
    tpu.vector_store %arg11[%swap3A_614, %swap3A_615], %swap3A_618 {strides = array<i32>} : memref<32x128xf32, #tpu.memory_space<vmem>>, vector<1x16xf32>,
    %swap3A_619 = arith.constant 12 : i32
    %swap3A_620 = arith.index_cast %swap3A_619 : i32 to index
    %swap3A_621 = arith.constant 112 : index
    %swap3A_622 = tpu.vector_load %arg11[%swap3A_620, %swap3A_621] {strides = array<i32>} : memref<32x128xf32, #tpu.memory_space<vmem>>, vector<1x16xf32>,
    %swap3A_623 = vector.shape_cast %swap3A_622 : vector<1x16xf32> to vector<16xf32>
    %swap3A_624 = vector.shape_cast %broadcast_in_dim3A_1 : vector<16xf32> to vector<1x16xf32>
    tpu.vector_store %arg11[%swap3A_620, %swap3A_621], %swap3A_624 {strides = array<i32>} : memref<32x128xf32, #tpu.memory_space<vmem>>, vector<1x16xf32>,
    %swap3A_625 = arith.constant 13 : i32
    %swap3A_626 = arith.index_cast %swap3A_625 : i32 to index
    %swap3A_627 = arith.constant 0 : index
    %swap3A_628 = tpu.vector_load %arg11[%swap3A_626, %swap3A_627] {strides = array<i32>} : memref<32x128xf32, #tpu.memory_space<vmem>>, vector<1x16xf32>,
    %swap3A_629 = vector.shape_cast %swap3A_628 : vector<1x16xf32> to vector<16xf32>
    %swap3A_630 = vector.shape_cast %broadcast_in_dim3A_1 : vector<16xf32> to vector<1x16xf32>
    tpu.vector_store %arg11[%swap3A_626, %swap3A_627], %swap3A_630 {strides = array<i32>} : memref<32x128xf32, #tpu.memory_space<vmem>>, vector<1x16xf32>,
    %swap3A_631 = arith.constant 13 : i32
    %swap3A_632 = arith.index_cast %swap3A_631 : i32 to index
    %swap3A_633 = arith.constant 16 : index
    %swap3A_634 = tpu.vector_load %arg11[%swap3A_632, %swap3A_633] {strides = array<i32>} : memref<32x128xf32, #tpu.memory_space<vmem>>, vector<1x16xf32>,
    %swap3A_635 = vector.shape_cast %swap3A_634 : vector<1x16xf32> to vector<16xf32>
    %swap3A_636 = vector.shape_cast %broadcast_in_dim3A_1 : vector<16xf32> to vector<1x16xf32>
    tpu.vector_store %arg11[%swap3A_632, %swap3A_633], %swap3A_636 {strides = array<i32>} : memref<32x128xf32, #tpu.memory_space<vmem>>, vector<1x16xf32>,
    %swap3A_637 = arith.constant 13 : i32
    %swap3A_638 = arith.index_cast %swap3A_637 : i32 to index
    %swap3A_639 = arith.constant 32 : index
    %swap3A_640 = tpu.vector_load %arg11[%swap3A_638, %swap3A_639] {strides = array<i32>} : memref<32x128xf32, #tpu.memory_space<vmem>>, vector<1x16xf32>,
    %swap3A_641 = vector.shape_cast %swap3A_640 : vector<1x16xf32> to vector<16xf32>
    %swap3A_642 = vector.shape_cast %broadcast_in_dim3A_1 : vector<16xf32> to vector<1x16xf32>
    tpu.vector_store %arg11[%swap3A_638, %swap3A_639], %swap3A_642 {strides = array<i32>} : memref<32x128xf32, #tpu.memory_space<vmem>>, vector<1x16xf32>,
    %swap3A_643 = arith.constant 13 : i32
    %swap3A_644 = arith.index_cast %swap3A_643 : i32 to index
    %swap3A_645 = arith.constant 48 : index
    %swap3A_646 = tpu.vector_load %arg11[%swap3A_644, %swap3A_645] {strides = array<i32>} : memref<32x128xf32, #tpu.memory_space<vmem>>, vector<1x16xf32>,
    %swap3A_647 = vector.shape_cast %swap3A_646 : vector<1x16xf32> to vector<16xf32>
    %swap3A_648 = vector.shape_cast %broadcast_in_dim3A_1 : vector<16xf32> to vector<1x16xf32>
    tpu.vector_store %arg11[%swap3A_644, %swap3A_645], %swap3A_648 {strides = array<i32>} : memref<32x128xf32, #tpu.memory_space<vmem>>, vector<1x16xf32>,
    %swap3A_649 = arith.constant 13 : i32
    %swap3A_650 = arith.index_cast %swap3A_649 : i32 to index
    %swap3A_651 = arith.constant 64 : index
    %swap3A_652 = tpu.vector_load %arg11[%swap3A_650, %swap3A_651] {strides = array<i32>} : memref<32x128xf32, #tpu.memory_space<vmem>>, vector<1x16xf32>,
    %swap3A_653 = vector.shape_cast %swap3A_652 : vector<1x16xf32> to vector<16xf32>
    %swap3A_654 = vector.shape_cast %broadcast_in_dim3A_1 : vector<16xf32> to vector<1x16xf32>
    tpu.vector_store %arg11[%swap3A_650, %swap3A_651], %swap3A_654 {strides = array<i32>} : memref<32x128xf32, #tpu.memory_space<vmem>>, vector<1x16xf32>,
    %swap3A_655 = arith.constant 13 : i32
    %swap3A_656 = arith.index_cast %swap3A_655 : i32 to index
    %swap3A_657 = arith.constant 80 : index
    %swap3A_658 = tpu.vector_load %arg11[%swap3A_656, %swap3A_657] {strides = array<i32>} : memref<32x128xf32, #tpu.memory_space<vmem>>, vector<1x16xf32>,
    %swap3A_659 = vector.shape_cast %swap3A_658 : vector<1x16xf32> to vector<16xf32>
    %swap3A_660 = vector.shape_cast %broadcast_in_dim3A_1 : vector<16xf32> to vector<1x16xf32>
    tpu.vector_store %arg11[%swap3A_656, %swap3A_657], %swap3A_660 {strides = array<i32>} : memref<32x128xf32, #tpu.memory_space<vmem>>, vector<1x16xf32>,
    %swap3A_661 = arith.constant 13 : i32
    %swap3A_662 = arith.index_cast %swap3A_661 : i32 to index
    %swap3A_663 = arith.constant 96 : index
    %swap3A_664 = tpu.vector_load %arg11[%swap3A_662, %swap3A_663] {strides = array<i32>} : memref<32x128xf32, #tpu.memory_space<vmem>>, vector<1x16xf32>,
    %swap3A_665 = vector.shape_cast %swap3A_664 : vector<1x16xf32> to vector<16xf32>
    %swap3A_666 = vector.shape_cast %broadcast_in_dim3A_1 : vector<16xf32> to vector<1x16xf32>
    tpu.vector_store %arg11[%swap3A_662, %swap3A_663], %swap3A_666 {strides = array<i32>} : memref<32x128xf32, #tpu.memory_space<vmem>>, vector<1x16xf32>,
    %swap3A_667 = arith.constant 13 : i32
    %swap3A_668 = arith.index_cast %swap3A_667 : i32 to index
    %swap3A_669 = arith.constant 112 : index
    %swap3A_670 = tpu.vector_load %arg11[%swap3A_668, %swap3A_669] {strides = array<i32>} : memref<32x128xf32, #tpu.memory_space<vmem>>, vector<1x16xf32>,
    %swap3A_671 = vector.shape_cast %swap3A_670 : vector<1x16xf32> to vector<16xf32>
    %swap3A_672 = vector.shape_cast %broadcast_in_dim3A_1 : vector<16xf32> to vector<1x16xf32>
    tpu.vector_store %arg11[%swap3A_668, %swap3A_669], %swap3A_672 {strides = array<i32>} : memref<32x128xf32, #tpu.memory_space<vmem>>, vector<1x16xf32>,
    %swap3A_673 = arith.constant 14 : i32
    %swap3A_674 = arith.index_cast %swap3A_673 : i32 to index
    %swap3A_675 = arith.constant 0 : index
    %swap3A_676 = tpu.vector_load %arg11[%swap3A_674, %swap3A_675] {strides = array<i32>} : memref<32x128xf32, #tpu.memory_space<vmem>>, vector<1x16xf32>,
    %swap3A_677 = vector.shape_cast %swap3A_676 : vector<1x16xf32> to vector<16xf32>
    %swap3A_678 = vector.shape_cast %broadcast_in_dim3A_1 : vector<16xf32> to vector<1x16xf32>
    tpu.vector_store %arg11[%swap3A_674, %swap3A_675], %swap3A_678 {strides = array<i32>} : memref<32x128xf32, #tpu.memory_space<vmem>>, vector<1x16xf32>,
    %swap3A_679 = arith.constant 14 : i32
    %swap3A_680 = arith.index_cast %swap3A_679 : i32 to index
    %swap3A_681 = arith.constant 16 : index
    %swap3A_682 = tpu.vector_load %arg11[%swap3A_680, %swap3A_681] {strides = array<i32>} : memref<32x128xf32, #tpu.memory_space<vmem>>, vector<1x16xf32>,
    %swap3A_683 = vector.shape_cast %swap3A_682 : vector<1x16xf32> to vector<16xf32>
    %swap3A_684 = vector.shape_cast %broadcast_in_dim3A_1 : vector<16xf32> to vector<1x16xf32>
    tpu.vector_store %arg11[%swap3A_680, %swap3A_681], %swap3A_684 {strides = array<i32>} : memref<32x128xf32, #tpu.memory_space<vmem>>, vector<1x16xf32>,
    %swap3A_685 = arith.constant 14 : i32
    %swap3A_686 = arith.index_cast %swap3A_685 : i32 to index
    %swap3A_687 = arith.constant 32 : index
    %swap3A_688 = tpu.vector_load %arg11[%swap3A_686, %swap3A_687] {strides = array<i32>} : memref<32x128xf32, #tpu.memory_space<vmem>>, vector<1x16xf32>,
    %swap3A_689 = vector.shape_cast %swap3A_688 : vector<1x16xf32> to vector<16xf32>
    %swap3A_690 = vector.shape_cast %broadcast_in_dim3A_1 : vector<16xf32> to vector<1x16xf32>
    tpu.vector_store %arg11[%swap3A_686, %swap3A_687], %swap3A_690 {strides = array<i32>} : memref<32x128xf32, #tpu.memory_space<vmem>>, vector<1x16xf32>,
    %swap3A_691 = arith.constant 14 : i32
    %swap3A_692 = arith.index_cast %swap3A_691 : i32 to index
    %swap3A_693 = arith.constant 48 : index
    %swap3A_694 = tpu.vector_load %arg11[%swap3A_692, %swap3A_693] {strides = array<i32>} : memref<32x128xf32, #tpu.memory_space<vmem>>, vector<1x16xf32>,
    %swap3A_695 = vector.shape_cast %swap3A_694 : vector<1x16xf32> to vector<16xf32>
    %swap3A_696 = vector.shape_cast %broadcast_in_dim3A_1 : vector<16xf32> to vector<1x16xf32>
    tpu.vector_store %arg11[%swap3A_692, %swap3A_693], %swap3A_696 {strides = array<i32>} : memref<32x128xf32, #tpu.memory_space<vmem>>, vector<1x16xf32>,
    %swap3A_697 = arith.constant 14 : i32
    %swap3A_698 = arith.index_cast %swap3A_697 : i32 to index
    %swap3A_699 = arith.constant 64 : index
    %swap3A_700 = tpu.vector_load %arg11[%swap3A_698, %swap3A_699] {strides = array<i32>} : memref<32x128xf32, #tpu.memory_space<vmem>>, vector<1x16xf32>,
    %swap3A_701 = vector.shape_cast %swap3A_700 : vector<1x16xf32> to vector<16xf32>
    %swap3A_702 = vector.shape_cast %broadcast_in_dim3A_1 : vector<16xf32> to vector<1x16xf32>
    tpu.vector_store %arg11[%swap3A_698, %swap3A_699], %swap3A_702 {strides = array<i32>} : memref<32x128xf32, #tpu.memory_space<vmem>>, vector<1x16xf32>,
    %swap3A_703 = arith.constant 14 : i32
    %swap3A_704 = arith.index_cast %swap3A_703 : i32 to index
    %swap3A_705 = arith.constant 80 : index
    %swap3A_706 = tpu.vector_load %arg11[%swap3A_704, %swap3A_705] {strides = array<i32>} : memref<32x128xf32, #tpu.memory_space<vmem>>, vector<1x16xf32>,
    %swap3A_707 = vector.shape_cast %swap3A_706 : vector<1x16xf32> to vector<16xf32>
    %swap3A_708 = vector.shape_cast %broadcast_in_dim3A_1 : vector<16xf32> to vector<1x16xf32>
    tpu.vector_store %arg11[%swap3A_704, %swap3A_705], %swap3A_708 {strides = array<i32>} : memref<32x128xf32, #tpu.memory_space<vmem>>, vector<1x16xf32>,
    %swap3A_709 = arith.constant 14 : i32
    %swap3A_710 = arith.index_cast %swap3A_709 : i32 to index
    %swap3A_711 = arith.constant 96 : index
    %swap3A_712 = tpu.vector_load %arg11[%swap3A_710, %swap3A_711] {strides = array<i32>} : memref<32x128xf32, #tpu.memory_space<vmem>>, vector<1x16xf32>,
    %swap3A_713 = vector.shape_cast %swap3A_712 : vector<1x16xf32> to vector<16xf32>
    %swap3A_714 = vector.shape_cast %broadcast_in_dim3A_1 : vector<16xf32> to vector<1x16xf32>
    tpu.vector_store %arg11[%swap3A_710, %swap3A_711], %swap3A_714 {strides = array<i32>} : memref<32x128xf32, #tpu.memory_space<vmem>>, vector<1x16xf32>,
    %swap3A_715 = arith.constant 14 : i32
    %swap3A_716 = arith.index_cast %swap3A_715 : i32 to index
    %swap3A_717 = arith.constant 112 : index
    %swap3A_718 = tpu.vector_load %arg11[%swap3A_716, %swap3A_717] {strides = array<i32>} : memref<32x128xf32, #tpu.memory_space<vmem>>, vector<1x16xf32>,
    %swap3A_719 = vector.shape_cast %swap3A_718 : vector<1x16xf32> to vector<16xf32>
    %swap3A_720 = vector.shape_cast %broadcast_in_dim3A_1 : vector<16xf32> to vector<1x16xf32>
    tpu.vector_store %arg11[%swap3A_716, %swap3A_717], %swap3A_720 {strides = array<i32>} : memref<32x128xf32, #tpu.memory_space<vmem>>, vector<1x16xf32>,
    %swap3A_721 = arith.constant 15 : i32
    %swap3A_722 = arith.index_cast %swap3A_721 : i32 to index
    %swap3A_723 = arith.constant 0 : index
    %swap3A_724 = tpu.vector_load %arg11[%swap3A_722, %swap3A_723] {strides = array<i32>} : memref<32x128xf32, #tpu.memory_space<vmem>>, vector<1x16xf32>,
    %swap3A_725 = vector.shape_cast %swap3A_724 : vector<1x16xf32> to vector<16xf32>
    %swap3A_726 = vector.shape_cast %broadcast_in_dim3A_1 : vector<16xf32> to vector<1x16xf32>
    tpu.vector_store %arg11[%swap3A_722, %swap3A_723], %swap3A_726 {strides = array<i32>} : memref<32x128xf32, #tpu.memory_space<vmem>>, vector<1x16xf32>,
    %swap3A_727 = arith.constant 15 : i32
    %swap3A_728 = arith.index_cast %swap3A_727 : i32 to index
    %swap3A_729 = arith.constant 16 : index
    %swap3A_730 = tpu.vector_load %arg11[%swap3A_728, %swap3A_729] {strides = array<i32>} : memref<32x128xf32, #tpu.memory_space<vmem>>, vector<1x16xf32>,
    %swap3A_731 = vector.shape_cast %swap3A_730 : vector<1x16xf32> to vector<16xf32>
    %swap3A_732 = vector.shape_cast %broadcast_in_dim3A_1 : vector<16xf32> to vector<1x16xf32>
    tpu.vector_store %arg11[%swap3A_728, %swap3A_729], %swap3A_732 {strides = array<i32>} : memref<32x128xf32, #tpu.memory_space<vmem>>, vector<1x16xf32>,
    %swap3A_733 = arith.constant 15 : i32
    %swap3A_734 = arith.index_cast %swap3A_733 : i32 to index
    %swap3A_735 = arith.constant 32 : index
    %swap3A_736 = tpu.vector_load %arg11[%swap3A_734, %swap3A_735] {strides = array<i32>} : memref<32x128xf32, #tpu.memory_space<vmem>>, vector<1x16xf32>,
    %swap3A_737 = vector.shape_cast %swap3A_736 : vector<1x16xf32> to vector<16xf32>
    %swap3A_738 = vector.shape_cast %broadcast_in_dim3A_1 : vector<16xf32> to vector<1x16xf32>
    tpu.vector_store %arg11[%swap3A_734, %swap3A_735], %swap3A_738 {strides = array<i32>} : memref<32x128xf32, #tpu.memory_space<vmem>>, vector<1x16xf32>,
    %swap3A_739 = arith.constant 15 : i32
    %swap3A_740 = arith.index_cast %swap3A_739 : i32 to index
    %swap3A_741 = arith.constant 48 : index
    %swap3A_742 = tpu.vector_load %arg11[%swap3A_740, %swap3A_741] {strides = array<i32>} : memref<32x128xf32, #tpu.memory_space<vmem>>, vector<1x16xf32>,
    %swap3A_743 = vector.shape_cast %swap3A_742 : vector<1x16xf32> to vector<16xf32>
    %swap3A_744 = vector.shape_cast %broadcast_in_dim3A_1 : vector<16xf32> to vector<1x16xf32>
    tpu.vector_store %arg11[%swap3A_740, %swap3A_741], %swap3A_744 {strides = array<i32>} : memref<32x128xf32, #tpu.memory_space<vmem>>, vector<1x16xf32>,
    %swap3A_745 = arith.constant 15 : i32
    %swap3A_746 = arith.index_cast %swap3A_745 : i32 to index
    %swap3A_747 = arith.constant 64 : index
    %swap3A_748 = tpu.vector_load %arg11[%swap3A_746, %swap3A_747] {strides = array<i32>} : memref<32x128xf32, #tpu.memory_space<vmem>>, vector<1x16xf32>,
    %swap3A_749 = vector.shape_cast %swap3A_748 : vector<1x16xf32> to vector<16xf32>
    %swap3A_750 = vector.shape_cast %broadcast_in_dim3A_1 : vector<16xf32> to vector<1x16xf32>
    tpu.vector_store %arg11[%swap3A_746, %swap3A_747], %swap3A_750 {strides = array<i32>} : memref<32x128xf32, #tpu.memory_space<vmem>>, vector<1x16xf32>,
    %swap3A_751 = arith.constant 15 : i32
    %swap3A_752 = arith.index_cast %swap3A_751 : i32 to index
    %swap3A_753 = arith.constant 80 : index
    %swap3A_754 = tpu.vector_load %arg11[%swap3A_752, %swap3A_753] {strides = array<i32>} : memref<32x128xf32, #tpu.memory_space<vmem>>, vector<1x16xf32>,
    %swap3A_755 = vector.shape_cast %swap3A_754 : vector<1x16xf32> to vector<16xf32>
    %swap3A_756 = vector.shape_cast %broadcast_in_dim3A_1 : vector<16xf32> to vector<1x16xf32>
    tpu.vector_store %arg11[%swap3A_752, %swap3A_753], %swap3A_756 {strides = array<i32>} : memref<32x128xf32, #tpu.memory_space<vmem>>, vector<1x16xf32>,
    %swap3A_757 = arith.constant 15 : i32
    %swap3A_758 = arith.index_cast %swap3A_757 : i32 to index
    %swap3A_759 = arith.constant 96 : index
    %swap3A_760 = tpu.vector_load %arg11[%swap3A_758, %swap3A_759] {strides = array<i32>} : memref<32x128xf32, #tpu.memory_space<vmem>>, vector<1x16xf32>,
    %swap3A_761 = vector.shape_cast %swap3A_760 : vector<1x16xf32> to vector<16xf32>
    %swap3A_762 = vector.shape_cast %broadcast_in_dim3A_1 : vector<16xf32> to vector<1x16xf32>
    tpu.vector_store %arg11[%swap3A_758, %swap3A_759], %swap3A_762 {strides = array<i32>} : memref<32x128xf32, #tpu.memory_space<vmem>>, vector<1x16xf32>,
    %swap3A_763 = arith.constant 15 : i32
    %swap3A_764 = arith.index_cast %swap3A_763 : i32 to index
    %swap3A_765 = arith.constant 112 : index
    %swap3A_766 = tpu.vector_load %arg11[%swap3A_764, %swap3A_765] {strides = array<i32>} : memref<32x128xf32, #tpu.memory_space<vmem>>, vector<1x16xf32>,
    %swap3A_767 = vector.shape_cast %swap3A_766 : vector<1x16xf32> to vector<16xf32>
    %swap3A_768 = vector.shape_cast %broadcast_in_dim3A_1 : vector<16xf32> to vector<1x16xf32>
    tpu.vector_store %arg11[%swap3A_764, %swap3A_765], %swap3A_768 {strides = array<i32>} : memref<32x128xf32, #tpu.memory_space<vmem>>, vector<1x16xf32>,
    %swap3A_769 = arith.constant 16 : i32
    %swap3A_770 = arith.index_cast %swap3A_769 : i32 to index
    %swap3A_771 = arith.constant 0 : index
    %swap3A_772 = tpu.vector_load %arg11[%swap3A_770, %swap3A_771] {strides = array<i32>} : memref<32x128xf32, #tpu.memory_space<vmem>>, vector<1x16xf32>,
    %swap3A_773 = vector.shape_cast %swap3A_772 : vector<1x16xf32> to vector<16xf32>
    %swap3A_774 = vector.shape_cast %broadcast_in_dim3A_1 : vector<16xf32> to vector<1x16xf32>
    tpu.vector_store %arg11[%swap3A_770, %swap3A_771], %swap3A_774 {strides = array<i32>} : memref<32x128xf32, #tpu.memory_space<vmem>>, vector<1x16xf32>,
    %swap3A_775 = arith.constant 16 : i32
    %swap3A_776 = arith.index_cast %swap3A_775 : i32 to index
    %swap3A_777 = arith.constant 16 : index
    %swap3A_778 = tpu.vector_load %arg11[%swap3A_776, %swap3A_777] {strides = array<i32>} : memref<32x128xf32, #tpu.memory_space<vmem>>, vector<1x16xf32>,
    %swap3A_779 = vector.shape_cast %swap3A_778 : vector<1x16xf32> to vector<16xf32>
    %swap3A_780 = vector.shape_cast %broadcast_in_dim3A_1 : vector<16xf32> to vector<1x16xf32>
    tpu.vector_store %arg11[%swap3A_776, %swap3A_777], %swap3A_780 {strides = array<i32>} : memref<32x128xf32, #tpu.memory_space<vmem>>, vector<1x16xf32>,
    %swap3A_781 = arith.constant 16 : i32
    %swap3A_782 = arith.index_cast %swap3A_781 : i32 to index
    %swap3A_783 = arith.constant 32 : index
    %swap3A_784 = tpu.vector_load %arg11[%swap3A_782, %swap3A_783] {strides = array<i32>} : memref<32x128xf32, #tpu.memory_space<vmem>>, vector<1x16xf32>,
    %swap3A_785 = vector.shape_cast %swap3A_784 : vector<1x16xf32> to vector<16xf32>
    %swap3A_786 = vector.shape_cast %broadcast_in_dim3A_1 : vector<16xf32> to vector<1x16xf32>
    tpu.vector_store %arg11[%swap3A_782, %swap3A_783], %swap3A_786 {strides = array<i32>} : memref<32x128xf32, #tpu.memory_space<vmem>>, vector<1x16xf32>,
    %swap3A_787 = arith.constant 16 : i32
    %swap3A_788 = arith.index_cast %swap3A_787 : i32 to index
    %swap3A_789 = arith.constant 48 : index
    %swap3A_790 = tpu.vector_load %arg11[%swap3A_788, %swap3A_789] {strides = array<i32>} : memref<32x128xf32, #tpu.memory_space<vmem>>, vector<1x16xf32>,
    %swap3A_791 = vector.shape_cast %swap3A_790 : vector<1x16xf32> to vector<16xf32>
    %swap3A_792 = vector.shape_cast %broadcast_in_dim3A_1 : vector<16xf32> to vector<1x16xf32>
    tpu.vector_store %arg11[%swap3A_788, %swap3A_789], %swap3A_792 {strides = array<i32>} : memref<32x128xf32, #tpu.memory_space<vmem>>, vector<1x16xf32>,
    %swap3A_793 = arith.constant 16 : i32
    %swap3A_794 = arith.index_cast %swap3A_793 : i32 to index
    %swap3A_795 = arith.constant 64 : index
    %swap3A_796 = tpu.vector_load %arg11[%swap3A_794, %swap3A_795] {strides = array<i32>} : memref<32x128xf32, #tpu.memory_space<vmem>>, vector<1x16xf32>,
    %swap3A_797 = vector.shape_cast %swap3A_796 : vector<1x16xf32> to vector<16xf32>
    %swap3A_798 = vector.shape_cast %broadcast_in_dim3A_1 : vector<16xf32> to vector<1x16xf32>
    tpu.vector_store %arg11[%swap3A_794, %swap3A_795], %swap3A_798 {strides = array<i32>} : memref<32x128xf32, #tpu.memory_space<vmem>>, vector<1x16xf32>,
    %swap3A_799 = arith.constant 16 : i32
    %swap3A_800 = arith.index_cast %swap3A_799 : i32 to index
    %swap3A_801 = arith.constant 80 : index
    %swap3A_802 = tpu.vector_load %arg11[%swap3A_800, %swap3A_801] {strides = array<i32>} : memref<32x128xf32, #tpu.memory_space<vmem>>, vector<1x16xf32>,
    %swap3A_803 = vector.shape_cast %swap3A_802 : vector<1x16xf32> to vector<16xf32>
    %swap3A_804 = vector.shape_cast %broadcast_in_dim3A_1 : vector<16xf32> to vector<1x16xf32>
    tpu.vector_store %arg11[%swap3A_800, %swap3A_801], %swap3A_804 {strides = array<i32>} : memref<32x128xf32, #tpu.memory_space<vmem>>, vector<1x16xf32>,
    %swap3A_805 = arith.constant 16 : i32
    %swap3A_806 = arith.index_cast %swap3A_805 : i32 to index
    %swap3A_807 = arith.constant 96 : index
    %swap3A_808 = tpu.vector_load %arg11[%swap3A_806, %swap3A_807] {strides = array<i32>} : memref<32x128xf32, #tpu.memory_space<vmem>>, vector<1x16xf32>,
    %swap3A_809 = vector.shape_cast %swap3A_808 : vector<1x16xf32> to vector<16xf32>
    %swap3A_810 = vector.shape_cast %broadcast_in_dim3A_1 : vector<16xf32> to vector<1x16xf32>
    tpu.vector_store %arg11[%swap3A_806, %swap3A_807], %swap3A_810 {strides = array<i32>} : memref<32x128xf32, #tpu.memory_space<vmem>>, vector<1x16xf32>,
    %swap3A_811 = arith.constant 16 : i32
    %swap3A_812 = arith.index_cast %swap3A_811 : i32 to index
    %swap3A_813 = arith.constant 112 : index
    %swap3A_814 = tpu.vector_load %arg11[%swap3A_812, %swap3A_813] {strides = array<i32>} : memref<32x128xf32, #tpu.memory_space<vmem>>, vector<1x16xf32>,
    %swap3A_815 = vector.shape_cast %swap3A_814 : vector<1x16xf32> to vector<16xf32>
    %swap3A_816 = vector.shape_cast %broadcast_in_dim3A_1 : vector<16xf32> to vector<1x16xf32>
    tpu.vector_store %arg11[%swap3A_812, %swap3A_813], %swap3A_816 {strides = array<i32>} : memref<32x128xf32, #tpu.memory_space<vmem>>, vector<1x16xf32>,
    %swap3A_817 = arith.constant 17 : i32
    %swap3A_818 = arith.index_cast %swap3A_817 : i32 to index
    %swap3A_819 = arith.constant 0 : index
    %swap3A_820 = tpu.vector_load %arg11[%swap3A_818, %swap3A_819] {strides = array<i32>} : memref<32x128xf32, #tpu.memory_space<vmem>>, vector<1x16xf32>,
    %swap3A_821 = vector.shape_cast %swap3A_820 : vector<1x16xf32> to vector<16xf32>
    %swap3A_822 = vector.shape_cast %broadcast_in_dim3A_1 : vector<16xf32> to vector<1x16xf32>
    tpu.vector_store %arg11[%swap3A_818, %swap3A_819], %swap3A_822 {strides = array<i32>} : memref<32x128xf32, #tpu.memory_space<vmem>>, vector<1x16xf32>,
    %swap3A_823 = arith.constant 17 : i32
    %swap3A_824 = arith.index_cast %swap3A_823 : i32 to index
    %swap3A_825 = arith.constant 16 : index
    %swap3A_826 = tpu.vector_load %arg11[%swap3A_824, %swap3A_825] {strides = array<i32>} : memref<32x128xf32, #tpu.memory_space<vmem>>, vector<1x16xf32>,
    %swap3A_827 = vector.shape_cast %swap3A_826 : vector<1x16xf32> to vector<16xf32>
    %swap3A_828 = vector.shape_cast %broadcast_in_dim3A_1 : vector<16xf32> to vector<1x16xf32>
    tpu.vector_store %arg11[%swap3A_824, %swap3A_825], %swap3A_828 {strides = array<i32>} : memref<32x128xf32, #tpu.memory_space<vmem>>, vector<1x16xf32>,
    %swap3A_829 = arith.constant 17 : i32
    %swap3A_830 = arith.index_cast %swap3A_829 : i32 to index
    %swap3A_831 = arith.constant 32 : index
    %swap3A_832 = tpu.vector_load %arg11[%swap3A_830, %swap3A_831] {strides = array<i32>} : memref<32x128xf32, #tpu.memory_space<vmem>>, vector<1x16xf32>,
    %swap3A_833 = vector.shape_cast %swap3A_832 : vector<1x16xf32> to vector<16xf32>
    %swap3A_834 = vector.shape_cast %broadcast_in_dim3A_1 : vector<16xf32> to vector<1x16xf32>
    tpu.vector_store %arg11[%swap3A_830, %swap3A_831], %swap3A_834 {strides = array<i32>} : memref<32x128xf32, #tpu.memory_space<vmem>>, vector<1x16xf32>,
    %swap3A_835 = arith.constant 17 : i32
    %swap3A_836 = arith.index_cast %swap3A_835 : i32 to index
    %swap3A_837 = arith.constant 48 : index
    %swap3A_838 = tpu.vector_load %arg11[%swap3A_836, %swap3A_837] {strides = array<i32>} : memref<32x128xf32, #tpu.memory_space<vmem>>, vector<1x16xf32>,
    %swap3A_839 = vector.shape_cast %swap3A_838 : vector<1x16xf32> to vector<16xf32>
    %swap3A_840 = vector.shape_cast %broadcast_in_dim3A_1 : vector<16xf32> to vector<1x16xf32>
    tpu.vector_store %arg11[%swap3A_836, %swap3A_837], %swap3A_840 {strides = array<i32>} : memref<32x128xf32, #tpu.memory_space<vmem>>, vector<1x16xf32>,
    %swap3A_841 = arith.constant 17 : i32
    %swap3A_842 = arith.index_cast %swap3A_841 : i32 to index
    %swap3A_843 = arith.constant 64 : index
    %swap3A_844 = tpu.vector_load %arg11[%swap3A_842, %swap3A_843] {strides = array<i32>} : memref<32x128xf32, #tpu.memory_space<vmem>>, vector<1x16xf32>,
    %swap3A_845 = vector.shape_cast %swap3A_844 : vector<1x16xf32> to vector<16xf32>
    %swap3A_846 = vector.shape_cast %broadcast_in_dim3A_1 : vector<16xf32> to vector<1x16xf32>
    tpu.vector_store %arg11[%swap3A_842, %swap3A_843], %swap3A_846 {strides = array<i32>} : memref<32x128xf32, #tpu.memory_space<vmem>>, vector<1x16xf32>,
    %swap3A_847 = arith.constant 17 : i32
    %swap3A_848 = arith.index_cast %swap3A_847 : i32 to index
    %swap3A_849 = arith.constant 80 : index
    %swap3A_850 = tpu.vector_load %arg11[%swap3A_848, %swap3A_849] {strides = array<i32>} : memref<32x128xf32, #tpu.memory_space<vmem>>, vector<1x16xf32>,
    %swap3A_851 = vector.shape_cast %swap3A_850 : vector<1x16xf32> to vector<16xf32>
    %swap3A_852 = vector.shape_cast %broadcast_in_dim3A_1 : vector<16xf32> to vector<1x16xf32>
    tpu.vector_store %arg11[%swap3A_848, %swap3A_849], %swap3A_852 {strides = array<i32>} : memref<32x128xf32, #tpu.memory_space<vmem>>, vector<1x16xf32>,
    %swap3A_853 = arith.constant 17 : i32
    %swap3A_854 = arith.index_cast %swap3A_853 : i32 to index
    %swap3A_855 = arith.constant 96 : index
    %swap3A_856 = tpu.vector_load %arg11[%swap3A_854, %swap3A_855] {strides = array<i32>} : memref<32x128xf32, #tpu.memory_space<vmem>>, vector<1x16xf32>,
    %swap3A_857 = vector.shape_cast %swap3A_856 : vector<1x16xf32> to vector<16xf32>
    %swap3A_858 = vector.shape_cast %broadcast_in_dim3A_1 : vector<16xf32> to vector<1x16xf32>
    tpu.vector_store %arg11[%swap3A_854, %swap3A_855], %swap3A_858 {strides = array<i32>} : memref<32x128xf32, #tpu.memory_space<vmem>>, vector<1x16xf32>,
    %swap3A_859 = arith.constant 17 : i32
    %swap3A_860 = arith.index_cast %swap3A_859 : i32 to index
    %swap3A_861 = arith.constant 112 : index
    %swap3A_862 = tpu.vector_load %arg11[%swap3A_860, %swap3A_861] {strides = array<i32>} : memref<32x128xf32, #tpu.memory_space<vmem>>, vector<1x16xf32>,
    %swap3A_863 = vector.shape_cast %swap3A_862 : vector<1x16xf32> to vector<16xf32>
    %swap3A_864 = vector.shape_cast %broadcast_in_dim3A_1 : vector<16xf32> to vector<1x16xf32>
    tpu.vector_store %arg11[%swap3A_860, %swap3A_861], %swap3A_864 {strides = array<i32>} : memref<32x128xf32, #tpu.memory_space<vmem>>, vector<1x16xf32>,
    %swap3A_865 = arith.constant 18 : i32
    %swap3A_866 = arith.index_cast %swap3A_865 : i32 to index
    %swap3A_867 = arith.constant 0 : index
    %swap3A_868 = tpu.vector_load %arg11[%swap3A_866, %swap3A_867] {strides = array<i32>} : memref<32x128xf32, #tpu.memory_space<vmem>>, vector<1x16xf32>,
    %swap3A_869 = vector.shape_cast %swap3A_868 : vector<1x16xf32> to vector<16xf32>
    %swap3A_870 = vector.shape_cast %broadcast_in_dim3A_1 : vector<16xf32> to vector<1x16xf32>
    tpu.vector_store %arg11[%swap3A_866, %swap3A_867], %swap3A_870 {strides = array<i32>} : memref<32x128xf32, #tpu.memory_space<vmem>>, vector<1x16xf32>,
    %swap3A_871 = arith.constant 18 : i32
    %swap3A_872 = arith.index_cast %swap3A_871 : i32 to index
    %swap3A_873 = arith.constant 16 : index
    %swap3A_874 = tpu.vector_load %arg11[%swap3A_872, %swap3A_873] {strides = array<i32>} : memref<32x128xf32, #tpu.memory_space<vmem>>, vector<1x16xf32>,
    %swap3A_875 = vector.shape_cast %swap3A_874 : vector<1x16xf32> to vector<16xf32>
    %swap3A_876 = vector.shape_cast %broadcast_in_dim3A_1 : vector<16xf32> to vector<1x16xf32>
    tpu.vector_store %arg11[%swap3A_872, %swap3A_873], %swap3A_876 {strides = array<i32>} : memref<32x128xf32, #tpu.memory_space<vmem>>, vector<1x16xf32>,
    %swap3A_877 = arith.constant 18 : i32
    %swap3A_878 = arith.index_cast %swap3A_877 : i32 to index
    %swap3A_879 = arith.constant 32 : index
    %swap3A_880 = tpu.vector_load %arg11[%swap3A_878, %swap3A_879] {strides = array<i32>} : memref<32x128xf32, #tpu.memory_space<vmem>>, vector<1x16xf32>,
    %swap3A_881 = vector.shape_cast %swap3A_880 : vector<1x16xf32> to vector<16xf32>
    %swap3A_882 = vector.shape_cast %broadcast_in_dim3A_1 : vector<16xf32> to vector<1x16xf32>
    tpu.vector_store %arg11[%swap3A_878, %swap3A_879], %swap3A_882 {strides = array<i32>} : memref<32x128xf32, #tpu.memory_space<vmem>>, vector<1x16xf32>,
    %swap3A_883 = arith.constant 18 : i32
    %swap3A_884 = arith.index_cast %swap3A_883 : i32 to index
    %swap3A_885 = arith.constant 48 : index
    %swap3A_886 = tpu.vector_load %arg11[%swap3A_884, %swap3A_885] {strides = array<i32>} : memref<32x128xf32, #tpu.memory_space<vmem>>, vector<1x16xf32>,
    %swap3A_887 = vector.shape_cast %swap3A_886 : vector<1x16xf32> to vector<16xf32>
    %swap3A_888 = vector.shape_cast %broadcast_in_dim3A_1 : vector<16xf32> to vector<1x16xf32>
    tpu.vector_store %arg11[%swap3A_884, %swap3A_885], %swap3A_888 {strides = array<i32>} : memref<32x128xf32, #tpu.memory_space<vmem>>, vector<1x16xf32>,
    %swap3A_889 = arith.constant 18 : i32
    %swap3A_890 = arith.index_cast %swap3A_889 : i32 to index
    %swap3A_891 = arith.constant 64 : index
    %swap3A_892 = tpu.vector_load %arg11[%swap3A_890, %swap3A_891] {strides = array<i32>} : memref<32x128xf32, #tpu.memory_space<vmem>>, vector<1x16xf32>,
    %swap3A_893 = vector.shape_cast %swap3A_892 : vector<1x16xf32> to vector<16xf32>
    %swap3A_894 = vector.shape_cast %broadcast_in_dim3A_1 : vector<16xf32> to vector<1x16xf32>
    tpu.vector_store %arg11[%swap3A_890, %swap3A_891], %swap3A_894 {strides = array<i32>} : memref<32x128xf32, #tpu.memory_space<vmem>>, vector<1x16xf32>,
    %swap3A_895 = arith.constant 18 : i32
    %swap3A_896 = arith.index_cast %swap3A_895 : i32 to index
    %swap3A_897 = arith.constant 80 : index
    %swap3A_898 = tpu.vector_load %arg11[%swap3A_896, %swap3A_897] {strides = array<i32>} : memref<32x128xf32, #tpu.memory_space<vmem>>, vector<1x16xf32>,
    %swap3A_899 = vector.shape_cast %swap3A_898 : vector<1x16xf32> to vector<16xf32>
    %swap3A_900 = vector.shape_cast %broadcast_in_dim3A_1 : vector<16xf32> to vector<1x16xf32>
    tpu.vector_store %arg11[%swap3A_896, %swap3A_897], %swap3A_900 {strides = array<i32>} : memref<32x128xf32, #tpu.memory_space<vmem>>, vector<1x16xf32>,
    %swap3A_901 = arith.constant 18 : i32
    %swap3A_902 = arith.index_cast %swap3A_901 : i32 to index
    %swap3A_903 = arith.constant 96 : index
    %swap3A_904 = tpu.vector_load %arg11[%swap3A_902, %swap3A_903] {strides = array<i32>} : memref<32x128xf32, #tpu.memory_space<vmem>>, vector<1x16xf32>,
    %swap3A_905 = vector.shape_cast %swap3A_904 : vector<1x16xf32> to vector<16xf32>
    %swap3A_906 = vector.shape_cast %broadcast_in_dim3A_1 : vector<16xf32> to vector<1x16xf32>
    tpu.vector_store %arg11[%swap3A_902, %swap3A_903], %swap3A_906 {strides = array<i32>} : memref<32x128xf32, #tpu.memory_space<vmem>>, vector<1x16xf32>,
    %swap3A_907 = arith.constant 18 : i32
    %swap3A_908 = arith.index_cast %swap3A_907 : i32 to index
    %swap3A_909 = arith.constant 112 : index
    %swap3A_910 = tpu.vector_load %arg11[%swap3A_908, %swap3A_909] {strides = array<i32>} : memref<32x128xf32, #tpu.memory_space<vmem>>, vector<1x16xf32>,
    %swap3A_911 = vector.shape_cast %swap3A_910 : vector<1x16xf32> to vector<16xf32>
    %swap3A_912 = vector.shape_cast %broadcast_in_dim3A_1 : vector<16xf32> to vector<1x16xf32>
    tpu.vector_store %arg11[%swap3A_908, %swap3A_909], %swap3A_912 {strides = array<i32>} : memref<32x128xf32, #tpu.memory_space<vmem>>, vector<1x16xf32>,
    %swap3A_913 = arith.constant 19 : i32
    %swap3A_914 = arith.index_cast %swap3A_913 : i32 to index
    %swap3A_915 = arith.constant 0 : index
    %swap3A_916 = tpu.vector_load %arg11[%swap3A_914, %swap3A_915] {strides = array<i32>} : memref<32x128xf32, #tpu.memory_space<vmem>>, vector<1x16xf32>,
    %swap3A_917 = vector.shape_cast %swap3A_916 : vector<1x16xf32> to vector<16xf32>
    %swap3A_918 = vector.shape_cast %broadcast_in_dim3A_1 : vector<16xf32> to vector<1x16xf32>
    tpu.vector_store %arg11[%swap3A_914, %swap3A_915], %swap3A_918 {strides = array<i32>} : memref<32x128xf32, #tpu.memory_space<vmem>>, vector<1x16xf32>,
    %swap3A_919 = arith.constant 19 : i32
    %swap3A_920 = arith.index_cast %swap3A_919 : i32 to index
    %swap3A_921 = arith.constant 16 : index
    %swap3A_922 = tpu.vector_load %arg11[%swap3A_920, %swap3A_921] {strides = array<i32>} : memref<32x128xf32, #tpu.memory_space<vmem>>, vector<1x16xf32>,
    %swap3A_923 = vector.shape_cast %swap3A_922 : vector<1x16xf32> to vector<16xf32>
    %swap3A_924 = vector.shape_cast %broadcast_in_dim3A_1 : vector<16xf32> to vector<1x16xf32>
    tpu.vector_store %arg11[%swap3A_920, %swap3A_921], %swap3A_924 {strides = array<i32>} : memref<32x128xf32, #tpu.memory_space<vmem>>, vector<1x16xf32>,
    %swap3A_925 = arith.constant 19 : i32
    %swap3A_926 = arith.index_cast %swap3A_925 : i32 to index
    %swap3A_927 = arith.constant 32 : index
    %swap3A_928 = tpu.vector_load %arg11[%swap3A_926, %swap3A_927] {strides = array<i32>} : memref<32x128xf32, #tpu.memory_space<vmem>>, vector<1x16xf32>,
    %swap3A_929 = vector.shape_cast %swap3A_928 : vector<1x16xf32> to vector<16xf32>
    %swap3A_930 = vector.shape_cast %broadcast_in_dim3A_1 : vector<16xf32> to vector<1x16xf32>
    tpu.vector_store %arg11[%swap3A_926, %swap3A_927], %swap3A_930 {strides = array<i32>} : memref<32x128xf32, #tpu.memory_space<vmem>>, vector<1x16xf32>,
    %swap3A_931 = arith.constant 19 : i32
    %swap3A_932 = arith.index_cast %swap3A_931 : i32 to index
    %swap3A_933 = arith.constant 48 : index
    %swap3A_934 = tpu.vector_load %arg11[%swap3A_932, %swap3A_933] {strides = array<i32>} : memref<32x128xf32, #tpu.memory_space<vmem>>, vector<1x16xf32>,
    %swap3A_935 = vector.shape_cast %swap3A_934 : vector<1x16xf32> to vector<16xf32>
    %swap3A_936 = vector.shape_cast %broadcast_in_dim3A_1 : vector<16xf32> to vector<1x16xf32>
    tpu.vector_store %arg11[%swap3A_932, %swap3A_933], %swap3A_936 {strides = array<i32>} : memref<32x128xf32, #tpu.memory_space<vmem>>, vector<1x16xf32>,
    %swap3A_937 = arith.constant 19 : i32
    %swap3A_938 = arith.index_cast %swap3A_937 : i32 to index
    %swap3A_939 = arith.constant 64 : index
    %swap3A_940 = tpu.vector_load %arg11[%swap3A_938, %swap3A_939] {strides = array<i32>} : memref<32x128xf32, #tpu.memory_space<vmem>>, vector<1x16xf32>,
    %swap3A_941 = vector.shape_cast %swap3A_940 : vector<1x16xf32> to vector<16xf32>
    %swap3A_942 = vector.shape_cast %broadcast_in_dim3A_1 : vector<16xf32> to vector<1x16xf32>
    tpu.vector_store %arg11[%swap3A_938, %swap3A_939], %swap3A_942 {strides = array<i32>} : memref<32x128xf32, #tpu.memory_space<vmem>>, vector<1x16xf32>,
    %swap3A_943 = arith.constant 19 : i32
    %swap3A_944 = arith.index_cast %swap3A_943 : i32 to index
    %swap3A_945 = arith.constant 80 : index
    %swap3A_946 = tpu.vector_load %arg11[%swap3A_944, %swap3A_945] {strides = array<i32>} : memref<32x128xf32, #tpu.memory_space<vmem>>, vector<1x16xf32>,
    %swap3A_947 = vector.shape_cast %swap3A_946 : vector<1x16xf32> to vector<16xf32>
    %swap3A_948 = vector.shape_cast %broadcast_in_dim3A_1 : vector<16xf32> to vector<1x16xf32>
    tpu.vector_store %arg11[%swap3A_944, %swap3A_945], %swap3A_948 {strides = array<i32>} : memref<32x128xf32, #tpu.memory_space<vmem>>, vector<1x16xf32>,
    %swap3A_949 = arith.constant 19 : i32
    %swap3A_950 = arith.index_cast %swap3A_949 : i32 to index
    %swap3A_951 = arith.constant 96 : index
    %swap3A_952 = tpu.vector_load %arg11[%swap3A_950, %swap3A_951] {strides = array<i32>} : memref<32x128xf32, #tpu.memory_space<vmem>>, vector<1x16xf32>,
    %swap3A_953 = vector.shape_cast %swap3A_952 : vector<1x16xf32> to vector<16xf32>
    %swap3A_954 = vector.shape_cast %broadcast_in_dim3A_1 : vector<16xf32> to vector<1x16xf32>
    tpu.vector_store %arg11[%swap3A_950, %swap3A_951], %swap3A_954 {strides = array<i32>} : memref<32x128xf32, #tpu.memory_space<vmem>>, vector<1x16xf32>,
    %swap3A_955 = arith.constant 19 : i32
    %swap3A_956 = arith.index_cast %swap3A_955 : i32 to index
    %swap3A_957 = arith.constant 112 : index
    %swap3A_958 = tpu.vector_load %arg11[%swap3A_956, %swap3A_957] {strides = array<i32>} : memref<32x128xf32, #tpu.memory_space<vmem>>, vector<1x16xf32>,
    %swap3A_959 = vector.shape_cast %swap3A_958 : vector<1x16xf32> to vector<16xf32>
    %swap3A_960 = vector.shape_cast %broadcast_in_dim3A_1 : vector<16xf32> to vector<1x16xf32>
    tpu.vector_store %arg11[%swap3A_956, %swap3A_957], %swap3A_960 {strides = array<i32>} : memref<32x128xf32, #tpu.memory_space<vmem>>, vector<1x16xf32>,
    %swap3A_961 = arith.constant 20 : i32
    %swap3A_962 = arith.index_cast %swap3A_961 : i32 to index
    %swap3A_963 = arith.constant 0 : index
    %swap3A_964 = tpu.vector_load %arg11[%swap3A_962, %swap3A_963] {strides = array<i32>} : memref<32x128xf32, #tpu.memory_space<vmem>>, vector<1x16xf32>,
    %swap3A_965 = vector.shape_cast %swap3A_964 : vector<1x16xf32> to vector<16xf32>
    %swap3A_966 = vector.shape_cast %broadcast_in_dim3A_1 : vector<16xf32> to vector<1x16xf32>
    tpu.vector_store %arg11[%swap3A_962, %swap3A_963], %swap3A_966 {strides = array<i32>} : memref<32x128xf32, #tpu.memory_space<vmem>>, vector<1x16xf32>,
    %swap3A_967 = arith.constant 20 : i32
    %swap3A_968 = arith.index_cast %swap3A_967 : i32 to index
    %swap3A_969 = arith.constant 16 : index
    %swap3A_970 = tpu.vector_load %arg11[%swap3A_968, %swap3A_969] {strides = array<i32>} : memref<32x128xf32, #tpu.memory_space<vmem>>, vector<1x16xf32>,
    %swap3A_971 = vector.shape_cast %swap3A_970 : vector<1x16xf32> to vector<16xf32>
    %swap3A_972 = vector.shape_cast %broadcast_in_dim3A_1 : vector<16xf32> to vector<1x16xf32>
    tpu.vector_store %arg11[%swap3A_968, %swap3A_969], %swap3A_972 {strides = array<i32>} : memref<32x128xf32, #tpu.memory_space<vmem>>, vector<1x16xf32>,
    %swap3A_973 = arith.constant 20 : i32
    %swap3A_974 = arith.index_cast %swap3A_973 : i32 to index
    %swap3A_975 = arith.constant 32 : index
    %swap3A_976 = tpu.vector_load %arg11[%swap3A_974, %swap3A_975] {strides = array<i32>} : memref<32x128xf32, #tpu.memory_space<vmem>>, vector<1x16xf32>,
    %swap3A_977 = vector.shape_cast %swap3A_976 : vector<1x16xf32> to vector<16xf32>
    %swap3A_978 = vector.shape_cast %broadcast_in_dim3A_1 : vector<16xf32> to vector<1x16xf32>
    tpu.vector_store %arg11[%swap3A_974, %swap3A_975], %swap3A_978 {strides = array<i32>} : memref<32x128xf32, #tpu.memory_space<vmem>>, vector<1x16xf32>,
    %swap3A_979 = arith.constant 20 : i32
    %swap3A_980 = arith.index_cast %swap3A_979 : i32 to index
    %swap3A_981 = arith.constant 48 : index
    %swap3A_982 = tpu.vector_load %arg11[%swap3A_980, %swap3A_981] {strides = array<i32>} : memref<32x128xf32, #tpu.memory_space<vmem>>, vector<1x16xf32>,
    %swap3A_983 = vector.shape_cast %swap3A_982 : vector<1x16xf32> to vector<16xf32>
    %swap3A_984 = vector.shape_cast %broadcast_in_dim3A_1 : vector<16xf32> to vector<1x16xf32>
    tpu.vector_store %arg11[%swap3A_980, %swap3A_981], %swap3A_984 {strides = array<i32>} : memref<32x128xf32, #tpu.memory_space<vmem>>, vector<1x16xf32>,
    %swap3A_985 = arith.constant 20 : i32
    %swap3A_986 = arith.index_cast %swap3A_985 : i32 to index
    %swap3A_987 = arith.constant 64 : index
    %swap3A_988 = tpu.vector_load %arg11[%swap3A_986, %swap3A_987] {strides = array<i32>} : memref<32x128xf32, #tpu.memory_space<vmem>>, vector<1x16xf32>,
    %swap3A_989 = vector.shape_cast %swap3A_988 : vector<1x16xf32> to vector<16xf32>
    %swap3A_990 = vector.shape_cast %broadcast_in_dim3A_1 : vector<16xf32> to vector<1x16xf32>
    tpu.vector_store %arg11[%swap3A_986, %swap3A_987], %swap3A_990 {strides = array<i32>} : memref<32x128xf32, #tpu.memory_space<vmem>>, vector<1x16xf32>,
    %swap3A_991 = arith.constant 20 : i32
    %swap3A_992 = arith.index_cast %swap3A_991 : i32 to index
    %swap3A_993 = arith.constant 80 : index
    %swap3A_994 = tpu.vector_load %arg11[%swap3A_992, %swap3A_993] {strides = array<i32>} : memref<32x128xf32, #tpu.memory_space<vmem>>, vector<1x16xf32>,
    %swap3A_995 = vector.shape_cast %swap3A_994 : vector<1x16xf32> to vector<16xf32>
    %swap3A_996 = vector.shape_cast %broadcast_in_dim3A_1 : vector<16xf32> to vector<1x16xf32>
    tpu.vector_store %arg11[%swap3A_992, %swap3A_993], %swap3A_996 {strides = array<i32>} : memref<32x128xf32, #tpu.memory_space<vmem>>, vector<1x16xf32>,
    %swap3A_997 = arith.constant 20 : i32
    %swap3A_998 = arith.index_cast %swap3A_997 : i32 to index
    %swap3A_999 = arith.constant 96 : index
    %swap3A_1000 = tpu.vector_load %arg11[%swap3A_998, %swap3A_999] {strides = array<i32>} : memref<32x128xf32, #tpu.memory_space<vmem>>, vector<1x16xf32>,
    %swap3A_1001 = vector.shape_cast %swap3A_1000 : vector<1x16xf32> to vector<16xf32>
    %swap3A_1002 = vector.shape_cast %broadcast_in_dim3A_1 : vector<16xf32> to vector<1x16xf32>
    tpu.vector_store %arg11[%swap3A_998, %swap3A_999], %swap3A_1002 {strides = array<i32>} : memref<32x128xf32, #tpu.memory_space<vmem>>, vector<1x16xf32>,
    %swap3A_1003 = arith.constant 20 : i32
    %swap3A_1004 = arith.index_cast %swap3A_1003 : i32 to index
    %swap3A_1005 = arith.constant 112 : index
    %swap3A_1006 = tpu.vector_load %arg11[%swap3A_1004, %swap3A_1005] {strides = array<i32>} : memref<32x128xf32, #tpu.memory_space<vmem>>, vector<1x16xf32>,
    %swap3A_1007 = vector.shape_cast %swap3A_1006 : vector<1x16xf32> to vector<16xf32>
    %swap3A_1008 = vector.shape_cast %broadcast_in_dim3A_1 : vector<16xf32> to vector<1x16xf32>
    tpu.vector_store %arg11[%swap3A_1004, %swap3A_1005], %swap3A_1008 {strides = array<i32>} : memref<32x128xf32, #tpu.memory_space<vmem>>, vector<1x16xf32>,
    %swap3A_1009 = arith.constant 21 : i32
    %swap3A_1010 = arith.index_cast %swap3A_1009 : i32 to index
    %swap3A_1011 = arith.constant 0 : index
    %swap3A_1012 = tpu.vector_load %arg11[%swap3A_1010, %swap3A_1011] {strides = array<i32>} : memref<32x128xf32, #tpu.memory_space<vmem>>, vector<1x16xf32>,
    %swap3A_1013 = vector.shape_cast %swap3A_1012 : vector<1x16xf32> to vector<16xf32>
    %swap3A_1014 = vector.shape_cast %broadcast_in_dim3A_1 : vector<16xf32> to vector<1x16xf32>
    tpu.vector_store %arg11[%swap3A_1010, %swap3A_1011], %swap3A_1014 {strides = array<i32>} : memref<32x128xf32, #tpu.memory_space<vmem>>, vector<1x16xf32>,
    %swap3A_1015 = arith.constant 21 : i32
    %swap3A_1016 = arith.index_cast %swap3A_1015 : i32 to index
    %swap3A_1017 = arith.constant 16 : index
    %swap3A_1018 = tpu.vector_load %arg11[%swap3A_1016, %swap3A_1017] {strides = array<i32>} : memref<32x128xf32, #tpu.memory_space<vmem>>, vector<1x16xf32>,
    %swap3A_1019 = vector.shape_cast %swap3A_1018 : vector<1x16xf32> to vector<16xf32>
    %swap3A_1020 = vector.shape_cast %broadcast_in_dim3A_1 : vector<16xf32> to vector<1x16xf32>
    tpu.vector_store %arg11[%swap3A_1016, %swap3A_1017], %swap3A_1020 {strides = array<i32>} : memref<32x128xf32, #tpu.memory_space<vmem>>, vector<1x16xf32>,
    %swap3A_1021 = arith.constant 21 : i32
    %swap3A_1022 = arith.index_cast %swap3A_1021 : i32 to index
    %swap3A_1023 = arith.constant 32 : index
    %swap3A_1024 = tpu.vector_load %arg11[%swap3A_1022, %swap3A_1023] {strides = array<i32>} : memref<32x128xf32, #tpu.memory_space<vmem>>, vector<1x16xf32>,
    %swap3A_1025 = vector.shape_cast %swap3A_1024 : vector<1x16xf32> to vector<16xf32>
    %swap3A_1026 = vector.shape_cast %broadcast_in_dim3A_1 : vector<16xf32> to vector<1x16xf32>
    tpu.vector_store %arg11[%swap3A_1022, %swap3A_1023], %swap3A_1026 {strides = array<i32>} : memref<32x128xf32, #tpu.memory_space<vmem>>, vector<1x16xf32>,
    %swap3A_1027 = arith.constant 21 : i32
    %swap3A_1028 = arith.index_cast %swap3A_1027 : i32 to index
    %swap3A_1029 = arith.constant 48 : index
    %swap3A_1030 = tpu.vector_load %arg11[%swap3A_1028, %swap3A_1029] {strides = array<i32>} : memref<32x128xf32, #tpu.memory_space<vmem>>, vector<1x16xf32>,
    %swap3A_1031 = vector.shape_cast %swap3A_1030 : vector<1x16xf32> to vector<16xf32>
    %swap3A_1032 = vector.shape_cast %broadcast_in_dim3A_1 : vector<16xf32> to vector<1x16xf32>
    tpu.vector_store %arg11[%swap3A_1028, %swap3A_1029], %swap3A_1032 {strides = array<i32>} : memref<32x128xf32, #tpu.memory_space<vmem>>, vector<1x16xf32>,
    %swap3A_1033 = arith.constant 21 : i32
    %swap3A_1034 = arith.index_cast %swap3A_1033 : i32 to index
    %swap3A_1035 = arith.constant 64 : index
    %swap3A_1036 = tpu.vector_load %arg11[%swap3A_1034, %swap3A_1035] {strides = array<i32>} : memref<32x128xf32, #tpu.memory_space<vmem>>, vector<1x16xf32>,
    %swap3A_1037 = vector.shape_cast %swap3A_1036 : vector<1x16xf32> to vector<16xf32>
    %swap3A_1038 = vector.shape_cast %broadcast_in_dim3A_1 : vector<16xf32> to vector<1x16xf32>
    tpu.vector_store %arg11[%swap3A_1034, %swap3A_1035], %swap3A_1038 {strides = array<i32>} : memref<32x128xf32, #tpu.memory_space<vmem>>, vector<1x16xf32>,
    %swap3A_1039 = arith.constant 21 : i32
    %swap3A_1040 = arith.index_cast %swap3A_1039 : i32 to index
    %swap3A_1041 = arith.constant 80 : index
    %swap3A_1042 = tpu.vector_load %arg11[%swap3A_1040, %swap3A_1041] {strides = array<i32>} : memref<32x128xf32, #tpu.memory_space<vmem>>, vector<1x16xf32>,
    %swap3A_1043 = vector.shape_cast %swap3A_1042 : vector<1x16xf32> to vector<16xf32>
    %swap3A_1044 = vector.shape_cast %broadcast_in_dim3A_1 : vector<16xf32> to vector<1x16xf32>
    tpu.vector_store %arg11[%swap3A_1040, %swap3A_1041], %swap3A_1044 {strides = array<i32>} : memref<32x128xf32, #tpu.memory_space<vmem>>, vector<1x16xf32>,
    %swap3A_1045 = arith.constant 21 : i32
    %swap3A_1046 = arith.index_cast %swap3A_1045 : i32 to index
    %swap3A_1047 = arith.constant 96 : index
    %swap3A_1048 = tpu.vector_load %arg11[%swap3A_1046, %swap3A_1047] {strides = array<i32>} : memref<32x128xf32, #tpu.memory_space<vmem>>, vector<1x16xf32>,
    %swap3A_1049 = vector.shape_cast %swap3A_1048 : vector<1x16xf32> to vector<16xf32>
    %swap3A_1050 = vector.shape_cast %broadcast_in_dim3A_1 : vector<16xf32> to vector<1x16xf32>
    tpu.vector_store %arg11[%swap3A_1046, %swap3A_1047], %swap3A_1050 {strides = array<i32>} : memref<32x128xf32, #tpu.memory_space<vmem>>, vector<1x16xf32>,
    %swap3A_1051 = arith.constant 21 : i32
    %swap3A_1052 = arith.index_cast %swap3A_1051 : i32 to index
    %swap3A_1053 = arith.constant 112 : index
    %swap3A_1054 = tpu.vector_load %arg11[%swap3A_1052, %swap3A_1053] {strides = array<i32>} : memref<32x128xf32, #tpu.memory_space<vmem>>, vector<1x16xf32>,
    %swap3A_1055 = vector.shape_cast %swap3A_1054 : vector<1x16xf32> to vector<16xf32>
    %swap3A_1056 = vector.shape_cast %broadcast_in_dim3A_1 : vector<16xf32> to vector<1x16xf32>
    tpu.vector_store %arg11[%swap3A_1052, %swap3A_1053], %swap3A_1056 {strides = array<i32>} : memref<32x128xf32, #tpu.memory_space<vmem>>, vector<1x16xf32>,
    %swap3A_1057 = arith.constant 22 : i32
    %swap3A_1058 = arith.index_cast %swap3A_1057 : i32 to index
    %swap3A_1059 = arith.constant 0 : index
    %swap3A_1060 = tpu.vector_load %arg11[%swap3A_1058, %swap3A_1059] {strides = array<i32>} : memref<32x128xf32, #tpu.memory_space<vmem>>, vector<1x16xf32>,
    %swap3A_1061 = vector.shape_cast %swap3A_1060 : vector<1x16xf32> to vector<16xf32>
    %swap3A_1062 = vector.shape_cast %broadcast_in_dim3A_1 : vector<16xf32> to vector<1x16xf32>
    tpu.vector_store %arg11[%swap3A_1058, %swap3A_1059], %swap3A_1062 {strides = array<i32>} : memref<32x128xf32, #tpu.memory_space<vmem>>, vector<1x16xf32>,
    %swap3A_1063 = arith.constant 22 : i32
    %swap3A_1064 = arith.index_cast %swap3A_1063 : i32 to index
    %swap3A_1065 = arith.constant 16 : index
    %swap3A_1066 = tpu.vector_load %arg11[%swap3A_1064, %swap3A_1065] {strides = array<i32>} : memref<32x128xf32, #tpu.memory_space<vmem>>, vector<1x16xf32>,
    %swap3A_1067 = vector.shape_cast %swap3A_1066 : vector<1x16xf32> to vector<16xf32>
    %swap3A_1068 = vector.shape_cast %broadcast_in_dim3A_1 : vector<16xf32> to vector<1x16xf32>
    tpu.vector_store %arg11[%swap3A_1064, %swap3A_1065], %swap3A_1068 {strides = array<i32>} : memref<32x128xf32, #tpu.memory_space<vmem>>, vector<1x16xf32>,
    %swap3A_1069 = arith.constant 22 : i32
    %swap3A_1070 = arith.index_cast %swap3A_1069 : i32 to index
    %swap3A_1071 = arith.constant 32 : index
    %swap3A_1072 = tpu.vector_load %arg11[%swap3A_1070, %swap3A_1071] {strides = array<i32>} : memref<32x128xf32, #tpu.memory_space<vmem>>, vector<1x16xf32>,
    %swap3A_1073 = vector.shape_cast %swap3A_1072 : vector<1x16xf32> to vector<16xf32>
    %swap3A_1074 = vector.shape_cast %broadcast_in_dim3A_1 : vector<16xf32> to vector<1x16xf32>
    tpu.vector_store %arg11[%swap3A_1070, %swap3A_1071], %swap3A_1074 {strides = array<i32>} : memref<32x128xf32, #tpu.memory_space<vmem>>, vector<1x16xf32>,
    %swap3A_1075 = arith.constant 22 : i32
    %swap3A_1076 = arith.index_cast %swap3A_1075 : i32 to index
    %swap3A_1077 = arith.constant 48 : index
    %swap3A_1078 = tpu.vector_load %arg11[%swap3A_1076, %swap3A_1077] {strides = array<i32>} : memref<32x128xf32, #tpu.memory_space<vmem>>, vector<1x16xf32>,
    %swap3A_1079 = vector.shape_cast %swap3A_1078 : vector<1x16xf32> to vector<16xf32>
    %swap3A_1080 = vector.shape_cast %broadcast_in_dim3A_1 : vector<16xf32> to vector<1x16xf32>
    tpu.vector_store %arg11[%swap3A_1076, %swap3A_1077], %swap3A_1080 {strides = array<i32>} : memref<32x128xf32, #tpu.memory_space<vmem>>, vector<1x16xf32>,
    %swap3A_1081 = arith.constant 22 : i32
    %swap3A_1082 = arith.index_cast %swap3A_1081 : i32 to index
    %swap3A_1083 = arith.constant 64 : index
    %swap3A_1084 = tpu.vector_load %arg11[%swap3A_1082, %swap3A_1083] {strides = array<i32>} : memref<32x128xf32, #tpu.memory_space<vmem>>, vector<1x16xf32>,
    %swap3A_1085 = vector.shape_cast %swap3A_1084 : vector<1x16xf32> to vector<16xf32>
    %swap3A_1086 = vector.shape_cast %broadcast_in_dim3A_1 : vector<16xf32> to vector<1x16xf32>
    tpu.vector_store %arg11[%swap3A_1082, %swap3A_1083], %swap3A_1086 {strides = array<i32>} : memref<32x128xf32, #tpu.memory_space<vmem>>, vector<1x16xf32>,
    %swap3A_1087 = arith.constant 22 : i32
    %swap3A_1088 = arith.index_cast %swap3A_1087 : i32 to index
    %swap3A_1089 = arith.constant 80 : index
    %swap3A_1090 = tpu.vector_load %arg11[%swap3A_1088, %swap3A_1089] {strides = array<i32>} : memref<32x128xf32, #tpu.memory_space<vmem>>, vector<1x16xf32>,
    %swap3A_1091 = vector.shape_cast %swap3A_1090 : vector<1x16xf32> to vector<16xf32>
    %swap3A_1092 = vector.shape_cast %broadcast_in_dim3A_1 : vector<16xf32> to vector<1x16xf32>
    tpu.vector_store %arg11[%swap3A_1088, %swap3A_1089], %swap3A_1092 {strides = array<i32>} : memref<32x128xf32, #tpu.memory_space<vmem>>, vector<1x16xf32>,
    %swap3A_1093 = arith.constant 22 : i32
    %swap3A_1094 = arith.index_cast %swap3A_1093 : i32 to index
    %swap3A_1095 = arith.constant 96 : index
    %swap3A_1096 = tpu.vector_load %arg11[%swap3A_1094, %swap3A_1095] {strides = array<i32>} : memref<32x128xf32, #tpu.memory_space<vmem>>, vector<1x16xf32>,
    %swap3A_1097 = vector.shape_cast %swap3A_1096 : vector<1x16xf32> to vector<16xf32>
    %swap3A_1098 = vector.shape_cast %broadcast_in_dim3A_1 : vector<16xf32> to vector<1x16xf32>
    tpu.vector_store %arg11[%swap3A_1094, %swap3A_1095], %swap3A_1098 {strides = array<i32>} : memref<32x128xf32, #tpu.memory_space<vmem>>, vector<1x16xf32>,
    %swap3A_1099 = arith.constant 22 : i32
    %swap3A_1100 = arith.index_cast %swap3A_1099 : i32 to index
    %swap3A_1101 = arith.constant 112 : index
    %swap3A_1102 = tpu.vector_load %arg11[%swap3A_1100, %swap3A_1101] {strides = array<i32>} : memref<32x128xf32, #tpu.memory_space<vmem>>, vector<1x16xf32>,
    %swap3A_1103 = vector.shape_cast %swap3A_1102 : vector<1x16xf32> to vector<16xf32>
    %swap3A_1104 = vector.shape_cast %broadcast_in_dim3A_1 : vector<16xf32> to vector<1x16xf32>
    tpu.vector_store %arg11[%swap3A_1100, %swap3A_1101], %swap3A_1104 {strides = array<i32>} : memref<32x128xf32, #tpu.memory_space<vmem>>, vector<1x16xf32>,
    %swap3A_1105 = arith.constant 23 : i32
    %swap3A_1106 = arith.index_cast %swap3A_1105 : i32 to index
    %swap3A_1107 = arith.constant 0 : index
    %swap3A_1108 = tpu.vector_load %arg11[%swap3A_1106, %swap3A_1107] {strides = array<i32>} : memref<32x128xf32, #tpu.memory_space<vmem>>, vector<1x16xf32>,
    %swap3A_1109 = vector.shape_cast %swap3A_1108 : vector<1x16xf32> to vector<16xf32>
    %swap3A_1110 = vector.shape_cast %broadcast_in_dim3A_1 : vector<16xf32> to vector<1x16xf32>
    tpu.vector_store %arg11[%swap3A_1106, %swap3A_1107], %swap3A_1110 {strides = array<i32>} : memref<32x128xf32, #tpu.memory_space<vmem>>, vector<1x16xf32>,
    %swap3A_1111 = arith.constant 23 : i32
    %swap3A_1112 = arith.index_cast %swap3A_1111 : i32 to index
    %swap3A_1113 = arith.constant 16 : index
    %swap3A_1114 = tpu.vector_load %arg11[%swap3A_1112, %swap3A_1113] {strides = array<i32>} : memref<32x128xf32, #tpu.memory_space<vmem>>, vector<1x16xf32>,
    %swap3A_1115 = vector.shape_cast %swap3A_1114 : vector<1x16xf32> to vector<16xf32>
    %swap3A_1116 = vector.shape_cast %broadcast_in_dim3A_1 : vector<16xf32> to vector<1x16xf32>
    tpu.vector_store %arg11[%swap3A_1112, %swap3A_1113], %swap3A_1116 {strides = array<i32>} : memref<32x128xf32, #tpu.memory_space<vmem>>, vector<1x16xf32>,
    %swap3A_1117 = arith.constant 23 : i32
    %swap3A_1118 = arith.index_cast %swap3A_1117 : i32 to index
    %swap3A_1119 = arith.constant 32 : index
    %swap3A_1120 = tpu.vector_load %arg11[%swap3A_1118, %swap3A_1119] {strides = array<i32>} : memref<32x128xf32, #tpu.memory_space<vmem>>, vector<1x16xf32>,
    %swap3A_1121 = vector.shape_cast %swap3A_1120 : vector<1x16xf32> to vector<16xf32>
    %swap3A_1122 = vector.shape_cast %broadcast_in_dim3A_1 : vector<16xf32> to vector<1x16xf32>
    tpu.vector_store %arg11[%swap3A_1118, %swap3A_1119], %swap3A_1122 {strides = array<i32>} : memref<32x128xf32, #tpu.memory_space<vmem>>, vector<1x16xf32>,
    %swap3A_1123 = arith.constant 23 : i32
    %swap3A_1124 = arith.index_cast %swap3A_1123 : i32 to index
    %swap3A_1125 = arith.constant 48 : index
    %swap3A_1126 = tpu.vector_load %arg11[%swap3A_1124, %swap3A_1125] {strides = array<i32>} : memref<32x128xf32, #tpu.memory_space<vmem>>, vector<1x16xf32>,
    %swap3A_1127 = vector.shape_cast %swap3A_1126 : vector<1x16xf32> to vector<16xf32>
    %swap3A_1128 = vector.shape_cast %broadcast_in_dim3A_1 : vector<16xf32> to vector<1x16xf32>
    tpu.vector_store %arg11[%swap3A_1124, %swap3A_1125], %swap3A_1128 {strides = array<i32>} : memref<32x128xf32, #tpu.memory_space<vmem>>, vector<1x16xf32>,
    %swap3A_1129 = arith.constant 23 : i32
    %swap3A_1130 = arith.index_cast %swap3A_1129 : i32 to index
    %swap3A_1131 = arith.constant 64 : index
    %swap3A_1132 = tpu.vector_load %arg11[%swap3A_1130, %swap3A_1131] {strides = array<i32>} : memref<32x128xf32, #tpu.memory_space<vmem>>, vector<1x16xf32>,
    %swap3A_1133 = vector.shape_cast %swap3A_1132 : vector<1x16xf32> to vector<16xf32>
    %swap3A_1134 = vector.shape_cast %broadcast_in_dim3A_1 : vector<16xf32> to vector<1x16xf32>
    tpu.vector_store %arg11[%swap3A_1130, %swap3A_1131], %swap3A_1134 {strides = array<i32>} : memref<32x128xf32, #tpu.memory_space<vmem>>, vector<1x16xf32>,
    %swap3A_1135 = arith.constant 23 : i32
    %swap3A_1136 = arith.index_cast %swap3A_1135 : i32 to index
    %swap3A_1137 = arith.constant 80 : index
    %swap3A_1138 = tpu.vector_load %arg11[%swap3A_1136, %swap3A_1137] {strides = array<i32>} : memref<32x128xf32, #tpu.memory_space<vmem>>, vector<1x16xf32>,
    %swap3A_1139 = vector.shape_cast %swap3A_1138 : vector<1x16xf32> to vector<16xf32>
    %swap3A_1140 = vector.shape_cast %broadcast_in_dim3A_1 : vector<16xf32> to vector<1x16xf32>
    tpu.vector_store %arg11[%swap3A_1136, %swap3A_1137], %swap3A_1140 {strides = array<i32>} : memref<32x128xf32, #tpu.memory_space<vmem>>, vector<1x16xf32>,
    %swap3A_1141 = arith.constant 23 : i32
    %swap3A_1142 = arith.index_cast %swap3A_1141 : i32 to index
    %swap3A_1143 = arith.constant 96 : index
    %swap3A_1144 = tpu.vector_load %arg11[%swap3A_1142, %swap3A_1143] {strides = array<i32>} : memref<32x128xf32, #tpu.memory_space<vmem>>, vector<1x16xf32>,
    %swap3A_1145 = vector.shape_cast %swap3A_1144 : vector<1x16xf32> to vector<16xf32>
    %swap3A_1146 = vector.shape_cast %broadcast_in_dim3A_1 : vector<16xf32> to vector<1x16xf32>
    tpu.vector_store %arg11[%swap3A_1142, %swap3A_1143], %swap3A_1146 {strides = array<i32>} : memref<32x128xf32, #tpu.memory_space<vmem>>, vector<1x16xf32>,
    %swap3A_1147 = arith.constant 23 : i32
    %swap3A_1148 = arith.index_cast %swap3A_1147 : i32 to index
    %swap3A_1149 = arith.constant 112 : index
    %swap3A_1150 = tpu.vector_load %arg11[%swap3A_1148, %swap3A_1149] {strides = array<i32>} : memref<32x128xf32, #tpu.memory_space<vmem>>, vector<1x16xf32>,
    %swap3A_1151 = vector.shape_cast %swap3A_1150 : vector<1x16xf32> to vector<16xf32>
    %swap3A_1152 = vector.shape_cast %broadcast_in_dim3A_1 : vector<16xf32> to vector<1x16xf32>
    tpu.vector_store %arg11[%swap3A_1148, %swap3A_1149], %swap3A_1152 {strides = array<i32>} : memref<32x128xf32, #tpu.memory_space<vmem>>, vector<1x16xf32>,
    %swap3A_1153 = arith.constant 24 : i32
    %swap3A_1154 = arith.index_cast %swap3A_1153 : i32 to index
    %swap3A_1155 = arith.constant 0 : index
    %swap3A_1156 = tpu.vector_load %arg11[%swap3A_1154, %swap3A_1155] {strides = array<i32>} : memref<32x128xf32, #tpu.memory_space<vmem>>, vector<1x16xf32>,
    %swap3A_1157 = vector.shape_cast %swap3A_1156 : vector<1x16xf32> to vector<16xf32>
    %swap3A_1158 = vector.shape_cast %broadcast_in_dim3A_1 : vector<16xf32> to vector<1x16xf32>
    tpu.vector_store %arg11[%swap3A_1154, %swap3A_1155], %swap3A_1158 {strides = array<i32>} : memref<32x128xf32, #tpu.memory_space<vmem>>, vector<1x16xf32>,
    %swap3A_1159 = arith.constant 24 : i32
    %swap3A_1160 = arith.index_cast %swap3A_1159 : i32 to index
    %swap3A_1161 = arith.constant 16 : index
    %swap3A_1162 = tpu.vector_load %arg11[%swap3A_1160, %swap3A_1161] {strides = array<i32>} : memref<32x128xf32, #tpu.memory_space<vmem>>, vector<1x16xf32>,
    %swap3A_1163 = vector.shape_cast %swap3A_1162 : vector<1x16xf32> to vector<16xf32>
    %swap3A_1164 = vector.shape_cast %broadcast_in_dim3A_1 : vector<16xf32> to vector<1x16xf32>
    tpu.vector_store %arg11[%swap3A_1160, %swap3A_1161], %swap3A_1164 {strides = array<i32>} : memref<32x128xf32, #tpu.memory_space<vmem>>, vector<1x16xf32>,
    %swap3A_1165 = arith.constant 24 : i32
    %swap3A_1166 = arith.index_cast %swap3A_1165 : i32 to index
    %swap3A_1167 = arith.constant 32 : index
    %swap3A_1168 = tpu.vector_load %arg11[%swap3A_1166, %swap3A_1167] {strides = array<i32>} : memref<32x128xf32, #tpu.memory_space<vmem>>, vector<1x16xf32>,
    %swap3A_1169 = vector.shape_cast %swap3A_1168 : vector<1x16xf32> to vector<16xf32>
    %swap3A_1170 = vector.shape_cast %broadcast_in_dim3A_1 : vector<16xf32> to vector<1x16xf32>
    tpu.vector_store %arg11[%swap3A_1166, %swap3A_1167], %swap3A_1170 {strides = array<i32>} : memref<32x128xf32, #tpu.memory_space<vmem>>, vector<1x16xf32>,
    %swap3A_1171 = arith.constant 24 : i32
    %swap3A_1172 = arith.index_cast %swap3A_1171 : i32 to index
    %swap3A_1173 = arith.constant 48 : index
    %swap3A_1174 = tpu.vector_load %arg11[%swap3A_1172, %swap3A_1173] {strides = array<i32>} : memref<32x128xf32, #tpu.memory_space<vmem>>, vector<1x16xf32>,
    %swap3A_1175 = vector.shape_cast %swap3A_1174 : vector<1x16xf32> to vector<16xf32>
    %swap3A_1176 = vector.shape_cast %broadcast_in_dim3A_1 : vector<16xf32> to vector<1x16xf32>
    tpu.vector_store %arg11[%swap3A_1172, %swap3A_1173], %swap3A_1176 {strides = array<i32>} : memref<32x128xf32, #tpu.memory_space<vmem>>, vector<1x16xf32>,
    %swap3A_1177 = arith.constant 24 : i32
    %swap3A_1178 = arith.index_cast %swap3A_1177 : i32 to index
    %swap3A_1179 = arith.constant 64 : index
    %swap3A_1180 = tpu.vector_load %arg11[%swap3A_1178, %swap3A_1179] {strides = array<i32>} : memref<32x128xf32, #tpu.memory_space<vmem>>, vector<1x16xf32>,
    %swap3A_1181 = vector.shape_cast %swap3A_1180 : vector<1x16xf32> to vector<16xf32>
    %swap3A_1182 = vector.shape_cast %broadcast_in_dim3A_1 : vector<16xf32> to vector<1x16xf32>
    tpu.vector_store %arg11[%swap3A_1178, %swap3A_1179], %swap3A_1182 {strides = array<i32>} : memref<32x128xf32, #tpu.memory_space<vmem>>, vector<1x16xf32>,
    %swap3A_1183 = arith.constant 24 : i32
    %swap3A_1184 = arith.index_cast %swap3A_1183 : i32 to index
    %swap3A_1185 = arith.constant 80 : index
    %swap3A_1186 = tpu.vector_load %arg11[%swap3A_1184, %swap3A_1185] {strides = array<i32>} : memref<32x128xf32, #tpu.memory_space<vmem>>, vector<1x16xf32>,
    %swap3A_1187 = vector.shape_cast %swap3A_1186 : vector<1x16xf32> to vector<16xf32>
    %swap3A_1188 = vector.shape_cast %broadcast_in_dim3A_1 : vector<16xf32> to vector<1x16xf32>
    tpu.vector_store %arg11[%swap3A_1184, %swap3A_1185], %swap3A_1188 {strides = array<i32>} : memref<32x128xf32, #tpu.memory_space<vmem>>, vector<1x16xf32>,
    %swap3A_1189 = arith.constant 24 : i32
    %swap3A_1190 = arith.index_cast %swap3A_1189 : i32 to index
    %swap3A_1191 = arith.constant 96 : index
    %swap3A_1192 = tpu.vector_load %arg11[%swap3A_1190, %swap3A_1191] {strides = array<i32>} : memref<32x128xf32, #tpu.memory_space<vmem>>, vector<1x16xf32>,
    %swap3A_1193 = vector.shape_cast %swap3A_1192 : vector<1x16xf32> to vector<16xf32>
    %swap3A_1194 = vector.shape_cast %broadcast_in_dim3A_1 : vector<16xf32> to vector<1x16xf32>
    tpu.vector_store %arg11[%swap3A_1190, %swap3A_1191], %swap3A_1194 {strides = array<i32>} : memref<32x128xf32, #tpu.memory_space<vmem>>, vector<1x16xf32>,
    %swap3A_1195 = arith.constant 24 : i32
    %swap3A_1196 = arith.index_cast %swap3A_1195 : i32 to index
    %swap3A_1197 = arith.constant 112 : index
    %swap3A_1198 = tpu.vector_load %arg11[%swap3A_1196, %swap3A_1197] {strides = array<i32>} : memref<32x128xf32, #tpu.memory_space<vmem>>, vector<1x16xf32>,
    %swap3A_1199 = vector.shape_cast %swap3A_1198 : vector<1x16xf32> to vector<16xf32>
    %swap3A_1200 = vector.shape_cast %broadcast_in_dim3A_1 : vector<16xf32> to vector<1x16xf32>
    tpu.vector_store %arg11[%swap3A_1196, %swap3A_1197], %swap3A_1200 {strides = array<i32>} : memref<32x128xf32, #tpu.memory_space<vmem>>, vector<1x16xf32>,
    %swap3A_1201 = arith.constant 25 : i32
    %swap3A_1202 = arith.index_cast %swap3A_1201 : i32 to index
    %swap3A_1203 = arith.constant 0 : index
    %swap3A_1204 = tpu.vector_load %arg11[%swap3A_1202, %swap3A_1203] {strides = array<i32>} : memref<32x128xf32, #tpu.memory_space<vmem>>, vector<1x16xf32>,
    %swap3A_1205 = vector.shape_cast %swap3A_1204 : vector<1x16xf32> to vector<16xf32>
    %swap3A_1206 = vector.shape_cast %broadcast_in_dim3A_1 : vector<16xf32> to vector<1x16xf32>
    tpu.vector_store %arg11[%swap3A_1202, %swap3A_1203], %swap3A_1206 {strides = array<i32>} : memref<32x128xf32, #tpu.memory_space<vmem>>, vector<1x16xf32>,
    %swap3A_1207 = arith.constant 25 : i32
    %swap3A_1208 = arith.index_cast %swap3A_1207 : i32 to index
    %swap3A_1209 = arith.constant 16 : index
    %swap3A_1210 = tpu.vector_load %arg11[%swap3A_1208, %swap3A_1209] {strides = array<i32>} : memref<32x128xf32, #tpu.memory_space<vmem>>, vector<1x16xf32>,
    %swap3A_1211 = vector.shape_cast %swap3A_1210 : vector<1x16xf32> to vector<16xf32>
    %swap3A_1212 = vector.shape_cast %broadcast_in_dim3A_1 : vector<16xf32> to vector<1x16xf32>
    tpu.vector_store %arg11[%swap3A_1208, %swap3A_1209], %swap3A_1212 {strides = array<i32>} : memref<32x128xf32, #tpu.memory_space<vmem>>, vector<1x16xf32>,
    %swap3A_1213 = arith.constant 25 : i32
    %swap3A_1214 = arith.index_cast %swap3A_1213 : i32 to index
    %swap3A_1215 = arith.constant 32 : index
    %swap3A_1216 = tpu.vector_load %arg11[%swap3A_1214, %swap3A_1215] {strides = array<i32>} : memref<32x128xf32, #tpu.memory_space<vmem>>, vector<1x16xf32>,
    %swap3A_1217 = vector.shape_cast %swap3A_1216 : vector<1x16xf32> to vector<16xf32>
    %swap3A_1218 = vector.shape_cast %broadcast_in_dim3A_1 : vector<16xf32> to vector<1x16xf32>
    tpu.vector_store %arg11[%swap3A_1214, %swap3A_1215], %swap3A_1218 {strides = array<i32>} : memref<32x128xf32, #tpu.memory_space<vmem>>, vector<1x16xf32>,
    %swap3A_1219 = arith.constant 25 : i32
    %swap3A_1220 = arith.index_cast %swap3A_1219 : i32 to index
    %swap3A_1221 = arith.constant 48 : index
    %swap3A_1222 = tpu.vector_load %arg11[%swap3A_1220, %swap3A_1221] {strides = array<i32>} : memref<32x128xf32, #tpu.memory_space<vmem>>, vector<1x16xf32>,
    %swap3A_1223 = vector.shape_cast %swap3A_1222 : vector<1x16xf32> to vector<16xf32>
    %swap3A_1224 = vector.shape_cast %broadcast_in_dim3A_1 : vector<16xf32> to vector<1x16xf32>
    tpu.vector_store %arg11[%swap3A_1220, %swap3A_1221], %swap3A_1224 {strides = array<i32>} : memref<32x128xf32, #tpu.memory_space<vmem>>, vector<1x16xf32>,
    %swap3A_1225 = arith.constant 25 : i32
    %swap3A_1226 = arith.index_cast %swap3A_1225 : i32 to index
    %swap3A_1227 = arith.constant 64 : index
    %swap3A_1228 = tpu.vector_load %arg11[%swap3A_1226, %swap3A_1227] {strides = array<i32>} : memref<32x128xf32, #tpu.memory_space<vmem>>, vector<1x16xf32>,
    %swap3A_1229 = vector.shape_cast %swap3A_1228 : vector<1x16xf32> to vector<16xf32>
    %swap3A_1230 = vector.shape_cast %broadcast_in_dim3A_1 : vector<16xf32> to vector<1x16xf32>
    tpu.vector_store %arg11[%swap3A_1226, %swap3A_1227], %swap3A_1230 {strides = array<i32>} : memref<32x128xf32, #tpu.memory_space<vmem>>, vector<1x16xf32>,
    %swap3A_1231 = arith.constant 25 : i32
    %swap3A_1232 = arith.index_cast %swap3A_1231 : i32 to index
    %swap3A_1233 = arith.constant 80 : index
    %swap3A_1234 = tpu.vector_load %arg11[%swap3A_1232, %swap3A_1233] {strides = array<i32>} : memref<32x128xf32, #tpu.memory_space<vmem>>, vector<1x16xf32>,
    %swap3A_1235 = vector.shape_cast %swap3A_1234 : vector<1x16xf32> to vector<16xf32>
    %swap3A_1236 = vector.shape_cast %broadcast_in_dim3A_1 : vector<16xf32> to vector<1x16xf32>
    tpu.vector_store %arg11[%swap3A_1232, %swap3A_1233], %swap3A_1236 {strides = array<i32>} : memref<32x128xf32, #tpu.memory_space<vmem>>, vector<1x16xf32>,
    %swap3A_1237 = arith.constant 25 : i32
    %swap3A_1238 = arith.index_cast %swap3A_1237 : i32 to index
    %swap3A_1239 = arith.constant 96 : index
    %swap3A_1240 = tpu.vector_load %arg11[%swap3A_1238, %swap3A_1239] {strides = array<i32>} : memref<32x128xf32, #tpu.memory_space<vmem>>, vector<1x16xf32>,
    %swap3A_1241 = vector.shape_cast %swap3A_1240 : vector<1x16xf32> to vector<16xf32>
    %swap3A_1242 = vector.shape_cast %broadcast_in_dim3A_1 : vector<16xf32> to vector<1x16xf32>
    tpu.vector_store %arg11[%swap3A_1238, %swap3A_1239], %swap3A_1242 {strides = array<i32>} : memref<32x128xf32, #tpu.memory_space<vmem>>, vector<1x16xf32>,
    %swap3A_1243 = arith.constant 25 : i32
    %swap3A_1244 = arith.index_cast %swap3A_1243 : i32 to index
    %swap3A_1245 = arith.constant 112 : index
    %swap3A_1246 = tpu.vector_load %arg11[%swap3A_1244, %swap3A_1245] {strides = array<i32>} : memref<32x128xf32, #tpu.memory_space<vmem>>, vector<1x16xf32>,
    %swap3A_1247 = vector.shape_cast %swap3A_1246 : vector<1x16xf32> to vector<16xf32>
    %swap3A_1248 = vector.shape_cast %broadcast_in_dim3A_1 : vector<16xf32> to vector<1x16xf32>
    tpu.vector_store %arg11[%swap3A_1244, %swap3A_1245], %swap3A_1248 {strides = array<i32>} : memref<32x128xf32, #tpu.memory_space<vmem>>, vector<1x16xf32>,
    %swap3A_1249 = arith.constant 26 : i32
    %swap3A_1250 = arith.index_cast %swap3A_1249 : i32 to index
    %swap3A_1251 = arith.constant 0 : index
    %swap3A_1252 = tpu.vector_load %arg11[%swap3A_1250, %swap3A_1251] {strides = array<i32>} : memref<32x128xf32, #tpu.memory_space<vmem>>, vector<1x16xf32>,
    %swap3A_1253 = vector.shape_cast %swap3A_1252 : vector<1x16xf32> to vector<16xf32>
    %swap3A_1254 = vector.shape_cast %broadcast_in_dim3A_1 : vector<16xf32> to vector<1x16xf32>
    tpu.vector_store %arg11[%swap3A_1250, %swap3A_1251], %swap3A_1254 {strides = array<i32>} : memref<32x128xf32, #tpu.memory_space<vmem>>, vector<1x16xf32>,
    %swap3A_1255 = arith.constant 26 : i32
    %swap3A_1256 = arith.index_cast %swap3A_1255 : i32 to index
    %swap3A_1257 = arith.constant 16 : index
    %swap3A_1258 = tpu.vector_load %arg11[%swap3A_1256, %swap3A_1257] {strides = array<i32>} : memref<32x128xf32, #tpu.memory_space<vmem>>, vector<1x16xf32>,
    %swap3A_1259 = vector.shape_cast %swap3A_1258 : vector<1x16xf32> to vector<16xf32>
    %swap3A_1260 = vector.shape_cast %broadcast_in_dim3A_1 : vector<16xf32> to vector<1x16xf32>
    tpu.vector_store %arg11[%swap3A_1256, %swap3A_1257], %swap3A_1260 {strides = array<i32>} : memref<32x128xf32, #tpu.memory_space<vmem>>, vector<1x16xf32>,
    %swap3A_1261 = arith.constant 26 : i32
    %swap3A_1262 = arith.index_cast %swap3A_1261 : i32 to index
    %swap3A_1263 = arith.constant 32 : index
    %swap3A_1264 = tpu.vector_load %arg11[%swap3A_1262, %swap3A_1263] {strides = array<i32>} : memref<32x128xf32, #tpu.memory_space<vmem>>, vector<1x16xf32>,
    %swap3A_1265 = vector.shape_cast %swap3A_1264 : vector<1x16xf32> to vector<16xf32>
    %swap3A_1266 = vector.shape_cast %broadcast_in_dim3A_1 : vector<16xf32> to vector<1x16xf32>
    tpu.vector_store %arg11[%swap3A_1262, %swap3A_1263], %swap3A_1266 {strides = array<i32>} : memref<32x128xf32, #tpu.memory_space<vmem>>, vector<1x16xf32>,
    %swap3A_1267 = arith.constant 26 : i32
    %swap3A_1268 = arith.index_cast %swap3A_1267 : i32 to index
    %swap3A_1269 = arith.constant 48 : index
    %swap3A_1270 = tpu.vector_load %arg11[%swap3A_1268, %swap3A_1269] {strides = array<i32>} : memref<32x128xf32, #tpu.memory_space<vmem>>, vector<1x16xf32>,
    %swap3A_1271 = vector.shape_cast %swap3A_1270 : vector<1x16xf32> to vector<16xf32>
    %swap3A_1272 = vector.shape_cast %broadcast_in_dim3A_1 : vector<16xf32> to vector<1x16xf32>
    tpu.vector_store %arg11[%swap3A_1268, %swap3A_1269], %swap3A_1272 {strides = array<i32>} : memref<32x128xf32, #tpu.memory_space<vmem>>, vector<1x16xf32>,
    %swap3A_1273 = arith.constant 26 : i32
    %swap3A_1274 = arith.index_cast %swap3A_1273 : i32 to index
    %swap3A_1275 = arith.constant 64 : index
    %swap3A_1276 = tpu.vector_load %arg11[%swap3A_1274, %swap3A_1275] {strides = array<i32>} : memref<32x128xf32, #tpu.memory_space<vmem>>, vector<1x16xf32>,
    %swap3A_1277 = vector.shape_cast %swap3A_1276 : vector<1x16xf32> to vector<16xf32>
    %swap3A_1278 = vector.shape_cast %broadcast_in_dim3A_1 : vector<16xf32> to vector<1x16xf32>
    tpu.vector_store %arg11[%swap3A_1274, %swap3A_1275], %swap3A_1278 {strides = array<i32>} : memref<32x128xf32, #tpu.memory_space<vmem>>, vector<1x16xf32>,
    %swap3A_1279 = arith.constant 26 : i32
    %swap3A_1280 = arith.index_cast %swap3A_1279 : i32 to index
    %swap3A_1281 = arith.constant 80 : index
    %swap3A_1282 = tpu.vector_load %arg11[%swap3A_1280, %swap3A_1281] {strides = array<i32>} : memref<32x128xf32, #tpu.memory_space<vmem>>, vector<1x16xf32>,
    %swap3A_1283 = vector.shape_cast %swap3A_1282 : vector<1x16xf32> to vector<16xf32>
    %swap3A_1284 = vector.shape_cast %broadcast_in_dim3A_1 : vector<16xf32> to vector<1x16xf32>
    tpu.vector_store %arg11[%swap3A_1280, %swap3A_1281], %swap3A_1284 {strides = array<i32>} : memref<32x128xf32, #tpu.memory_space<vmem>>, vector<1x16xf32>,
    %swap3A_1285 = arith.constant 26 : i32
    %swap3A_1286 = arith.index_cast %swap3A_1285 : i32 to index
    %swap3A_1287 = arith.constant 96 : index
    %swap3A_1288 = tpu.vector_load %arg11[%swap3A_1286, %swap3A_1287] {strides = array<i32>} : memref<32x128xf32, #tpu.memory_space<vmem>>, vector<1x16xf32>,
    %swap3A_1289 = vector.shape_cast %swap3A_1288 : vector<1x16xf32> to vector<16xf32>
    %swap3A_1290 = vector.shape_cast %broadcast_in_dim3A_1 : vector<16xf32> to vector<1x16xf32>
    tpu.vector_store %arg11[%swap3A_1286, %swap3A_1287], %swap3A_1290 {strides = array<i32>} : memref<32x128xf32, #tpu.memory_space<vmem>>, vector<1x16xf32>,
    %swap3A_1291 = arith.constant 26 : i32
    %swap3A_1292 = arith.index_cast %swap3A_1291 : i32 to index
    %swap3A_1293 = arith.constant 112 : index
    %swap3A_1294 = tpu.vector_load %arg11[%swap3A_1292, %swap3A_1293] {strides = array<i32>} : memref<32x128xf32, #tpu.memory_space<vmem>>, vector<1x16xf32>,
    %swap3A_1295 = vector.shape_cast %swap3A_1294 : vector<1x16xf32> to vector<16xf32>
    %swap3A_1296 = vector.shape_cast %broadcast_in_dim3A_1 : vector<16xf32> to vector<1x16xf32>
    tpu.vector_store %arg11[%swap3A_1292, %swap3A_1293], %swap3A_1296 {strides = array<i32>} : memref<32x128xf32, #tpu.memory_space<vmem>>, vector<1x16xf32>,
    %swap3A_1297 = arith.constant 27 : i32
    %swap3A_1298 = arith.index_cast %swap3A_1297 : i32 to index
    %swap3A_1299 = arith.constant 0 : index
    %swap3A_1300 = tpu.vector_load %arg11[%swap3A_1298, %swap3A_1299] {strides = array<i32>} : memref<32x128xf32, #tpu.memory_space<vmem>>, vector<1x16xf32>,
    %swap3A_1301 = vector.shape_cast %swap3A_1300 : vector<1x16xf32> to vector<16xf32>
    %swap3A_1302 = vector.shape_cast %broadcast_in_dim3A_1 : vector<16xf32> to vector<1x16xf32>
    tpu.vector_store %arg11[%swap3A_1298, %swap3A_1299], %swap3A_1302 {strides = array<i32>} : memref<32x128xf32, #tpu.memory_space<vmem>>, vector<1x16xf32>,
    %swap3A_1303 = arith.constant 27 : i32
    %swap3A_1304 = arith.index_cast %swap3A_1303 : i32 to index
    %swap3A_1305 = arith.constant 16 : index
    %swap3A_1306 = tpu.vector_load %arg11[%swap3A_1304, %swap3A_1305] {strides = array<i32>} : memref<32x128xf32, #tpu.memory_space<vmem>>, vector<1x16xf32>,
    %swap3A_1307 = vector.shape_cast %swap3A_1306 : vector<1x16xf32> to vector<16xf32>
    %swap3A_1308 = vector.shape_cast %broadcast_in_dim3A_1 : vector<16xf32> to vector<1x16xf32>
    tpu.vector_store %arg11[%swap3A_1304, %swap3A_1305], %swap3A_1308 {strides = array<i32>} : memref<32x128xf32, #tpu.memory_space<vmem>>, vector<1x16xf32>,
    %swap3A_1309 = arith.constant 27 : i32
    %swap3A_1310 = arith.index_cast %swap3A_1309 : i32 to index
    %swap3A_1311 = arith.constant 32 : index
    %swap3A_1312 = tpu.vector_load %arg11[%swap3A_1310, %swap3A_1311] {strides = array<i32>} : memref<32x128xf32, #tpu.memory_space<vmem>>, vector<1x16xf32>,
    %swap3A_1313 = vector.shape_cast %swap3A_1312 : vector<1x16xf32> to vector<16xf32>
    %swap3A_1314 = vector.shape_cast %broadcast_in_dim3A_1 : vector<16xf32> to vector<1x16xf32>
    tpu.vector_store %arg11[%swap3A_1310, %swap3A_1311], %swap3A_1314 {strides = array<i32>} : memref<32x128xf32, #tpu.memory_space<vmem>>, vector<1x16xf32>,
    %swap3A_1315 = arith.constant 27 : i32
    %swap3A_1316 = arith.index_cast %swap3A_1315 : i32 to index
    %swap3A_1317 = arith.constant 48 : index
    %swap3A_1318 = tpu.vector_load %arg11[%swap3A_1316, %swap3A_1317] {strides = array<i32>} : memref<32x128xf32, #tpu.memory_space<vmem>>, vector<1x16xf32>,
    %swap3A_1319 = vector.shape_cast %swap3A_1318 : vector<1x16xf32> to vector<16xf32>
    %swap3A_1320 = vector.shape_cast %broadcast_in_dim3A_1 : vector<16xf32> to vector<1x16xf32>
    tpu.vector_store %arg11[%swap3A_1316, %swap3A_1317], %swap3A_1320 {strides = array<i32>} : memref<32x128xf32, #tpu.memory_space<vmem>>, vector<1x16xf32>,
    %swap3A_1321 = arith.constant 27 : i32
    %swap3A_1322 = arith.index_cast %swap3A_1321 : i32 to index
    %swap3A_1323 = arith.constant 64 : index
    %swap3A_1324 = tpu.vector_load %arg11[%swap3A_1322, %swap3A_1323] {strides = array<i32>} : memref<32x128xf32, #tpu.memory_space<vmem>>, vector<1x16xf32>,
    %swap3A_1325 = vector.shape_cast %swap3A_1324 : vector<1x16xf32> to vector<16xf32>
    %swap3A_1326 = vector.shape_cast %broadcast_in_dim3A_1 : vector<16xf32> to vector<1x16xf32>
    tpu.vector_store %arg11[%swap3A_1322, %swap3A_1323], %swap3A_1326 {strides = array<i32>} : memref<32x128xf32, #tpu.memory_space<vmem>>, vector<1x16xf32>,
    %swap3A_1327 = arith.constant 27 : i32
    %swap3A_1328 = arith.index_cast %swap3A_1327 : i32 to index
    %swap3A_1329 = arith.constant 80 : index
    %swap3A_1330 = tpu.vector_load %arg11[%swap3A_1328, %swap3A_1329] {strides = array<i32>} : memref<32x128xf32, #tpu.memory_space<vmem>>, vector<1x16xf32>,
    %swap3A_1331 = vector.shape_cast %swap3A_1330 : vector<1x16xf32> to vector<16xf32>
    %swap3A_1332 = vector.shape_cast %broadcast_in_dim3A_1 : vector<16xf32> to vector<1x16xf32>
    tpu.vector_store %arg11[%swap3A_1328, %swap3A_1329], %swap3A_1332 {strides = array<i32>} : memref<32x128xf32, #tpu.memory_space<vmem>>, vector<1x16xf32>,
    %swap3A_1333 = arith.constant 27 : i32
    %swap3A_1334 = arith.index_cast %swap3A_1333 : i32 to index
    %swap3A_1335 = arith.constant 96 : index
    %swap3A_1336 = tpu.vector_load %arg11[%swap3A_1334, %swap3A_1335] {strides = array<i32>} : memref<32x128xf32, #tpu.memory_space<vmem>>, vector<1x16xf32>,
    %swap3A_1337 = vector.shape_cast %swap3A_1336 : vector<1x16xf32> to vector<16xf32>
    %swap3A_1338 = vector.shape_cast %broadcast_in_dim3A_1 : vector<16xf32> to vector<1x16xf32>
    tpu.vector_store %arg11[%swap3A_1334, %swap3A_1335], %swap3A_1338 {strides = array<i32>} : memref<32x128xf32, #tpu.memory_space<vmem>>, vector<1x16xf32>,
    %swap3A_1339 = arith.constant 27 : i32
    %swap3A_1340 = arith.index_cast %swap3A_1339 : i32 to index
    %swap3A_1341 = arith.constant 112 : index
    %swap3A_1342 = tpu.vector_load %arg11[%swap3A_1340, %swap3A_1341] {strides = array<i32>} : memref<32x128xf32, #tpu.memory_space<vmem>>, vector<1x16xf32>,
    %swap3A_1343 = vector.shape_cast %swap3A_1342 : vector<1x16xf32> to vector<16xf32>
    %swap3A_1344 = vector.shape_cast %broadcast_in_dim3A_1 : vector<16xf32> to vector<1x16xf32>
    tpu.vector_store %arg11[%swap3A_1340, %swap3A_1341], %swap3A_1344 {strides = array<i32>} : memref<32x128xf32, #tpu.memory_space<vmem>>, vector<1x16xf32>,
    %swap3A_1345 = arith.constant 28 : i32
    %swap3A_1346 = arith.index_cast %swap3A_1345 : i32 to index
    %swap3A_1347 = arith.constant 0 : index
    %swap3A_1348 = tpu.vector_load %arg11[%swap3A_1346, %swap3A_1347] {strides = array<i32>} : memref<32x128xf32, #tpu.memory_space<vmem>>, vector<1x16xf32>,
    %swap3A_1349 = vector.shape_cast %swap3A_1348 : vector<1x16xf32> to vector<16xf32>
    %swap3A_1350 = vector.shape_cast %broadcast_in_dim3A_1 : vector<16xf32> to vector<1x16xf32>
    tpu.vector_store %arg11[%swap3A_1346, %swap3A_1347], %swap3A_1350 {strides = array<i32>} : memref<32x128xf32, #tpu.memory_space<vmem>>, vector<1x16xf32>,
    %swap3A_1351 = arith.constant 28 : i32
    %swap3A_1352 = arith.index_cast %swap3A_1351 : i32 to index
    %swap3A_1353 = arith.constant 16 : index
    %swap3A_1354 = tpu.vector_load %arg11[%swap3A_1352, %swap3A_1353] {strides = array<i32>} : memref<32x128xf32, #tpu.memory_space<vmem>>, vector<1x16xf32>,
    %swap3A_1355 = vector.shape_cast %swap3A_1354 : vector<1x16xf32> to vector<16xf32>
    %swap3A_1356 = vector.shape_cast %broadcast_in_dim3A_1 : vector<16xf32> to vector<1x16xf32>
    tpu.vector_store %arg11[%swap3A_1352, %swap3A_1353], %swap3A_1356 {strides = array<i32>} : memref<32x128xf32, #tpu.memory_space<vmem>>, vector<1x16xf32>,
    %swap3A_1357 = arith.constant 28 : i32
    %swap3A_1358 = arith.index_cast %swap3A_1357 : i32 to index
    %swap3A_1359 = arith.constant 32 : index
    %swap3A_1360 = tpu.vector_load %arg11[%swap3A_1358, %swap3A_1359] {strides = array<i32>} : memref<32x128xf32, #tpu.memory_space<vmem>>, vector<1x16xf32>,
    %swap3A_1361 = vector.shape_cast %swap3A_1360 : vector<1x16xf32> to vector<16xf32>
    %swap3A_1362 = vector.shape_cast %broadcast_in_dim3A_1 : vector<16xf32> to vector<1x16xf32>
    tpu.vector_store %arg11[%swap3A_1358, %swap3A_1359], %swap3A_1362 {strides = array<i32>} : memref<32x128xf32, #tpu.memory_space<vmem>>, vector<1x16xf32>,
    %swap3A_1363 = arith.constant 28 : i32
    %swap3A_1364 = arith.index_cast %swap3A_1363 : i32 to index
    %swap3A_1365 = arith.constant 48 : index
    %swap3A_1366 = tpu.vector_load %arg11[%swap3A_1364, %swap3A_1365] {strides = array<i32>} : memref<32x128xf32, #tpu.memory_space<vmem>>, vector<1x16xf32>,
    %swap3A_1367 = vector.shape_cast %swap3A_1366 : vector<1x16xf32> to vector<16xf32>
    %swap3A_1368 = vector.shape_cast %broadcast_in_dim3A_1 : vector<16xf32> to vector<1x16xf32>
    tpu.vector_store %arg11[%swap3A_1364, %swap3A_1365], %swap3A_1368 {strides = array<i32>} : memref<32x128xf32, #tpu.memory_space<vmem>>, vector<1x16xf32>,
    %swap3A_1369 = arith.constant 28 : i32
    %swap3A_1370 = arith.index_cast %swap3A_1369 : i32 to index
    %swap3A_1371 = arith.constant 64 : index
    %swap3A_1372 = tpu.vector_load %arg11[%swap3A_1370, %swap3A_1371] {strides = array<i32>} : memref<32x128xf32, #tpu.memory_space<vmem>>, vector<1x16xf32>,
    %swap3A_1373 = vector.shape_cast %swap3A_1372 : vector<1x16xf32> to vector<16xf32>
    %swap3A_1374 = vector.shape_cast %broadcast_in_dim3A_1 : vector<16xf32> to vector<1x16xf32>
    tpu.vector_store %arg11[%swap3A_1370, %swap3A_1371], %swap3A_1374 {strides = array<i32>} : memref<32x128xf32, #tpu.memory_space<vmem>>, vector<1x16xf32>,
    %swap3A_1375 = arith.constant 28 : i32
    %swap3A_1376 = arith.index_cast %swap3A_1375 : i32 to index
    %swap3A_1377 = arith.constant 80 : index
    %swap3A_1378 = tpu.vector_load %arg11[%swap3A_1376, %swap3A_1377] {strides = array<i32>} : memref<32x128xf32, #tpu.memory_space<vmem>>, vector<1x16xf32>,
    %swap3A_1379 = vector.shape_cast %swap3A_1378 : vector<1x16xf32> to vector<16xf32>
    %swap3A_1380 = vector.shape_cast %broadcast_in_dim3A_1 : vector<16xf32> to vector<1x16xf32>
    tpu.vector_store %arg11[%swap3A_1376, %swap3A_1377], %swap3A_1380 {strides = array<i32>} : memref<32x128xf32, #tpu.memory_space<vmem>>, vector<1x16xf32>,
    %swap3A_1381 = arith.constant 28 : i32
    %swap3A_1382 = arith.index_cast %swap3A_1381 : i32 to index
    %swap3A_1383 = arith.constant 96 : index
    %swap3A_1384 = tpu.vector_load %arg11[%swap3A_1382, %swap3A_1383] {strides = array<i32>} : memref<32x128xf32, #tpu.memory_space<vmem>>, vector<1x16xf32>,
    %swap3A_1385 = vector.shape_cast %swap3A_1384 : vector<1x16xf32> to vector<16xf32>
    %swap3A_1386 = vector.shape_cast %broadcast_in_dim3A_1 : vector<16xf32> to vector<1x16xf32>
    tpu.vector_store %arg11[%swap3A_1382, %swap3A_1383], %swap3A_1386 {strides = array<i32>} : memref<32x128xf32, #tpu.memory_space<vmem>>, vector<1x16xf32>,
    %swap3A_1387 = arith.constant 28 : i32
    %swap3A_1388 = arith.index_cast %swap3A_1387 : i32 to index
    %swap3A_1389 = arith.constant 112 : index
    %swap3A_1390 = tpu.vector_load %arg11[%swap3A_1388, %swap3A_1389] {strides = array<i32>} : memref<32x128xf32, #tpu.memory_space<vmem>>, vector<1x16xf32>,
    %swap3A_1391 = vector.shape_cast %swap3A_1390 : vector<1x16xf32> to vector<16xf32>
    %swap3A_1392 = vector.shape_cast %broadcast_in_dim3A_1 : vector<16xf32> to vector<1x16xf32>
    tpu.vector_store %arg11[%swap3A_1388, %swap3A_1389], %swap3A_1392 {strides = array<i32>} : memref<32x128xf32, #tpu.memory_space<vmem>>, vector<1x16xf32>,
    %swap3A_1393 = arith.constant 29 : i32
    %swap3A_1394 = arith.index_cast %swap3A_1393 : i32 to index
    %swap3A_1395 = arith.constant 0 : index
    %swap3A_1396 = tpu.vector_load %arg11[%swap3A_1394, %swap3A_1395] {strides = array<i32>} : memref<32x128xf32, #tpu.memory_space<vmem>>, vector<1x16xf32>,
    %swap3A_1397 = vector.shape_cast %swap3A_1396 : vector<1x16xf32> to vector<16xf32>
    %swap3A_1398 = vector.shape_cast %broadcast_in_dim3A_1 : vector<16xf32> to vector<1x16xf32>
    tpu.vector_store %arg11[%swap3A_1394, %swap3A_1395], %swap3A_1398 {strides = array<i32>} : memref<32x128xf32, #tpu.memory_space<vmem>>, vector<1x16xf32>,
    %swap3A_1399 = arith.constant 29 : i32
    %swap3A_1400 = arith.index_cast %swap3A_1399 : i32 to index
    %swap3A_1401 = arith.constant 16 : index
    %swap3A_1402 = tpu.vector_load %arg11[%swap3A_1400, %swap3A_1401] {strides = array<i32>} : memref<32x128xf32, #tpu.memory_space<vmem>>, vector<1x16xf32>,
    %swap3A_1403 = vector.shape_cast %swap3A_1402 : vector<1x16xf32> to vector<16xf32>
    %swap3A_1404 = vector.shape_cast %broadcast_in_dim3A_1 : vector<16xf32> to vector<1x16xf32>
    tpu.vector_store %arg11[%swap3A_1400, %swap3A_1401], %swap3A_1404 {strides = array<i32>} : memref<32x128xf32, #tpu.memory_space<vmem>>, vector<1x16xf32>,
    %swap3A_1405 = arith.constant 29 : i32
    %swap3A_1406 = arith.index_cast %swap3A_1405 : i32 to index
    %swap3A_1407 = arith.constant 32 : index
    %swap3A_1408 = tpu.vector_load %arg11[%swap3A_1406, %swap3A_1407] {strides = array<i32>} : memref<32x128xf32, #tpu.memory_space<vmem>>, vector<1x16xf32>,
    %swap3A_1409 = vector.shape_cast %swap3A_1408 : vector<1x16xf32> to vector<16xf32>
    %swap3A_1410 = vector.shape_cast %broadcast_in_dim3A_1 : vector<16xf32> to vector<1x16xf32>
    tpu.vector_store %arg11[%swap3A_1406, %swap3A_1407], %swap3A_1410 {strides = array<i32>} : memref<32x128xf32, #tpu.memory_space<vmem>>, vector<1x16xf32>,
    %swap3A_1411 = arith.constant 29 : i32
    %swap3A_1412 = arith.index_cast %swap3A_1411 : i32 to index
    %swap3A_1413 = arith.constant 48 : index
    %swap3A_1414 = tpu.vector_load %arg11[%swap3A_1412, %swap3A_1413] {strides = array<i32>} : memref<32x128xf32, #tpu.memory_space<vmem>>, vector<1x16xf32>,
    %swap3A_1415 = vector.shape_cast %swap3A_1414 : vector<1x16xf32> to vector<16xf32>
    %swap3A_1416 = vector.shape_cast %broadcast_in_dim3A_1 : vector<16xf32> to vector<1x16xf32>
    tpu.vector_store %arg11[%swap3A_1412, %swap3A_1413], %swap3A_1416 {strides = array<i32>} : memref<32x128xf32, #tpu.memory_space<vmem>>, vector<1x16xf32>,
    %swap3A_1417 = arith.constant 29 : i32
    %swap3A_1418 = arith.index_cast %swap3A_1417 : i32 to index
    %swap3A_1419 = arith.constant 64 : index
    %swap3A_1420 = tpu.vector_load %arg11[%swap3A_1418, %swap3A_1419] {strides = array<i32>} : memref<32x128xf32, #tpu.memory_space<vmem>>, vector<1x16xf32>,
    %swap3A_1421 = vector.shape_cast %swap3A_1420 : vector<1x16xf32> to vector<16xf32>
    %swap3A_1422 = vector.shape_cast %broadcast_in_dim3A_1 : vector<16xf32> to vector<1x16xf32>
    tpu.vector_store %arg11[%swap3A_1418, %swap3A_1419], %swap3A_1422 {strides = array<i32>} : memref<32x128xf32, #tpu.memory_space<vmem>>, vector<1x16xf32>,
    %swap3A_1423 = arith.constant 29 : i32
    %swap3A_1424 = arith.index_cast %swap3A_1423 : i32 to index
    %swap3A_1425 = arith.constant 80 : index
    %swap3A_1426 = tpu.vector_load %arg11[%swap3A_1424, %swap3A_1425] {strides = array<i32>} : memref<32x128xf32, #tpu.memory_space<vmem>>, vector<1x16xf32>,
    %swap3A_1427 = vector.shape_cast %swap3A_1426 : vector<1x16xf32> to vector<16xf32>
    %swap3A_1428 = vector.shape_cast %broadcast_in_dim3A_1 : vector<16xf32> to vector<1x16xf32>
    tpu.vector_store %arg11[%swap3A_1424, %swap3A_1425], %swap3A_1428 {strides = array<i32>} : memref<32x128xf32, #tpu.memory_space<vmem>>, vector<1x16xf32>,
    %swap3A_1429 = arith.constant 29 : i32
    %swap3A_1430 = arith.index_cast %swap3A_1429 : i32 to index
    %swap3A_1431 = arith.constant 96 : index
    %swap3A_1432 = tpu.vector_load %arg11[%swap3A_1430, %swap3A_1431] {strides = array<i32>} : memref<32x128xf32, #tpu.memory_space<vmem>>, vector<1x16xf32>,
    %swap3A_1433 = vector.shape_cast %swap3A_1432 : vector<1x16xf32> to vector<16xf32>
    %swap3A_1434 = vector.shape_cast %broadcast_in_dim3A_1 : vector<16xf32> to vector<1x16xf32>
    tpu.vector_store %arg11[%swap3A_1430, %swap3A_1431], %swap3A_1434 {strides = array<i32>} : memref<32x128xf32, #tpu.memory_space<vmem>>, vector<1x16xf32>,
    %swap3A_1435 = arith.constant 29 : i32
    %swap3A_1436 = arith.index_cast %swap3A_1435 : i32 to index
    %swap3A_1437 = arith.constant 112 : index
    %swap3A_1438 = tpu.vector_load %arg11[%swap3A_1436, %swap3A_1437] {strides = array<i32>} : memref<32x128xf32, #tpu.memory_space<vmem>>, vector<1x16xf32>,
    %swap3A_1439 = vector.shape_cast %swap3A_1438 : vector<1x16xf32> to vector<16xf32>
    %swap3A_1440 = vector.shape_cast %broadcast_in_dim3A_1 : vector<16xf32> to vector<1x16xf32>
    tpu.vector_store %arg11[%swap3A_1436, %swap3A_1437], %swap3A_1440 {strides = array<i32>} : memref<32x128xf32, #tpu.memory_space<vmem>>, vector<1x16xf32>,
    %swap3A_1441 = arith.constant 30 : i32
    %swap3A_1442 = arith.index_cast %swap3A_1441 : i32 to index
    %swap3A_1443 = arith.constant 0 : index
    %swap3A_1444 = tpu.vector_load %arg11[%swap3A_1442, %swap3A_1443] {strides = array<i32>} : memref<32x128xf32, #tpu.memory_space<vmem>>, vector<1x16xf32>,
    %swap3A_1445 = vector.shape_cast %swap3A_1444 : vector<1x16xf32> to vector<16xf32>
    %swap3A_1446 = vector.shape_cast %broadcast_in_dim3A_1 : vector<16xf32> to vector<1x16xf32>
    tpu.vector_store %arg11[%swap3A_1442, %swap3A_1443], %swap3A_1446 {strides = array<i32>} : memref<32x128xf32, #tpu.memory_space<vmem>>, vector<1x16xf32>,
    %swap3A_1447 = arith.constant 30 : i32
    %swap3A_1448 = arith.index_cast %swap3A_1447 : i32 to index
    %swap3A_1449 = arith.constant 16 : index
    %swap3A_1450 = tpu.vector_load %arg11[%swap3A_1448, %swap3A_1449] {strides = array<i32>} : memref<32x128xf32, #tpu.memory_space<vmem>>, vector<1x16xf32>,
    %swap3A_1451 = vector.shape_cast %swap3A_1450 : vector<1x16xf32> to vector<16xf32>
    %swap3A_1452 = vector.shape_cast %broadcast_in_dim3A_1 : vector<16xf32> to vector<1x16xf32>
    tpu.vector_store %arg11[%swap3A_1448, %swap3A_1449], %swap3A_1452 {strides = array<i32>} : memref<32x128xf32, #tpu.memory_space<vmem>>, vector<1x16xf32>,
    %swap3A_1453 = arith.constant 30 : i32
    %swap3A_1454 = arith.index_cast %swap3A_1453 : i32 to index
    %swap3A_1455 = arith.constant 32 : index
    %swap3A_1456 = tpu.vector_load %arg11[%swap3A_1454, %swap3A_1455] {strides = array<i32>} : memref<32x128xf32, #tpu.memory_space<vmem>>, vector<1x16xf32>,
    %swap3A_1457 = vector.shape_cast %swap3A_1456 : vector<1x16xf32> to vector<16xf32>
    %swap3A_1458 = vector.shape_cast %broadcast_in_dim3A_1 : vector<16xf32> to vector<1x16xf32>
    tpu.vector_store %arg11[%swap3A_1454, %swap3A_1455], %swap3A_1458 {strides = array<i32>} : memref<32x128xf32, #tpu.memory_space<vmem>>, vector<1x16xf32>,
    %swap3A_1459 = arith.constant 30 : i32
    %swap3A_1460 = arith.index_cast %swap3A_1459 : i32 to index
    %swap3A_1461 = arith.constant 48 : index
    %swap3A_1462 = tpu.vector_load %arg11[%swap3A_1460, %swap3A_1461] {strides = array<i32>} : memref<32x128xf32, #tpu.memory_space<vmem>>, vector<1x16xf32>,
    %swap3A_1463 = vector.shape_cast %swap3A_1462 : vector<1x16xf32> to vector<16xf32>
    %swap3A_1464 = vector.shape_cast %broadcast_in_dim3A_1 : vector<16xf32> to vector<1x16xf32>
    tpu.vector_store %arg11[%swap3A_1460, %swap3A_1461], %swap3A_1464 {strides = array<i32>} : memref<32x128xf32, #tpu.memory_space<vmem>>, vector<1x16xf32>,
    %swap3A_1465 = arith.constant 30 : i32
    %swap3A_1466 = arith.index_cast %swap3A_1465 : i32 to index
    %swap3A_1467 = arith.constant 64 : index
    %swap3A_1468 = tpu.vector_load %arg11[%swap3A_1466, %swap3A_1467] {strides = array<i32>} : memref<32x128xf32, #tpu.memory_space<vmem>>, vector<1x16xf32>,
    %swap3A_1469 = vector.shape_cast %swap3A_1468 : vector<1x16xf32> to vector<16xf32>
    %swap3A_1470 = vector.shape_cast %broadcast_in_dim3A_1 : vector<16xf32> to vector<1x16xf32>
    tpu.vector_store %arg11[%swap3A_1466, %swap3A_1467], %swap3A_1470 {strides = array<i32>} : memref<32x128xf32, #tpu.memory_space<vmem>>, vector<1x16xf32>,
    %swap3A_1471 = arith.constant 30 : i32
    %swap3A_1472 = arith.index_cast %swap3A_1471 : i32 to index
    %swap3A_1473 = arith.constant 80 : index
    %swap3A_1474 = tpu.vector_load %arg11[%swap3A_1472, %swap3A_1473] {strides = array<i32>} : memref<32x128xf32, #tpu.memory_space<vmem>>, vector<1x16xf32>,
    %swap3A_1475 = vector.shape_cast %swap3A_1474 : vector<1x16xf32> to vector<16xf32>
    %swap3A_1476 = vector.shape_cast %broadcast_in_dim3A_1 : vector<16xf32> to vector<1x16xf32>
    tpu.vector_store %arg11[%swap3A_1472, %swap3A_1473], %swap3A_1476 {strides = array<i32>} : memref<32x128xf32, #tpu.memory_space<vmem>>, vector<1x16xf32>,
    %swap3A_1477 = arith.constant 30 : i32
    %swap3A_1478 = arith.index_cast %swap3A_1477 : i32 to index
    %swap3A_1479 = arith.constant 96 : index
    %swap3A_1480 = tpu.vector_load %arg11[%swap3A_1478, %swap3A_1479] {strides = array<i32>} : memref<32x128xf32, #tpu.memory_space<vmem>>, vector<1x16xf32>,
    %swap3A_1481 = vector.shape_cast %swap3A_1480 : vector<1x16xf32> to vector<16xf32>
    %swap3A_1482 = vector.shape_cast %broadcast_in_dim3A_1 : vector<16xf32> to vector<1x16xf32>
    tpu.vector_store %arg11[%swap3A_1478, %swap3A_1479], %swap3A_1482 {strides = array<i32>} : memref<32x128xf32, #tpu.memory_space<vmem>>, vector<1x16xf32>,
    %swap3A_1483 = arith.constant 30 : i32
    %swap3A_1484 = arith.index_cast %swap3A_1483 : i32 to index
    %swap3A_1485 = arith.constant 112 : index
    %swap3A_1486 = tpu.vector_load %arg11[%swap3A_1484, %swap3A_1485] {strides = array<i32>} : memref<32x128xf32, #tpu.memory_space<vmem>>, vector<1x16xf32>,
    %swap3A_1487 = vector.shape_cast %swap3A_1486 : vector<1x16xf32> to vector<16xf32>
    %swap3A_1488 = vector.shape_cast %broadcast_in_dim3A_1 : vector<16xf32> to vector<1x16xf32>
    tpu.vector_store %arg11[%swap3A_1484, %swap3A_1485], %swap3A_1488 {strides = array<i32>} : memref<32x128xf32, #tpu.memory_space<vmem>>, vector<1x16xf32>,
    %swap3A_1489 = arith.constant 31 : i32
    %swap3A_1490 = arith.index_cast %swap3A_1489 : i32 to index
    %swap3A_1491 = arith.constant 0 : index
    %swap3A_1492 = tpu.vector_load %arg11[%swap3A_1490, %swap3A_1491] {strides = array<i32>} : memref<32x128xf32, #tpu.memory_space<vmem>>, vector<1x16xf32>,
    %swap3A_1493 = vector.shape_cast %swap3A_1492 : vector<1x16xf32> to vector<16xf32>
    %swap3A_1494 = vector.shape_cast %broadcast_in_dim3A_1 : vector<16xf32> to vector<1x16xf32>
    tpu.vector_store %arg11[%swap3A_1490, %swap3A_1491], %swap3A_1494 {strides = array<i32>} : memref<32x128xf32, #tpu.memory_space<vmem>>, vector<1x16xf32>,
    %swap3A_1495 = arith.constant 31 : i32
    %swap3A_1496 = arith.index_cast %swap3A_1495 : i32 to index
    %swap3A_1497 = arith.constant 16 : index
    %swap3A_1498 = tpu.vector_load %arg11[%swap3A_1496, %swap3A_1497] {strides = array<i32>} : memref<32x128xf32, #tpu.memory_space<vmem>>, vector<1x16xf32>,
    %swap3A_1499 = vector.shape_cast %swap3A_1498 : vector<1x16xf32> to vector<16xf32>
    %swap3A_1500 = vector.shape_cast %broadcast_in_dim3A_1 : vector<16xf32> to vector<1x16xf32>
    tpu.vector_store %arg11[%swap3A_1496, %swap3A_1497], %swap3A_1500 {strides = array<i32>} : memref<32x128xf32, #tpu.memory_space<vmem>>, vector<1x16xf32>,
    %swap3A_1501 = arith.constant 31 : i32
    %swap3A_1502 = arith.index_cast %swap3A_1501 : i32 to index
    %swap3A_1503 = arith.constant 32 : index
    %swap3A_1504 = tpu.vector_load %arg11[%swap3A_1502, %swap3A_1503] {strides = array<i32>} : memref<32x128xf32, #tpu.memory_space<vmem>>, vector<1x16xf32>,
    %swap3A_1505 = vector.shape_cast %swap3A_1504 : vector<1x16xf32> to vector<16xf32>
    %swap3A_1506 = vector.shape_cast %broadcast_in_dim3A_1 : vector<16xf32> to vector<1x16xf32>
    tpu.vector_store %arg11[%swap3A_1502, %swap3A_1503], %swap3A_1506 {strides = array<i32>} : memref<32x128xf32, #tpu.memory_space<vmem>>, vector<1x16xf32>,
    %swap3A_1507 = arith.constant 31 : i32
    %swap3A_1508 = arith.index_cast %swap3A_1507 : i32 to index
    %swap3A_1509 = arith.constant 48 : index
    %swap3A_1510 = tpu.vector_load %arg11[%swap3A_1508, %swap3A_1509] {strides = array<i32>} : memref<32x128xf32, #tpu.memory_space<vmem>>, vector<1x16xf32>,
    %swap3A_1511 = vector.shape_cast %swap3A_1510 : vector<1x16xf32> to vector<16xf32>
    %swap3A_1512 = vector.shape_cast %broadcast_in_dim3A_1 : vector<16xf32> to vector<1x16xf32>
    tpu.vector_store %arg11[%swap3A_1508, %swap3A_1509], %swap3A_1512 {strides = array<i32>} : memref<32x128xf32, #tpu.memory_space<vmem>>, vector<1x16xf32>,
    %swap3A_1513 = arith.constant 31 : i32
    %swap3A_1514 = arith.index_cast %swap3A_1513 : i32 to index
    %swap3A_1515 = arith.constant 64 : index
    %swap3A_1516 = tpu.vector_load %arg11[%swap3A_1514, %swap3A_1515] {strides = array<i32>} : memref<32x128xf32, #tpu.memory_space<vmem>>, vector<1x16xf32>,
    %swap3A_1517 = vector.shape_cast %swap3A_1516 : vector<1x16xf32> to vector<16xf32>
    %swap3A_1518 = vector.shape_cast %broadcast_in_dim3A_1 : vector<16xf32> to vector<1x16xf32>
    tpu.vector_store %arg11[%swap3A_1514, %swap3A_1515], %swap3A_1518 {strides = array<i32>} : memref<32x128xf32, #tpu.memory_space<vmem>>, vector<1x16xf32>,
    %swap3A_1519 = arith.constant 31 : i32
    %swap3A_1520 = arith.index_cast %swap3A_1519 : i32 to index
    %swap3A_1521 = arith.constant 80 : index
    %swap3A_1522 = tpu.vector_load %arg11[%swap3A_1520, %swap3A_1521] {strides = array<i32>} : memref<32x128xf32, #tpu.memory_space<vmem>>, vector<1x16xf32>,
    %swap3A_1523 = vector.shape_cast %swap3A_1522 : vector<1x16xf32> to vector<16xf32>
    %swap3A_1524 = vector.shape_cast %broadcast_in_dim3A_1 : vector<16xf32> to vector<1x16xf32>
    tpu.vector_store %arg11[%swap3A_1520, %swap3A_1521], %swap3A_1524 {strides = array<i32>} : memref<32x128xf32, #tpu.memory_space<vmem>>, vector<1x16xf32>,
    %swap3A_1525 = arith.constant 31 : i32
    %swap3A_1526 = arith.index_cast %swap3A_1525 : i32 to index
    %swap3A_1527 = arith.constant 96 : index
    %swap3A_1528 = tpu.vector_load %arg11[%swap3A_1526, %swap3A_1527] {strides = array<i32>} : memref<32x128xf32, #tpu.memory_space<vmem>>, vector<1x16xf32>,
    %swap3A_1529 = vector.shape_cast %swap3A_1528 : vector<1x16xf32> to vector<16xf32>
    %swap3A_1530 = vector.shape_cast %broadcast_in_dim3A_1 : vector<16xf32> to vector<1x16xf32>
    tpu.vector_store %arg11[%swap3A_1526, %swap3A_1527], %swap3A_1530 {strides = array<i32>} : memref<32x128xf32, #tpu.memory_space<vmem>>, vector<1x16xf32>,
    %swap3A_1531 = arith.constant 31 : i32
    %swap3A_1532 = arith.index_cast %swap3A_1531 : i32 to index
    %swap3A_1533 = arith.constant 112 : index
    %swap3A_1534 = tpu.vector_load %arg11[%swap3A_1532, %swap3A_1533] {strides = array<i32>} : memref<32x128xf32, #tpu.memory_space<vmem>>, vector<1x16xf32>,
    %swap3A_1535 = vector.shape_cast %swap3A_1534 : vector<1x16xf32> to vector<16xf32>
    %swap3A_1536 = vector.shape_cast %broadcast_in_dim3A_1 : vector<16xf32> to vector<1x16xf32>
    tpu.vector_store %arg11[%swap3A_1532, %swap3A_1533], %swap3A_1536 {strides = array<i32>} : memref<32x128xf32, #tpu.memory_space<vmem>>, vector<1x16xf32>,
    %swap3A_1537 = arith.constant 0 : i32
    %swap3A_1538 = arith.index_cast %swap3A_1537 : i32 to index
    %swap3A_1539 = arith.constant 0 : index
    %swap3A_1540 = tpu.vector_load %arg13[%swap3A_1538, %swap3A_1539] {strides = array<i32>} : memref<16x128xf32, #tpu.memory_space<vmem>>, vector<1x16xf32>,
    %swap3A_1541 = vector.shape_cast %swap3A_1540 : vector<1x16xf32> to vector<16xf32>
    %swap3A_1542 = vector.shape_cast %broadcast_in_dim3A_1 : vector<16xf32> to vector<1x16xf32>
    tpu.vector_store %arg13[%swap3A_1538, %swap3A_1539], %swap3A_1542 {strides = array<i32>} : memref<16x128xf32, #tpu.memory_space<vmem>>, vector<1x16xf32>,
    %swap3A_1543 = arith.constant 0 : i32
    %swap3A_1544 = arith.index_cast %swap3A_1543 : i32 to index
    %swap3A_1545 = arith.constant 16 : index
    %swap3A_1546 = tpu.vector_load %arg13[%swap3A_1544, %swap3A_1545] {strides = array<i32>} : memref<16x128xf32, #tpu.memory_space<vmem>>, vector<1x16xf32>,
    %swap3A_1547 = vector.shape_cast %swap3A_1546 : vector<1x16xf32> to vector<16xf32>
    %swap3A_1548 = vector.shape_cast %broadcast_in_dim3A_1 : vector<16xf32> to vector<1x16xf32>
    tpu.vector_store %arg13[%swap3A_1544, %swap3A_1545], %swap3A_1548 {strides = array<i32>} : memref<16x128xf32, #tpu.memory_space<vmem>>, vector<1x16xf32>,
    %swap3A_1549 = arith.constant 0 : i32
    %swap3A_1550 = arith.index_cast %swap3A_1549 : i32 to index
    %swap3A_1551 = arith.constant 32 : index
    %swap3A_1552 = tpu.vector_load %arg13[%swap3A_1550, %swap3A_1551] {strides = array<i32>} : memref<16x128xf32, #tpu.memory_space<vmem>>, vector<1x16xf32>,
    %swap3A_1553 = vector.shape_cast %swap3A_1552 : vector<1x16xf32> to vector<16xf32>
    %swap3A_1554 = vector.shape_cast %broadcast_in_dim3A_1 : vector<16xf32> to vector<1x16xf32>
    tpu.vector_store %arg13[%swap3A_1550, %swap3A_1551], %swap3A_1554 {strides = array<i32>} : memref<16x128xf32, #tpu.memory_space<vmem>>, vector<1x16xf32>,
    %swap3A_1555 = arith.constant 0 : i32
    %swap3A_1556 = arith.index_cast %swap3A_1555 : i32 to index
    %swap3A_1557 = arith.constant 48 : index
    %swap3A_1558 = tpu.vector_load %arg13[%swap3A_1556, %swap3A_1557] {strides = array<i32>} : memref<16x128xf32, #tpu.memory_space<vmem>>, vector<1x16xf32>,
    %swap3A_1559 = vector.shape_cast %swap3A_1558 : vector<1x16xf32> to vector<16xf32>
    %swap3A_1560 = vector.shape_cast %broadcast_in_dim3A_1 : vector<16xf32> to vector<1x16xf32>
    tpu.vector_store %arg13[%swap3A_1556, %swap3A_1557], %swap3A_1560 {strides = array<i32>} : memref<16x128xf32, #tpu.memory_space<vmem>>, vector<1x16xf32>,
    %swap3A_1561 = arith.constant 0 : i32
    %swap3A_1562 = arith.index_cast %swap3A_1561 : i32 to index
    %swap3A_1563 = arith.constant 64 : index
    %swap3A_1564 = tpu.vector_load %arg13[%swap3A_1562, %swap3A_1563] {strides = array<i32>} : memref<16x128xf32, #tpu.memory_space<vmem>>, vector<1x16xf32>,
    %swap3A_1565 = vector.shape_cast %swap3A_1564 : vector<1x16xf32> to vector<16xf32>
    %swap3A_1566 = vector.shape_cast %broadcast_in_dim3A_1 : vector<16xf32> to vector<1x16xf32>
    tpu.vector_store %arg13[%swap3A_1562, %swap3A_1563], %swap3A_1566 {strides = array<i32>} : memref<16x128xf32, #tpu.memory_space<vmem>>, vector<1x16xf32>,
    %swap3A_1567 = arith.constant 0 : i32
    %swap3A_1568 = arith.index_cast %swap3A_1567 : i32 to index
    %swap3A_1569 = arith.constant 80 : index
    %swap3A_1570 = tpu.vector_load %arg13[%swap3A_1568, %swap3A_1569] {strides = array<i32>} : memref<16x128xf32, #tpu.memory_space<vmem>>, vector<1x16xf32>,
    %swap3A_1571 = vector.shape_cast %swap3A_1570 : vector<1x16xf32> to vector<16xf32>
    %swap3A_1572 = vector.shape_cast %broadcast_in_dim3A_1 : vector<16xf32> to vector<1x16xf32>
    tpu.vector_store %arg13[%swap3A_1568, %swap3A_1569], %swap3A_1572 {strides = array<i32>} : memref<16x128xf32, #tpu.memory_space<vmem>>, vector<1x16xf32>,
    %swap3A_1573 = arith.constant 0 : i32
    %swap3A_1574 = arith.index_cast %swap3A_1573 : i32 to index
    %swap3A_1575 = arith.constant 96 : index
    %swap3A_1576 = tpu.vector_load %arg13[%swap3A_1574, %swap3A_1575] {strides = array<i32>} : memref<16x128xf32, #tpu.memory_space<vmem>>, vector<1x16xf32>,
    %swap3A_1577 = vector.shape_cast %swap3A_1576 : vector<1x16xf32> to vector<16xf32>
    %swap3A_1578 = vector.shape_cast %broadcast_in_dim3A_1 : vector<16xf32> to vector<1x16xf32>
    tpu.vector_store %arg13[%swap3A_1574, %swap3A_1575], %swap3A_1578 {strides = array<i32>} : memref<16x128xf32, #tpu.memory_space<vmem>>, vector<1x16xf32>,
    %swap3A_1579 = arith.constant 0 : i32
    %swap3A_1580 = arith.index_cast %swap3A_1579 : i32 to index
    %swap3A_1581 = arith.constant 112 : index
    %swap3A_1582 = tpu.vector_load %arg13[%swap3A_1580, %swap3A_1581] {strides = array<i32>} : memref<16x128xf32, #tpu.memory_space<vmem>>, vector<1x16xf32>,
    %swap3A_1583 = vector.shape_cast %swap3A_1582 : vector<1x16xf32> to vector<16xf32>
    %swap3A_1584 = vector.shape_cast %broadcast_in_dim3A_1 : vector<16xf32> to vector<1x16xf32>
    tpu.vector_store %arg13[%swap3A_1580, %swap3A_1581], %swap3A_1584 {strides = array<i32>} : memref<16x128xf32, #tpu.memory_space<vmem>>, vector<1x16xf32>,
    %swap3A_1585 = arith.constant 1 : i32
    %swap3A_1586 = arith.index_cast %swap3A_1585 : i32 to index
    %swap3A_1587 = arith.constant 0 : index
    %swap3A_1588 = tpu.vector_load %arg13[%swap3A_1586, %swap3A_1587] {strides = array<i32>} : memref<16x128xf32, #tpu.memory_space<vmem>>, vector<1x16xf32>,
    %swap3A_1589 = vector.shape_cast %swap3A_1588 : vector<1x16xf32> to vector<16xf32>
    %swap3A_1590 = vector.shape_cast %broadcast_in_dim3A_1 : vector<16xf32> to vector<1x16xf32>
    tpu.vector_store %arg13[%swap3A_1586, %swap3A_1587], %swap3A_1590 {strides = array<i32>} : memref<16x128xf32, #tpu.memory_space<vmem>>, vector<1x16xf32>,
    %swap3A_1591 = arith.constant 1 : i32
    %swap3A_1592 = arith.index_cast %swap3A_1591 : i32 to index
    %swap3A_1593 = arith.constant 16 : index
    %swap3A_1594 = tpu.vector_load %arg13[%swap3A_1592, %swap3A_1593] {strides = array<i32>} : memref<16x128xf32, #tpu.memory_space<vmem>>, vector<1x16xf32>,
    %swap3A_1595 = vector.shape_cast %swap3A_1594 : vector<1x16xf32> to vector<16xf32>
    %swap3A_1596 = vector.shape_cast %broadcast_in_dim3A_1 : vector<16xf32> to vector<1x16xf32>
    tpu.vector_store %arg13[%swap3A_1592, %swap3A_1593], %swap3A_1596 {strides = array<i32>} : memref<16x128xf32, #tpu.memory_space<vmem>>, vector<1x16xf32>,
    %swap3A_1597 = arith.constant 1 : i32
    %swap3A_1598 = arith.index_cast %swap3A_1597 : i32 to index
    %swap3A_1599 = arith.constant 32 : index
    %swap3A_1600 = tpu.vector_load %arg13[%swap3A_1598, %swap3A_1599] {strides = array<i32>} : memref<16x128xf32, #tpu.memory_space<vmem>>, vector<1x16xf32>,
    %swap3A_1601 = vector.shape_cast %swap3A_1600 : vector<1x16xf32> to vector<16xf32>
    %swap3A_1602 = vector.shape_cast %broadcast_in_dim3A_1 : vector<16xf32> to vector<1x16xf32>
    tpu.vector_store %arg13[%swap3A_1598, %swap3A_1599], %swap3A_1602 {strides = array<i32>} : memref<16x128xf32, #tpu.memory_space<vmem>>, vector<1x16xf32>,
    %swap3A_1603 = arith.constant 1 : i32
    %swap3A_1604 = arith.index_cast %swap3A_1603 : i32 to index
    %swap3A_1605 = arith.constant 48 : index
    %swap3A_1606 = tpu.vector_load %arg13[%swap3A_1604, %swap3A_1605] {strides = array<i32>} : memref<16x128xf32, #tpu.memory_space<vmem>>, vector<1x16xf32>,
    %swap3A_1607 = vector.shape_cast %swap3A_1606 : vector<1x16xf32> to vector<16xf32>
    %swap3A_1608 = vector.shape_cast %broadcast_in_dim3A_1 : vector<16xf32> to vector<1x16xf32>
    tpu.vector_store %arg13[%swap3A_1604, %swap3A_1605], %swap3A_1608 {strides = array<i32>} : memref<16x128xf32, #tpu.memory_space<vmem>>, vector<1x16xf32>,
    %swap3A_1609 = arith.constant 1 : i32
    %swap3A_1610 = arith.index_cast %swap3A_1609 : i32 to index
    %swap3A_1611 = arith.constant 64 : index
    %swap3A_1612 = tpu.vector_load %arg13[%swap3A_1610, %swap3A_1611] {strides = array<i32>} : memref<16x128xf32, #tpu.memory_space<vmem>>, vector<1x16xf32>,
    %swap3A_1613 = vector.shape_cast %swap3A_1612 : vector<1x16xf32> to vector<16xf32>
    %swap3A_1614 = vector.shape_cast %broadcast_in_dim3A_1 : vector<16xf32> to vector<1x16xf32>
    tpu.vector_store %arg13[%swap3A_1610, %swap3A_1611], %swap3A_1614 {strides = array<i32>} : memref<16x128xf32, #tpu.memory_space<vmem>>, vector<1x16xf32>,
    %swap3A_1615 = arith.constant 1 : i32
    %swap3A_1616 = arith.index_cast %swap3A_1615 : i32 to index
    %swap3A_1617 = arith.constant 80 : index
    %swap3A_1618 = tpu.vector_load %arg13[%swap3A_1616, %swap3A_1617] {strides = array<i32>} : memref<16x128xf32, #tpu.memory_space<vmem>>, vector<1x16xf32>,
    %swap3A_1619 = vector.shape_cast %swap3A_1618 : vector<1x16xf32> to vector<16xf32>
    %swap3A_1620 = vector.shape_cast %broadcast_in_dim3A_1 : vector<16xf32> to vector<1x16xf32>
    tpu.vector_store %arg13[%swap3A_1616, %swap3A_1617], %swap3A_1620 {strides = array<i32>} : memref<16x128xf32, #tpu.memory_space<vmem>>, vector<1x16xf32>,
    %swap3A_1621 = arith.constant 1 : i32
    %swap3A_1622 = arith.index_cast %swap3A_1621 : i32 to index
    %swap3A_1623 = arith.constant 96 : index
    %swap3A_1624 = tpu.vector_load %arg13[%swap3A_1622, %swap3A_1623] {strides = array<i32>} : memref<16x128xf32, #tpu.memory_space<vmem>>, vector<1x16xf32>,
    %swap3A_1625 = vector.shape_cast %swap3A_1624 : vector<1x16xf32> to vector<16xf32>
    %swap3A_1626 = vector.shape_cast %broadcast_in_dim3A_1 : vector<16xf32> to vector<1x16xf32>
    tpu.vector_store %arg13[%swap3A_1622, %swap3A_1623], %swap3A_1626 {strides = array<i32>} : memref<16x128xf32, #tpu.memory_space<vmem>>, vector<1x16xf32>,
    %swap3A_1627 = arith.constant 1 : i32
    %swap3A_1628 = arith.index_cast %swap3A_1627 : i32 to index
    %swap3A_1629 = arith.constant 112 : index
    %swap3A_1630 = tpu.vector_load %arg13[%swap3A_1628, %swap3A_1629] {strides = array<i32>} : memref<16x128xf32, #tpu.memory_space<vmem>>, vector<1x16xf32>,
    %swap3A_1631 = vector.shape_cast %swap3A_1630 : vector<1x16xf32> to vector<16xf32>
    %swap3A_1632 = vector.shape_cast %broadcast_in_dim3A_1 : vector<16xf32> to vector<1x16xf32>
    tpu.vector_store %arg13[%swap3A_1628, %swap3A_1629], %swap3A_1632 {strides = array<i32>} : memref<16x128xf32, #tpu.memory_space<vmem>>, vector<1x16xf32>,
    %swap3A_1633 = arith.constant 2 : i32
    %swap3A_1634 = arith.index_cast %swap3A_1633 : i32 to index
    %swap3A_1635 = arith.constant 0 : index
    %swap3A_1636 = tpu.vector_load %arg13[%swap3A_1634, %swap3A_1635] {strides = array<i32>} : memref<16x128xf32, #tpu.memory_space<vmem>>, vector<1x16xf32>,
    %swap3A_1637 = vector.shape_cast %swap3A_1636 : vector<1x16xf32> to vector<16xf32>
    %swap3A_1638 = vector.shape_cast %broadcast_in_dim3A_1 : vector<16xf32> to vector<1x16xf32>
    tpu.vector_store %arg13[%swap3A_1634, %swap3A_1635], %swap3A_1638 {strides = array<i32>} : memref<16x128xf32, #tpu.memory_space<vmem>>, vector<1x16xf32>,
    %swap3A_1639 = arith.constant 2 : i32
    %swap3A_1640 = arith.index_cast %swap3A_1639 : i32 to index
    %swap3A_1641 = arith.constant 16 : index
    %swap3A_1642 = tpu.vector_load %arg13[%swap3A_1640, %swap3A_1641] {strides = array<i32>} : memref<16x128xf32, #tpu.memory_space<vmem>>, vector<1x16xf32>,
    %swap3A_1643 = vector.shape_cast %swap3A_1642 : vector<1x16xf32> to vector<16xf32>
    %swap3A_1644 = vector.shape_cast %broadcast_in_dim3A_1 : vector<16xf32> to vector<1x16xf32>
    tpu.vector_store %arg13[%swap3A_1640, %swap3A_1641], %swap3A_1644 {strides = array<i32>} : memref<16x128xf32, #tpu.memory_space<vmem>>, vector<1x16xf32>,
    %swap3A_1645 = arith.constant 2 : i32
    %swap3A_1646 = arith.index_cast %swap3A_1645 : i32 to index
    %swap3A_1647 = arith.constant 32 : index
    %swap3A_1648 = tpu.vector_load %arg13[%swap3A_1646, %swap3A_1647] {strides = array<i32>} : memref<16x128xf32, #tpu.memory_space<vmem>>, vector<1x16xf32>,
    %swap3A_1649 = vector.shape_cast %swap3A_1648 : vector<1x16xf32> to vector<16xf32>
    %swap3A_1650 = vector.shape_cast %broadcast_in_dim3A_1 : vector<16xf32> to vector<1x16xf32>
    tpu.vector_store %arg13[%swap3A_1646, %swap3A_1647], %swap3A_1650 {strides = array<i32>} : memref<16x128xf32, #tpu.memory_space<vmem>>, vector<1x16xf32>,
    %swap3A_1651 = arith.constant 2 : i32
    %swap3A_1652 = arith.index_cast %swap3A_1651 : i32 to index
    %swap3A_1653 = arith.constant 48 : index
    %swap3A_1654 = tpu.vector_load %arg13[%swap3A_1652, %swap3A_1653] {strides = array<i32>} : memref<16x128xf32, #tpu.memory_space<vmem>>, vector<1x16xf32>,
    %swap3A_1655 = vector.shape_cast %swap3A_1654 : vector<1x16xf32> to vector<16xf32>
    %swap3A_1656 = vector.shape_cast %broadcast_in_dim3A_1 : vector<16xf32> to vector<1x16xf32>
    tpu.vector_store %arg13[%swap3A_1652, %swap3A_1653], %swap3A_1656 {strides = array<i32>} : memref<16x128xf32, #tpu.memory_space<vmem>>, vector<1x16xf32>,
    %swap3A_1657 = arith.constant 2 : i32
    %swap3A_1658 = arith.index_cast %swap3A_1657 : i32 to index
    %swap3A_1659 = arith.constant 64 : index
    %swap3A_1660 = tpu.vector_load %arg13[%swap3A_1658, %swap3A_1659] {strides = array<i32>} : memref<16x128xf32, #tpu.memory_space<vmem>>, vector<1x16xf32>,
    %swap3A_1661 = vector.shape_cast %swap3A_1660 : vector<1x16xf32> to vector<16xf32>
    %swap3A_1662 = vector.shape_cast %broadcast_in_dim3A_1 : vector<16xf32> to vector<1x16xf32>
    tpu.vector_store %arg13[%swap3A_1658, %swap3A_1659], %swap3A_1662 {strides = array<i32>} : memref<16x128xf32, #tpu.memory_space<vmem>>, vector<1x16xf32>,
    %swap3A_1663 = arith.constant 2 : i32
    %swap3A_1664 = arith.index_cast %swap3A_1663 : i32 to index
    %swap3A_1665 = arith.constant 80 : index
    %swap3A_1666 = tpu.vector_load %arg13[%swap3A_1664, %swap3A_1665] {strides = array<i32>} : memref<16x128xf32, #tpu.memory_space<vmem>>, vector<1x16xf32>,
    %swap3A_1667 = vector.shape_cast %swap3A_1666 : vector<1x16xf32> to vector<16xf32>
    %swap3A_1668 = vector.shape_cast %broadcast_in_dim3A_1 : vector<16xf32> to vector<1x16xf32>
    tpu.vector_store %arg13[%swap3A_1664, %swap3A_1665], %swap3A_1668 {strides = array<i32>} : memref<16x128xf32, #tpu.memory_space<vmem>>, vector<1x16xf32>,
    %swap3A_1669 = arith.constant 2 : i32
    %swap3A_1670 = arith.index_cast %swap3A_1669 : i32 to index
    %swap3A_1671 = arith.constant 96 : index
    %swap3A_1672 = tpu.vector_load %arg13[%swap3A_1670, %swap3A_1671] {strides = array<i32>} : memref<16x128xf32, #tpu.memory_space<vmem>>, vector<1x16xf32>,
    %swap3A_1673 = vector.shape_cast %swap3A_1672 : vector<1x16xf32> to vector<16xf32>
    %swap3A_1674 = vector.shape_cast %broadcast_in_dim3A_1 : vector<16xf32> to vector<1x16xf32>
    tpu.vector_store %arg13[%swap3A_1670, %swap3A_1671], %swap3A_1674 {strides = array<i32>} : memref<16x128xf32, #tpu.memory_space<vmem>>, vector<1x16xf32>,
    %swap3A_1675 = arith.constant 2 : i32
    %swap3A_1676 = arith.index_cast %swap3A_1675 : i32 to index
    %swap3A_1677 = arith.constant 112 : index
    %swap3A_1678 = tpu.vector_load %arg13[%swap3A_1676, %swap3A_1677] {strides = array<i32>} : memref<16x128xf32, #tpu.memory_space<vmem>>, vector<1x16xf32>,
    %swap3A_1679 = vector.shape_cast %swap3A_1678 : vector<1x16xf32> to vector<16xf32>
    %swap3A_1680 = vector.shape_cast %broadcast_in_dim3A_1 : vector<16xf32> to vector<1x16xf32>
    tpu.vector_store %arg13[%swap3A_1676, %swap3A_1677], %swap3A_1680 {strides = array<i32>} : memref<16x128xf32, #tpu.memory_space<vmem>>, vector<1x16xf32>,
    %swap3A_1681 = arith.constant 3 : i32
    %swap3A_1682 = arith.index_cast %swap3A_1681 : i32 to index
    %swap3A_1683 = arith.constant 0 : index
    %swap3A_1684 = tpu.vector_load %arg13[%swap3A_1682, %swap3A_1683] {strides = array<i32>} : memref<16x128xf32, #tpu.memory_space<vmem>>, vector<1x16xf32>,
    %swap3A_1685 = vector.shape_cast %swap3A_1684 : vector<1x16xf32> to vector<16xf32>
    %swap3A_1686 = vector.shape_cast %broadcast_in_dim3A_1 : vector<16xf32> to vector<1x16xf32>
    tpu.vector_store %arg13[%swap3A_1682, %swap3A_1683], %swap3A_1686 {strides = array<i32>} : memref<16x128xf32, #tpu.memory_space<vmem>>, vector<1x16xf32>,
    %swap3A_1687 = arith.constant 3 : i32
    %swap3A_1688 = arith.index_cast %swap3A_1687 : i32 to index
    %swap3A_1689 = arith.constant 16 : index
    %swap3A_1690 = tpu.vector_load %arg13[%swap3A_1688, %swap3A_1689] {strides = array<i32>} : memref<16x128xf32, #tpu.memory_space<vmem>>, vector<1x16xf32>,
    %swap3A_1691 = vector.shape_cast %swap3A_1690 : vector<1x16xf32> to vector<16xf32>
    %swap3A_1692 = vector.shape_cast %broadcast_in_dim3A_1 : vector<16xf32> to vector<1x16xf32>
    tpu.vector_store %arg13[%swap3A_1688, %swap3A_1689], %swap3A_1692 {strides = array<i32>} : memref<16x128xf32, #tpu.memory_space<vmem>>, vector<1x16xf32>,
    %swap3A_1693 = arith.constant 3 : i32
    %swap3A_1694 = arith.index_cast %swap3A_1693 : i32 to index
    %swap3A_1695 = arith.constant 32 : index
    %swap3A_1696 = tpu.vector_load %arg13[%swap3A_1694, %swap3A_1695] {strides = array<i32>} : memref<16x128xf32, #tpu.memory_space<vmem>>, vector<1x16xf32>,
    %swap3A_1697 = vector.shape_cast %swap3A_1696 : vector<1x16xf32> to vector<16xf32>
    %swap3A_1698 = vector.shape_cast %broadcast_in_dim3A_1 : vector<16xf32> to vector<1x16xf32>
    tpu.vector_store %arg13[%swap3A_1694, %swap3A_1695], %swap3A_1698 {strides = array<i32>} : memref<16x128xf32, #tpu.memory_space<vmem>>, vector<1x16xf32>,
    %swap3A_1699 = arith.constant 3 : i32
    %swap3A_1700 = arith.index_cast %swap3A_1699 : i32 to index
    %swap3A_1701 = arith.constant 48 : index
    %swap3A_1702 = tpu.vector_load %arg13[%swap3A_1700, %swap3A_1701] {strides = array<i32>} : memref<16x128xf32, #tpu.memory_space<vmem>>, vector<1x16xf32>,
    %swap3A_1703 = vector.shape_cast %swap3A_1702 : vector<1x16xf32> to vector<16xf32>
    %swap3A_1704 = vector.shape_cast %broadcast_in_dim3A_1 : vector<16xf32> to vector<1x16xf32>
    tpu.vector_store %arg13[%swap3A_1700, %swap3A_1701], %swap3A_1704 {strides = array<i32>} : memref<16x128xf32, #tpu.memory_space<vmem>>, vector<1x16xf32>,
    %swap3A_1705 = arith.constant 3 : i32
    %swap3A_1706 = arith.index_cast %swap3A_1705 : i32 to index
    %swap3A_1707 = arith.constant 64 : index
    %swap3A_1708 = tpu.vector_load %arg13[%swap3A_1706, %swap3A_1707] {strides = array<i32>} : memref<16x128xf32, #tpu.memory_space<vmem>>, vector<1x16xf32>,
    %swap3A_1709 = vector.shape_cast %swap3A_1708 : vector<1x16xf32> to vector<16xf32>
    %swap3A_1710 = vector.shape_cast %broadcast_in_dim3A_1 : vector<16xf32> to vector<1x16xf32>
    tpu.vector_store %arg13[%swap3A_1706, %swap3A_1707], %swap3A_1710 {strides = array<i32>} : memref<16x128xf32, #tpu.memory_space<vmem>>, vector<1x16xf32>,
    %swap3A_1711 = arith.constant 3 : i32
    %swap3A_1712 = arith.index_cast %swap3A_1711 : i32 to index
    %swap3A_1713 = arith.constant 80 : index
    %swap3A_1714 = tpu.vector_load %arg13[%swap3A_1712, %swap3A_1713] {strides = array<i32>} : memref<16x128xf32, #tpu.memory_space<vmem>>, vector<1x16xf32>,
    %swap3A_1715 = vector.shape_cast %swap3A_1714 : vector<1x16xf32> to vector<16xf32>
    %swap3A_1716 = vector.shape_cast %broadcast_in_dim3A_1 : vector<16xf32> to vector<1x16xf32>
    tpu.vector_store %arg13[%swap3A_1712, %swap3A_1713], %swap3A_1716 {strides = array<i32>} : memref<16x128xf32, #tpu.memory_space<vmem>>, vector<1x16xf32>,
    %swap3A_1717 = arith.constant 3 : i32
    %swap3A_1718 = arith.index_cast %swap3A_1717 : i32 to index
    %swap3A_1719 = arith.constant 96 : index
    %swap3A_1720 = tpu.vector_load %arg13[%swap3A_1718, %swap3A_1719] {strides = array<i32>} : memref<16x128xf32, #tpu.memory_space<vmem>>, vector<1x16xf32>,
    %swap3A_1721 = vector.shape_cast %swap3A_1720 : vector<1x16xf32> to vector<16xf32>
    %swap3A_1722 = vector.shape_cast %broadcast_in_dim3A_1 : vector<16xf32> to vector<1x16xf32>
    tpu.vector_store %arg13[%swap3A_1718, %swap3A_1719], %swap3A_1722 {strides = array<i32>} : memref<16x128xf32, #tpu.memory_space<vmem>>, vector<1x16xf32>,
    %swap3A_1723 = arith.constant 3 : i32
    %swap3A_1724 = arith.index_cast %swap3A_1723 : i32 to index
    %swap3A_1725 = arith.constant 112 : index
    %swap3A_1726 = tpu.vector_load %arg13[%swap3A_1724, %swap3A_1725] {strides = array<i32>} : memref<16x128xf32, #tpu.memory_space<vmem>>, vector<1x16xf32>,
    %swap3A_1727 = vector.shape_cast %swap3A_1726 : vector<1x16xf32> to vector<16xf32>
    %swap3A_1728 = vector.shape_cast %broadcast_in_dim3A_1 : vector<16xf32> to vector<1x16xf32>
    tpu.vector_store %arg13[%swap3A_1724, %swap3A_1725], %swap3A_1728 {strides = array<i32>} : memref<16x128xf32, #tpu.memory_space<vmem>>, vector<1x16xf32>,
    %swap3A_1729 = arith.constant 4 : i32
    %swap3A_1730 = arith.index_cast %swap3A_1729 : i32 to index
    %swap3A_1731 = arith.constant 0 : index
    %swap3A_1732 = tpu.vector_load %arg13[%swap3A_1730, %swap3A_1731] {strides = array<i32>} : memref<16x128xf32, #tpu.memory_space<vmem>>, vector<1x16xf32>,
    %swap3A_1733 = vector.shape_cast %swap3A_1732 : vector<1x16xf32> to vector<16xf32>
    %swap3A_1734 = vector.shape_cast %broadcast_in_dim3A_1 : vector<16xf32> to vector<1x16xf32>
    tpu.vector_store %arg13[%swap3A_1730, %swap3A_1731], %swap3A_1734 {strides = array<i32>} : memref<16x128xf32, #tpu.memory_space<vmem>>, vector<1x16xf32>,
    %swap3A_1735 = arith.constant 4 : i32
    %swap3A_1736 = arith.index_cast %swap3A_1735 : i32 to index
    %swap3A_1737 = arith.constant 16 : index
    %swap3A_1738 = tpu.vector_load %arg13[%swap3A_1736, %swap3A_1737] {strides = array<i32>} : memref<16x128xf32, #tpu.memory_space<vmem>>, vector<1x16xf32>,
    %swap3A_1739 = vector.shape_cast %swap3A_1738 : vector<1x16xf32> to vector<16xf32>
    %swap3A_1740 = vector.shape_cast %broadcast_in_dim3A_1 : vector<16xf32> to vector<1x16xf32>
    tpu.vector_store %arg13[%swap3A_1736, %swap3A_1737], %swap3A_1740 {strides = array<i32>} : memref<16x128xf32, #tpu.memory_space<vmem>>, vector<1x16xf32>,
    %swap3A_1741 = arith.constant 4 : i32
    %swap3A_1742 = arith.index_cast %swap3A_1741 : i32 to index
    %swap3A_1743 = arith.constant 32 : index
    %swap3A_1744 = tpu.vector_load %arg13[%swap3A_1742, %swap3A_1743] {strides = array<i32>} : memref<16x128xf32, #tpu.memory_space<vmem>>, vector<1x16xf32>,
    %swap3A_1745 = vector.shape_cast %swap3A_1744 : vector<1x16xf32> to vector<16xf32>
    %swap3A_1746 = vector.shape_cast %broadcast_in_dim3A_1 : vector<16xf32> to vector<1x16xf32>
    tpu.vector_store %arg13[%swap3A_1742, %swap3A_1743], %swap3A_1746 {strides = array<i32>} : memref<16x128xf32, #tpu.memory_space<vmem>>, vector<1x16xf32>,
    %swap3A_1747 = arith.constant 4 : i32
    %swap3A_1748 = arith.index_cast %swap3A_1747 : i32 to index
    %swap3A_1749 = arith.constant 48 : index
    %swap3A_1750 = tpu.vector_load %arg13[%swap3A_1748, %swap3A_1749] {strides = array<i32>} : memref<16x128xf32, #tpu.memory_space<vmem>>, vector<1x16xf32>,
    %swap3A_1751 = vector.shape_cast %swap3A_1750 : vector<1x16xf32> to vector<16xf32>
    %swap3A_1752 = vector.shape_cast %broadcast_in_dim3A_1 : vector<16xf32> to vector<1x16xf32>
    tpu.vector_store %arg13[%swap3A_1748, %swap3A_1749], %swap3A_1752 {strides = array<i32>} : memref<16x128xf32, #tpu.memory_space<vmem>>, vector<1x16xf32>,
    %swap3A_1753 = arith.constant 4 : i32
    %swap3A_1754 = arith.index_cast %swap3A_1753 : i32 to index
    %swap3A_1755 = arith.constant 64 : index
    %swap3A_1756 = tpu.vector_load %arg13[%swap3A_1754, %swap3A_1755] {strides = array<i32>} : memref<16x128xf32, #tpu.memory_space<vmem>>, vector<1x16xf32>,
    %swap3A_1757 = vector.shape_cast %swap3A_1756 : vector<1x16xf32> to vector<16xf32>
    %swap3A_1758 = vector.shape_cast %broadcast_in_dim3A_1 : vector<16xf32> to vector<1x16xf32>
    tpu.vector_store %arg13[%swap3A_1754, %swap3A_1755], %swap3A_1758 {strides = array<i32>} : memref<16x128xf32, #tpu.memory_space<vmem>>, vector<1x16xf32>,
    %swap3A_1759 = arith.constant 4 : i32
    %swap3A_1760 = arith.index_cast %swap3A_1759 : i32 to index
    %swap3A_1761 = arith.constant 80 : index
    %swap3A_1762 = tpu.vector_load %arg13[%swap3A_1760, %swap3A_1761] {strides = array<i32>} : memref<16x128xf32, #tpu.memory_space<vmem>>, vector<1x16xf32>,
    %swap3A_1763 = vector.shape_cast %swap3A_1762 : vector<1x16xf32> to vector<16xf32>
    %swap3A_1764 = vector.shape_cast %broadcast_in_dim3A_1 : vector<16xf32> to vector<1x16xf32>
    tpu.vector_store %arg13[%swap3A_1760, %swap3A_1761], %swap3A_1764 {strides = array<i32>} : memref<16x128xf32, #tpu.memory_space<vmem>>, vector<1x16xf32>,
    %swap3A_1765 = arith.constant 4 : i32
    %swap3A_1766 = arith.index_cast %swap3A_1765 : i32 to index
    %swap3A_1767 = arith.constant 96 : index
    %swap3A_1768 = tpu.vector_load %arg13[%swap3A_1766, %swap3A_1767] {strides = array<i32>} : memref<16x128xf32, #tpu.memory_space<vmem>>, vector<1x16xf32>,
    %swap3A_1769 = vector.shape_cast %swap3A_1768 : vector<1x16xf32> to vector<16xf32>
    %swap3A_1770 = vector.shape_cast %broadcast_in_dim3A_1 : vector<16xf32> to vector<1x16xf32>
    tpu.vector_store %arg13[%swap3A_1766, %swap3A_1767], %swap3A_1770 {strides = array<i32>} : memref<16x128xf32, #tpu.memory_space<vmem>>, vector<1x16xf32>,
    %swap3A_1771 = arith.constant 4 : i32
    %swap3A_1772 = arith.index_cast %swap3A_1771 : i32 to index
    %swap3A_1773 = arith.constant 112 : index
    %swap3A_1774 = tpu.vector_load %arg13[%swap3A_1772, %swap3A_1773] {strides = array<i32>} : memref<16x128xf32, #tpu.memory_space<vmem>>, vector<1x16xf32>,
    %swap3A_1775 = vector.shape_cast %swap3A_1774 : vector<1x16xf32> to vector<16xf32>
    %swap3A_1776 = vector.shape_cast %broadcast_in_dim3A_1 : vector<16xf32> to vector<1x16xf32>
    tpu.vector_store %arg13[%swap3A_1772, %swap3A_1773], %swap3A_1776 {strides = array<i32>} : memref<16x128xf32, #tpu.memory_space<vmem>>, vector<1x16xf32>,
    %swap3A_1777 = arith.constant 5 : i32
    %swap3A_1778 = arith.index_cast %swap3A_1777 : i32 to index
    %swap3A_1779 = arith.constant 0 : index
    %swap3A_1780 = tpu.vector_load %arg13[%swap3A_1778, %swap3A_1779] {strides = array<i32>} : memref<16x128xf32, #tpu.memory_space<vmem>>, vector<1x16xf32>,
    %swap3A_1781 = vector.shape_cast %swap3A_1780 : vector<1x16xf32> to vector<16xf32>
    %swap3A_1782 = vector.shape_cast %broadcast_in_dim3A_1 : vector<16xf32> to vector<1x16xf32>
    tpu.vector_store %arg13[%swap3A_1778, %swap3A_1779], %swap3A_1782 {strides = array<i32>} : memref<16x128xf32, #tpu.memory_space<vmem>>, vector<1x16xf32>,
    %swap3A_1783 = arith.constant 5 : i32
    %swap3A_1784 = arith.index_cast %swap3A_1783 : i32 to index
    %swap3A_1785 = arith.constant 16 : index
    %swap3A_1786 = tpu.vector_load %arg13[%swap3A_1784, %swap3A_1785] {strides = array<i32>} : memref<16x128xf32, #tpu.memory_space<vmem>>, vector<1x16xf32>,
    %swap3A_1787 = vector.shape_cast %swap3A_1786 : vector<1x16xf32> to vector<16xf32>
    %swap3A_1788 = vector.shape_cast %broadcast_in_dim3A_1 : vector<16xf32> to vector<1x16xf32>
    tpu.vector_store %arg13[%swap3A_1784, %swap3A_1785], %swap3A_1788 {strides = array<i32>} : memref<16x128xf32, #tpu.memory_space<vmem>>, vector<1x16xf32>,
    %swap3A_1789 = arith.constant 5 : i32
    %swap3A_1790 = arith.index_cast %swap3A_1789 : i32 to index
    %swap3A_1791 = arith.constant 32 : index
    %swap3A_1792 = tpu.vector_load %arg13[%swap3A_1790, %swap3A_1791] {strides = array<i32>} : memref<16x128xf32, #tpu.memory_space<vmem>>, vector<1x16xf32>,
    %swap3A_1793 = vector.shape_cast %swap3A_1792 : vector<1x16xf32> to vector<16xf32>
    %swap3A_1794 = vector.shape_cast %broadcast_in_dim3A_1 : vector<16xf32> to vector<1x16xf32>
    tpu.vector_store %arg13[%swap3A_1790, %swap3A_1791], %swap3A_1794 {strides = array<i32>} : memref<16x128xf32, #tpu.memory_space<vmem>>, vector<1x16xf32>,
    %swap3A_1795 = arith.constant 5 : i32
    %swap3A_1796 = arith.index_cast %swap3A_1795 : i32 to index
    %swap3A_1797 = arith.constant 48 : index
    %swap3A_1798 = tpu.vector_load %arg13[%swap3A_1796, %swap3A_1797] {strides = array<i32>} : memref<16x128xf32, #tpu.memory_space<vmem>>, vector<1x16xf32>,
    %swap3A_1799 = vector.shape_cast %swap3A_1798 : vector<1x16xf32> to vector<16xf32>
    %swap3A_1800 = vector.shape_cast %broadcast_in_dim3A_1 : vector<16xf32> to vector<1x16xf32>
    tpu.vector_store %arg13[%swap3A_1796, %swap3A_1797], %swap3A_1800 {strides = array<i32>} : memref<16x128xf32, #tpu.memory_space<vmem>>, vector<1x16xf32>,
    %swap3A_1801 = arith.constant 5 : i32
    %swap3A_1802 = arith.index_cast %swap3A_1801 : i32 to index
    %swap3A_1803 = arith.constant 64 : index
    %swap3A_1804 = tpu.vector_load %arg13[%swap3A_1802, %swap3A_1803] {strides = array<i32>} : memref<16x128xf32, #tpu.memory_space<vmem>>, vector<1x16xf32>,
    %swap3A_1805 = vector.shape_cast %swap3A_1804 : vector<1x16xf32> to vector<16xf32>
    %swap3A_1806 = vector.shape_cast %broadcast_in_dim3A_1 : vector<16xf32> to vector<1x16xf32>
    tpu.vector_store %arg13[%swap3A_1802, %swap3A_1803], %swap3A_1806 {strides = array<i32>} : memref<16x128xf32, #tpu.memory_space<vmem>>, vector<1x16xf32>,
    %swap3A_1807 = arith.constant 5 : i32
    %swap3A_1808 = arith.index_cast %swap3A_1807 : i32 to index
    %swap3A_1809 = arith.constant 80 : index
    %swap3A_1810 = tpu.vector_load %arg13[%swap3A_1808, %swap3A_1809] {strides = array<i32>} : memref<16x128xf32, #tpu.memory_space<vmem>>, vector<1x16xf32>,
    %swap3A_1811 = vector.shape_cast %swap3A_1810 : vector<1x16xf32> to vector<16xf32>
    %swap3A_1812 = vector.shape_cast %broadcast_in_dim3A_1 : vector<16xf32> to vector<1x16xf32>
    tpu.vector_store %arg13[%swap3A_1808, %swap3A_1809], %swap3A_1812 {strides = array<i32>} : memref<16x128xf32, #tpu.memory_space<vmem>>, vector<1x16xf32>,
    %swap3A_1813 = arith.constant 5 : i32
    %swap3A_1814 = arith.index_cast %swap3A_1813 : i32 to index
    %swap3A_1815 = arith.constant 96 : index
    %swap3A_1816 = tpu.vector_load %arg13[%swap3A_1814, %swap3A_1815] {strides = array<i32>} : memref<16x128xf32, #tpu.memory_space<vmem>>, vector<1x16xf32>,
    %swap3A_1817 = vector.shape_cast %swap3A_1816 : vector<1x16xf32> to vector<16xf32>
    %swap3A_1818 = vector.shape_cast %broadcast_in_dim3A_1 : vector<16xf32> to vector<1x16xf32>
    tpu.vector_store %arg13[%swap3A_1814, %swap3A_1815], %swap3A_1818 {strides = array<i32>} : memref<16x128xf32, #tpu.memory_space<vmem>>, vector<1x16xf32>,
    %swap3A_1819 = arith.constant 5 : i32
    %swap3A_1820 = arith.index_cast %swap3A_1819 : i32 to index
    %swap3A_1821 = arith.constant 112 : index
    %swap3A_1822 = tpu.vector_load %arg13[%swap3A_1820, %swap3A_1821] {strides = array<i32>} : memref<16x128xf32, #tpu.memory_space<vmem>>, vector<1x16xf32>,
    %swap3A_1823 = vector.shape_cast %swap3A_1822 : vector<1x16xf32> to vector<16xf32>
    %swap3A_1824 = vector.shape_cast %broadcast_in_dim3A_1 : vector<16xf32> to vector<1x16xf32>
    tpu.vector_store %arg13[%swap3A_1820, %swap3A_1821], %swap3A_1824 {strides = array<i32>} : memref<16x128xf32, #tpu.memory_space<vmem>>, vector<1x16xf32>,
    %swap3A_1825 = arith.constant 6 : i32
    %swap3A_1826 = arith.index_cast %swap3A_1825 : i32 to index
    %swap3A_1827 = arith.constant 0 : index
    %swap3A_1828 = tpu.vector_load %arg13[%swap3A_1826, %swap3A_1827] {strides = array<i32>} : memref<16x128xf32, #tpu.memory_space<vmem>>, vector<1x16xf32>,
    %swap3A_1829 = vector.shape_cast %swap3A_1828 : vector<1x16xf32> to vector<16xf32>
    %swap3A_1830 = vector.shape_cast %broadcast_in_dim3A_1 : vector<16xf32> to vector<1x16xf32>
    tpu.vector_store %arg13[%swap3A_1826, %swap3A_1827], %swap3A_1830 {strides = array<i32>} : memref<16x128xf32, #tpu.memory_space<vmem>>, vector<1x16xf32>,
    %swap3A_1831 = arith.constant 6 : i32
    %swap3A_1832 = arith.index_cast %swap3A_1831 : i32 to index
    %swap3A_1833 = arith.constant 16 : index
    %swap3A_1834 = tpu.vector_load %arg13[%swap3A_1832, %swap3A_1833] {strides = array<i32>} : memref<16x128xf32, #tpu.memory_space<vmem>>, vector<1x16xf32>,
    %swap3A_1835 = vector.shape_cast %swap3A_1834 : vector<1x16xf32> to vector<16xf32>
    %swap3A_1836 = vector.shape_cast %broadcast_in_dim3A_1 : vector<16xf32> to vector<1x16xf32>
    tpu.vector_store %arg13[%swap3A_1832, %swap3A_1833], %swap3A_1836 {strides = array<i32>} : memref<16x128xf32, #tpu.memory_space<vmem>>, vector<1x16xf32>,
    %swap3A_1837 = arith.constant 6 : i32
    %swap3A_1838 = arith.index_cast %swap3A_1837 : i32 to index
    %swap3A_1839 = arith.constant 32 : index
    %swap3A_1840 = tpu.vector_load %arg13[%swap3A_1838, %swap3A_1839] {strides = array<i32>} : memref<16x128xf32, #tpu.memory_space<vmem>>, vector<1x16xf32>,
    %swap3A_1841 = vector.shape_cast %swap3A_1840 : vector<1x16xf32> to vector<16xf32>
    %swap3A_1842 = vector.shape_cast %broadcast_in_dim3A_1 : vector<16xf32> to vector<1x16xf32>
    tpu.vector_store %arg13[%swap3A_1838, %swap3A_1839], %swap3A_1842 {strides = array<i32>} : memref<16x128xf32, #tpu.memory_space<vmem>>, vector<1x16xf32>,
    %swap3A_1843 = arith.constant 6 : i32
    %swap3A_1844 = arith.index_cast %swap3A_1843 : i32 to index
    %swap3A_1845 = arith.constant 48 : index
    %swap3A_1846 = tpu.vector_load %arg13[%swap3A_1844, %swap3A_1845] {strides = array<i32>} : memref<16x128xf32, #tpu.memory_space<vmem>>, vector<1x16xf32>,
    %swap3A_1847 = vector.shape_cast %swap3A_1846 : vector<1x16xf32> to vector<16xf32>
    %swap3A_1848 = vector.shape_cast %broadcast_in_dim3A_1 : vector<16xf32> to vector<1x16xf32>
    tpu.vector_store %arg13[%swap3A_1844, %swap3A_1845], %swap3A_1848 {strides = array<i32>} : memref<16x128xf32, #tpu.memory_space<vmem>>, vector<1x16xf32>,
    %swap3A_1849 = arith.constant 6 : i32
    %swap3A_1850 = arith.index_cast %swap3A_1849 : i32 to index
    %swap3A_1851 = arith.constant 64 : index
    %swap3A_1852 = tpu.vector_load %arg13[%swap3A_1850, %swap3A_1851] {strides = array<i32>} : memref<16x128xf32, #tpu.memory_space<vmem>>, vector<1x16xf32>,
    %swap3A_1853 = vector.shape_cast %swap3A_1852 : vector<1x16xf32> to vector<16xf32>
    %swap3A_1854 = vector.shape_cast %broadcast_in_dim3A_1 : vector<16xf32> to vector<1x16xf32>
    tpu.vector_store %arg13[%swap3A_1850, %swap3A_1851], %swap3A_1854 {strides = array<i32>} : memref<16x128xf32, #tpu.memory_space<vmem>>, vector<1x16xf32>,
    %swap3A_1855 = arith.constant 6 : i32
    %swap3A_1856 = arith.index_cast %swap3A_1855 : i32 to index
    %swap3A_1857 = arith.constant 80 : index
    %swap3A_1858 = tpu.vector_load %arg13[%swap3A_1856, %swap3A_1857] {strides = array<i32>} : memref<16x128xf32, #tpu.memory_space<vmem>>, vector<1x16xf32>,
    %swap3A_1859 = vector.shape_cast %swap3A_1858 : vector<1x16xf32> to vector<16xf32>
    %swap3A_1860 = vector.shape_cast %broadcast_in_dim3A_1 : vector<16xf32> to vector<1x16xf32>
    tpu.vector_store %arg13[%swap3A_1856, %swap3A_1857], %swap3A_1860 {strides = array<i32>} : memref<16x128xf32, #tpu.memory_space<vmem>>, vector<1x16xf32>,
    %swap3A_1861 = arith.constant 6 : i32
    %swap3A_1862 = arith.index_cast %swap3A_1861 : i32 to index
    %swap3A_1863 = arith.constant 96 : index
    %swap3A_1864 = tpu.vector_load %arg13[%swap3A_1862, %swap3A_1863] {strides = array<i32>} : memref<16x128xf32, #tpu.memory_space<vmem>>, vector<1x16xf32>,
    %swap3A_1865 = vector.shape_cast %swap3A_1864 : vector<1x16xf32> to vector<16xf32>
    %swap3A_1866 = vector.shape_cast %broadcast_in_dim3A_1 : vector<16xf32> to vector<1x16xf32>
    tpu.vector_store %arg13[%swap3A_1862, %swap3A_1863], %swap3A_1866 {strides = array<i32>} : memref<16x128xf32, #tpu.memory_space<vmem>>, vector<1x16xf32>,
    %swap3A_1867 = arith.constant 6 : i32
    %swap3A_1868 = arith.index_cast %swap3A_1867 : i32 to index
    %swap3A_1869 = arith.constant 112 : index
    %swap3A_1870 = tpu.vector_load %arg13[%swap3A_1868, %swap3A_1869] {strides = array<i32>} : memref<16x128xf32, #tpu.memory_space<vmem>>, vector<1x16xf32>,
    %swap3A_1871 = vector.shape_cast %swap3A_1870 : vector<1x16xf32> to vector<16xf32>
    %swap3A_1872 = vector.shape_cast %broadcast_in_dim3A_1 : vector<16xf32> to vector<1x16xf32>
    tpu.vector_store %arg13[%swap3A_1868, %swap3A_1869], %swap3A_1872 {strides = array<i32>} : memref<16x128xf32, #tpu.memory_space<vmem>>, vector<1x16xf32>,
    %swap3A_1873 = arith.constant 7 : i32
    %swap3A_1874 = arith.index_cast %swap3A_1873 : i32 to index
    %swap3A_1875 = arith.constant 0 : index
    %swap3A_1876 = tpu.vector_load %arg13[%swap3A_1874, %swap3A_1875] {strides = array<i32>} : memref<16x128xf32, #tpu.memory_space<vmem>>, vector<1x16xf32>,
    %swap3A_1877 = vector.shape_cast %swap3A_1876 : vector<1x16xf32> to vector<16xf32>
    %swap3A_1878 = vector.shape_cast %broadcast_in_dim3A_1 : vector<16xf32> to vector<1x16xf32>
    tpu.vector_store %arg13[%swap3A_1874, %swap3A_1875], %swap3A_1878 {strides = array<i32>} : memref<16x128xf32, #tpu.memory_space<vmem>>, vector<1x16xf32>,
    %swap3A_1879 = arith.constant 7 : i32
    %swap3A_1880 = arith.index_cast %swap3A_1879 : i32 to index
    %swap3A_1881 = arith.constant 16 : index
    %swap3A_1882 = tpu.vector_load %arg13[%swap3A_1880, %swap3A_1881] {strides = array<i32>} : memref<16x128xf32, #tpu.memory_space<vmem>>, vector<1x16xf32>,
    %swap3A_1883 = vector.shape_cast %swap3A_1882 : vector<1x16xf32> to vector<16xf32>
    %swap3A_1884 = vector.shape_cast %broadcast_in_dim3A_1 : vector<16xf32> to vector<1x16xf32>
    tpu.vector_store %arg13[%swap3A_1880, %swap3A_1881], %swap3A_1884 {strides = array<i32>} : memref<16x128xf32, #tpu.memory_space<vmem>>, vector<1x16xf32>,
    %swap3A_1885 = arith.constant 7 : i32
    %swap3A_1886 = arith.index_cast %swap3A_1885 : i32 to index
    %swap3A_1887 = arith.constant 32 : index
    %swap3A_1888 = tpu.vector_load %arg13[%swap3A_1886, %swap3A_1887] {strides = array<i32>} : memref<16x128xf32, #tpu.memory_space<vmem>>, vector<1x16xf32>,
    %swap3A_1889 = vector.shape_cast %swap3A_1888 : vector<1x16xf32> to vector<16xf32>
    %swap3A_1890 = vector.shape_cast %broadcast_in_dim3A_1 : vector<16xf32> to vector<1x16xf32>
    tpu.vector_store %arg13[%swap3A_1886, %swap3A_1887], %swap3A_1890 {strides = array<i32>} : memref<16x128xf32, #tpu.memory_space<vmem>>, vector<1x16xf32>,
    %swap3A_1891 = arith.constant 7 : i32
    %swap3A_1892 = arith.index_cast %swap3A_1891 : i32 to index
    %swap3A_1893 = arith.constant 48 : index
    %swap3A_1894 = tpu.vector_load %arg13[%swap3A_1892, %swap3A_1893] {strides = array<i32>} : memref<16x128xf32, #tpu.memory_space<vmem>>, vector<1x16xf32>,
    %swap3A_1895 = vector.shape_cast %swap3A_1894 : vector<1x16xf32> to vector<16xf32>
    %swap3A_1896 = vector.shape_cast %broadcast_in_dim3A_1 : vector<16xf32> to vector<1x16xf32>
    tpu.vector_store %arg13[%swap3A_1892, %swap3A_1893], %swap3A_1896 {strides = array<i32>} : memref<16x128xf32, #tpu.memory_space<vmem>>, vector<1x16xf32>,
    %swap3A_1897 = arith.constant 7 : i32
    %swap3A_1898 = arith.index_cast %swap3A_1897 : i32 to index
    %swap3A_1899 = arith.constant 64 : index
    %swap3A_1900 = tpu.vector_load %arg13[%swap3A_1898, %swap3A_1899] {strides = array<i32>} : memref<16x128xf32, #tpu.memory_space<vmem>>, vector<1x16xf32>,
    %swap3A_1901 = vector.shape_cast %swap3A_1900 : vector<1x16xf32> to vector<16xf32>
    %swap3A_1902 = vector.shape_cast %broadcast_in_dim3A_1 : vector<16xf32> to vector<1x16xf32>
    tpu.vector_store %arg13[%swap3A_1898, %swap3A_1899], %swap3A_1902 {strides = array<i32>} : memref<16x128xf32, #tpu.memory_space<vmem>>, vector<1x16xf32>,
    %swap3A_1903 = arith.constant 7 : i32
    %swap3A_1904 = arith.index_cast %swap3A_1903 : i32 to index
    %swap3A_1905 = arith.constant 80 : index
    %swap3A_1906 = tpu.vector_load %arg13[%swap3A_1904, %swap3A_1905] {strides = array<i32>} : memref<16x128xf32, #tpu.memory_space<vmem>>, vector<1x16xf32>,
    %swap3A_1907 = vector.shape_cast %swap3A_1906 : vector<1x16xf32> to vector<16xf32>
    %swap3A_1908 = vector.shape_cast %broadcast_in_dim3A_1 : vector<16xf32> to vector<1x16xf32>
    tpu.vector_store %arg13[%swap3A_1904, %swap3A_1905], %swap3A_1908 {strides = array<i32>} : memref<16x128xf32, #tpu.memory_space<vmem>>, vector<1x16xf32>,
    %swap3A_1909 = arith.constant 7 : i32
    %swap3A_1910 = arith.index_cast %swap3A_1909 : i32 to index
    %swap3A_1911 = arith.constant 96 : index
    %swap3A_1912 = tpu.vector_load %arg13[%swap3A_1910, %swap3A_1911] {strides = array<i32>} : memref<16x128xf32, #tpu.memory_space<vmem>>, vector<1x16xf32>,
    %swap3A_1913 = vector.shape_cast %swap3A_1912 : vector<1x16xf32> to vector<16xf32>
    %swap3A_1914 = vector.shape_cast %broadcast_in_dim3A_1 : vector<16xf32> to vector<1x16xf32>
    tpu.vector_store %arg13[%swap3A_1910, %swap3A_1911], %swap3A_1914 {strides = array<i32>} : memref<16x128xf32, #tpu.memory_space<vmem>>, vector<1x16xf32>,
    %swap3A_1915 = arith.constant 7 : i32
    %swap3A_1916 = arith.index_cast %swap3A_1915 : i32 to index
    %swap3A_1917 = arith.constant 112 : index
    %swap3A_1918 = tpu.vector_load %arg13[%swap3A_1916, %swap3A_1917] {strides = array<i32>} : memref<16x128xf32, #tpu.memory_space<vmem>>, vector<1x16xf32>,
    %swap3A_1919 = vector.shape_cast %swap3A_1918 : vector<1x16xf32> to vector<16xf32>
    %swap3A_1920 = vector.shape_cast %broadcast_in_dim3A_1 : vector<16xf32> to vector<1x16xf32>
    tpu.vector_store %arg13[%swap3A_1916, %swap3A_1917], %swap3A_1920 {strides = array<i32>} : memref<16x128xf32, #tpu.memory_space<vmem>>, vector<1x16xf32>,
    %swap3A_1921 = arith.constant 8 : i32
    %swap3A_1922 = arith.index_cast %swap3A_1921 : i32 to index
    %swap3A_1923 = arith.constant 0 : index
    %swap3A_1924 = tpu.vector_load %arg13[%swap3A_1922, %swap3A_1923] {strides = array<i32>} : memref<16x128xf32, #tpu.memory_space<vmem>>, vector<1x16xf32>,
    %swap3A_1925 = vector.shape_cast %swap3A_1924 : vector<1x16xf32> to vector<16xf32>
    %swap3A_1926 = vector.shape_cast %broadcast_in_dim3A_1 : vector<16xf32> to vector<1x16xf32>
    tpu.vector_store %arg13[%swap3A_1922, %swap3A_1923], %swap3A_1926 {strides = array<i32>} : memref<16x128xf32, #tpu.memory_space<vmem>>, vector<1x16xf32>,
    %swap3A_1927 = arith.constant 8 : i32
    %swap3A_1928 = arith.index_cast %swap3A_1927 : i32 to index
    %swap3A_1929 = arith.constant 16 : index
    %swap3A_1930 = tpu.vector_load %arg13[%swap3A_1928, %swap3A_1929] {strides = array<i32>} : memref<16x128xf32, #tpu.memory_space<vmem>>, vector<1x16xf32>,
    %swap3A_1931 = vector.shape_cast %swap3A_1930 : vector<1x16xf32> to vector<16xf32>
    %swap3A_1932 = vector.shape_cast %broadcast_in_dim3A_1 : vector<16xf32> to vector<1x16xf32>
    tpu.vector_store %arg13[%swap3A_1928, %swap3A_1929], %swap3A_1932 {strides = array<i32>} : memref<16x128xf32, #tpu.memory_space<vmem>>, vector<1x16xf32>,
    %swap3A_1933 = arith.constant 8 : i32
    %swap3A_1934 = arith.index_cast %swap3A_1933 : i32 to index
    %swap3A_1935 = arith.constant 32 : index
    %swap3A_1936 = tpu.vector_load %arg13[%swap3A_1934, %swap3A_1935] {strides = array<i32>} : memref<16x128xf32, #tpu.memory_space<vmem>>, vector<1x16xf32>,
    %swap3A_1937 = vector.shape_cast %swap3A_1936 : vector<1x16xf32> to vector<16xf32>
    %swap3A_1938 = vector.shape_cast %broadcast_in_dim3A_1 : vector<16xf32> to vector<1x16xf32>
    tpu.vector_store %arg13[%swap3A_1934, %swap3A_1935], %swap3A_1938 {strides = array<i32>} : memref<16x128xf32, #tpu.memory_space<vmem>>, vector<1x16xf32>,
    %swap3A_1939 = arith.constant 8 : i32
    %swap3A_1940 = arith.index_cast %swap3A_1939 : i32 to index
    %swap3A_1941 = arith.constant 48 : index
    %swap3A_1942 = tpu.vector_load %arg13[%swap3A_1940, %swap3A_1941] {strides = array<i32>} : memref<16x128xf32, #tpu.memory_space<vmem>>, vector<1x16xf32>,
    %swap3A_1943 = vector.shape_cast %swap3A_1942 : vector<1x16xf32> to vector<16xf32>
    %swap3A_1944 = vector.shape_cast %broadcast_in_dim3A_1 : vector<16xf32> to vector<1x16xf32>
    tpu.vector_store %arg13[%swap3A_1940, %swap3A_1941], %swap3A_1944 {strides = array<i32>} : memref<16x128xf32, #tpu.memory_space<vmem>>, vector<1x16xf32>,
    %swap3A_1945 = arith.constant 8 : i32
    %swap3A_1946 = arith.index_cast %swap3A_1945 : i32 to index
    %swap3A_1947 = arith.constant 64 : index
    %swap3A_1948 = tpu.vector_load %arg13[%swap3A_1946, %swap3A_1947] {strides = array<i32>} : memref<16x128xf32, #tpu.memory_space<vmem>>, vector<1x16xf32>,
    %swap3A_1949 = vector.shape_cast %swap3A_1948 : vector<1x16xf32> to vector<16xf32>
    %swap3A_1950 = vector.shape_cast %broadcast_in_dim3A_1 : vector<16xf32> to vector<1x16xf32>
    tpu.vector_store %arg13[%swap3A_1946, %swap3A_1947], %swap3A_1950 {strides = array<i32>} : memref<16x128xf32, #tpu.memory_space<vmem>>, vector<1x16xf32>,
    %swap3A_1951 = arith.constant 8 : i32
    %swap3A_1952 = arith.index_cast %swap3A_1951 : i32 to index
    %swap3A_1953 = arith.constant 80 : index
    %swap3A_1954 = tpu.vector_load %arg13[%swap3A_1952, %swap3A_1953] {strides = array<i32>} : memref<16x128xf32, #tpu.memory_space<vmem>>, vector<1x16xf32>,
    %swap3A_1955 = vector.shape_cast %swap3A_1954 : vector<1x16xf32> to vector<16xf32>
    %swap3A_1956 = vector.shape_cast %broadcast_in_dim3A_1 : vector<16xf32> to vector<1x16xf32>
    tpu.vector_store %arg13[%swap3A_1952, %swap3A_1953], %swap3A_1956 {strides = array<i32>} : memref<16x128xf32, #tpu.memory_space<vmem>>, vector<1x16xf32>,
    %swap3A_1957 = arith.constant 8 : i32
    %swap3A_1958 = arith.index_cast %swap3A_1957 : i32 to index
    %swap3A_1959 = arith.constant 96 : index
    %swap3A_1960 = tpu.vector_load %arg13[%swap3A_1958, %swap3A_1959] {strides = array<i32>} : memref<16x128xf32, #tpu.memory_space<vmem>>, vector<1x16xf32>,
    %swap3A_1961 = vector.shape_cast %swap3A_1960 : vector<1x16xf32> to vector<16xf32>
    %swap3A_1962 = vector.shape_cast %broadcast_in_dim3A_1 : vector<16xf32> to vector<1x16xf32>
    tpu.vector_store %arg13[%swap3A_1958, %swap3A_1959], %swap3A_1962 {strides = array<i32>} : memref<16x128xf32, #tpu.memory_space<vmem>>, vector<1x16xf32>,
    %swap3A_1963 = arith.constant 8 : i32
    %swap3A_1964 = arith.index_cast %swap3A_1963 : i32 to index
    %swap3A_1965 = arith.constant 112 : index
    %swap3A_1966 = tpu.vector_load %arg13[%swap3A_1964, %swap3A_1965] {strides = array<i32>} : memref<16x128xf32, #tpu.memory_space<vmem>>, vector<1x16xf32>,
    %swap3A_1967 = vector.shape_cast %swap3A_1966 : vector<1x16xf32> to vector<16xf32>
    %swap3A_1968 = vector.shape_cast %broadcast_in_dim3A_1 : vector<16xf32> to vector<1x16xf32>
    tpu.vector_store %arg13[%swap3A_1964, %swap3A_1965], %swap3A_1968 {strides = array<i32>} : memref<16x128xf32, #tpu.memory_space<vmem>>, vector<1x16xf32>,
    %swap3A_1969 = arith.constant 9 : i32
    %swap3A_1970 = arith.index_cast %swap3A_1969 : i32 to index
    %swap3A_1971 = arith.constant 0 : index
    %swap3A_1972 = tpu.vector_load %arg13[%swap3A_1970, %swap3A_1971] {strides = array<i32>} : memref<16x128xf32, #tpu.memory_space<vmem>>, vector<1x16xf32>,
    %swap3A_1973 = vector.shape_cast %swap3A_1972 : vector<1x16xf32> to vector<16xf32>
    %swap3A_1974 = vector.shape_cast %broadcast_in_dim3A_1 : vector<16xf32> to vector<1x16xf32>
    tpu.vector_store %arg13[%swap3A_1970, %swap3A_1971], %swap3A_1974 {strides = array<i32>} : memref<16x128xf32, #tpu.memory_space<vmem>>, vector<1x16xf32>,
    %swap3A_1975 = arith.constant 9 : i32
    %swap3A_1976 = arith.index_cast %swap3A_1975 : i32 to index
    %swap3A_1977 = arith.constant 16 : index
    %swap3A_1978 = tpu.vector_load %arg13[%swap3A_1976, %swap3A_1977] {strides = array<i32>} : memref<16x128xf32, #tpu.memory_space<vmem>>, vector<1x16xf32>,
    %swap3A_1979 = vector.shape_cast %swap3A_1978 : vector<1x16xf32> to vector<16xf32>
    %swap3A_1980 = vector.shape_cast %broadcast_in_dim3A_1 : vector<16xf32> to vector<1x16xf32>
    tpu.vector_store %arg13[%swap3A_1976, %swap3A_1977], %swap3A_1980 {strides = array<i32>} : memref<16x128xf32, #tpu.memory_space<vmem>>, vector<1x16xf32>,
    %swap3A_1981 = arith.constant 9 : i32
    %swap3A_1982 = arith.index_cast %swap3A_1981 : i32 to index
    %swap3A_1983 = arith.constant 32 : index
    %swap3A_1984 = tpu.vector_load %arg13[%swap3A_1982, %swap3A_1983] {strides = array<i32>} : memref<16x128xf32, #tpu.memory_space<vmem>>, vector<1x16xf32>,
    %swap3A_1985 = vector.shape_cast %swap3A_1984 : vector<1x16xf32> to vector<16xf32>
    %swap3A_1986 = vector.shape_cast %broadcast_in_dim3A_1 : vector<16xf32> to vector<1x16xf32>
    tpu.vector_store %arg13[%swap3A_1982, %swap3A_1983], %swap3A_1986 {strides = array<i32>} : memref<16x128xf32, #tpu.memory_space<vmem>>, vector<1x16xf32>,
    %swap3A_1987 = arith.constant 9 : i32
    %swap3A_1988 = arith.index_cast %swap3A_1987 : i32 to index
    %swap3A_1989 = arith.constant 48 : index
    %swap3A_1990 = tpu.vector_load %arg13[%swap3A_1988, %swap3A_1989] {strides = array<i32>} : memref<16x128xf32, #tpu.memory_space<vmem>>, vector<1x16xf32>,
    %swap3A_1991 = vector.shape_cast %swap3A_1990 : vector<1x16xf32> to vector<16xf32>
    %swap3A_1992 = vector.shape_cast %broadcast_in_dim3A_1 : vector<16xf32> to vector<1x16xf32>
    tpu.vector_store %arg13[%swap3A_1988, %swap3A_1989], %swap3A_1992 {strides = array<i32>} : memref<16x128xf32, #tpu.memory_space<vmem>>, vector<1x16xf32>,
    %swap3A_1993 = arith.constant 9 : i32
    %swap3A_1994 = arith.index_cast %swap3A_1993 : i32 to index
    %swap3A_1995 = arith.constant 64 : index
    %swap3A_1996 = tpu.vector_load %arg13[%swap3A_1994, %swap3A_1995] {strides = array<i32>} : memref<16x128xf32, #tpu.memory_space<vmem>>, vector<1x16xf32>,
    %swap3A_1997 = vector.shape_cast %swap3A_1996 : vector<1x16xf32> to vector<16xf32>
    %swap3A_1998 = vector.shape_cast %broadcast_in_dim3A_1 : vector<16xf32> to vector<1x16xf32>
    tpu.vector_store %arg13[%swap3A_1994, %swap3A_1995], %swap3A_1998 {strides = array<i32>} : memref<16x128xf32, #tpu.memory_space<vmem>>, vector<1x16xf32>,
    %swap3A_1999 = arith.constant 9 : i32
    %swap3A_2000 = arith.index_cast %swap3A_1999 : i32 to index
    %swap3A_2001 = arith.constant 80 : index
    %swap3A_2002 = tpu.vector_load %arg13[%swap3A_2000, %swap3A_2001] {strides = array<i32>} : memref<16x128xf32, #tpu.memory_space<vmem>>, vector<1x16xf32>,
    %swap3A_2003 = vector.shape_cast %swap3A_2002 : vector<1x16xf32> to vector<16xf32>
    %swap3A_2004 = vector.shape_cast %broadcast_in_dim3A_1 : vector<16xf32> to vector<1x16xf32>
    tpu.vector_store %arg13[%swap3A_2000, %swap3A_2001], %swap3A_2004 {strides = array<i32>} : memref<16x128xf32, #tpu.memory_space<vmem>>, vector<1x16xf32>,
    %swap3A_2005 = arith.constant 9 : i32
    %swap3A_2006 = arith.index_cast %swap3A_2005 : i32 to index
    %swap3A_2007 = arith.constant 96 : index
    %swap3A_2008 = tpu.vector_load %arg13[%swap3A_2006, %swap3A_2007] {strides = array<i32>} : memref<16x128xf32, #tpu.memory_space<vmem>>, vector<1x16xf32>,
    %swap3A_2009 = vector.shape_cast %swap3A_2008 : vector<1x16xf32> to vector<16xf32>
    %swap3A_2010 = vector.shape_cast %broadcast_in_dim3A_1 : vector<16xf32> to vector<1x16xf32>
    tpu.vector_store %arg13[%swap3A_2006, %swap3A_2007], %swap3A_2010 {strides = array<i32>} : memref<16x128xf32, #tpu.memory_space<vmem>>, vector<1x16xf32>,
    %swap3A_2011 = arith.constant 9 : i32
    %swap3A_2012 = arith.index_cast %swap3A_2011 : i32 to index
    %swap3A_2013 = arith.constant 112 : index
    %swap3A_2014 = tpu.vector_load %arg13[%swap3A_2012, %swap3A_2013] {strides = array<i32>} : memref<16x128xf32, #tpu.memory_space<vmem>>, vector<1x16xf32>,
    %swap3A_2015 = vector.shape_cast %swap3A_2014 : vector<1x16xf32> to vector<16xf32>
    %swap3A_2016 = vector.shape_cast %broadcast_in_dim3A_1 : vector<16xf32> to vector<1x16xf32>
    tpu.vector_store %arg13[%swap3A_2012, %swap3A_2013], %swap3A_2016 {strides = array<i32>} : memref<16x128xf32, #tpu.memory_space<vmem>>, vector<1x16xf32>,
    %swap3A_2017 = arith.constant 10 : i32
    %swap3A_2018 = arith.index_cast %swap3A_2017 : i32 to index
    %swap3A_2019 = arith.constant 0 : index
    %swap3A_2020 = tpu.vector_load %arg13[%swap3A_2018, %swap3A_2019] {strides = array<i32>} : memref<16x128xf32, #tpu.memory_space<vmem>>, vector<1x16xf32>,
    %swap3A_2021 = vector.shape_cast %swap3A_2020 : vector<1x16xf32> to vector<16xf32>
    %swap3A_2022 = vector.shape_cast %broadcast_in_dim3A_1 : vector<16xf32> to vector<1x16xf32>
    tpu.vector_store %arg13[%swap3A_2018, %swap3A_2019], %swap3A_2022 {strides = array<i32>} : memref<16x128xf32, #tpu.memory_space<vmem>>, vector<1x16xf32>,
    %swap3A_2023 = arith.constant 10 : i32
    %swap3A_2024 = arith.index_cast %swap3A_2023 : i32 to index
    %swap3A_2025 = arith.constant 16 : index
    %swap3A_2026 = tpu.vector_load %arg13[%swap3A_2024, %swap3A_2025] {strides = array<i32>} : memref<16x128xf32, #tpu.memory_space<vmem>>, vector<1x16xf32>,
    %swap3A_2027 = vector.shape_cast %swap3A_2026 : vector<1x16xf32> to vector<16xf32>
    %swap3A_2028 = vector.shape_cast %broadcast_in_dim3A_1 : vector<16xf32> to vector<1x16xf32>
    tpu.vector_store %arg13[%swap3A_2024, %swap3A_2025], %swap3A_2028 {strides = array<i32>} : memref<16x128xf32, #tpu.memory_space<vmem>>, vector<1x16xf32>,
    %swap3A_2029 = arith.constant 10 : i32
    %swap3A_2030 = arith.index_cast %swap3A_2029 : i32 to index
    %swap3A_2031 = arith.constant 32 : index
    %swap3A_2032 = tpu.vector_load %arg13[%swap3A_2030, %swap3A_2031] {strides = array<i32>} : memref<16x128xf32, #tpu.memory_space<vmem>>, vector<1x16xf32>,
    %swap3A_2033 = vector.shape_cast %swap3A_2032 : vector<1x16xf32> to vector<16xf32>
    %swap3A_2034 = vector.shape_cast %broadcast_in_dim3A_1 : vector<16xf32> to vector<1x16xf32>
    tpu.vector_store %arg13[%swap3A_2030, %swap3A_2031], %swap3A_2034 {strides = array<i32>} : memref<16x128xf32, #tpu.memory_space<vmem>>, vector<1x16xf32>,
    %swap3A_2035 = arith.constant 10 : i32
    %swap3A_2036 = arith.index_cast %swap3A_2035 : i32 to index
    %swap3A_2037 = arith.constant 48 : index
    %swap3A_2038 = tpu.vector_load %arg13[%swap3A_2036, %swap3A_2037] {strides = array<i32>} : memref<16x128xf32, #tpu.memory_space<vmem>>, vector<1x16xf32>,
    %swap3A_2039 = vector.shape_cast %swap3A_2038 : vector<1x16xf32> to vector<16xf32>
    %swap3A_2040 = vector.shape_cast %broadcast_in_dim3A_1 : vector<16xf32> to vector<1x16xf32>
    tpu.vector_store %arg13[%swap3A_2036, %swap3A_2037], %swap3A_2040 {strides = array<i32>} : memref<16x128xf32, #tpu.memory_space<vmem>>, vector<1x16xf32>,
    %swap3A_2041 = arith.constant 10 : i32
    %swap3A_2042 = arith.index_cast %swap3A_2041 : i32 to index
    %swap3A_2043 = arith.constant 64 : index
    %swap3A_2044 = tpu.vector_load %arg13[%swap3A_2042, %swap3A_2043] {strides = array<i32>} : memref<16x128xf32, #tpu.memory_space<vmem>>, vector<1x16xf32>,
    %swap3A_2045 = vector.shape_cast %swap3A_2044 : vector<1x16xf32> to vector<16xf32>
    %swap3A_2046 = vector.shape_cast %broadcast_in_dim3A_1 : vector<16xf32> to vector<1x16xf32>
    tpu.vector_store %arg13[%swap3A_2042, %swap3A_2043], %swap3A_2046 {strides = array<i32>} : memref<16x128xf32, #tpu.memory_space<vmem>>, vector<1x16xf32>,
    %swap3A_2047 = arith.constant 10 : i32
    %swap3A_2048 = arith.index_cast %swap3A_2047 : i32 to index
    %swap3A_2049 = arith.constant 80 : index
    %swap3A_2050 = tpu.vector_load %arg13[%swap3A_2048, %swap3A_2049] {strides = array<i32>} : memref<16x128xf32, #tpu.memory_space<vmem>>, vector<1x16xf32>,
    %swap3A_2051 = vector.shape_cast %swap3A_2050 : vector<1x16xf32> to vector<16xf32>
    %swap3A_2052 = vector.shape_cast %broadcast_in_dim3A_1 : vector<16xf32> to vector<1x16xf32>
    tpu.vector_store %arg13[%swap3A_2048, %swap3A_2049], %swap3A_2052 {strides = array<i32>} : memref<16x128xf32, #tpu.memory_space<vmem>>, vector<1x16xf32>,
    %swap3A_2053 = arith.constant 10 : i32
    %swap3A_2054 = arith.index_cast %swap3A_2053 : i32 to index
    %swap3A_2055 = arith.constant 96 : index
    %swap3A_2056 = tpu.vector_load %arg13[%swap3A_2054, %swap3A_2055] {strides = array<i32>} : memref<16x128xf32, #tpu.memory_space<vmem>>, vector<1x16xf32>,
    %swap3A_2057 = vector.shape_cast %swap3A_2056 : vector<1x16xf32> to vector<16xf32>
    %swap3A_2058 = vector.shape_cast %broadcast_in_dim3A_1 : vector<16xf32> to vector<1x16xf32>
    tpu.vector_store %arg13[%swap3A_2054, %swap3A_2055], %swap3A_2058 {strides = array<i32>} : memref<16x128xf32, #tpu.memory_space<vmem>>, vector<1x16xf32>,
    %swap3A_2059 = arith.constant 10 : i32
    %swap3A_2060 = arith.index_cast %swap3A_2059 : i32 to index
    %swap3A_2061 = arith.constant 112 : index
    %swap3A_2062 = tpu.vector_load %arg13[%swap3A_2060, %swap3A_2061] {strides = array<i32>} : memref<16x128xf32, #tpu.memory_space<vmem>>, vector<1x16xf32>,
    %swap3A_2063 = vector.shape_cast %swap3A_2062 : vector<1x16xf32> to vector<16xf32>
    %swap3A_2064 = vector.shape_cast %broadcast_in_dim3A_1 : vector<16xf32> to vector<1x16xf32>
    tpu.vector_store %arg13[%swap3A_2060, %swap3A_2061], %swap3A_2064 {strides = array<i32>} : memref<16x128xf32, #tpu.memory_space<vmem>>, vector<1x16xf32>,
    %swap3A_2065 = arith.constant 11 : i32
    %swap3A_2066 = arith.index_cast %swap3A_2065 : i32 to index
    %swap3A_2067 = arith.constant 0 : index
    %swap3A_2068 = tpu.vector_load %arg13[%swap3A_2066, %swap3A_2067] {strides = array<i32>} : memref<16x128xf32, #tpu.memory_space<vmem>>, vector<1x16xf32>,
    %swap3A_2069 = vector.shape_cast %swap3A_2068 : vector<1x16xf32> to vector<16xf32>
    %swap3A_2070 = vector.shape_cast %broadcast_in_dim3A_1 : vector<16xf32> to vector<1x16xf32>
    tpu.vector_store %arg13[%swap3A_2066, %swap3A_2067], %swap3A_2070 {strides = array<i32>} : memref<16x128xf32, #tpu.memory_space<vmem>>, vector<1x16xf32>,
    %swap3A_2071 = arith.constant 11 : i32
    %swap3A_2072 = arith.index_cast %swap3A_2071 : i32 to index
    %swap3A_2073 = arith.constant 16 : index
    %swap3A_2074 = tpu.vector_load %arg13[%swap3A_2072, %swap3A_2073] {strides = array<i32>} : memref<16x128xf32, #tpu.memory_space<vmem>>, vector<1x16xf32>,
    %swap3A_2075 = vector.shape_cast %swap3A_2074 : vector<1x16xf32> to vector<16xf32>
    %swap3A_2076 = vector.shape_cast %broadcast_in_dim3A_1 : vector<16xf32> to vector<1x16xf32>
    tpu.vector_store %arg13[%swap3A_2072, %swap3A_2073], %swap3A_2076 {strides = array<i32>} : memref<16x128xf32, #tpu.memory_space<vmem>>, vector<1x16xf32>,
    %swap3A_2077 = arith.constant 11 : i32
    %swap3A_2078 = arith.index_cast %swap3A_2077 : i32 to index
    %swap3A_2079 = arith.constant 32 : index
    %swap3A_2080 = tpu.vector_load %arg13[%swap3A_2078, %swap3A_2079] {strides = array<i32>} : memref<16x128xf32, #tpu.memory_space<vmem>>, vector<1x16xf32>,
    %swap3A_2081 = vector.shape_cast %swap3A_2080 : vector<1x16xf32> to vector<16xf32>
    %swap3A_2082 = vector.shape_cast %broadcast_in_dim3A_1 : vector<16xf32> to vector<1x16xf32>
    tpu.vector_store %arg13[%swap3A_2078, %swap3A_2079], %swap3A_2082 {strides = array<i32>} : memref<16x128xf32, #tpu.memory_space<vmem>>, vector<1x16xf32>,
    %swap3A_2083 = arith.constant 11 : i32
    %swap3A_2084 = arith.index_cast %swap3A_2083 : i32 to index
    %swap3A_2085 = arith.constant 48 : index
    %swap3A_2086 = tpu.vector_load %arg13[%swap3A_2084, %swap3A_2085] {strides = array<i32>} : memref<16x128xf32, #tpu.memory_space<vmem>>, vector<1x16xf32>,
    %swap3A_2087 = vector.shape_cast %swap3A_2086 : vector<1x16xf32> to vector<16xf32>
    %swap3A_2088 = vector.shape_cast %broadcast_in_dim3A_1 : vector<16xf32> to vector<1x16xf32>
    tpu.vector_store %arg13[%swap3A_2084, %swap3A_2085], %swap3A_2088 {strides = array<i32>} : memref<16x128xf32, #tpu.memory_space<vmem>>, vector<1x16xf32>,
    %swap3A_2089 = arith.constant 11 : i32
    %swap3A_2090 = arith.index_cast %swap3A_2089 : i32 to index
    %swap3A_2091 = arith.constant 64 : index
    %swap3A_2092 = tpu.vector_load %arg13[%swap3A_2090, %swap3A_2091] {strides = array<i32>} : memref<16x128xf32, #tpu.memory_space<vmem>>, vector<1x16xf32>,
    %swap3A_2093 = vector.shape_cast %swap3A_2092 : vector<1x16xf32> to vector<16xf32>
    %swap3A_2094 = vector.shape_cast %broadcast_in_dim3A_1 : vector<16xf32> to vector<1x16xf32>
    tpu.vector_store %arg13[%swap3A_2090, %swap3A_2091], %swap3A_2094 {strides = array<i32>} : memref<16x128xf32, #tpu.memory_space<vmem>>, vector<1x16xf32>,
    %swap3A_2095 = arith.constant 11 : i32
    %swap3A_2096 = arith.index_cast %swap3A_2095 : i32 to index
    %swap3A_2097 = arith.constant 80 : index
    %swap3A_2098 = tpu.vector_load %arg13[%swap3A_2096, %swap3A_2097] {strides = array<i32>} : memref<16x128xf32, #tpu.memory_space<vmem>>, vector<1x16xf32>,
    %swap3A_2099 = vector.shape_cast %swap3A_2098 : vector<1x16xf32> to vector<16xf32>
    %swap3A_2100 = vector.shape_cast %broadcast_in_dim3A_1 : vector<16xf32> to vector<1x16xf32>
    tpu.vector_store %arg13[%swap3A_2096, %swap3A_2097], %swap3A_2100 {strides = array<i32>} : memref<16x128xf32, #tpu.memory_space<vmem>>, vector<1x16xf32>,
    %swap3A_2101 = arith.constant 11 : i32
    %swap3A_2102 = arith.index_cast %swap3A_2101 : i32 to index
    %swap3A_2103 = arith.constant 96 : index
    %swap3A_2104 = tpu.vector_load %arg13[%swap3A_2102, %swap3A_2103] {strides = array<i32>} : memref<16x128xf32, #tpu.memory_space<vmem>>, vector<1x16xf32>,
    %swap3A_2105 = vector.shape_cast %swap3A_2104 : vector<1x16xf32> to vector<16xf32>
    %swap3A_2106 = vector.shape_cast %broadcast_in_dim3A_1 : vector<16xf32> to vector<1x16xf32>
    tpu.vector_store %arg13[%swap3A_2102, %swap3A_2103], %swap3A_2106 {strides = array<i32>} : memref<16x128xf32, #tpu.memory_space<vmem>>, vector<1x16xf32>,
    %swap3A_2107 = arith.constant 11 : i32
    %swap3A_2108 = arith.index_cast %swap3A_2107 : i32 to index
    %swap3A_2109 = arith.constant 112 : index
    %swap3A_2110 = tpu.vector_load %arg13[%swap3A_2108, %swap3A_2109] {strides = array<i32>} : memref<16x128xf32, #tpu.memory_space<vmem>>, vector<1x16xf32>,
    %swap3A_2111 = vector.shape_cast %swap3A_2110 : vector<1x16xf32> to vector<16xf32>
    %swap3A_2112 = vector.shape_cast %broadcast_in_dim3A_1 : vector<16xf32> to vector<1x16xf32>
    tpu.vector_store %arg13[%swap3A_2108, %swap3A_2109], %swap3A_2112 {strides = array<i32>} : memref<16x128xf32, #tpu.memory_space<vmem>>, vector<1x16xf32>,
    %swap3A_2113 = arith.constant 12 : i32
    %swap3A_2114 = arith.index_cast %swap3A_2113 : i32 to index
    %swap3A_2115 = arith.constant 0 : index
    %swap3A_2116 = tpu.vector_load %arg13[%swap3A_2114, %swap3A_2115] {strides = array<i32>} : memref<16x128xf32, #tpu.memory_space<vmem>>, vector<1x16xf32>,
    %swap3A_2117 = vector.shape_cast %swap3A_2116 : vector<1x16xf32> to vector<16xf32>
    %swap3A_2118 = vector.shape_cast %broadcast_in_dim3A_1 : vector<16xf32> to vector<1x16xf32>
    tpu.vector_store %arg13[%swap3A_2114, %swap3A_2115], %swap3A_2118 {strides = array<i32>} : memref<16x128xf32, #tpu.memory_space<vmem>>, vector<1x16xf32>,
    %swap3A_2119 = arith.constant 12 : i32
    %swap3A_2120 = arith.index_cast %swap3A_2119 : i32 to index
    %swap3A_2121 = arith.constant 16 : index
    %swap3A_2122 = tpu.vector_load %arg13[%swap3A_2120, %swap3A_2121] {strides = array<i32>} : memref<16x128xf32, #tpu.memory_space<vmem>>, vector<1x16xf32>,
    %swap3A_2123 = vector.shape_cast %swap3A_2122 : vector<1x16xf32> to vector<16xf32>
    %swap3A_2124 = vector.shape_cast %broadcast_in_dim3A_1 : vector<16xf32> to vector<1x16xf32>
    tpu.vector_store %arg13[%swap3A_2120, %swap3A_2121], %swap3A_2124 {strides = array<i32>} : memref<16x128xf32, #tpu.memory_space<vmem>>, vector<1x16xf32>,
    %swap3A_2125 = arith.constant 12 : i32
    %swap3A_2126 = arith.index_cast %swap3A_2125 : i32 to index
    %swap3A_2127 = arith.constant 32 : index
    %swap3A_2128 = tpu.vector_load %arg13[%swap3A_2126, %swap3A_2127] {strides = array<i32>} : memref<16x128xf32, #tpu.memory_space<vmem>>, vector<1x16xf32>,
    %swap3A_2129 = vector.shape_cast %swap3A_2128 : vector<1x16xf32> to vector<16xf32>
    %swap3A_2130 = vector.shape_cast %broadcast_in_dim3A_1 : vector<16xf32> to vector<1x16xf32>
    tpu.vector_store %arg13[%swap3A_2126, %swap3A_2127], %swap3A_2130 {strides = array<i32>} : memref<16x128xf32, #tpu.memory_space<vmem>>, vector<1x16xf32>,
    %swap3A_2131 = arith.constant 12 : i32
    %swap3A_2132 = arith.index_cast %swap3A_2131 : i32 to index
    %swap3A_2133 = arith.constant 48 : index
    %swap3A_2134 = tpu.vector_load %arg13[%swap3A_2132, %swap3A_2133] {strides = array<i32>} : memref<16x128xf32, #tpu.memory_space<vmem>>, vector<1x16xf32>,
    %swap3A_2135 = vector.shape_cast %swap3A_2134 : vector<1x16xf32> to vector<16xf32>
    %swap3A_2136 = vector.shape_cast %broadcast_in_dim3A_1 : vector<16xf32> to vector<1x16xf32>
    tpu.vector_store %arg13[%swap3A_2132, %swap3A_2133], %swap3A_2136 {strides = array<i32>} : memref<16x128xf32, #tpu.memory_space<vmem>>, vector<1x16xf32>,
    %swap3A_2137 = arith.constant 12 : i32
    %swap3A_2138 = arith.index_cast %swap3A_2137 : i32 to index
    %swap3A_2139 = arith.constant 64 : index
    %swap3A_2140 = tpu.vector_load %arg13[%swap3A_2138, %swap3A_2139] {strides = array<i32>} : memref<16x128xf32, #tpu.memory_space<vmem>>, vector<1x16xf32>,
    %swap3A_2141 = vector.shape_cast %swap3A_2140 : vector<1x16xf32> to vector<16xf32>
    %swap3A_2142 = vector.shape_cast %broadcast_in_dim3A_1 : vector<16xf32> to vector<1x16xf32>
    tpu.vector_store %arg13[%swap3A_2138, %swap3A_2139], %swap3A_2142 {strides = array<i32>} : memref<16x128xf32, #tpu.memory_space<vmem>>, vector<1x16xf32>,
    %swap3A_2143 = arith.constant 12 : i32
    %swap3A_2144 = arith.index_cast %swap3A_2143 : i32 to index
    %swap3A_2145 = arith.constant 80 : index
    %swap3A_2146 = tpu.vector_load %arg13[%swap3A_2144, %swap3A_2145] {strides = array<i32>} : memref<16x128xf32, #tpu.memory_space<vmem>>, vector<1x16xf32>,
    %swap3A_2147 = vector.shape_cast %swap3A_2146 : vector<1x16xf32> to vector<16xf32>
    %swap3A_2148 = vector.shape_cast %broadcast_in_dim3A_1 : vector<16xf32> to vector<1x16xf32>
    tpu.vector_store %arg13[%swap3A_2144, %swap3A_2145], %swap3A_2148 {strides = array<i32>} : memref<16x128xf32, #tpu.memory_space<vmem>>, vector<1x16xf32>,
    %swap3A_2149 = arith.constant 12 : i32
    %swap3A_2150 = arith.index_cast %swap3A_2149 : i32 to index
    %swap3A_2151 = arith.constant 96 : index
    %swap3A_2152 = tpu.vector_load %arg13[%swap3A_2150, %swap3A_2151] {strides = array<i32>} : memref<16x128xf32, #tpu.memory_space<vmem>>, vector<1x16xf32>,
    %swap3A_2153 = vector.shape_cast %swap3A_2152 : vector<1x16xf32> to vector<16xf32>
    %swap3A_2154 = vector.shape_cast %broadcast_in_dim3A_1 : vector<16xf32> to vector<1x16xf32>
    tpu.vector_store %arg13[%swap3A_2150, %swap3A_2151], %swap3A_2154 {strides = array<i32>} : memref<16x128xf32, #tpu.memory_space<vmem>>, vector<1x16xf32>,
    %swap3A_2155 = arith.constant 12 : i32
    %swap3A_2156 = arith.index_cast %swap3A_2155 : i32 to index
    %swap3A_2157 = arith.constant 112 : index
    %swap3A_2158 = tpu.vector_load %arg13[%swap3A_2156, %swap3A_2157] {strides = array<i32>} : memref<16x128xf32, #tpu.memory_space<vmem>>, vector<1x16xf32>,
    %swap3A_2159 = vector.shape_cast %swap3A_2158 : vector<1x16xf32> to vector<16xf32>
    %swap3A_2160 = vector.shape_cast %broadcast_in_dim3A_1 : vector<16xf32> to vector<1x16xf32>
    tpu.vector_store %arg13[%swap3A_2156, %swap3A_2157], %swap3A_2160 {strides = array<i32>} : memref<16x128xf32, #tpu.memory_space<vmem>>, vector<1x16xf32>,
    %swap3A_2161 = arith.constant 13 : i32
    %swap3A_2162 = arith.index_cast %swap3A_2161 : i32 to index
    %swap3A_2163 = arith.constant 0 : index
    %swap3A_2164 = tpu.vector_load %arg13[%swap3A_2162, %swap3A_2163] {strides = array<i32>} : memref<16x128xf32, #tpu.memory_space<vmem>>, vector<1x16xf32>,
    %swap3A_2165 = vector.shape_cast %swap3A_2164 : vector<1x16xf32> to vector<16xf32>
    %swap3A_2166 = vector.shape_cast %broadcast_in_dim3A_1 : vector<16xf32> to vector<1x16xf32>
    tpu.vector_store %arg13[%swap3A_2162, %swap3A_2163], %swap3A_2166 {strides = array<i32>} : memref<16x128xf32, #tpu.memory_space<vmem>>, vector<1x16xf32>,
    %swap3A_2167 = arith.constant 13 : i32
    %swap3A_2168 = arith.index_cast %swap3A_2167 : i32 to index
    %swap3A_2169 = arith.constant 16 : index
    %swap3A_2170 = tpu.vector_load %arg13[%swap3A_2168, %swap3A_2169] {strides = array<i32>} : memref<16x128xf32, #tpu.memory_space<vmem>>, vector<1x16xf32>,
    %swap3A_2171 = vector.shape_cast %swap3A_2170 : vector<1x16xf32> to vector<16xf32>
    %swap3A_2172 = vector.shape_cast %broadcast_in_dim3A_1 : vector<16xf32> to vector<1x16xf32>
    tpu.vector_store %arg13[%swap3A_2168, %swap3A_2169], %swap3A_2172 {strides = array<i32>} : memref<16x128xf32, #tpu.memory_space<vmem>>, vector<1x16xf32>,
    %swap3A_2173 = arith.constant 13 : i32
    %swap3A_2174 = arith.index_cast %swap3A_2173 : i32 to index
    %swap3A_2175 = arith.constant 32 : index
    %swap3A_2176 = tpu.vector_load %arg13[%swap3A_2174, %swap3A_2175] {strides = array<i32>} : memref<16x128xf32, #tpu.memory_space<vmem>>, vector<1x16xf32>,
    %swap3A_2177 = vector.shape_cast %swap3A_2176 : vector<1x16xf32> to vector<16xf32>
    %swap3A_2178 = vector.shape_cast %broadcast_in_dim3A_1 : vector<16xf32> to vector<1x16xf32>
    tpu.vector_store %arg13[%swap3A_2174, %swap3A_2175], %swap3A_2178 {strides = array<i32>} : memref<16x128xf32, #tpu.memory_space<vmem>>, vector<1x16xf32>,
    %swap3A_2179 = arith.constant 13 : i32
    %swap3A_2180 = arith.index_cast %swap3A_2179 : i32 to index
    %swap3A_2181 = arith.constant 48 : index
    %swap3A_2182 = tpu.vector_load %arg13[%swap3A_2180, %swap3A_2181] {strides = array<i32>} : memref<16x128xf32, #tpu.memory_space<vmem>>, vector<1x16xf32>,
    %swap3A_2183 = vector.shape_cast %swap3A_2182 : vector<1x16xf32> to vector<16xf32>
    %swap3A_2184 = vector.shape_cast %broadcast_in_dim3A_1 : vector<16xf32> to vector<1x16xf32>
    tpu.vector_store %arg13[%swap3A_2180, %swap3A_2181], %swap3A_2184 {strides = array<i32>} : memref<16x128xf32, #tpu.memory_space<vmem>>, vector<1x16xf32>,
    %swap3A_2185 = arith.constant 13 : i32
    %swap3A_2186 = arith.index_cast %swap3A_2185 : i32 to index
    %swap3A_2187 = arith.constant 64 : index
    %swap3A_2188 = tpu.vector_load %arg13[%swap3A_2186, %swap3A_2187] {strides = array<i32>} : memref<16x128xf32, #tpu.memory_space<vmem>>, vector<1x16xf32>,
    %swap3A_2189 = vector.shape_cast %swap3A_2188 : vector<1x16xf32> to vector<16xf32>
    %swap3A_2190 = vector.shape_cast %broadcast_in_dim3A_1 : vector<16xf32> to vector<1x16xf32>
    tpu.vector_store %arg13[%swap3A_2186, %swap3A_2187], %swap3A_2190 {strides = array<i32>} : memref<16x128xf32, #tpu.memory_space<vmem>>, vector<1x16xf32>,
    %swap3A_2191 = arith.constant 13 : i32
    %swap3A_2192 = arith.index_cast %swap3A_2191 : i32 to index
    %swap3A_2193 = arith.constant 80 : index
    %swap3A_2194 = tpu.vector_load %arg13[%swap3A_2192, %swap3A_2193] {strides = array<i32>} : memref<16x128xf32, #tpu.memory_space<vmem>>, vector<1x16xf32>,
    %swap3A_2195 = vector.shape_cast %swap3A_2194 : vector<1x16xf32> to vector<16xf32>
    %swap3A_2196 = vector.shape_cast %broadcast_in_dim3A_1 : vector<16xf32> to vector<1x16xf32>
    tpu.vector_store %arg13[%swap3A_2192, %swap3A_2193], %swap3A_2196 {strides = array<i32>} : memref<16x128xf32, #tpu.memory_space<vmem>>, vector<1x16xf32>,
    %swap3A_2197 = arith.constant 13 : i32
    %swap3A_2198 = arith.index_cast %swap3A_2197 : i32 to index
    %swap3A_2199 = arith.constant 96 : index
    %swap3A_2200 = tpu.vector_load %arg13[%swap3A_2198, %swap3A_2199] {strides = array<i32>} : memref<16x128xf32, #tpu.memory_space<vmem>>, vector<1x16xf32>,
    %swap3A_2201 = vector.shape_cast %swap3A_2200 : vector<1x16xf32> to vector<16xf32>
    %swap3A_2202 = vector.shape_cast %broadcast_in_dim3A_1 : vector<16xf32> to vector<1x16xf32>
    tpu.vector_store %arg13[%swap3A_2198, %swap3A_2199], %swap3A_2202 {strides = array<i32>} : memref<16x128xf32, #tpu.memory_space<vmem>>, vector<1x16xf32>,
    %swap3A_2203 = arith.constant 13 : i32
    %swap3A_2204 = arith.index_cast %swap3A_2203 : i32 to index
    %swap3A_2205 = arith.constant 112 : index
    %swap3A_2206 = tpu.vector_load %arg13[%swap3A_2204, %swap3A_2205] {strides = array<i32>} : memref<16x128xf32, #tpu.memory_space<vmem>>, vector<1x16xf32>,
    %swap3A_2207 = vector.shape_cast %swap3A_2206 : vector<1x16xf32> to vector<16xf32>
    %swap3A_2208 = vector.shape_cast %broadcast_in_dim3A_1 : vector<16xf32> to vector<1x16xf32>
    tpu.vector_store %arg13[%swap3A_2204, %swap3A_2205], %swap3A_2208 {strides = array<i32>} : memref<16x128xf32, #tpu.memory_space<vmem>>, vector<1x16xf32>,
    %swap3A_2209 = arith.constant 14 : i32
    %swap3A_2210 = arith.index_cast %swap3A_2209 : i32 to index
    %swap3A_2211 = arith.constant 0 : index
    %swap3A_2212 = tpu.vector_load %arg13[%swap3A_2210, %swap3A_2211] {strides = array<i32>} : memref<16x128xf32, #tpu.memory_space<vmem>>, vector<1x16xf32>,
    %swap3A_2213 = vector.shape_cast %swap3A_2212 : vector<1x16xf32> to vector<16xf32>
    %swap3A_2214 = vector.shape_cast %broadcast_in_dim3A_1 : vector<16xf32> to vector<1x16xf32>
    tpu.vector_store %arg13[%swap3A_2210, %swap3A_2211], %swap3A_2214 {strides = array<i32>} : memref<16x128xf32, #tpu.memory_space<vmem>>, vector<1x16xf32>,
    %swap3A_2215 = arith.constant 14 : i32
    %swap3A_2216 = arith.index_cast %swap3A_2215 : i32 to index
    %swap3A_2217 = arith.constant 16 : index
    %swap3A_2218 = tpu.vector_load %arg13[%swap3A_2216, %swap3A_2217] {strides = array<i32>} : memref<16x128xf32, #tpu.memory_space<vmem>>, vector<1x16xf32>,
    %swap3A_2219 = vector.shape_cast %swap3A_2218 : vector<1x16xf32> to vector<16xf32>
    %swap3A_2220 = vector.shape_cast %broadcast_in_dim3A_1 : vector<16xf32> to vector<1x16xf32>
    tpu.vector_store %arg13[%swap3A_2216, %swap3A_2217], %swap3A_2220 {strides = array<i32>} : memref<16x128xf32, #tpu.memory_space<vmem>>, vector<1x16xf32>,
    %swap3A_2221 = arith.constant 14 : i32
    %swap3A_2222 = arith.index_cast %swap3A_2221 : i32 to index
    %swap3A_2223 = arith.constant 32 : index
    %swap3A_2224 = tpu.vector_load %arg13[%swap3A_2222, %swap3A_2223] {strides = array<i32>} : memref<16x128xf32, #tpu.memory_space<vmem>>, vector<1x16xf32>,
    %swap3A_2225 = vector.shape_cast %swap3A_2224 : vector<1x16xf32> to vector<16xf32>
    %swap3A_2226 = vector.shape_cast %broadcast_in_dim3A_1 : vector<16xf32> to vector<1x16xf32>
    tpu.vector_store %arg13[%swap3A_2222, %swap3A_2223], %swap3A_2226 {strides = array<i32>} : memref<16x128xf32, #tpu.memory_space<vmem>>, vector<1x16xf32>,
    %swap3A_2227 = arith.constant 14 : i32
    %swap3A_2228 = arith.index_cast %swap3A_2227 : i32 to index
    %swap3A_2229 = arith.constant 48 : index
    %swap3A_2230 = tpu.vector_load %arg13[%swap3A_2228, %swap3A_2229] {strides = array<i32>} : memref<16x128xf32, #tpu.memory_space<vmem>>, vector<1x16xf32>,
    %swap3A_2231 = vector.shape_cast %swap3A_2230 : vector<1x16xf32> to vector<16xf32>
    %swap3A_2232 = vector.shape_cast %broadcast_in_dim3A_1 : vector<16xf32> to vector<1x16xf32>
    tpu.vector_store %arg13[%swap3A_2228, %swap3A_2229], %swap3A_2232 {strides = array<i32>} : memref<16x128xf32, #tpu.memory_space<vmem>>, vector<1x16xf32>,
    %swap3A_2233 = arith.constant 14 : i32
    %swap3A_2234 = arith.index_cast %swap3A_2233 : i32 to index
    %swap3A_2235 = arith.constant 64 : index
    %swap3A_2236 = tpu.vector_load %arg13[%swap3A_2234, %swap3A_2235] {strides = array<i32>} : memref<16x128xf32, #tpu.memory_space<vmem>>, vector<1x16xf32>,
    %swap3A_2237 = vector.shape_cast %swap3A_2236 : vector<1x16xf32> to vector<16xf32>
    %swap3A_2238 = vector.shape_cast %broadcast_in_dim3A_1 : vector<16xf32> to vector<1x16xf32>
    tpu.vector_store %arg13[%swap3A_2234, %swap3A_2235], %swap3A_2238 {strides = array<i32>} : memref<16x128xf32, #tpu.memory_space<vmem>>, vector<1x16xf32>,
    %swap3A_2239 = arith.constant 14 : i32
    %swap3A_2240 = arith.index_cast %swap3A_2239 : i32 to index
    %swap3A_2241 = arith.constant 80 : index
    %swap3A_2242 = tpu.vector_load %arg13[%swap3A_2240, %swap3A_2241] {strides = array<i32>} : memref<16x128xf32, #tpu.memory_space<vmem>>, vector<1x16xf32>,
    %swap3A_2243 = vector.shape_cast %swap3A_2242 : vector<1x16xf32> to vector<16xf32>
    %swap3A_2244 = vector.shape_cast %broadcast_in_dim3A_1 : vector<16xf32> to vector<1x16xf32>
    tpu.vector_store %arg13[%swap3A_2240, %swap3A_2241], %swap3A_2244 {strides = array<i32>} : memref<16x128xf32, #tpu.memory_space<vmem>>, vector<1x16xf32>,
    %swap3A_2245 = arith.constant 14 : i32
    %swap3A_2246 = arith.index_cast %swap3A_2245 : i32 to index
    %swap3A_2247 = arith.constant 96 : index
    %swap3A_2248 = tpu.vector_load %arg13[%swap3A_2246, %swap3A_2247] {strides = array<i32>} : memref<16x128xf32, #tpu.memory_space<vmem>>, vector<1x16xf32>,
    %swap3A_2249 = vector.shape_cast %swap3A_2248 : vector<1x16xf32> to vector<16xf32>
    %swap3A_2250 = vector.shape_cast %broadcast_in_dim3A_1 : vector<16xf32> to vector<1x16xf32>
    tpu.vector_store %arg13[%swap3A_2246, %swap3A_2247], %swap3A_2250 {strides = array<i32>} : memref<16x128xf32, #tpu.memory_space<vmem>>, vector<1x16xf32>,
    %swap3A_2251 = arith.constant 14 : i32
    %swap3A_2252 = arith.index_cast %swap3A_2251 : i32 to index
    %swap3A_2253 = arith.constant 112 : index
    %swap3A_2254 = tpu.vector_load %arg13[%swap3A_2252, %swap3A_2253] {strides = array<i32>} : memref<16x128xf32, #tpu.memory_space<vmem>>, vector<1x16xf32>,
    %swap3A_2255 = vector.shape_cast %swap3A_2254 : vector<1x16xf32> to vector<16xf32>
    %swap3A_2256 = vector.shape_cast %broadcast_in_dim3A_1 : vector<16xf32> to vector<1x16xf32>
    tpu.vector_store %arg13[%swap3A_2252, %swap3A_2253], %swap3A_2256 {strides = array<i32>} : memref<16x128xf32, #tpu.memory_space<vmem>>, vector<1x16xf32>,
    %swap3A_2257 = arith.constant 15 : i32
    %swap3A_2258 = arith.index_cast %swap3A_2257 : i32 to index
    %swap3A_2259 = arith.constant 0 : index
    %swap3A_2260 = tpu.vector_load %arg13[%swap3A_2258, %swap3A_2259] {strides = array<i32>} : memref<16x128xf32, #tpu.memory_space<vmem>>, vector<1x16xf32>,
    %swap3A_2261 = vector.shape_cast %swap3A_2260 : vector<1x16xf32> to vector<16xf32>
    %swap3A_2262 = vector.shape_cast %broadcast_in_dim3A_1 : vector<16xf32> to vector<1x16xf32>
    tpu.vector_store %arg13[%swap3A_2258, %swap3A_2259], %swap3A_2262 {strides = array<i32>} : memref<16x128xf32, #tpu.memory_space<vmem>>, vector<1x16xf32>,
    %swap3A_2263 = arith.constant 15 : i32
    %swap3A_2264 = arith.index_cast %swap3A_2263 : i32 to index
    %swap3A_2265 = arith.constant 16 : index
    %swap3A_2266 = tpu.vector_load %arg13[%swap3A_2264, %swap3A_2265] {strides = array<i32>} : memref<16x128xf32, #tpu.memory_space<vmem>>, vector<1x16xf32>,
    %swap3A_2267 = vector.shape_cast %swap3A_2266 : vector<1x16xf32> to vector<16xf32>
    %swap3A_2268 = vector.shape_cast %broadcast_in_dim3A_1 : vector<16xf32> to vector<1x16xf32>
    tpu.vector_store %arg13[%swap3A_2264, %swap3A_2265], %swap3A_2268 {strides = array<i32>} : memref<16x128xf32, #tpu.memory_space<vmem>>, vector<1x16xf32>,
    %swap3A_2269 = arith.constant 15 : i32
    %swap3A_2270 = arith.index_cast %swap3A_2269 : i32 to index
    %swap3A_2271 = arith.constant 32 : index
    %swap3A_2272 = tpu.vector_load %arg13[%swap3A_2270, %swap3A_2271] {strides = array<i32>} : memref<16x128xf32, #tpu.memory_space<vmem>>, vector<1x16xf32>,
    %swap3A_2273 = vector.shape_cast %swap3A_2272 : vector<1x16xf32> to vector<16xf32>
    %swap3A_2274 = vector.shape_cast %broadcast_in_dim3A_1 : vector<16xf32> to vector<1x16xf32>
    tpu.vector_store %arg13[%swap3A_2270, %swap3A_2271], %swap3A_2274 {strides = array<i32>} : memref<16x128xf32, #tpu.memory_space<vmem>>, vector<1x16xf32>,
    %swap3A_2275 = arith.constant 15 : i32
    %swap3A_2276 = arith.index_cast %swap3A_2275 : i32 to index
    %swap3A_2277 = arith.constant 48 : index
    %swap3A_2278 = tpu.vector_load %arg13[%swap3A_2276, %swap3A_2277] {strides = array<i32>} : memref<16x128xf32, #tpu.memory_space<vmem>>, vector<1x16xf32>,
    %swap3A_2279 = vector.shape_cast %swap3A_2278 : vector<1x16xf32> to vector<16xf32>
    %swap3A_2280 = vector.shape_cast %broadcast_in_dim3A_1 : vector<16xf32> to vector<1x16xf32>
    tpu.vector_store %arg13[%swap3A_2276, %swap3A_2277], %swap3A_2280 {strides = array<i32>} : memref<16x128xf32, #tpu.memory_space<vmem>>, vector<1x16xf32>,
    %swap3A_2281 = arith.constant 15 : i32
    %swap3A_2282 = arith.index_cast %swap3A_2281 : i32 to index
    %swap3A_2283 = arith.constant 64 : index
    %swap3A_2284 = tpu.vector_load %arg13[%swap3A_2282, %swap3A_2283] {strides = array<i32>} : memref<16x128xf32, #tpu.memory_space<vmem>>, vector<1x16xf32>,
    %swap3A_2285 = vector.shape_cast %swap3A_2284 : vector<1x16xf32> to vector<16xf32>
    %swap3A_2286 = vector.shape_cast %broadcast_in_dim3A_1 : vector<16xf32> to vector<1x16xf32>
    tpu.vector_store %arg13[%swap3A_2282, %swap3A_2283], %swap3A_2286 {strides = array<i32>} : memref<16x128xf32, #tpu.memory_space<vmem>>, vector<1x16xf32>,
    %swap3A_2287 = arith.constant 15 : i32
    %swap3A_2288 = arith.index_cast %swap3A_2287 : i32 to index
    %swap3A_2289 = arith.constant 80 : index
    %swap3A_2290 = tpu.vector_load %arg13[%swap3A_2288, %swap3A_2289] {strides = array<i32>} : memref<16x128xf32, #tpu.memory_space<vmem>>, vector<1x16xf32>,
    %swap3A_2291 = vector.shape_cast %swap3A_2290 : vector<1x16xf32> to vector<16xf32>
    %swap3A_2292 = vector.shape_cast %broadcast_in_dim3A_1 : vector<16xf32> to vector<1x16xf32>
    tpu.vector_store %arg13[%swap3A_2288, %swap3A_2289], %swap3A_2292 {strides = array<i32>} : memref<16x128xf32, #tpu.memory_space<vmem>>, vector<1x16xf32>,
    %swap3A_2293 = arith.constant 15 : i32
    %swap3A_2294 = arith.index_cast %swap3A_2293 : i32 to index
    %swap3A_2295 = arith.constant 96 : index
    %swap3A_2296 = tpu.vector_load %arg13[%swap3A_2294, %swap3A_2295] {strides = array<i32>} : memref<16x128xf32, #tpu.memory_space<vmem>>, vector<1x16xf32>,
    %swap3A_2297 = vector.shape_cast %swap3A_2296 : vector<1x16xf32> to vector<16xf32>
    %swap3A_2298 = vector.shape_cast %broadcast_in_dim3A_1 : vector<16xf32> to vector<1x16xf32>
    tpu.vector_store %arg13[%swap3A_2294, %swap3A_2295], %swap3A_2298 {strides = array<i32>} : memref<16x128xf32, #tpu.memory_space<vmem>>, vector<1x16xf32>,
    %swap3A_2299 = arith.constant 15 : i32
    %swap3A_2300 = arith.index_cast %swap3A_2299 : i32 to index
    %swap3A_2301 = arith.constant 112 : index
    %swap3A_2302 = tpu.vector_load %arg13[%swap3A_2300, %swap3A_2301] {strides = array<i32>} : memref<16x128xf32, #tpu.memory_space<vmem>>, vector<1x16xf32>,
    %swap3A_2303 = vector.shape_cast %swap3A_2302 : vector<1x16xf32> to vector<16xf32>
    %swap3A_2304 = vector.shape_cast %broadcast_in_dim3A_1 : vector<16xf32> to vector<1x16xf32>
    tpu.vector_store %arg13[%swap3A_2300, %swap3A_2301], %swap3A_2304 {strides = array<i32>} : memref<16x128xf32, #tpu.memory_space<vmem>>, vector<1x16xf32>,
    %scan3A = arith.constant 0 : i32
    %scan3A_2305 = arith.constant 0 : i32
    %scan3A_2306 = arith.constant 512 : i32
    %scan3A_2307 = arith.addi %scan3A_2305, %scan3A_2306 : i32
    %scan3A_2308 = arith.constant 1 : i32
    scf.for %scan3A_2655 = %scan3A_2305 to %scan3A_2307 step %scan3A_2308  : i32 {
      %swap3A_2656 = arith.constant 0.000000e+00 : f32
      %swap3A_2657 = arith.index_cast %scan3A_2655 : i32 to index
      %swap3A_2658 = memref.load %arg17[%swap3A_2657] : memref<512xf32, #tpu.memory_space<smem>>
      memref.store %swap3A_2656, %arg17[%swap3A_2657] : memref<512xf32, #tpu.memory_space<smem>>
    }
    %scan3A_2309 = arith.constant 512 : i32
    "tpu.region"() ({
      %run_scoped3A = tpu.sem_alloc : memref<!tpu.dma_semaphore, #tpu.memory_space<semaphore_mem>>
      tpu.enqueue_dma source(%arg4 : memref<16xi32, #tpu.memory_space<hbm>>) target(%arg14 : memref<16xi32, #tpu.memory_space<vmem>>) target_semaphore(%run_scoped3A : memref<!tpu.dma_semaphore, #tpu.memory_space<semaphore_mem>>)
      tpu.wait_dma2 semaphore(%run_scoped3A : memref<!tpu.dma_semaphore, #tpu.memory_space<semaphore_mem>>) src(%arg4 : memref<16xi32, #tpu.memory_space<hbm>>) dst(%arg14 : memref<16xi32, #tpu.memory_space<vmem>>)
      tpu.yield
    }) : () -> ()
    %mul3A_2310 = arith.constant 32 : i32
    %mul3A_2311 = arith.muli %arg1, %mul3A_2310 : i32
    "tpu.region"() ({
      %run_scoped3A = tpu.sem_alloc : memref<!tpu.dma_semaphore, #tpu.memory_space<semaphore_mem>>
      %dma_start3A_2655 = arith.constant 0 : i32
      %dma_start3A_2656 = tpu.memref_slice %arg18[%mul3A_2311, %dma_start3A_2655] : memref<512x128xf32, #tpu.memory_space<vmem_shared>> -> memref<32x128xf32, #tpu.memory_space<vmem_shared>>
      %dma_start3A_2657 = arith.constant 0 : i32
      %dma_start3A_2658 = tpu.memref_slice %arg18[%mul3A_2311, %dma_start3A_2657] : memref<512x128xf32, #tpu.memory_space<vmem_shared>> -> memref<32x128xf32, #tpu.memory_space<vmem_shared>>
      tpu.enqueue_dma source(%arg11 : memref<32x128xf32, #tpu.memory_space<vmem>>) target(%dma_start3A_2658 : memref<32x128xf32, #tpu.memory_space<vmem_shared>>) target_semaphore(%run_scoped3A : memref<!tpu.dma_semaphore, #tpu.memory_space<semaphore_mem>>)
      %dma_wait3A = arith.constant 0 : i32
      %dma_wait3A_2659 = tpu.memref_slice %arg18[%mul3A_2311, %dma_wait3A] : memref<512x128xf32, #tpu.memory_space<vmem_shared>> -> memref<32x128xf32, #tpu.memory_space<vmem_shared>>
      %dma_wait3A_2660 = arith.constant 0 : i32
      %dma_wait3A_2661 = tpu.memref_slice %arg18[%mul3A_2311, %dma_wait3A_2660] : memref<512x128xf32, #tpu.memory_space<vmem_shared>> -> memref<32x128xf32, #tpu.memory_space<vmem_shared>>
      tpu.wait_dma2 semaphore(%run_scoped3A : memref<!tpu.dma_semaphore, #tpu.memory_space<semaphore_mem>>) src(%arg11 : memref<32x128xf32, #tpu.memory_space<vmem>>) dst(%dma_wait3A_2661 : memref<32x128xf32, #tpu.memory_space<vmem_shared>>)
      tpu.yield
    }) : () -> ()
    %eq3A = arith.constant 0 : i32
    %eq3A_2312 = arith.cmpi eq, %arg1, %eq3A : i32
    %convert_element_type3A = arith.extui %eq3A_2312 : i1 to i32
    %cond3A = arith.constant 0 : i32
    %cond3A_2313 = arith.cmpi ne, %convert_element_type3A, %cond3A : i32
    scf.if %cond3A_2313 {
      "tpu.region"() ({
        %run_scoped3A = tpu.sem_alloc : memref<!tpu.dma_semaphore, #tpu.memory_space<semaphore_mem>>
        tpu.enqueue_dma source(%arg13 : memref<16x128xf32, #tpu.memory_space<vmem>>) target(%arg19 : memref<16x128xf32, #tpu.memory_space<vmem_shared>>) target_semaphore(%run_scoped3A : memref<!tpu.dma_semaphore, #tpu.memory_space<semaphore_mem>>)
        tpu.wait_dma2 semaphore(%run_scoped3A : memref<!tpu.dma_semaphore, #tpu.memory_space<semaphore_mem>>) src(%arg13 : memref<16x128xf32, #tpu.memory_space<vmem>>) dst(%arg19 : memref<16x128xf32, #tpu.memory_space<vmem_shared>>)
        tpu.yield
      }) : () -> ()
    } else {
    }
    %barrier3A = arith.constant 0 : index
    tpu.barrier barrier_id(%barrier3A)
    %lt3A = arith.constant 13 : i32
    %lt3A_2314 = arith.cmpi slt, %add3A, %lt3A : i32
    %mul3A_2315 = arith.constant 25 : i32
    %mul3A_2316 = arith.muli %add3A, %mul3A_2315 : i32
    %mul3A_2317 = arith.constant 128 : i32
    %mul3A_2318 = arith.muli %mul3A_2316, %mul3A_2317 : i32
    %sub3A = arith.constant 13 : i32
    %sub3A_2319 = arith.subi %add3A, %sub3A : i32
    %mul3A_2320 = arith.constant 24 : i32
    %mul3A_2321 = arith.muli %sub3A_2319, %mul3A_2320 : i32
    %mul3A_2322 = arith.constant 128 : i32
    %mul3A_2323 = arith.muli %mul3A_2321, %mul3A_2322 : i32
    %add3A_2324 = arith.constant 41600 : i32
    %add3A_2325 = arith.addi %add3A_2324, %mul3A_2323 : i32
    %select_n3A = arith.select %lt3A_2314, %mul3A_2318, %add3A_2325 : i32
    %lt3A_2326 = arith.constant 13 : i32
    %lt3A_2327 = arith.cmpi slt, %add3A, %lt3A_2326 : i32
    %jit3A = arith.constant 25 : i32
    %jit3A_2328 = arith.constant 24 : i32
    %select_n3A_2329 = arith.select %lt3A_2327, %jit3A, %jit3A_2328 : i32
    %add3A_2330 = arith.constant 0 : i32
    %add3A_2331 = arith.addi %select_n3A, %add3A_2330 : i32
    %dma_start3A = tpu.memref_slice %arg3[%add3A_2331] : memref<100000xi32, #tpu.memory_space<hbm>> -> memref<128xi32, #tpu.memory_space<hbm>>
    %dma_start3A_2332 = tpu.memref_slice %arg3[%add3A_2331] : memref<100000xi32, #tpu.memory_space<hbm>> -> memref<128xi32, #tpu.memory_space<hbm>>
    tpu.enqueue_dma source(%dma_start3A_2332 : memref<128xi32, #tpu.memory_space<hbm>>) target(%arg7 : memref<128xi32, #tpu.memory_space<vmem>>) target_semaphore(%arg20 : memref<!tpu.dma_semaphore, #tpu.memory_space<semaphore_mem>>)
    %dma_start3A_2333 = arith.constant 0 : i32
    %dma_start3A_2334 = tpu.memref_slice %arg2[%add3A_2331, %dma_start3A_2333] : memref<100000x128xf32, #tpu.memory_space<hbm>> -> memref<128x128xf32, #tpu.memory_space<hbm>>
    %dma_start3A_2335 = arith.constant 0 : i32
    %dma_start3A_2336 = tpu.memref_slice %arg2[%add3A_2331, %dma_start3A_2335] : memref<100000x128xf32, #tpu.memory_space<hbm>> -> memref<128x128xf32, #tpu.memory_space<hbm>>
    tpu.enqueue_dma source(%dma_start3A_2336 : memref<128x128xf32, #tpu.memory_space<hbm>>) target(%arg9 : memref<128x128xf32, #tpu.memory_space<vmem>>) target_semaphore(%arg20 : memref<!tpu.dma_semaphore, #tpu.memory_space<semaphore_mem>>)
    %add3A_2337 = arith.constant 128 : i32
    %add3A_2338 = arith.addi %select_n3A, %add3A_2337 : i32
    %dma_start3A_2339 = tpu.memref_slice %arg3[%add3A_2338] : memref<100000xi32, #tpu.memory_space<hbm>> -> memref<128xi32, #tpu.memory_space<hbm>>
    %dma_start3A_2340 = tpu.memref_slice %arg3[%add3A_2338] : memref<100000xi32, #tpu.memory_space<hbm>> -> memref<128xi32, #tpu.memory_space<hbm>>
    tpu.enqueue_dma source(%dma_start3A_2340 : memref<128xi32, #tpu.memory_space<hbm>>) target(%arg8 : memref<128xi32, #tpu.memory_space<vmem>>) target_semaphore(%arg21 : memref<!tpu.dma_semaphore, #tpu.memory_space<semaphore_mem>>)
    %dma_start3A_2341 = arith.constant 0 : i32
    %dma_start3A_2342 = tpu.memref_slice %arg2[%add3A_2338, %dma_start3A_2341] : memref<100000x128xf32, #tpu.memory_space<hbm>> -> memref<128x128xf32, #tpu.memory_space<hbm>>
    %dma_start3A_2343 = arith.constant 0 : i32
    %dma_start3A_2344 = tpu.memref_slice %arg2[%add3A_2338, %dma_start3A_2343] : memref<100000x128xf32, #tpu.memory_space<hbm>> -> memref<128x128xf32, #tpu.memory_space<hbm>>
    tpu.enqueue_dma source(%dma_start3A_2344 : memref<128x128xf32, #tpu.memory_space<hbm>>) target(%arg10 : memref<128x128xf32, #tpu.memory_space<vmem>>) target_semaphore(%arg21 : memref<!tpu.dma_semaphore, #tpu.memory_space<semaphore_mem>>)
    %scan3A_2345 = arith.constant 0 : i32
    %scan3A_2346 = arith.constant 0 : i32
    %scan3A_2347 = arith.constant 13 : i32
    %scan3A_2348 = arith.addi %scan3A_2346, %scan3A_2347 : i32
    %scan3A_2349 = arith.constant 1 : i32
    scf.for %scan3A_2655 = %scan3A_2346 to %scan3A_2348 step %scan3A_2349  : i32 {
      %mul3A_2656 = arith.constant 2 : i32
      %mul3A_2657 = arith.muli %scan3A_2655, %mul3A_2656 : i32
      %add3A_2658 = arith.constant 0 : i32
      %add3A_2659 = arith.addi %mul3A_2657, %add3A_2658 : i32
      %lt3A_2660 = arith.cmpi slt, %add3A_2659, %select_n3A_2329 : i32
      %convert_element_type3A_2661 = arith.extui %lt3A_2660 : i1 to i32
      %cond3A_2662 = arith.constant 0 : i32
      %cond3A_2663 = arith.cmpi ne, %convert_element_type3A_2661, %cond3A_2662 : i32
      scf.if %cond3A_2663 {
        %mul3A_2684 = arith.constant 128 : i32
        %mul3A_2685 = arith.muli %add3A_2659, %mul3A_2684 : i32
        %add3A_2686 = arith.addi %select_n3A, %mul3A_2685 : i32
        %dma_wait3A = tpu.memref_slice %arg3[%add3A_2686] : memref<100000xi32, #tpu.memory_space<hbm>> -> memref<128xi32, #tpu.memory_space<hbm>>
        %dma_wait3A_2687 = tpu.memref_slice %arg3[%add3A_2686] : memref<100000xi32, #tpu.memory_space<hbm>> -> memref<128xi32, #tpu.memory_space<hbm>>
        tpu.wait_dma2 semaphore(%arg20 : memref<!tpu.dma_semaphore, #tpu.memory_space<semaphore_mem>>) src(%dma_wait3A_2687 : memref<128xi32, #tpu.memory_space<hbm>>) dst(%arg7 : memref<128xi32, #tpu.memory_space<vmem>>)
        %dma_wait3A_2688 = arith.constant 0 : i32
        %dma_wait3A_2689 = tpu.memref_slice %arg2[%add3A_2686, %dma_wait3A_2688] : memref<100000x128xf32, #tpu.memory_space<hbm>> -> memref<128x128xf32, #tpu.memory_space<hbm>>
        %dma_wait3A_2690 = arith.constant 0 : i32
        %dma_wait3A_2691 = tpu.memref_slice %arg2[%add3A_2686, %dma_wait3A_2690] : memref<100000x128xf32, #tpu.memory_space<hbm>> -> memref<128x128xf32, #tpu.memory_space<hbm>>
        tpu.wait_dma2 semaphore(%arg20 : memref<!tpu.dma_semaphore, #tpu.memory_space<semaphore_mem>>) src(%dma_wait3A_2691 : memref<128x128xf32, #tpu.memory_space<hbm>>) dst(%arg9 : memref<128x128xf32, #tpu.memory_space<vmem>>)
        %dma_start3A_2692 = arith.constant 0 : i32
        %dma_start3A_2693 = arith.constant 0 : i32
        %dma_start3A_2694 = tpu.memref_slice %arg18[%dma_start3A_2692, %dma_start3A_2693] : memref<512x128xf32, #tpu.memory_space<vmem_shared>> -> memref<512x128xf32, #tpu.memory_space<vmem_shared>>
        tpu.enqueue_indirect_dma source(%arg9 : memref<128x128xf32, #tpu.memory_space<vmem>>) target(%dma_start3A_2694 : memref<512x128xf32, #tpu.memory_space<vmem_shared>>) offsets(%arg7 : memref<128xi32, #tpu.memory_space<vmem>>) semaphore(%arg22 : memref<!tpu.dma_semaphore, #tpu.memory_space<semaphore_mem>>) {add = true}
        %scan3A_2695 = arith.constant 0 : i32
        %scan3A_2696 = arith.constant 0 : i32
        %scan3A_2697 = arith.constant 8 : i32
        %scan3A_2698 = arith.addi %scan3A_2696, %scan3A_2697 : i32
        %scan3A_2699 = arith.constant 1 : i32
        scf.for %scan3A_2704 = %scan3A_2696 to %scan3A_2698 step %scan3A_2699  : i32 {
          %mul3A_2705 = arith.constant 16 : i32
          %mul3A_2706 = arith.muli %scan3A_2704, %mul3A_2705 : i32
          %get3A_2707 = arith.index_cast %mul3A_2706 : i32 to index
          %get3A_2708 = tpu.vector_load %arg7[%get3A_2707] {strides = array<i32>} : memref<128xi32, #tpu.memory_space<vmem>>, vector<16xi32>,
          %get3A_2709 = vector.shape_cast %get3A_2708 : vector<16xi32> to vector<16xi32>
          %slice3A = vector.extract_strided_slice %get3A_2709 {offsets = [0], sizes = [1], strides = [1]} : vector<16xi32> to vector<1xi32>
          %squeeze3A = vector.extract %slice3A[0] : i32 from vector<1xi32>
          %get3A_2710 = arith.index_cast %squeeze3A : i32 to index
          %get3A_2711 = memref.load %arg17[%get3A_2710] : memref<512xf32, #tpu.memory_space<smem>>
          %add3A_2712 = arith.constant 1.000000e+00 : f32
          %add3A_2713 = arith.addf %get3A_2711, %add3A_2712 : f32
          %swap3A_2714 = arith.index_cast %squeeze3A : i32 to index
          %swap3A_2715 = memref.load %arg17[%swap3A_2714] : memref<512xf32, #tpu.memory_space<smem>>
          memref.store %add3A_2713, %arg17[%swap3A_2714] : memref<512xf32, #tpu.memory_space<smem>>
          %slice3A_2716 = vector.extract_strided_slice %get3A_2709 {offsets = [1], sizes = [1], strides = [1]} : vector<16xi32> to vector<1xi32>
          %squeeze3A_2717 = vector.extract %slice3A_2716[0] : i32 from vector<1xi32>
          %get3A_2718 = arith.index_cast %squeeze3A_2717 : i32 to index
          %get3A_2719 = memref.load %arg17[%get3A_2718] : memref<512xf32, #tpu.memory_space<smem>>
          %add3A_2720 = arith.constant 1.000000e+00 : f32
          %add3A_2721 = arith.addf %get3A_2719, %add3A_2720 : f32
          %swap3A_2722 = arith.index_cast %squeeze3A_2717 : i32 to index
          %swap3A_2723 = memref.load %arg17[%swap3A_2722] : memref<512xf32, #tpu.memory_space<smem>>
          memref.store %add3A_2721, %arg17[%swap3A_2722] : memref<512xf32, #tpu.memory_space<smem>>
          %slice3A_2724 = vector.extract_strided_slice %get3A_2709 {offsets = [2], sizes = [1], strides = [1]} : vector<16xi32> to vector<1xi32>
          %squeeze3A_2725 = vector.extract %slice3A_2724[0] : i32 from vector<1xi32>
          %get3A_2726 = arith.index_cast %squeeze3A_2725 : i32 to index
          %get3A_2727 = memref.load %arg17[%get3A_2726] : memref<512xf32, #tpu.memory_space<smem>>
          %add3A_2728 = arith.constant 1.000000e+00 : f32
          %add3A_2729 = arith.addf %get3A_2727, %add3A_2728 : f32
          %swap3A_2730 = arith.index_cast %squeeze3A_2725 : i32 to index
          %swap3A_2731 = memref.load %arg17[%swap3A_2730] : memref<512xf32, #tpu.memory_space<smem>>
          memref.store %add3A_2729, %arg17[%swap3A_2730] : memref<512xf32, #tpu.memory_space<smem>>
          %slice3A_2732 = vector.extract_strided_slice %get3A_2709 {offsets = [3], sizes = [1], strides = [1]} : vector<16xi32> to vector<1xi32>
          %squeeze3A_2733 = vector.extract %slice3A_2732[0] : i32 from vector<1xi32>
          %get3A_2734 = arith.index_cast %squeeze3A_2733 : i32 to index
          %get3A_2735 = memref.load %arg17[%get3A_2734] : memref<512xf32, #tpu.memory_space<smem>>
          %add3A_2736 = arith.constant 1.000000e+00 : f32
          %add3A_2737 = arith.addf %get3A_2735, %add3A_2736 : f32
          %swap3A_2738 = arith.index_cast %squeeze3A_2733 : i32 to index
          %swap3A_2739 = memref.load %arg17[%swap3A_2738] : memref<512xf32, #tpu.memory_space<smem>>
          memref.store %add3A_2737, %arg17[%swap3A_2738] : memref<512xf32, #tpu.memory_space<smem>>
          %slice3A_2740 = vector.extract_strided_slice %get3A_2709 {offsets = [4], sizes = [1], strides = [1]} : vector<16xi32> to vector<1xi32>
          %squeeze3A_2741 = vector.extract %slice3A_2740[0] : i32 from vector<1xi32>
          %get3A_2742 = arith.index_cast %squeeze3A_2741 : i32 to index
          %get3A_2743 = memref.load %arg17[%get3A_2742] : memref<512xf32, #tpu.memory_space<smem>>
          %add3A_2744 = arith.constant 1.000000e+00 : f32
          %add3A_2745 = arith.addf %get3A_2743, %add3A_2744 : f32
          %swap3A_2746 = arith.index_cast %squeeze3A_2741 : i32 to index
          %swap3A_2747 = memref.load %arg17[%swap3A_2746] : memref<512xf32, #tpu.memory_space<smem>>
          memref.store %add3A_2745, %arg17[%swap3A_2746] : memref<512xf32, #tpu.memory_space<smem>>
          %slice3A_2748 = vector.extract_strided_slice %get3A_2709 {offsets = [5], sizes = [1], strides = [1]} : vector<16xi32> to vector<1xi32>
          %squeeze3A_2749 = vector.extract %slice3A_2748[0] : i32 from vector<1xi32>
          %get3A_2750 = arith.index_cast %squeeze3A_2749 : i32 to index
          %get3A_2751 = memref.load %arg17[%get3A_2750] : memref<512xf32, #tpu.memory_space<smem>>
          %add3A_2752 = arith.constant 1.000000e+00 : f32
          %add3A_2753 = arith.addf %get3A_2751, %add3A_2752 : f32
          %swap3A_2754 = arith.index_cast %squeeze3A_2749 : i32 to index
          %swap3A_2755 = memref.load %arg17[%swap3A_2754] : memref<512xf32, #tpu.memory_space<smem>>
          memref.store %add3A_2753, %arg17[%swap3A_2754] : memref<512xf32, #tpu.memory_space<smem>>
          %slice3A_2756 = vector.extract_strided_slice %get3A_2709 {offsets = [6], sizes = [1], strides = [1]} : vector<16xi32> to vector<1xi32>
          %squeeze3A_2757 = vector.extract %slice3A_2756[0] : i32 from vector<1xi32>
          %get3A_2758 = arith.index_cast %squeeze3A_2757 : i32 to index
          %get3A_2759 = memref.load %arg17[%get3A_2758] : memref<512xf32, #tpu.memory_space<smem>>
          %add3A_2760 = arith.constant 1.000000e+00 : f32
          %add3A_2761 = arith.addf %get3A_2759, %add3A_2760 : f32
          %swap3A_2762 = arith.index_cast %squeeze3A_2757 : i32 to index
          %swap3A_2763 = memref.load %arg17[%swap3A_2762] : memref<512xf32, #tpu.memory_space<smem>>
          memref.store %add3A_2761, %arg17[%swap3A_2762] : memref<512xf32, #tpu.memory_space<smem>>
          %slice3A_2764 = vector.extract_strided_slice %get3A_2709 {offsets = [7], sizes = [1], strides = [1]} : vector<16xi32> to vector<1xi32>
          %squeeze3A_2765 = vector.extract %slice3A_2764[0] : i32 from vector<1xi32>
          %get3A_2766 = arith.index_cast %squeeze3A_2765 : i32 to index
          %get3A_2767 = memref.load %arg17[%get3A_2766] : memref<512xf32, #tpu.memory_space<smem>>
          %add3A_2768 = arith.constant 1.000000e+00 : f32
          %add3A_2769 = arith.addf %get3A_2767, %add3A_2768 : f32
          %swap3A_2770 = arith.index_cast %squeeze3A_2765 : i32 to index
          %swap3A_2771 = memref.load %arg17[%swap3A_2770] : memref<512xf32, #tpu.memory_space<smem>>
          memref.store %add3A_2769, %arg17[%swap3A_2770] : memref<512xf32, #tpu.memory_space<smem>>
          %slice3A_2772 = vector.extract_strided_slice %get3A_2709 {offsets = [8], sizes = [1], strides = [1]} : vector<16xi32> to vector<1xi32>
          %squeeze3A_2773 = vector.extract %slice3A_2772[0] : i32 from vector<1xi32>
          %get3A_2774 = arith.index_cast %squeeze3A_2773 : i32 to index
          %get3A_2775 = memref.load %arg17[%get3A_2774] : memref<512xf32, #tpu.memory_space<smem>>
          %add3A_2776 = arith.constant 1.000000e+00 : f32
          %add3A_2777 = arith.addf %get3A_2775, %add3A_2776 : f32
          %swap3A_2778 = arith.index_cast %squeeze3A_2773 : i32 to index
          %swap3A_2779 = memref.load %arg17[%swap3A_2778] : memref<512xf32, #tpu.memory_space<smem>>
          memref.store %add3A_2777, %arg17[%swap3A_2778] : memref<512xf32, #tpu.memory_space<smem>>
          %slice3A_2780 = vector.extract_strided_slice %get3A_2709 {offsets = [9], sizes = [1], strides = [1]} : vector<16xi32> to vector<1xi32>
          %squeeze3A_2781 = vector.extract %slice3A_2780[0] : i32 from vector<1xi32>
          %get3A_2782 = arith.index_cast %squeeze3A_2781 : i32 to index
          %get3A_2783 = memref.load %arg17[%get3A_2782] : memref<512xf32, #tpu.memory_space<smem>>
          %add3A_2784 = arith.constant 1.000000e+00 : f32
          %add3A_2785 = arith.addf %get3A_2783, %add3A_2784 : f32
          %swap3A_2786 = arith.index_cast %squeeze3A_2781 : i32 to index
          %swap3A_2787 = memref.load %arg17[%swap3A_2786] : memref<512xf32, #tpu.memory_space<smem>>
          memref.store %add3A_2785, %arg17[%swap3A_2786] : memref<512xf32, #tpu.memory_space<smem>>
          %slice3A_2788 = vector.extract_strided_slice %get3A_2709 {offsets = [10], sizes = [1], strides = [1]} : vector<16xi32> to vector<1xi32>
          %squeeze3A_2789 = vector.extract %slice3A_2788[0] : i32 from vector<1xi32>
          %get3A_2790 = arith.index_cast %squeeze3A_2789 : i32 to index
          %get3A_2791 = memref.load %arg17[%get3A_2790] : memref<512xf32, #tpu.memory_space<smem>>
          %add3A_2792 = arith.constant 1.000000e+00 : f32
          %add3A_2793 = arith.addf %get3A_2791, %add3A_2792 : f32
          %swap3A_2794 = arith.index_cast %squeeze3A_2789 : i32 to index
          %swap3A_2795 = memref.load %arg17[%swap3A_2794] : memref<512xf32, #tpu.memory_space<smem>>
          memref.store %add3A_2793, %arg17[%swap3A_2794] : memref<512xf32, #tpu.memory_space<smem>>
          %slice3A_2796 = vector.extract_strided_slice %get3A_2709 {offsets = [11], sizes = [1], strides = [1]} : vector<16xi32> to vector<1xi32>
          %squeeze3A_2797 = vector.extract %slice3A_2796[0] : i32 from vector<1xi32>
          %get3A_2798 = arith.index_cast %squeeze3A_2797 : i32 to index
          %get3A_2799 = memref.load %arg17[%get3A_2798] : memref<512xf32, #tpu.memory_space<smem>>
          %add3A_2800 = arith.constant 1.000000e+00 : f32
          %add3A_2801 = arith.addf %get3A_2799, %add3A_2800 : f32
          %swap3A_2802 = arith.index_cast %squeeze3A_2797 : i32 to index
          %swap3A_2803 = memref.load %arg17[%swap3A_2802] : memref<512xf32, #tpu.memory_space<smem>>
          memref.store %add3A_2801, %arg17[%swap3A_2802] : memref<512xf32, #tpu.memory_space<smem>>
          %slice3A_2804 = vector.extract_strided_slice %get3A_2709 {offsets = [12], sizes = [1], strides = [1]} : vector<16xi32> to vector<1xi32>
          %squeeze3A_2805 = vector.extract %slice3A_2804[0] : i32 from vector<1xi32>
          %get3A_2806 = arith.index_cast %squeeze3A_2805 : i32 to index
          %get3A_2807 = memref.load %arg17[%get3A_2806] : memref<512xf32, #tpu.memory_space<smem>>
          %add3A_2808 = arith.constant 1.000000e+00 : f32
          %add3A_2809 = arith.addf %get3A_2807, %add3A_2808 : f32
          %swap3A_2810 = arith.index_cast %squeeze3A_2805 : i32 to index
          %swap3A_2811 = memref.load %arg17[%swap3A_2810] : memref<512xf32, #tpu.memory_space<smem>>
          memref.store %add3A_2809, %arg17[%swap3A_2810] : memref<512xf32, #tpu.memory_space<smem>>
          %slice3A_2812 = vector.extract_strided_slice %get3A_2709 {offsets = [13], sizes = [1], strides = [1]} : vector<16xi32> to vector<1xi32>
          %squeeze3A_2813 = vector.extract %slice3A_2812[0] : i32 from vector<1xi32>
          %get3A_2814 = arith.index_cast %squeeze3A_2813 : i32 to index
          %get3A_2815 = memref.load %arg17[%get3A_2814] : memref<512xf32, #tpu.memory_space<smem>>
          %add3A_2816 = arith.constant 1.000000e+00 : f32
          %add3A_2817 = arith.addf %get3A_2815, %add3A_2816 : f32
          %swap3A_2818 = arith.index_cast %squeeze3A_2813 : i32 to index
          %swap3A_2819 = memref.load %arg17[%swap3A_2818] : memref<512xf32, #tpu.memory_space<smem>>
          memref.store %add3A_2817, %arg17[%swap3A_2818] : memref<512xf32, #tpu.memory_space<smem>>
          %slice3A_2820 = vector.extract_strided_slice %get3A_2709 {offsets = [14], sizes = [1], strides = [1]} : vector<16xi32> to vector<1xi32>
          %squeeze3A_2821 = vector.extract %slice3A_2820[0] : i32 from vector<1xi32>
          %get3A_2822 = arith.index_cast %squeeze3A_2821 : i32 to index
          %get3A_2823 = memref.load %arg17[%get3A_2822] : memref<512xf32, #tpu.memory_space<smem>>
          %add3A_2824 = arith.constant 1.000000e+00 : f32
          %add3A_2825 = arith.addf %get3A_2823, %add3A_2824 : f32
          %swap3A_2826 = arith.index_cast %squeeze3A_2821 : i32 to index
          %swap3A_2827 = memref.load %arg17[%swap3A_2826] : memref<512xf32, #tpu.memory_space<smem>>
          memref.store %add3A_2825, %arg17[%swap3A_2826] : memref<512xf32, #tpu.memory_space<smem>>
          %slice3A_2828 = vector.extract_strided_slice %get3A_2709 {offsets = [15], sizes = [1], strides = [1]} : vector<16xi32> to vector<1xi32>
          %squeeze3A_2829 = vector.extract %slice3A_2828[0] : i32 from vector<1xi32>
          %get3A_2830 = arith.index_cast %squeeze3A_2829 : i32 to index
          %get3A_2831 = memref.load %arg17[%get3A_2830] : memref<512xf32, #tpu.memory_space<smem>>
          %add3A_2832 = arith.constant 1.000000e+00 : f32
          %add3A_2833 = arith.addf %get3A_2831, %add3A_2832 : f32
          %swap3A_2834 = arith.index_cast %squeeze3A_2829 : i32 to index
          %swap3A_2835 = memref.load %arg17[%swap3A_2834] : memref<512xf32, #tpu.memory_space<smem>>
          memref.store %add3A_2833, %arg17[%swap3A_2834] : memref<512xf32, #tpu.memory_space<smem>>
        }
        %scan3A_2700 = arith.constant 8 : i32
        %dma_wait3A_2701 = arith.constant 0 : i32
        %dma_wait3A_2702 = arith.constant 0 : i32
        %dma_wait3A_2703 = tpu.memref_slice %arg18[%dma_wait3A_2701, %dma_wait3A_2702] : memref<512x128xf32, #tpu.memory_space<vmem_shared>> -> memref<512x128xf32, #tpu.memory_space<vmem_shared>>
        tpu.wait_indirect_dma semaphore(%arg22 : memref<!tpu.dma_semaphore, #tpu.memory_space<semaphore_mem>>) src(%arg9 : memref<128x128xf32, #tpu.memory_space<vmem>>) dst(%dma_wait3A_2703 : memref<512x128xf32, #tpu.memory_space<vmem_shared>>)
      } else {
      }
      %add3A_2664 = arith.constant 2 : i32
      %add3A_2665 = arith.addi %add3A_2659, %add3A_2664 : i32
      %lt3A_2666 = arith.cmpi slt, %add3A_2665, %select_n3A_2329 : i32
      %convert_element_type3A_2667 = arith.extui %lt3A_2666 : i1 to i32
      %cond3A_2668 = arith.constant 0 : i32
      %cond3A_2669 = arith.cmpi ne, %convert_element_type3A_2667, %cond3A_2668 : i32
      scf.if %cond3A_2669 {
        %add3A_2684 = arith.constant 2 : i32
        %add3A_2685 = arith.addi %add3A_2659, %add3A_2684 : i32
        %mul3A_2686 = arith.constant 128 : i32
        %mul3A_2687 = arith.muli %add3A_2685, %mul3A_2686 : i32
        %add3A_2688 = arith.addi %select_n3A, %mul3A_2687 : i32
        %dma_start3A_2689 = tpu.memref_slice %arg3[%add3A_2688] : memref<100000xi32, #tpu.memory_space<hbm>> -> memref<128xi32, #tpu.memory_space<hbm>>
        %dma_start3A_2690 = tpu.memref_slice %arg3[%add3A_2688] : memref<100000xi32, #tpu.memory_space<hbm>> -> memref<128xi32, #tpu.memory_space<hbm>>
        tpu.enqueue_dma source(%dma_start3A_2690 : memref<128xi32, #tpu.memory_space<hbm>>) target(%arg7 : memref<128xi32, #tpu.memory_space<vmem>>) target_semaphore(%arg20 : memref<!tpu.dma_semaphore, #tpu.memory_space<semaphore_mem>>)
        %dma_start3A_2691 = arith.constant 0 : i32
        %dma_start3A_2692 = tpu.memref_slice %arg2[%add3A_2688, %dma_start3A_2691] : memref<100000x128xf32, #tpu.memory_space<hbm>> -> memref<128x128xf32, #tpu.memory_space<hbm>>
        %dma_start3A_2693 = arith.constant 0 : i32
        %dma_start3A_2694 = tpu.memref_slice %arg2[%add3A_2688, %dma_start3A_2693] : memref<100000x128xf32, #tpu.memory_space<hbm>> -> memref<128x128xf32, #tpu.memory_space<hbm>>
        tpu.enqueue_dma source(%dma_start3A_2694 : memref<128x128xf32, #tpu.memory_space<hbm>>) target(%arg9 : memref<128x128xf32, #tpu.memory_space<vmem>>) target_semaphore(%arg20 : memref<!tpu.dma_semaphore, #tpu.memory_space<semaphore_mem>>)
      } else {
      }
      %mul3A_2670 = arith.constant 2 : i32
      %mul3A_2671 = arith.muli %scan3A_2655, %mul3A_2670 : i32
      %add3A_2672 = arith.constant 1 : i32
      %add3A_2673 = arith.addi %mul3A_2671, %add3A_2672 : i32
      %lt3A_2674 = arith.cmpi slt, %add3A_2673, %select_n3A_2329 : i32
      %convert_element_type3A_2675 = arith.extui %lt3A_2674 : i1 to i32
      %cond3A_2676 = arith.constant 0 : i32
      %cond3A_2677 = arith.cmpi ne, %convert_element_type3A_2675, %cond3A_2676 : i32
      scf.if %cond3A_2677 {
        %mul3A_2684 = arith.constant 128 : i32
        %mul3A_2685 = arith.muli %add3A_2673, %mul3A_2684 : i32
        %add3A_2686 = arith.addi %select_n3A, %mul3A_2685 : i32
        %dma_wait3A = tpu.memref_slice %arg3[%add3A_2686] : memref<100000xi32, #tpu.memory_space<hbm>> -> memref<128xi32, #tpu.memory_space<hbm>>
        %dma_wait3A_2687 = tpu.memref_slice %arg3[%add3A_2686] : memref<100000xi32, #tpu.memory_space<hbm>> -> memref<128xi32, #tpu.memory_space<hbm>>
        tpu.wait_dma2 semaphore(%arg21 : memref<!tpu.dma_semaphore, #tpu.memory_space<semaphore_mem>>) src(%dma_wait3A_2687 : memref<128xi32, #tpu.memory_space<hbm>>) dst(%arg8 : memref<128xi32, #tpu.memory_space<vmem>>)
        %dma_wait3A_2688 = arith.constant 0 : i32
        %dma_wait3A_2689 = tpu.memref_slice %arg2[%add3A_2686, %dma_wait3A_2688] : memref<100000x128xf32, #tpu.memory_space<hbm>> -> memref<128x128xf32, #tpu.memory_space<hbm>>
        %dma_wait3A_2690 = arith.constant 0 : i32
        %dma_wait3A_2691 = tpu.memref_slice %arg2[%add3A_2686, %dma_wait3A_2690] : memref<100000x128xf32, #tpu.memory_space<hbm>> -> memref<128x128xf32, #tpu.memory_space<hbm>>
        tpu.wait_dma2 semaphore(%arg21 : memref<!tpu.dma_semaphore, #tpu.memory_space<semaphore_mem>>) src(%dma_wait3A_2691 : memref<128x128xf32, #tpu.memory_space<hbm>>) dst(%arg10 : memref<128x128xf32, #tpu.memory_space<vmem>>)
        %dma_start3A_2692 = arith.constant 0 : i32
        %dma_start3A_2693 = arith.constant 0 : i32
        %dma_start3A_2694 = tpu.memref_slice %arg18[%dma_start3A_2692, %dma_start3A_2693] : memref<512x128xf32, #tpu.memory_space<vmem_shared>> -> memref<512x128xf32, #tpu.memory_space<vmem_shared>>
        tpu.enqueue_indirect_dma source(%arg10 : memref<128x128xf32, #tpu.memory_space<vmem>>) target(%dma_start3A_2694 : memref<512x128xf32, #tpu.memory_space<vmem_shared>>) offsets(%arg8 : memref<128xi32, #tpu.memory_space<vmem>>) semaphore(%arg22 : memref<!tpu.dma_semaphore, #tpu.memory_space<semaphore_mem>>) {add = true}
        %scan3A_2695 = arith.constant 0 : i32
        %scan3A_2696 = arith.constant 0 : i32
        %scan3A_2697 = arith.constant 8 : i32
        %scan3A_2698 = arith.addi %scan3A_2696, %scan3A_2697 : i32
        %scan3A_2699 = arith.constant 1 : i32
        scf.for %scan3A_2704 = %scan3A_2696 to %scan3A_2698 step %scan3A_2699  : i32 {
          %mul3A_2705 = arith.constant 16 : i32
          %mul3A_2706 = arith.muli %scan3A_2704, %mul3A_2705 : i32
          %get3A_2707 = arith.index_cast %mul3A_2706 : i32 to index
          %get3A_2708 = tpu.vector_load %arg8[%get3A_2707] {strides = array<i32>} : memref<128xi32, #tpu.memory_space<vmem>>, vector<16xi32>,
          %get3A_2709 = vector.shape_cast %get3A_2708 : vector<16xi32> to vector<16xi32>
          %slice3A = vector.extract_strided_slice %get3A_2709 {offsets = [0], sizes = [1], strides = [1]} : vector<16xi32> to vector<1xi32>
          %squeeze3A = vector.extract %slice3A[0] : i32 from vector<1xi32>
          %get3A_2710 = arith.index_cast %squeeze3A : i32 to index
          %get3A_2711 = memref.load %arg17[%get3A_2710] : memref<512xf32, #tpu.memory_space<smem>>
          %add3A_2712 = arith.constant 1.000000e+00 : f32
          %add3A_2713 = arith.addf %get3A_2711, %add3A_2712 : f32
          %swap3A_2714 = arith.index_cast %squeeze3A : i32 to index
          %swap3A_2715 = memref.load %arg17[%swap3A_2714] : memref<512xf32, #tpu.memory_space<smem>>
          memref.store %add3A_2713, %arg17[%swap3A_2714] : memref<512xf32, #tpu.memory_space<smem>>
          %slice3A_2716 = vector.extract_strided_slice %get3A_2709 {offsets = [1], sizes = [1], strides = [1]} : vector<16xi32> to vector<1xi32>
          %squeeze3A_2717 = vector.extract %slice3A_2716[0] : i32 from vector<1xi32>
          %get3A_2718 = arith.index_cast %squeeze3A_2717 : i32 to index
          %get3A_2719 = memref.load %arg17[%get3A_2718] : memref<512xf32, #tpu.memory_space<smem>>
          %add3A_2720 = arith.constant 1.000000e+00 : f32
          %add3A_2721 = arith.addf %get3A_2719, %add3A_2720 : f32
          %swap3A_2722 = arith.index_cast %squeeze3A_2717 : i32 to index
          %swap3A_2723 = memref.load %arg17[%swap3A_2722] : memref<512xf32, #tpu.memory_space<smem>>
          memref.store %add3A_2721, %arg17[%swap3A_2722] : memref<512xf32, #tpu.memory_space<smem>>
          %slice3A_2724 = vector.extract_strided_slice %get3A_2709 {offsets = [2], sizes = [1], strides = [1]} : vector<16xi32> to vector<1xi32>
          %squeeze3A_2725 = vector.extract %slice3A_2724[0] : i32 from vector<1xi32>
          %get3A_2726 = arith.index_cast %squeeze3A_2725 : i32 to index
          %get3A_2727 = memref.load %arg17[%get3A_2726] : memref<512xf32, #tpu.memory_space<smem>>
          %add3A_2728 = arith.constant 1.000000e+00 : f32
          %add3A_2729 = arith.addf %get3A_2727, %add3A_2728 : f32
          %swap3A_2730 = arith.index_cast %squeeze3A_2725 : i32 to index
          %swap3A_2731 = memref.load %arg17[%swap3A_2730] : memref<512xf32, #tpu.memory_space<smem>>
          memref.store %add3A_2729, %arg17[%swap3A_2730] : memref<512xf32, #tpu.memory_space<smem>>
          %slice3A_2732 = vector.extract_strided_slice %get3A_2709 {offsets = [3], sizes = [1], strides = [1]} : vector<16xi32> to vector<1xi32>
          %squeeze3A_2733 = vector.extract %slice3A_2732[0] : i32 from vector<1xi32>
          %get3A_2734 = arith.index_cast %squeeze3A_2733 : i32 to index
          %get3A_2735 = memref.load %arg17[%get3A_2734] : memref<512xf32, #tpu.memory_space<smem>>
          %add3A_2736 = arith.constant 1.000000e+00 : f32
          %add3A_2737 = arith.addf %get3A_2735, %add3A_2736 : f32
          %swap3A_2738 = arith.index_cast %squeeze3A_2733 : i32 to index
          %swap3A_2739 = memref.load %arg17[%swap3A_2738] : memref<512xf32, #tpu.memory_space<smem>>
          memref.store %add3A_2737, %arg17[%swap3A_2738] : memref<512xf32, #tpu.memory_space<smem>>
          %slice3A_2740 = vector.extract_strided_slice %get3A_2709 {offsets = [4], sizes = [1], strides = [1]} : vector<16xi32> to vector<1xi32>
          %squeeze3A_2741 = vector.extract %slice3A_2740[0] : i32 from vector<1xi32>
          %get3A_2742 = arith.index_cast %squeeze3A_2741 : i32 to index
          %get3A_2743 = memref.load %arg17[%get3A_2742] : memref<512xf32, #tpu.memory_space<smem>>
          %add3A_2744 = arith.constant 1.000000e+00 : f32
          %add3A_2745 = arith.addf %get3A_2743, %add3A_2744 : f32
          %swap3A_2746 = arith.index_cast %squeeze3A_2741 : i32 to index
          %swap3A_2747 = memref.load %arg17[%swap3A_2746] : memref<512xf32, #tpu.memory_space<smem>>
          memref.store %add3A_2745, %arg17[%swap3A_2746] : memref<512xf32, #tpu.memory_space<smem>>
          %slice3A_2748 = vector.extract_strided_slice %get3A_2709 {offsets = [5], sizes = [1], strides = [1]} : vector<16xi32> to vector<1xi32>
          %squeeze3A_2749 = vector.extract %slice3A_2748[0] : i32 from vector<1xi32>
          %get3A_2750 = arith.index_cast %squeeze3A_2749 : i32 to index
          %get3A_2751 = memref.load %arg17[%get3A_2750] : memref<512xf32, #tpu.memory_space<smem>>
          %add3A_2752 = arith.constant 1.000000e+00 : f32
          %add3A_2753 = arith.addf %get3A_2751, %add3A_2752 : f32
          %swap3A_2754 = arith.index_cast %squeeze3A_2749 : i32 to index
          %swap3A_2755 = memref.load %arg17[%swap3A_2754] : memref<512xf32, #tpu.memory_space<smem>>
          memref.store %add3A_2753, %arg17[%swap3A_2754] : memref<512xf32, #tpu.memory_space<smem>>
          %slice3A_2756 = vector.extract_strided_slice %get3A_2709 {offsets = [6], sizes = [1], strides = [1]} : vector<16xi32> to vector<1xi32>
          %squeeze3A_2757 = vector.extract %slice3A_2756[0] : i32 from vector<1xi32>
          %get3A_2758 = arith.index_cast %squeeze3A_2757 : i32 to index
          %get3A_2759 = memref.load %arg17[%get3A_2758] : memref<512xf32, #tpu.memory_space<smem>>
          %add3A_2760 = arith.constant 1.000000e+00 : f32
          %add3A_2761 = arith.addf %get3A_2759, %add3A_2760 : f32
          %swap3A_2762 = arith.index_cast %squeeze3A_2757 : i32 to index
          %swap3A_2763 = memref.load %arg17[%swap3A_2762] : memref<512xf32, #tpu.memory_space<smem>>
          memref.store %add3A_2761, %arg17[%swap3A_2762] : memref<512xf32, #tpu.memory_space<smem>>
          %slice3A_2764 = vector.extract_strided_slice %get3A_2709 {offsets = [7], sizes = [1], strides = [1]} : vector<16xi32> to vector<1xi32>
          %squeeze3A_2765 = vector.extract %slice3A_2764[0] : i32 from vector<1xi32>
          %get3A_2766 = arith.index_cast %squeeze3A_2765 : i32 to index
          %get3A_2767 = memref.load %arg17[%get3A_2766] : memref<512xf32, #tpu.memory_space<smem>>
          %add3A_2768 = arith.constant 1.000000e+00 : f32
          %add3A_2769 = arith.addf %get3A_2767, %add3A_2768 : f32
          %swap3A_2770 = arith.index_cast %squeeze3A_2765 : i32 to index
          %swap3A_2771 = memref.load %arg17[%swap3A_2770] : memref<512xf32, #tpu.memory_space<smem>>
          memref.store %add3A_2769, %arg17[%swap3A_2770] : memref<512xf32, #tpu.memory_space<smem>>
          %slice3A_2772 = vector.extract_strided_slice %get3A_2709 {offsets = [8], sizes = [1], strides = [1]} : vector<16xi32> to vector<1xi32>
          %squeeze3A_2773 = vector.extract %slice3A_2772[0] : i32 from vector<1xi32>
          %get3A_2774 = arith.index_cast %squeeze3A_2773 : i32 to index
          %get3A_2775 = memref.load %arg17[%get3A_2774] : memref<512xf32, #tpu.memory_space<smem>>
          %add3A_2776 = arith.constant 1.000000e+00 : f32
          %add3A_2777 = arith.addf %get3A_2775, %add3A_2776 : f32
          %swap3A_2778 = arith.index_cast %squeeze3A_2773 : i32 to index
          %swap3A_2779 = memref.load %arg17[%swap3A_2778] : memref<512xf32, #tpu.memory_space<smem>>
          memref.store %add3A_2777, %arg17[%swap3A_2778] : memref<512xf32, #tpu.memory_space<smem>>
          %slice3A_2780 = vector.extract_strided_slice %get3A_2709 {offsets = [9], sizes = [1], strides = [1]} : vector<16xi32> to vector<1xi32>
          %squeeze3A_2781 = vector.extract %slice3A_2780[0] : i32 from vector<1xi32>
          %get3A_2782 = arith.index_cast %squeeze3A_2781 : i32 to index
          %get3A_2783 = memref.load %arg17[%get3A_2782] : memref<512xf32, #tpu.memory_space<smem>>
          %add3A_2784 = arith.constant 1.000000e+00 : f32
          %add3A_2785 = arith.addf %get3A_2783, %add3A_2784 : f32
          %swap3A_2786 = arith.index_cast %squeeze3A_2781 : i32 to index
          %swap3A_2787 = memref.load %arg17[%swap3A_2786] : memref<512xf32, #tpu.memory_space<smem>>
          memref.store %add3A_2785, %arg17[%swap3A_2786] : memref<512xf32, #tpu.memory_space<smem>>
          %slice3A_2788 = vector.extract_strided_slice %get3A_2709 {offsets = [10], sizes = [1], strides = [1]} : vector<16xi32> to vector<1xi32>
          %squeeze3A_2789 = vector.extract %slice3A_2788[0] : i32 from vector<1xi32>
          %get3A_2790 = arith.index_cast %squeeze3A_2789 : i32 to index
          %get3A_2791 = memref.load %arg17[%get3A_2790] : memref<512xf32, #tpu.memory_space<smem>>
          %add3A_2792 = arith.constant 1.000000e+00 : f32
          %add3A_2793 = arith.addf %get3A_2791, %add3A_2792 : f32
          %swap3A_2794 = arith.index_cast %squeeze3A_2789 : i32 to index
          %swap3A_2795 = memref.load %arg17[%swap3A_2794] : memref<512xf32, #tpu.memory_space<smem>>
          memref.store %add3A_2793, %arg17[%swap3A_2794] : memref<512xf32, #tpu.memory_space<smem>>
          %slice3A_2796 = vector.extract_strided_slice %get3A_2709 {offsets = [11], sizes = [1], strides = [1]} : vector<16xi32> to vector<1xi32>
          %squeeze3A_2797 = vector.extract %slice3A_2796[0] : i32 from vector<1xi32>
          %get3A_2798 = arith.index_cast %squeeze3A_2797 : i32 to index
          %get3A_2799 = memref.load %arg17[%get3A_2798] : memref<512xf32, #tpu.memory_space<smem>>
          %add3A_2800 = arith.constant 1.000000e+00 : f32
          %add3A_2801 = arith.addf %get3A_2799, %add3A_2800 : f32
          %swap3A_2802 = arith.index_cast %squeeze3A_2797 : i32 to index
          %swap3A_2803 = memref.load %arg17[%swap3A_2802] : memref<512xf32, #tpu.memory_space<smem>>
          memref.store %add3A_2801, %arg17[%swap3A_2802] : memref<512xf32, #tpu.memory_space<smem>>
          %slice3A_2804 = vector.extract_strided_slice %get3A_2709 {offsets = [12], sizes = [1], strides = [1]} : vector<16xi32> to vector<1xi32>
          %squeeze3A_2805 = vector.extract %slice3A_2804[0] : i32 from vector<1xi32>
          %get3A_2806 = arith.index_cast %squeeze3A_2805 : i32 to index
          %get3A_2807 = memref.load %arg17[%get3A_2806] : memref<512xf32, #tpu.memory_space<smem>>
          %add3A_2808 = arith.constant 1.000000e+00 : f32
          %add3A_2809 = arith.addf %get3A_2807, %add3A_2808 : f32
          %swap3A_2810 = arith.index_cast %squeeze3A_2805 : i32 to index
          %swap3A_2811 = memref.load %arg17[%swap3A_2810] : memref<512xf32, #tpu.memory_space<smem>>
          memref.store %add3A_2809, %arg17[%swap3A_2810] : memref<512xf32, #tpu.memory_space<smem>>
          %slice3A_2812 = vector.extract_strided_slice %get3A_2709 {offsets = [13], sizes = [1], strides = [1]} : vector<16xi32> to vector<1xi32>
          %squeeze3A_2813 = vector.extract %slice3A_2812[0] : i32 from vector<1xi32>
          %get3A_2814 = arith.index_cast %squeeze3A_2813 : i32 to index
          %get3A_2815 = memref.load %arg17[%get3A_2814] : memref<512xf32, #tpu.memory_space<smem>>
          %add3A_2816 = arith.constant 1.000000e+00 : f32
          %add3A_2817 = arith.addf %get3A_2815, %add3A_2816 : f32
          %swap3A_2818 = arith.index_cast %squeeze3A_2813 : i32 to index
          %swap3A_2819 = memref.load %arg17[%swap3A_2818] : memref<512xf32, #tpu.memory_space<smem>>
          memref.store %add3A_2817, %arg17[%swap3A_2818] : memref<512xf32, #tpu.memory_space<smem>>
          %slice3A_2820 = vector.extract_strided_slice %get3A_2709 {offsets = [14], sizes = [1], strides = [1]} : vector<16xi32> to vector<1xi32>
          %squeeze3A_2821 = vector.extract %slice3A_2820[0] : i32 from vector<1xi32>
          %get3A_2822 = arith.index_cast %squeeze3A_2821 : i32 to index
          %get3A_2823 = memref.load %arg17[%get3A_2822] : memref<512xf32, #tpu.memory_space<smem>>
          %add3A_2824 = arith.constant 1.000000e+00 : f32
          %add3A_2825 = arith.addf %get3A_2823, %add3A_2824 : f32
          %swap3A_2826 = arith.index_cast %squeeze3A_2821 : i32 to index
          %swap3A_2827 = memref.load %arg17[%swap3A_2826] : memref<512xf32, #tpu.memory_space<smem>>
          memref.store %add3A_2825, %arg17[%swap3A_2826] : memref<512xf32, #tpu.memory_space<smem>>
          %slice3A_2828 = vector.extract_strided_slice %get3A_2709 {offsets = [15], sizes = [1], strides = [1]} : vector<16xi32> to vector<1xi32>
          %squeeze3A_2829 = vector.extract %slice3A_2828[0] : i32 from vector<1xi32>
          %get3A_2830 = arith.index_cast %squeeze3A_2829 : i32 to index
          %get3A_2831 = memref.load %arg17[%get3A_2830] : memref<512xf32, #tpu.memory_space<smem>>
          %add3A_2832 = arith.constant 1.000000e+00 : f32
          %add3A_2833 = arith.addf %get3A_2831, %add3A_2832 : f32
          %swap3A_2834 = arith.index_cast %squeeze3A_2829 : i32 to index
          %swap3A_2835 = memref.load %arg17[%swap3A_2834] : memref<512xf32, #tpu.memory_space<smem>>
          memref.store %add3A_2833, %arg17[%swap3A_2834] : memref<512xf32, #tpu.memory_space<smem>>
        }
        %scan3A_2700 = arith.constant 8 : i32
        %dma_wait3A_2701 = arith.constant 0 : i32
        %dma_wait3A_2702 = arith.constant 0 : i32
        %dma_wait3A_2703 = tpu.memref_slice %arg18[%dma_wait3A_2701, %dma_wait3A_2702] : memref<512x128xf32, #tpu.memory_space<vmem_shared>> -> memref<512x128xf32, #tpu.memory_space<vmem_shared>>
        tpu.wait_indirect_dma semaphore(%arg22 : memref<!tpu.dma_semaphore, #tpu.memory_space<semaphore_mem>>) src(%arg10 : memref<128x128xf32, #tpu.memory_space<vmem>>) dst(%dma_wait3A_2703 : memref<512x128xf32, #tpu.memory_space<vmem_shared>>)
      } else {
      }
      %add3A_2678 = arith.constant 2 : i32
      %add3A_2679 = arith.addi %add3A_2673, %add3A_2678 : i32
      %lt3A_2680 = arith.cmpi slt, %add3A_2679, %select_n3A_2329 : i32
      %convert_element_type3A_2681 = arith.extui %lt3A_2680 : i1 to i32
      %cond3A_2682 = arith.constant 0 : i32
      %cond3A_2683 = arith.cmpi ne, %convert_element_type3A_2681, %cond3A_2682 : i32
      scf.if %cond3A_2683 {
        %add3A_2684 = arith.constant 2 : i32
        %add3A_2685 = arith.addi %add3A_2673, %add3A_2684 : i32
        %mul3A_2686 = arith.constant 128 : i32
        %mul3A_2687 = arith.muli %add3A_2685, %mul3A_2686 : i32
        %add3A_2688 = arith.addi %select_n3A, %mul3A_2687 : i32
        %dma_start3A_2689 = tpu.memref_slice %arg3[%add3A_2688] : memref<100000xi32, #tpu.memory_space<hbm>> -> memref<128xi32, #tpu.memory_space<hbm>>
        %dma_start3A_2690 = tpu.memref_slice %arg3[%add3A_2688] : memref<100000xi32, #tpu.memory_space<hbm>> -> memref<128xi32, #tpu.memory_space<hbm>>
        tpu.enqueue_dma source(%dma_start3A_2690 : memref<128xi32, #tpu.memory_space<hbm>>) target(%arg8 : memref<128xi32, #tpu.memory_space<vmem>>) target_semaphore(%arg21 : memref<!tpu.dma_semaphore, #tpu.memory_space<semaphore_mem>>)
        %dma_start3A_2691 = arith.constant 0 : i32
        %dma_start3A_2692 = tpu.memref_slice %arg2[%add3A_2688, %dma_start3A_2691] : memref<100000x128xf32, #tpu.memory_space<hbm>> -> memref<128x128xf32, #tpu.memory_space<hbm>>
        %dma_start3A_2693 = arith.constant 0 : i32
        %dma_start3A_2694 = tpu.memref_slice %arg2[%add3A_2688, %dma_start3A_2693] : memref<100000x128xf32, #tpu.memory_space<hbm>> -> memref<128x128xf32, #tpu.memory_space<hbm>>
        tpu.enqueue_dma source(%dma_start3A_2694 : memref<128x128xf32, #tpu.memory_space<hbm>>) target(%arg10 : memref<128x128xf32, #tpu.memory_space<vmem>>) target_semaphore(%arg21 : memref<!tpu.dma_semaphore, #tpu.memory_space<semaphore_mem>>)
      } else {
      }
    }
    %scan3A_2350 = arith.constant 13 : i32
    %eq3A_2351 = arith.constant 31 : i32
    %eq3A_2352 = arith.cmpi eq, %add3A, %eq3A_2351 : i32
    %convert_element_type3A_2353 = arith.extui %eq3A_2352 : i1 to i32
    %cond3A_2354 = arith.constant 0 : i32
    %cond3A_2355 = arith.cmpi ne, %convert_element_type3A_2353, %cond3A_2354 : i32
    scf.if %cond3A_2355 {
      "tpu.region"() ({
        %run_scoped3A = tpu.sem_alloc : memref<!tpu.dma_semaphore, #tpu.memory_space<semaphore_mem>>
        %dma_start3A_2920 = arith.constant 99968 : i32
        %dma_start3A_2921 = tpu.memref_slice %arg3[%dma_start3A_2920] : memref<100000xi32, #tpu.memory_space<hbm>> -> memref<32xi32, #tpu.memory_space<hbm>>
        %dma_start3A_2922 = arith.constant 99968 : i32
        %dma_start3A_2923 = tpu.memref_slice %arg3[%dma_start3A_2922] : memref<100000xi32, #tpu.memory_space<hbm>> -> memref<32xi32, #tpu.memory_space<hbm>>
        tpu.enqueue_dma source(%dma_start3A_2923 : memref<32xi32, #tpu.memory_space<hbm>>) target(%arg15 : memref<32xi32, #tpu.memory_space<vmem>>) target_semaphore(%run_scoped3A : memref<!tpu.dma_semaphore, #tpu.memory_space<semaphore_mem>>)
        %dma_wait3A_2924 = arith.constant 99968 : i32
        %dma_wait3A_2925 = tpu.memref_slice %arg3[%dma_wait3A_2924] : memref<100000xi32, #tpu.memory_space<hbm>> -> memref<32xi32, #tpu.memory_space<hbm>>
        %dma_wait3A_2926 = arith.constant 99968 : i32
        %dma_wait3A_2927 = tpu.memref_slice %arg3[%dma_wait3A_2926] : memref<100000xi32, #tpu.memory_space<hbm>> -> memref<32xi32, #tpu.memory_space<hbm>>
        tpu.wait_dma2 semaphore(%run_scoped3A : memref<!tpu.dma_semaphore, #tpu.memory_space<semaphore_mem>>) src(%dma_wait3A_2927 : memref<32xi32, #tpu.memory_space<hbm>>) dst(%arg15 : memref<32xi32, #tpu.memory_space<vmem>>)
        tpu.yield
      }) : () -> ()
      "tpu.region"() ({
        %run_scoped3A = tpu.sem_alloc : memref<!tpu.dma_semaphore, #tpu.memory_space<semaphore_mem>>
        %dma_start3A_2920 = arith.constant 99968 : i32
        %dma_start3A_2921 = arith.constant 0 : i32
        %dma_start3A_2922 = tpu.memref_slice %arg2[%dma_start3A_2920, %dma_start3A_2921] : memref<100000x128xf32, #tpu.memory_space<hbm>> -> memref<32x128xf32, #tpu.memory_space<hbm>>
        %dma_start3A_2923 = arith.constant 99968 : i32
        %dma_start3A_2924 = arith.constant 0 : i32
        %dma_start3A_2925 = tpu.memref_slice %arg2[%dma_start3A_2923, %dma_start3A_2924] : memref<100000x128xf32, #tpu.memory_space<hbm>> -> memref<32x128xf32, #tpu.memory_space<hbm>>
        tpu.enqueue_dma source(%dma_start3A_2925 : memref<32x128xf32, #tpu.memory_space<hbm>>) target(%arg16 : memref<32x128xf32, #tpu.memory_space<vmem>>) target_semaphore(%run_scoped3A : memref<!tpu.dma_semaphore, #tpu.memory_space<semaphore_mem>>)
        %dma_wait3A_2926 = arith.constant 99968 : i32
        %dma_wait3A_2927 = arith.constant 0 : i32
        %dma_wait3A_2928 = tpu.memref_slice %arg2[%dma_wait3A_2926, %dma_wait3A_2927] : memref<100000x128xf32, #tpu.memory_space<hbm>> -> memref<32x128xf32, #tpu.memory_space<hbm>>
        %dma_wait3A_2929 = arith.constant 99968 : i32
        %dma_wait3A_2930 = arith.constant 0 : i32
        %dma_wait3A_2931 = tpu.memref_slice %arg2[%dma_wait3A_2929, %dma_wait3A_2930] : memref<100000x128xf32, #tpu.memory_space<hbm>> -> memref<32x128xf32, #tpu.memory_space<hbm>>
        tpu.wait_dma2 semaphore(%run_scoped3A : memref<!tpu.dma_semaphore, #tpu.memory_space<semaphore_mem>>) src(%dma_wait3A_2931 : memref<32x128xf32, #tpu.memory_space<hbm>>) dst(%arg16 : memref<32x128xf32, #tpu.memory_space<vmem>>)
        tpu.yield
      }) : () -> ()
      %dma_start3A_2655 = arith.constant 0 : i32
      %dma_start3A_2656 = arith.constant 0 : i32
      %dma_start3A_2657 = tpu.memref_slice %arg18[%dma_start3A_2655, %dma_start3A_2656] : memref<512x128xf32, #tpu.memory_space<vmem_shared>> -> memref<512x128xf32, #tpu.memory_space<vmem_shared>>
      tpu.enqueue_indirect_dma source(%arg16 : memref<32x128xf32, #tpu.memory_space<vmem>>) target(%dma_start3A_2657 : memref<512x128xf32, #tpu.memory_space<vmem_shared>>) offsets(%arg15 : memref<32xi32, #tpu.memory_space<vmem>>) semaphore(%arg22 : memref<!tpu.dma_semaphore, #tpu.memory_space<semaphore_mem>>) {add = true}
      %get3A_2658 = arith.constant 0 : index
      %get3A_2659 = tpu.vector_load %arg15[%get3A_2658] {strides = array<i32>} : memref<32xi32, #tpu.memory_space<vmem>>, vector<16xi32>,
      %get3A_2660 = vector.shape_cast %get3A_2659 : vector<16xi32> to vector<16xi32>
      %slice3A = vector.extract_strided_slice %get3A_2660 {offsets = [0], sizes = [1], strides = [1]} : vector<16xi32> to vector<1xi32>
      %squeeze3A = vector.extract %slice3A[0] : i32 from vector<1xi32>
      %get3A_2661 = arith.index_cast %squeeze3A : i32 to index
      %get3A_2662 = memref.load %arg17[%get3A_2661] : memref<512xf32, #tpu.memory_space<smem>>
      %add3A_2663 = arith.constant 1.000000e+00 : f32
      %add3A_2664 = arith.addf %get3A_2662, %add3A_2663 : f32
      %swap3A_2665 = arith.index_cast %squeeze3A : i32 to index
      %swap3A_2666 = memref.load %arg17[%swap3A_2665] : memref<512xf32, #tpu.memory_space<smem>>
      memref.store %add3A_2664, %arg17[%swap3A_2665] : memref<512xf32, #tpu.memory_space<smem>>
      %slice3A_2667 = vector.extract_strided_slice %get3A_2660 {offsets = [1], sizes = [1], strides = [1]} : vector<16xi32> to vector<1xi32>
      %squeeze3A_2668 = vector.extract %slice3A_2667[0] : i32 from vector<1xi32>
      %get3A_2669 = arith.index_cast %squeeze3A_2668 : i32 to index
      %get3A_2670 = memref.load %arg17[%get3A_2669] : memref<512xf32, #tpu.memory_space<smem>>
      %add3A_2671 = arith.constant 1.000000e+00 : f32
      %add3A_2672 = arith.addf %get3A_2670, %add3A_2671 : f32
      %swap3A_2673 = arith.index_cast %squeeze3A_2668 : i32 to index
      %swap3A_2674 = memref.load %arg17[%swap3A_2673] : memref<512xf32, #tpu.memory_space<smem>>
      memref.store %add3A_2672, %arg17[%swap3A_2673] : memref<512xf32, #tpu.memory_space<smem>>
      %slice3A_2675 = vector.extract_strided_slice %get3A_2660 {offsets = [2], sizes = [1], strides = [1]} : vector<16xi32> to vector<1xi32>
      %squeeze3A_2676 = vector.extract %slice3A_2675[0] : i32 from vector<1xi32>
      %get3A_2677 = arith.index_cast %squeeze3A_2676 : i32 to index
      %get3A_2678 = memref.load %arg17[%get3A_2677] : memref<512xf32, #tpu.memory_space<smem>>
      %add3A_2679 = arith.constant 1.000000e+00 : f32
      %add3A_2680 = arith.addf %get3A_2678, %add3A_2679 : f32
      %swap3A_2681 = arith.index_cast %squeeze3A_2676 : i32 to index
      %swap3A_2682 = memref.load %arg17[%swap3A_2681] : memref<512xf32, #tpu.memory_space<smem>>
      memref.store %add3A_2680, %arg17[%swap3A_2681] : memref<512xf32, #tpu.memory_space<smem>>
      %slice3A_2683 = vector.extract_strided_slice %get3A_2660 {offsets = [3], sizes = [1], strides = [1]} : vector<16xi32> to vector<1xi32>
      %squeeze3A_2684 = vector.extract %slice3A_2683[0] : i32 from vector<1xi32>
      %get3A_2685 = arith.index_cast %squeeze3A_2684 : i32 to index
      %get3A_2686 = memref.load %arg17[%get3A_2685] : memref<512xf32, #tpu.memory_space<smem>>
      %add3A_2687 = arith.constant 1.000000e+00 : f32
      %add3A_2688 = arith.addf %get3A_2686, %add3A_2687 : f32
      %swap3A_2689 = arith.index_cast %squeeze3A_2684 : i32 to index
      %swap3A_2690 = memref.load %arg17[%swap3A_2689] : memref<512xf32, #tpu.memory_space<smem>>
      memref.store %add3A_2688, %arg17[%swap3A_2689] : memref<512xf32, #tpu.memory_space<smem>>
      %slice3A_2691 = vector.extract_strided_slice %get3A_2660 {offsets = [4], sizes = [1], strides = [1]} : vector<16xi32> to vector<1xi32>
      %squeeze3A_2692 = vector.extract %slice3A_2691[0] : i32 from vector<1xi32>
      %get3A_2693 = arith.index_cast %squeeze3A_2692 : i32 to index
      %get3A_2694 = memref.load %arg17[%get3A_2693] : memref<512xf32, #tpu.memory_space<smem>>
      %add3A_2695 = arith.constant 1.000000e+00 : f32
      %add3A_2696 = arith.addf %get3A_2694, %add3A_2695 : f32
      %swap3A_2697 = arith.index_cast %squeeze3A_2692 : i32 to index
      %swap3A_2698 = memref.load %arg17[%swap3A_2697] : memref<512xf32, #tpu.memory_space<smem>>
      memref.store %add3A_2696, %arg17[%swap3A_2697] : memref<512xf32, #tpu.memory_space<smem>>
      %slice3A_2699 = vector.extract_strided_slice %get3A_2660 {offsets = [5], sizes = [1], strides = [1]} : vector<16xi32> to vector<1xi32>
      %squeeze3A_2700 = vector.extract %slice3A_2699[0] : i32 from vector<1xi32>
      %get3A_2701 = arith.index_cast %squeeze3A_2700 : i32 to index
      %get3A_2702 = memref.load %arg17[%get3A_2701] : memref<512xf32, #tpu.memory_space<smem>>
      %add3A_2703 = arith.constant 1.000000e+00 : f32
      %add3A_2704 = arith.addf %get3A_2702, %add3A_2703 : f32
      %swap3A_2705 = arith.index_cast %squeeze3A_2700 : i32 to index
      %swap3A_2706 = memref.load %arg17[%swap3A_2705] : memref<512xf32, #tpu.memory_space<smem>>
      memref.store %add3A_2704, %arg17[%swap3A_2705] : memref<512xf32, #tpu.memory_space<smem>>
      %slice3A_2707 = vector.extract_strided_slice %get3A_2660 {offsets = [6], sizes = [1], strides = [1]} : vector<16xi32> to vector<1xi32>
      %squeeze3A_2708 = vector.extract %slice3A_2707[0] : i32 from vector<1xi32>
      %get3A_2709 = arith.index_cast %squeeze3A_2708 : i32 to index
      %get3A_2710 = memref.load %arg17[%get3A_2709] : memref<512xf32, #tpu.memory_space<smem>>
      %add3A_2711 = arith.constant 1.000000e+00 : f32
      %add3A_2712 = arith.addf %get3A_2710, %add3A_2711 : f32
      %swap3A_2713 = arith.index_cast %squeeze3A_2708 : i32 to index
      %swap3A_2714 = memref.load %arg17[%swap3A_2713] : memref<512xf32, #tpu.memory_space<smem>>
      memref.store %add3A_2712, %arg17[%swap3A_2713] : memref<512xf32, #tpu.memory_space<smem>>
      %slice3A_2715 = vector.extract_strided_slice %get3A_2660 {offsets = [7], sizes = [1], strides = [1]} : vector<16xi32> to vector<1xi32>
      %squeeze3A_2716 = vector.extract %slice3A_2715[0] : i32 from vector<1xi32>
      %get3A_2717 = arith.index_cast %squeeze3A_2716 : i32 to index
      %get3A_2718 = memref.load %arg17[%get3A_2717] : memref<512xf32, #tpu.memory_space<smem>>
      %add3A_2719 = arith.constant 1.000000e+00 : f32
      %add3A_2720 = arith.addf %get3A_2718, %add3A_2719 : f32
      %swap3A_2721 = arith.index_cast %squeeze3A_2716 : i32 to index
      %swap3A_2722 = memref.load %arg17[%swap3A_2721] : memref<512xf32, #tpu.memory_space<smem>>
      memref.store %add3A_2720, %arg17[%swap3A_2721] : memref<512xf32, #tpu.memory_space<smem>>
      %slice3A_2723 = vector.extract_strided_slice %get3A_2660 {offsets = [8], sizes = [1], strides = [1]} : vector<16xi32> to vector<1xi32>
      %squeeze3A_2724 = vector.extract %slice3A_2723[0] : i32 from vector<1xi32>
      %get3A_2725 = arith.index_cast %squeeze3A_2724 : i32 to index
      %get3A_2726 = memref.load %arg17[%get3A_2725] : memref<512xf32, #tpu.memory_space<smem>>
      %add3A_2727 = arith.constant 1.000000e+00 : f32
      %add3A_2728 = arith.addf %get3A_2726, %add3A_2727 : f32
      %swap3A_2729 = arith.index_cast %squeeze3A_2724 : i32 to index
      %swap3A_2730 = memref.load %arg17[%swap3A_2729] : memref<512xf32, #tpu.memory_space<smem>>
      memref.store %add3A_2728, %arg17[%swap3A_2729] : memref<512xf32, #tpu.memory_space<smem>>
      %slice3A_2731 = vector.extract_strided_slice %get3A_2660 {offsets = [9], sizes = [1], strides = [1]} : vector<16xi32> to vector<1xi32>
      %squeeze3A_2732 = vector.extract %slice3A_2731[0] : i32 from vector<1xi32>
      %get3A_2733 = arith.index_cast %squeeze3A_2732 : i32 to index
      %get3A_2734 = memref.load %arg17[%get3A_2733] : memref<512xf32, #tpu.memory_space<smem>>
      %add3A_2735 = arith.constant 1.000000e+00 : f32
      %add3A_2736 = arith.addf %get3A_2734, %add3A_2735 : f32
      %swap3A_2737 = arith.index_cast %squeeze3A_2732 : i32 to index
      %swap3A_2738 = memref.load %arg17[%swap3A_2737] : memref<512xf32, #tpu.memory_space<smem>>
      memref.store %add3A_2736, %arg17[%swap3A_2737] : memref<512xf32, #tpu.memory_space<smem>>
      %slice3A_2739 = vector.extract_strided_slice %get3A_2660 {offsets = [10], sizes = [1], strides = [1]} : vector<16xi32> to vector<1xi32>
      %squeeze3A_2740 = vector.extract %slice3A_2739[0] : i32 from vector<1xi32>
      %get3A_2741 = arith.index_cast %squeeze3A_2740 : i32 to index
      %get3A_2742 = memref.load %arg17[%get3A_2741] : memref<512xf32, #tpu.memory_space<smem>>
      %add3A_2743 = arith.constant 1.000000e+00 : f32
      %add3A_2744 = arith.addf %get3A_2742, %add3A_2743 : f32
      %swap3A_2745 = arith.index_cast %squeeze3A_2740 : i32 to index
      %swap3A_2746 = memref.load %arg17[%swap3A_2745] : memref<512xf32, #tpu.memory_space<smem>>
      memref.store %add3A_2744, %arg17[%swap3A_2745] : memref<512xf32, #tpu.memory_space<smem>>
      %slice3A_2747 = vector.extract_strided_slice %get3A_2660 {offsets = [11], sizes = [1], strides = [1]} : vector<16xi32> to vector<1xi32>
      %squeeze3A_2748 = vector.extract %slice3A_2747[0] : i32 from vector<1xi32>
      %get3A_2749 = arith.index_cast %squeeze3A_2748 : i32 to index
      %get3A_2750 = memref.load %arg17[%get3A_2749] : memref<512xf32, #tpu.memory_space<smem>>
      %add3A_2751 = arith.constant 1.000000e+00 : f32
      %add3A_2752 = arith.addf %get3A_2750, %add3A_2751 : f32
      %swap3A_2753 = arith.index_cast %squeeze3A_2748 : i32 to index
      %swap3A_2754 = memref.load %arg17[%swap3A_2753] : memref<512xf32, #tpu.memory_space<smem>>
      memref.store %add3A_2752, %arg17[%swap3A_2753] : memref<512xf32, #tpu.memory_space<smem>>
      %slice3A_2755 = vector.extract_strided_slice %get3A_2660 {offsets = [12], sizes = [1], strides = [1]} : vector<16xi32> to vector<1xi32>
      %squeeze3A_2756 = vector.extract %slice3A_2755[0] : i32 from vector<1xi32>
      %get3A_2757 = arith.index_cast %squeeze3A_2756 : i32 to index
      %get3A_2758 = memref.load %arg17[%get3A_2757] : memref<512xf32, #tpu.memory_space<smem>>
      %add3A_2759 = arith.constant 1.000000e+00 : f32
      %add3A_2760 = arith.addf %get3A_2758, %add3A_2759 : f32
      %swap3A_2761 = arith.index_cast %squeeze3A_2756 : i32 to index
      %swap3A_2762 = memref.load %arg17[%swap3A_2761] : memref<512xf32, #tpu.memory_space<smem>>
      memref.store %add3A_2760, %arg17[%swap3A_2761] : memref<512xf32, #tpu.memory_space<smem>>
      %slice3A_2763 = vector.extract_strided_slice %get3A_2660 {offsets = [13], sizes = [1], strides = [1]} : vector<16xi32> to vector<1xi32>
      %squeeze3A_2764 = vector.extract %slice3A_2763[0] : i32 from vector<1xi32>
      %get3A_2765 = arith.index_cast %squeeze3A_2764 : i32 to index
      %get3A_2766 = memref.load %arg17[%get3A_2765] : memref<512xf32, #tpu.memory_space<smem>>
      %add3A_2767 = arith.constant 1.000000e+00 : f32
      %add3A_2768 = arith.addf %get3A_2766, %add3A_2767 : f32
      %swap3A_2769 = arith.index_cast %squeeze3A_2764 : i32 to index
      %swap3A_2770 = memref.load %arg17[%swap3A_2769] : memref<512xf32, #tpu.memory_space<smem>>
      memref.store %add3A_2768, %arg17[%swap3A_2769] : memref<512xf32, #tpu.memory_space<smem>>
      %slice3A_2771 = vector.extract_strided_slice %get3A_2660 {offsets = [14], sizes = [1], strides = [1]} : vector<16xi32> to vector<1xi32>
      %squeeze3A_2772 = vector.extract %slice3A_2771[0] : i32 from vector<1xi32>
      %get3A_2773 = arith.index_cast %squeeze3A_2772 : i32 to index
      %get3A_2774 = memref.load %arg17[%get3A_2773] : memref<512xf32, #tpu.memory_space<smem>>
      %add3A_2775 = arith.constant 1.000000e+00 : f32
      %add3A_2776 = arith.addf %get3A_2774, %add3A_2775 : f32
      %swap3A_2777 = arith.index_cast %squeeze3A_2772 : i32 to index
      %swap3A_2778 = memref.load %arg17[%swap3A_2777] : memref<512xf32, #tpu.memory_space<smem>>
      memref.store %add3A_2776, %arg17[%swap3A_2777] : memref<512xf32, #tpu.memory_space<smem>>
      %slice3A_2779 = vector.extract_strided_slice %get3A_2660 {offsets = [15], sizes = [1], strides = [1]} : vector<16xi32> to vector<1xi32>
      %squeeze3A_2780 = vector.extract %slice3A_2779[0] : i32 from vector<1xi32>
      %get3A_2781 = arith.index_cast %squeeze3A_2780 : i32 to index
      %get3A_2782 = memref.load %arg17[%get3A_2781] : memref<512xf32, #tpu.memory_space<smem>>
      %add3A_2783 = arith.constant 1.000000e+00 : f32
      %add3A_2784 = arith.addf %get3A_2782, %add3A_2783 : f32
      %swap3A_2785 = arith.index_cast %squeeze3A_2780 : i32 to index
      %swap3A_2786 = memref.load %arg17[%swap3A_2785] : memref<512xf32, #tpu.memory_space<smem>>
      memref.store %add3A_2784, %arg17[%swap3A_2785] : memref<512xf32, #tpu.memory_space<smem>>
      %get3A_2787 = arith.constant 16 : index
      %get3A_2788 = tpu.vector_load %arg15[%get3A_2787] {strides = array<i32>} : memref<32xi32, #tpu.memory_space<vmem>>, vector<16xi32>,
      %get3A_2789 = vector.shape_cast %get3A_2788 : vector<16xi32> to vector<16xi32>
      %slice3A_2790 = vector.extract_strided_slice %get3A_2789 {offsets = [0], sizes = [1], strides = [1]} : vector<16xi32> to vector<1xi32>
      %squeeze3A_2791 = vector.extract %slice3A_2790[0] : i32 from vector<1xi32>
      %get3A_2792 = arith.index_cast %squeeze3A_2791 : i32 to index
      %get3A_2793 = memref.load %arg17[%get3A_2792] : memref<512xf32, #tpu.memory_space<smem>>
      %add3A_2794 = arith.constant 1.000000e+00 : f32
      %add3A_2795 = arith.addf %get3A_2793, %add3A_2794 : f32
      %swap3A_2796 = arith.index_cast %squeeze3A_2791 : i32 to index
      %swap3A_2797 = memref.load %arg17[%swap3A_2796] : memref<512xf32, #tpu.memory_space<smem>>
      memref.store %add3A_2795, %arg17[%swap3A_2796] : memref<512xf32, #tpu.memory_space<smem>>
      %slice3A_2798 = vector.extract_strided_slice %get3A_2789 {offsets = [1], sizes = [1], strides = [1]} : vector<16xi32> to vector<1xi32>
      %squeeze3A_2799 = vector.extract %slice3A_2798[0] : i32 from vector<1xi32>
      %get3A_2800 = arith.index_cast %squeeze3A_2799 : i32 to index
      %get3A_2801 = memref.load %arg17[%get3A_2800] : memref<512xf32, #tpu.memory_space<smem>>
      %add3A_2802 = arith.constant 1.000000e+00 : f32
      %add3A_2803 = arith.addf %get3A_2801, %add3A_2802 : f32
      %swap3A_2804 = arith.index_cast %squeeze3A_2799 : i32 to index
      %swap3A_2805 = memref.load %arg17[%swap3A_2804] : memref<512xf32, #tpu.memory_space<smem>>
      memref.store %add3A_2803, %arg17[%swap3A_2804] : memref<512xf32, #tpu.memory_space<smem>>
      %slice3A_2806 = vector.extract_strided_slice %get3A_2789 {offsets = [2], sizes = [1], strides = [1]} : vector<16xi32> to vector<1xi32>
      %squeeze3A_2807 = vector.extract %slice3A_2806[0] : i32 from vector<1xi32>
      %get3A_2808 = arith.index_cast %squeeze3A_2807 : i32 to index
      %get3A_2809 = memref.load %arg17[%get3A_2808] : memref<512xf32, #tpu.memory_space<smem>>
      %add3A_2810 = arith.constant 1.000000e+00 : f32
      %add3A_2811 = arith.addf %get3A_2809, %add3A_2810 : f32
      %swap3A_2812 = arith.index_cast %squeeze3A_2807 : i32 to index
      %swap3A_2813 = memref.load %arg17[%swap3A_2812] : memref<512xf32, #tpu.memory_space<smem>>
      memref.store %add3A_2811, %arg17[%swap3A_2812] : memref<512xf32, #tpu.memory_space<smem>>
      %slice3A_2814 = vector.extract_strided_slice %get3A_2789 {offsets = [3], sizes = [1], strides = [1]} : vector<16xi32> to vector<1xi32>
      %squeeze3A_2815 = vector.extract %slice3A_2814[0] : i32 from vector<1xi32>
      %get3A_2816 = arith.index_cast %squeeze3A_2815 : i32 to index
      %get3A_2817 = memref.load %arg17[%get3A_2816] : memref<512xf32, #tpu.memory_space<smem>>
      %add3A_2818 = arith.constant 1.000000e+00 : f32
      %add3A_2819 = arith.addf %get3A_2817, %add3A_2818 : f32
      %swap3A_2820 = arith.index_cast %squeeze3A_2815 : i32 to index
      %swap3A_2821 = memref.load %arg17[%swap3A_2820] : memref<512xf32, #tpu.memory_space<smem>>
      memref.store %add3A_2819, %arg17[%swap3A_2820] : memref<512xf32, #tpu.memory_space<smem>>
      %slice3A_2822 = vector.extract_strided_slice %get3A_2789 {offsets = [4], sizes = [1], strides = [1]} : vector<16xi32> to vector<1xi32>
      %squeeze3A_2823 = vector.extract %slice3A_2822[0] : i32 from vector<1xi32>
      %get3A_2824 = arith.index_cast %squeeze3A_2823 : i32 to index
      %get3A_2825 = memref.load %arg17[%get3A_2824] : memref<512xf32, #tpu.memory_space<smem>>
      %add3A_2826 = arith.constant 1.000000e+00 : f32
      %add3A_2827 = arith.addf %get3A_2825, %add3A_2826 : f32
      %swap3A_2828 = arith.index_cast %squeeze3A_2823 : i32 to index
      %swap3A_2829 = memref.load %arg17[%swap3A_2828] : memref<512xf32, #tpu.memory_space<smem>>
      memref.store %add3A_2827, %arg17[%swap3A_2828] : memref<512xf32, #tpu.memory_space<smem>>
      %slice3A_2830 = vector.extract_strided_slice %get3A_2789 {offsets = [5], sizes = [1], strides = [1]} : vector<16xi32> to vector<1xi32>
      %squeeze3A_2831 = vector.extract %slice3A_2830[0] : i32 from vector<1xi32>
      %get3A_2832 = arith.index_cast %squeeze3A_2831 : i32 to index
      %get3A_2833 = memref.load %arg17[%get3A_2832] : memref<512xf32, #tpu.memory_space<smem>>
      %add3A_2834 = arith.constant 1.000000e+00 : f32
      %add3A_2835 = arith.addf %get3A_2833, %add3A_2834 : f32
      %swap3A_2836 = arith.index_cast %squeeze3A_2831 : i32 to index
      %swap3A_2837 = memref.load %arg17[%swap3A_2836] : memref<512xf32, #tpu.memory_space<smem>>
      memref.store %add3A_2835, %arg17[%swap3A_2836] : memref<512xf32, #tpu.memory_space<smem>>
      %slice3A_2838 = vector.extract_strided_slice %get3A_2789 {offsets = [6], sizes = [1], strides = [1]} : vector<16xi32> to vector<1xi32>
      %squeeze3A_2839 = vector.extract %slice3A_2838[0] : i32 from vector<1xi32>
      %get3A_2840 = arith.index_cast %squeeze3A_2839 : i32 to index
      %get3A_2841 = memref.load %arg17[%get3A_2840] : memref<512xf32, #tpu.memory_space<smem>>
      %add3A_2842 = arith.constant 1.000000e+00 : f32
      %add3A_2843 = arith.addf %get3A_2841, %add3A_2842 : f32
      %swap3A_2844 = arith.index_cast %squeeze3A_2839 : i32 to index
      %swap3A_2845 = memref.load %arg17[%swap3A_2844] : memref<512xf32, #tpu.memory_space<smem>>
      memref.store %add3A_2843, %arg17[%swap3A_2844] : memref<512xf32, #tpu.memory_space<smem>>
      %slice3A_2846 = vector.extract_strided_slice %get3A_2789 {offsets = [7], sizes = [1], strides = [1]} : vector<16xi32> to vector<1xi32>
      %squeeze3A_2847 = vector.extract %slice3A_2846[0] : i32 from vector<1xi32>
      %get3A_2848 = arith.index_cast %squeeze3A_2847 : i32 to index
      %get3A_2849 = memref.load %arg17[%get3A_2848] : memref<512xf32, #tpu.memory_space<smem>>
      %add3A_2850 = arith.constant 1.000000e+00 : f32
      %add3A_2851 = arith.addf %get3A_2849, %add3A_2850 : f32
      %swap3A_2852 = arith.index_cast %squeeze3A_2847 : i32 to index
      %swap3A_2853 = memref.load %arg17[%swap3A_2852] : memref<512xf32, #tpu.memory_space<smem>>
      memref.store %add3A_2851, %arg17[%swap3A_2852] : memref<512xf32, #tpu.memory_space<smem>>
      %slice3A_2854 = vector.extract_strided_slice %get3A_2789 {offsets = [8], sizes = [1], strides = [1]} : vector<16xi32> to vector<1xi32>
      %squeeze3A_2855 = vector.extract %slice3A_2854[0] : i32 from vector<1xi32>
      %get3A_2856 = arith.index_cast %squeeze3A_2855 : i32 to index
      %get3A_2857 = memref.load %arg17[%get3A_2856] : memref<512xf32, #tpu.memory_space<smem>>
      %add3A_2858 = arith.constant 1.000000e+00 : f32
      %add3A_2859 = arith.addf %get3A_2857, %add3A_2858 : f32
      %swap3A_2860 = arith.index_cast %squeeze3A_2855 : i32 to index
      %swap3A_2861 = memref.load %arg17[%swap3A_2860] : memref<512xf32, #tpu.memory_space<smem>>
      memref.store %add3A_2859, %arg17[%swap3A_2860] : memref<512xf32, #tpu.memory_space<smem>>
      %slice3A_2862 = vector.extract_strided_slice %get3A_2789 {offsets = [9], sizes = [1], strides = [1]} : vector<16xi32> to vector<1xi32>
      %squeeze3A_2863 = vector.extract %slice3A_2862[0] : i32 from vector<1xi32>
      %get3A_2864 = arith.index_cast %squeeze3A_2863 : i32 to index
      %get3A_2865 = memref.load %arg17[%get3A_2864] : memref<512xf32, #tpu.memory_space<smem>>
      %add3A_2866 = arith.constant 1.000000e+00 : f32
      %add3A_2867 = arith.addf %get3A_2865, %add3A_2866 : f32
      %swap3A_2868 = arith.index_cast %squeeze3A_2863 : i32 to index
      %swap3A_2869 = memref.load %arg17[%swap3A_2868] : memref<512xf32, #tpu.memory_space<smem>>
      memref.store %add3A_2867, %arg17[%swap3A_2868] : memref<512xf32, #tpu.memory_space<smem>>
      %slice3A_2870 = vector.extract_strided_slice %get3A_2789 {offsets = [10], sizes = [1], strides = [1]} : vector<16xi32> to vector<1xi32>
      %squeeze3A_2871 = vector.extract %slice3A_2870[0] : i32 from vector<1xi32>
      %get3A_2872 = arith.index_cast %squeeze3A_2871 : i32 to index
      %get3A_2873 = memref.load %arg17[%get3A_2872] : memref<512xf32, #tpu.memory_space<smem>>
      %add3A_2874 = arith.constant 1.000000e+00 : f32
      %add3A_2875 = arith.addf %get3A_2873, %add3A_2874 : f32
      %swap3A_2876 = arith.index_cast %squeeze3A_2871 : i32 to index
      %swap3A_2877 = memref.load %arg17[%swap3A_2876] : memref<512xf32, #tpu.memory_space<smem>>
      memref.store %add3A_2875, %arg17[%swap3A_2876] : memref<512xf32, #tpu.memory_space<smem>>
      %slice3A_2878 = vector.extract_strided_slice %get3A_2789 {offsets = [11], sizes = [1], strides = [1]} : vector<16xi32> to vector<1xi32>
      %squeeze3A_2879 = vector.extract %slice3A_2878[0] : i32 from vector<1xi32>
      %get3A_2880 = arith.index_cast %squeeze3A_2879 : i32 to index
      %get3A_2881 = memref.load %arg17[%get3A_2880] : memref<512xf32, #tpu.memory_space<smem>>
      %add3A_2882 = arith.constant 1.000000e+00 : f32
      %add3A_2883 = arith.addf %get3A_2881, %add3A_2882 : f32
      %swap3A_2884 = arith.index_cast %squeeze3A_2879 : i32 to index
      %swap3A_2885 = memref.load %arg17[%swap3A_2884] : memref<512xf32, #tpu.memory_space<smem>>
      memref.store %add3A_2883, %arg17[%swap3A_2884] : memref<512xf32, #tpu.memory_space<smem>>
      %slice3A_2886 = vector.extract_strided_slice %get3A_2789 {offsets = [12], sizes = [1], strides = [1]} : vector<16xi32> to vector<1xi32>
      %squeeze3A_2887 = vector.extract %slice3A_2886[0] : i32 from vector<1xi32>
      %get3A_2888 = arith.index_cast %squeeze3A_2887 : i32 to index
      %get3A_2889 = memref.load %arg17[%get3A_2888] : memref<512xf32, #tpu.memory_space<smem>>
      %add3A_2890 = arith.constant 1.000000e+00 : f32
      %add3A_2891 = arith.addf %get3A_2889, %add3A_2890 : f32
      %swap3A_2892 = arith.index_cast %squeeze3A_2887 : i32 to index
      %swap3A_2893 = memref.load %arg17[%swap3A_2892] : memref<512xf32, #tpu.memory_space<smem>>
      memref.store %add3A_2891, %arg17[%swap3A_2892] : memref<512xf32, #tpu.memory_space<smem>>
      %slice3A_2894 = vector.extract_strided_slice %get3A_2789 {offsets = [13], sizes = [1], strides = [1]} : vector<16xi32> to vector<1xi32>
      %squeeze3A_2895 = vector.extract %slice3A_2894[0] : i32 from vector<1xi32>
      %get3A_2896 = arith.index_cast %squeeze3A_2895 : i32 to index
      %get3A_2897 = memref.load %arg17[%get3A_2896] : memref<512xf32, #tpu.memory_space<smem>>
      %add3A_2898 = arith.constant 1.000000e+00 : f32
      %add3A_2899 = arith.addf %get3A_2897, %add3A_2898 : f32
      %swap3A_2900 = arith.index_cast %squeeze3A_2895 : i32 to index
      %swap3A_2901 = memref.load %arg17[%swap3A_2900] : memref<512xf32, #tpu.memory_space<smem>>
      memref.store %add3A_2899, %arg17[%swap3A_2900] : memref<512xf32, #tpu.memory_space<smem>>
      %slice3A_2902 = vector.extract_strided_slice %get3A_2789 {offsets = [14], sizes = [1], strides = [1]} : vector<16xi32> to vector<1xi32>
      %squeeze3A_2903 = vector.extract %slice3A_2902[0] : i32 from vector<1xi32>
      %get3A_2904 = arith.index_cast %squeeze3A_2903 : i32 to index
      %get3A_2905 = memref.load %arg17[%get3A_2904] : memref<512xf32, #tpu.memory_space<smem>>
      %add3A_2906 = arith.constant 1.000000e+00 : f32
      %add3A_2907 = arith.addf %get3A_2905, %add3A_2906 : f32
      %swap3A_2908 = arith.index_cast %squeeze3A_2903 : i32 to index
      %swap3A_2909 = memref.load %arg17[%swap3A_2908] : memref<512xf32, #tpu.memory_space<smem>>
      memref.store %add3A_2907, %arg17[%swap3A_2908] : memref<512xf32, #tpu.memory_space<smem>>
      %slice3A_2910 = vector.extract_strided_slice %get3A_2789 {offsets = [15], sizes = [1], strides = [1]} : vector<16xi32> to vector<1xi32>
      %squeeze3A_2911 = vector.extract %slice3A_2910[0] : i32 from vector<1xi32>
      %get3A_2912 = arith.index_cast %squeeze3A_2911 : i32 to index
      %get3A_2913 = memref.load %arg17[%get3A_2912] : memref<512xf32, #tpu.memory_space<smem>>
      %add3A_2914 = arith.constant 1.000000e+00 : f32
      %add3A_2915 = arith.addf %get3A_2913, %add3A_2914 : f32
      %swap3A_2916 = arith.index_cast %squeeze3A_2911 : i32 to index
      %swap3A_2917 = memref.load %arg17[%swap3A_2916] : memref<512xf32, #tpu.memory_space<smem>>
      memref.store %add3A_2915, %arg17[%swap3A_2916] : memref<512xf32, #tpu.memory_space<smem>>
      %dma_wait3A = arith.constant 0 : i32
      %dma_wait3A_2918 = arith.constant 0 : i32
      %dma_wait3A_2919 = tpu.memref_slice %arg18[%dma_wait3A, %dma_wait3A_2918] : memref<512x128xf32, #tpu.memory_space<vmem_shared>> -> memref<512x128xf32, #tpu.memory_space<vmem_shared>>
      tpu.wait_indirect_dma semaphore(%arg22 : memref<!tpu.dma_semaphore, #tpu.memory_space<semaphore_mem>>) src(%arg16 : memref<32x128xf32, #tpu.memory_space<vmem>>) dst(%dma_wait3A_2919 : memref<512x128xf32, #tpu.memory_space<vmem_shared>>)
    } else {
    }
    %iota3A = tpu.iota {dimensions = array<i32: 0>} : vector<16xi32>
    %scan3A_2356 = arith.constant 0 : i32
    %scan3A_2357 = arith.constant 0 : i32
    %scan3A_2358 = arith.constant 32 : i32
    %scan3A_2359 = arith.addi %scan3A_2357, %scan3A_2358 : i32
    %scan3A_2360 = arith.constant 1 : i32
    scf.for %scan3A_2655 = %scan3A_2357 to %scan3A_2359 step %scan3A_2360  : i32 {
      %broadcast_in_dim3A_2656 = arith.constant 0.000000e+00 : f32
      %broadcast_in_dim3A_2657 = vector.broadcast %broadcast_in_dim3A_2656 : f32 to vector<16xf32>
      %mul3A_2658 = arith.constant 16 : i32
      %mul3A_2659 = arith.muli %scan3A_2655, %mul3A_2658 : i32
      %add3A_2660 = arith.constant 0 : i32
      %add3A_2661 = arith.addi %mul3A_2659, %add3A_2660 : i32
      %get3A_2662 = arith.index_cast %add3A_2661 : i32 to index
      %get3A_2663 = memref.load %arg17[%get3A_2662] : memref<512xf32, #tpu.memory_space<smem>>
      %eq3A_2664 = arith.constant 0 : i32
      %eq3A_2665 = vector.broadcast %eq3A_2664 : i32 to vector<16xi32>
      %eq3A_2666 = arith.cmpi eq, %iota3A, %eq3A_2665 : vector<16xi32>
      %broadcast_in_dim3A_2667 = vector.broadcast %get3A_2663 : f32 to vector<16xf32>
      %select_n3A_2668 = arith.select %eq3A_2666, %broadcast_in_dim3A_2667, %broadcast_in_dim3A_2657 : vector<16xi1>, vector<16xf32>
      %mul3A_2669 = arith.constant 16 : i32
      %mul3A_2670 = arith.muli %scan3A_2655, %mul3A_2669 : i32
      %add3A_2671 = arith.constant 1 : i32
      %add3A_2672 = arith.addi %mul3A_2670, %add3A_2671 : i32
      %get3A_2673 = arith.index_cast %add3A_2672 : i32 to index
      %get3A_2674 = memref.load %arg17[%get3A_2673] : memref<512xf32, #tpu.memory_space<smem>>
      %eq3A_2675 = arith.constant 1 : i32
      %eq3A_2676 = vector.broadcast %eq3A_2675 : i32 to vector<16xi32>
      %eq3A_2677 = arith.cmpi eq, %iota3A, %eq3A_2676 : vector<16xi32>
      %broadcast_in_dim3A_2678 = vector.broadcast %get3A_2674 : f32 to vector<16xf32>
      %select_n3A_2679 = arith.select %eq3A_2677, %broadcast_in_dim3A_2678, %select_n3A_2668 : vector<16xi1>, vector<16xf32>
      %mul3A_2680 = arith.constant 16 : i32
      %mul3A_2681 = arith.muli %scan3A_2655, %mul3A_2680 : i32
      %add3A_2682 = arith.constant 2 : i32
      %add3A_2683 = arith.addi %mul3A_2681, %add3A_2682 : i32
      %get3A_2684 = arith.index_cast %add3A_2683 : i32 to index
      %get3A_2685 = memref.load %arg17[%get3A_2684] : memref<512xf32, #tpu.memory_space<smem>>
      %eq3A_2686 = arith.constant 2 : i32
      %eq3A_2687 = vector.broadcast %eq3A_2686 : i32 to vector<16xi32>
      %eq3A_2688 = arith.cmpi eq, %iota3A, %eq3A_2687 : vector<16xi32>
      %broadcast_in_dim3A_2689 = vector.broadcast %get3A_2685 : f32 to vector<16xf32>
      %select_n3A_2690 = arith.select %eq3A_2688, %broadcast_in_dim3A_2689, %select_n3A_2679 : vector<16xi1>, vector<16xf32>
      %mul3A_2691 = arith.constant 16 : i32
      %mul3A_2692 = arith.muli %scan3A_2655, %mul3A_2691 : i32
      %add3A_2693 = arith.constant 3 : i32
      %add3A_2694 = arith.addi %mul3A_2692, %add3A_2693 : i32
      %get3A_2695 = arith.index_cast %add3A_2694 : i32 to index
      %get3A_2696 = memref.load %arg17[%get3A_2695] : memref<512xf32, #tpu.memory_space<smem>>
      %eq3A_2697 = arith.constant 3 : i32
      %eq3A_2698 = vector.broadcast %eq3A_2697 : i32 to vector<16xi32>
      %eq3A_2699 = arith.cmpi eq, %iota3A, %eq3A_2698 : vector<16xi32>
      %broadcast_in_dim3A_2700 = vector.broadcast %get3A_2696 : f32 to vector<16xf32>
      %select_n3A_2701 = arith.select %eq3A_2699, %broadcast_in_dim3A_2700, %select_n3A_2690 : vector<16xi1>, vector<16xf32>
      %mul3A_2702 = arith.constant 16 : i32
      %mul3A_2703 = arith.muli %scan3A_2655, %mul3A_2702 : i32
      %add3A_2704 = arith.constant 4 : i32
      %add3A_2705 = arith.addi %mul3A_2703, %add3A_2704 : i32
      %get3A_2706 = arith.index_cast %add3A_2705 : i32 to index
      %get3A_2707 = memref.load %arg17[%get3A_2706] : memref<512xf32, #tpu.memory_space<smem>>
      %eq3A_2708 = arith.constant 4 : i32
      %eq3A_2709 = vector.broadcast %eq3A_2708 : i32 to vector<16xi32>
      %eq3A_2710 = arith.cmpi eq, %iota3A, %eq3A_2709 : vector<16xi32>
      %broadcast_in_dim3A_2711 = vector.broadcast %get3A_2707 : f32 to vector<16xf32>
      %select_n3A_2712 = arith.select %eq3A_2710, %broadcast_in_dim3A_2711, %select_n3A_2701 : vector<16xi1>, vector<16xf32>
      %mul3A_2713 = arith.constant 16 : i32
      %mul3A_2714 = arith.muli %scan3A_2655, %mul3A_2713 : i32
      %add3A_2715 = arith.constant 5 : i32
      %add3A_2716 = arith.addi %mul3A_2714, %add3A_2715 : i32
      %get3A_2717 = arith.index_cast %add3A_2716 : i32 to index
      %get3A_2718 = memref.load %arg17[%get3A_2717] : memref<512xf32, #tpu.memory_space<smem>>
      %eq3A_2719 = arith.constant 5 : i32
      %eq3A_2720 = vector.broadcast %eq3A_2719 : i32 to vector<16xi32>
      %eq3A_2721 = arith.cmpi eq, %iota3A, %eq3A_2720 : vector<16xi32>
      %broadcast_in_dim3A_2722 = vector.broadcast %get3A_2718 : f32 to vector<16xf32>
      %select_n3A_2723 = arith.select %eq3A_2721, %broadcast_in_dim3A_2722, %select_n3A_2712 : vector<16xi1>, vector<16xf32>
      %mul3A_2724 = arith.constant 16 : i32
      %mul3A_2725 = arith.muli %scan3A_2655, %mul3A_2724 : i32
      %add3A_2726 = arith.constant 6 : i32
      %add3A_2727 = arith.addi %mul3A_2725, %add3A_2726 : i32
      %get3A_2728 = arith.index_cast %add3A_2727 : i32 to index
      %get3A_2729 = memref.load %arg17[%get3A_2728] : memref<512xf32, #tpu.memory_space<smem>>
      %eq3A_2730 = arith.constant 6 : i32
      %eq3A_2731 = vector.broadcast %eq3A_2730 : i32 to vector<16xi32>
      %eq3A_2732 = arith.cmpi eq, %iota3A, %eq3A_2731 : vector<16xi32>
      %broadcast_in_dim3A_2733 = vector.broadcast %get3A_2729 : f32 to vector<16xf32>
      %select_n3A_2734 = arith.select %eq3A_2732, %broadcast_in_dim3A_2733, %select_n3A_2723 : vector<16xi1>, vector<16xf32>
      %mul3A_2735 = arith.constant 16 : i32
      %mul3A_2736 = arith.muli %scan3A_2655, %mul3A_2735 : i32
      %add3A_2737 = arith.constant 7 : i32
      %add3A_2738 = arith.addi %mul3A_2736, %add3A_2737 : i32
      %get3A_2739 = arith.index_cast %add3A_2738 : i32 to index
      %get3A_2740 = memref.load %arg17[%get3A_2739] : memref<512xf32, #tpu.memory_space<smem>>
      %eq3A_2741 = arith.constant 7 : i32
      %eq3A_2742 = vector.broadcast %eq3A_2741 : i32 to vector<16xi32>
      %eq3A_2743 = arith.cmpi eq, %iota3A, %eq3A_2742 : vector<16xi32>
      %broadcast_in_dim3A_2744 = vector.broadcast %get3A_2740 : f32 to vector<16xf32>
      %select_n3A_2745 = arith.select %eq3A_2743, %broadcast_in_dim3A_2744, %select_n3A_2734 : vector<16xi1>, vector<16xf32>
      %mul3A_2746 = arith.constant 16 : i32
      %mul3A_2747 = arith.muli %scan3A_2655, %mul3A_2746 : i32
      %add3A_2748 = arith.constant 8 : i32
      %add3A_2749 = arith.addi %mul3A_2747, %add3A_2748 : i32
      %get3A_2750 = arith.index_cast %add3A_2749 : i32 to index
      %get3A_2751 = memref.load %arg17[%get3A_2750] : memref<512xf32, #tpu.memory_space<smem>>
      %eq3A_2752 = arith.constant 8 : i32
      %eq3A_2753 = vector.broadcast %eq3A_2752 : i32 to vector<16xi32>
      %eq3A_2754 = arith.cmpi eq, %iota3A, %eq3A_2753 : vector<16xi32>
      %broadcast_in_dim3A_2755 = vector.broadcast %get3A_2751 : f32 to vector<16xf32>
      %select_n3A_2756 = arith.select %eq3A_2754, %broadcast_in_dim3A_2755, %select_n3A_2745 : vector<16xi1>, vector<16xf32>
      %mul3A_2757 = arith.constant 16 : i32
      %mul3A_2758 = arith.muli %scan3A_2655, %mul3A_2757 : i32
      %add3A_2759 = arith.constant 9 : i32
      %add3A_2760 = arith.addi %mul3A_2758, %add3A_2759 : i32
      %get3A_2761 = arith.index_cast %add3A_2760 : i32 to index
      %get3A_2762 = memref.load %arg17[%get3A_2761] : memref<512xf32, #tpu.memory_space<smem>>
      %eq3A_2763 = arith.constant 9 : i32
      %eq3A_2764 = vector.broadcast %eq3A_2763 : i32 to vector<16xi32>
      %eq3A_2765 = arith.cmpi eq, %iota3A, %eq3A_2764 : vector<16xi32>
      %broadcast_in_dim3A_2766 = vector.broadcast %get3A_2762 : f32 to vector<16xf32>
      %select_n3A_2767 = arith.select %eq3A_2765, %broadcast_in_dim3A_2766, %select_n3A_2756 : vector<16xi1>, vector<16xf32>
      %mul3A_2768 = arith.constant 16 : i32
      %mul3A_2769 = arith.muli %scan3A_2655, %mul3A_2768 : i32
      %add3A_2770 = arith.constant 10 : i32
      %add3A_2771 = arith.addi %mul3A_2769, %add3A_2770 : i32
      %get3A_2772 = arith.index_cast %add3A_2771 : i32 to index
      %get3A_2773 = memref.load %arg17[%get3A_2772] : memref<512xf32, #tpu.memory_space<smem>>
      %eq3A_2774 = arith.constant 10 : i32
      %eq3A_2775 = vector.broadcast %eq3A_2774 : i32 to vector<16xi32>
      %eq3A_2776 = arith.cmpi eq, %iota3A, %eq3A_2775 : vector<16xi32>
      %broadcast_in_dim3A_2777 = vector.broadcast %get3A_2773 : f32 to vector<16xf32>
      %select_n3A_2778 = arith.select %eq3A_2776, %broadcast_in_dim3A_2777, %select_n3A_2767 : vector<16xi1>, vector<16xf32>
      %mul3A_2779 = arith.constant 16 : i32
      %mul3A_2780 = arith.muli %scan3A_2655, %mul3A_2779 : i32
      %add3A_2781 = arith.constant 11 : i32
      %add3A_2782 = arith.addi %mul3A_2780, %add3A_2781 : i32
      %get3A_2783 = arith.index_cast %add3A_2782 : i32 to index
      %get3A_2784 = memref.load %arg17[%get3A_2783] : memref<512xf32, #tpu.memory_space<smem>>
      %eq3A_2785 = arith.constant 11 : i32
      %eq3A_2786 = vector.broadcast %eq3A_2785 : i32 to vector<16xi32>
      %eq3A_2787 = arith.cmpi eq, %iota3A, %eq3A_2786 : vector<16xi32>
      %broadcast_in_dim3A_2788 = vector.broadcast %get3A_2784 : f32 to vector<16xf32>
      %select_n3A_2789 = arith.select %eq3A_2787, %broadcast_in_dim3A_2788, %select_n3A_2778 : vector<16xi1>, vector<16xf32>
      %mul3A_2790 = arith.constant 16 : i32
      %mul3A_2791 = arith.muli %scan3A_2655, %mul3A_2790 : i32
      %add3A_2792 = arith.constant 12 : i32
      %add3A_2793 = arith.addi %mul3A_2791, %add3A_2792 : i32
      %get3A_2794 = arith.index_cast %add3A_2793 : i32 to index
      %get3A_2795 = memref.load %arg17[%get3A_2794] : memref<512xf32, #tpu.memory_space<smem>>
      %eq3A_2796 = arith.constant 12 : i32
      %eq3A_2797 = vector.broadcast %eq3A_2796 : i32 to vector<16xi32>
      %eq3A_2798 = arith.cmpi eq, %iota3A, %eq3A_2797 : vector<16xi32>
      %broadcast_in_dim3A_2799 = vector.broadcast %get3A_2795 : f32 to vector<16xf32>
      %select_n3A_2800 = arith.select %eq3A_2798, %broadcast_in_dim3A_2799, %select_n3A_2789 : vector<16xi1>, vector<16xf32>
      %mul3A_2801 = arith.constant 16 : i32
      %mul3A_2802 = arith.muli %scan3A_2655, %mul3A_2801 : i32
      %add3A_2803 = arith.constant 13 : i32
      %add3A_2804 = arith.addi %mul3A_2802, %add3A_2803 : i32
      %get3A_2805 = arith.index_cast %add3A_2804 : i32 to index
      %get3A_2806 = memref.load %arg17[%get3A_2805] : memref<512xf32, #tpu.memory_space<smem>>
      %eq3A_2807 = arith.constant 13 : i32
      %eq3A_2808 = vector.broadcast %eq3A_2807 : i32 to vector<16xi32>
      %eq3A_2809 = arith.cmpi eq, %iota3A, %eq3A_2808 : vector<16xi32>
      %broadcast_in_dim3A_2810 = vector.broadcast %get3A_2806 : f32 to vector<16xf32>
      %select_n3A_2811 = arith.select %eq3A_2809, %broadcast_in_dim3A_2810, %select_n3A_2800 : vector<16xi1>, vector<16xf32>
      %mul3A_2812 = arith.constant 16 : i32
      %mul3A_2813 = arith.muli %scan3A_2655, %mul3A_2812 : i32
      %add3A_2814 = arith.constant 14 : i32
      %add3A_2815 = arith.addi %mul3A_2813, %add3A_2814 : i32
      %get3A_2816 = arith.index_cast %add3A_2815 : i32 to index
      %get3A_2817 = memref.load %arg17[%get3A_2816] : memref<512xf32, #tpu.memory_space<smem>>
      %eq3A_2818 = arith.constant 14 : i32
      %eq3A_2819 = vector.broadcast %eq3A_2818 : i32 to vector<16xi32>
      %eq3A_2820 = arith.cmpi eq, %iota3A, %eq3A_2819 : vector<16xi32>
      %broadcast_in_dim3A_2821 = vector.broadcast %get3A_2817 : f32 to vector<16xf32>
      %select_n3A_2822 = arith.select %eq3A_2820, %broadcast_in_dim3A_2821, %select_n3A_2811 : vector<16xi1>, vector<16xf32>
      %mul3A_2823 = arith.constant 16 : i32
      %mul3A_2824 = arith.muli %scan3A_2655, %mul3A_2823 : i32
      %add3A_2825 = arith.constant 15 : i32
      %add3A_2826 = arith.addi %mul3A_2824, %add3A_2825 : i32
      %get3A_2827 = arith.index_cast %add3A_2826 : i32 to index
      %get3A_2828 = memref.load %arg17[%get3A_2827] : memref<512xf32, #tpu.memory_space<smem>>
      %eq3A_2829 = arith.constant 15 : i32
      %eq3A_2830 = vector.broadcast %eq3A_2829 : i32 to vector<16xi32>
      %eq3A_2831 = arith.cmpi eq, %iota3A, %eq3A_2830 : vector<16xi32>
      %broadcast_in_dim3A_2832 = vector.broadcast %get3A_2828 : f32 to vector<16xf32>
      %select_n3A_2833 = arith.select %eq3A_2831, %broadcast_in_dim3A_2832, %select_n3A_2822 : vector<16xi1>, vector<16xf32>
      %mul3A_2834 = arith.constant 16 : i32
      %mul3A_2835 = arith.muli %scan3A_2655, %mul3A_2834 : i32
      %swap3A_2836 = arith.index_cast %mul3A_2835 : i32 to index
      %swap3A_2837 = tpu.vector_load %arg12[%swap3A_2836] {strides = array<i32>} : memref<512xf32, #tpu.memory_space<vmem>>, vector<16xf32>,
      %swap3A_2838 = vector.shape_cast %swap3A_2837 : vector<16xf32> to vector<16xf32>
      %swap3A_2839 = vector.shape_cast %select_n3A_2833 : vector<16xf32> to vector<16xf32>
      tpu.vector_store %arg12[%swap3A_2836], %swap3A_2839 {strides = array<i32>} : memref<512xf32, #tpu.memory_space<vmem>>, vector<16xf32>,
    }
    %scan3A_2361 = arith.constant 32 : i32
    %get3A = arith.constant 0 : index
    %get3A_2362 = tpu.vector_load %arg12[%get3A] {strides = array<i32>} : memref<512xf32, #tpu.memory_space<vmem>>, vector<16xf32>,
    %get3A_2363 = vector.shape_cast %get3A_2362 : vector<16xf32> to vector<16xf32>
    %swap3A_2364 = arith.constant 0 : i32
    %swap3A_2365 = arith.index_cast %swap3A_2364 : i32 to index
    %swap3A_2366 = arith.constant 0 : index
    %swap3A_2367 = tpu.vector_load %arg13[%swap3A_2365, %swap3A_2366] {strides = array<i32>} : memref<16x128xf32, #tpu.memory_space<vmem>>, vector<1x16xf32>,
    %swap3A_2368 = vector.shape_cast %swap3A_2367 : vector<1x16xf32> to vector<16xf32>
    %swap3A_2369 = vector.shape_cast %get3A_2363 : vector<16xf32> to vector<1x16xf32>
    tpu.vector_store %arg13[%swap3A_2365, %swap3A_2366], %swap3A_2369 {strides = array<i32>} : memref<16x128xf32, #tpu.memory_space<vmem>>, vector<1x16xf32>,
    %get3A_2370 = arith.constant 16 : index
    %get3A_2371 = tpu.vector_load %arg12[%get3A_2370] {strides = array<i32>} : memref<512xf32, #tpu.memory_space<vmem>>, vector<16xf32>,
    %get3A_2372 = vector.shape_cast %get3A_2371 : vector<16xf32> to vector<16xf32>
    %swap3A_2373 = arith.constant 0 : i32
    %swap3A_2374 = arith.index_cast %swap3A_2373 : i32 to index
    %swap3A_2375 = arith.constant 16 : index
    %swap3A_2376 = tpu.vector_load %arg13[%swap3A_2374, %swap3A_2375] {strides = array<i32>} : memref<16x128xf32, #tpu.memory_space<vmem>>, vector<1x16xf32>,
    %swap3A_2377 = vector.shape_cast %swap3A_2376 : vector<1x16xf32> to vector<16xf32>
    %swap3A_2378 = vector.shape_cast %get3A_2372 : vector<16xf32> to vector<1x16xf32>
    tpu.vector_store %arg13[%swap3A_2374, %swap3A_2375], %swap3A_2378 {strides = array<i32>} : memref<16x128xf32, #tpu.memory_space<vmem>>, vector<1x16xf32>,
    %get3A_2379 = arith.constant 32 : index
    %get3A_2380 = tpu.vector_load %arg12[%get3A_2379] {strides = array<i32>} : memref<512xf32, #tpu.memory_space<vmem>>, vector<16xf32>,
    %get3A_2381 = vector.shape_cast %get3A_2380 : vector<16xf32> to vector<16xf32>
    %swap3A_2382 = arith.constant 0 : i32
    %swap3A_2383 = arith.index_cast %swap3A_2382 : i32 to index
    %swap3A_2384 = arith.constant 32 : index
    %swap3A_2385 = tpu.vector_load %arg13[%swap3A_2383, %swap3A_2384] {strides = array<i32>} : memref<16x128xf32, #tpu.memory_space<vmem>>, vector<1x16xf32>,
    %swap3A_2386 = vector.shape_cast %swap3A_2385 : vector<1x16xf32> to vector<16xf32>
    %swap3A_2387 = vector.shape_cast %get3A_2381 : vector<16xf32> to vector<1x16xf32>
    tpu.vector_store %arg13[%swap3A_2383, %swap3A_2384], %swap3A_2387 {strides = array<i32>} : memref<16x128xf32, #tpu.memory_space<vmem>>, vector<1x16xf32>,
    %get3A_2388 = arith.constant 48 : index
    %get3A_2389 = tpu.vector_load %arg12[%get3A_2388] {strides = array<i32>} : memref<512xf32, #tpu.memory_space<vmem>>, vector<16xf32>,
    %get3A_2390 = vector.shape_cast %get3A_2389 : vector<16xf32> to vector<16xf32>
    %swap3A_2391 = arith.constant 0 : i32
    %swap3A_2392 = arith.index_cast %swap3A_2391 : i32 to index
    %swap3A_2393 = arith.constant 48 : index
    %swap3A_2394 = tpu.vector_load %arg13[%swap3A_2392, %swap3A_2393] {strides = array<i32>} : memref<16x128xf32, #tpu.memory_space<vmem>>, vector<1x16xf32>,
    %swap3A_2395 = vector.shape_cast %swap3A_2394 : vector<1x16xf32> to vector<16xf32>
    %swap3A_2396 = vector.shape_cast %get3A_2390 : vector<16xf32> to vector<1x16xf32>
    tpu.vector_store %arg13[%swap3A_2392, %swap3A_2393], %swap3A_2396 {strides = array<i32>} : memref<16x128xf32, #tpu.memory_space<vmem>>, vector<1x16xf32>,
    %get3A_2397 = arith.constant 64 : index
    %get3A_2398 = tpu.vector_load %arg12[%get3A_2397] {strides = array<i32>} : memref<512xf32, #tpu.memory_space<vmem>>, vector<16xf32>,
    %get3A_2399 = vector.shape_cast %get3A_2398 : vector<16xf32> to vector<16xf32>
    %swap3A_2400 = arith.constant 0 : i32
    %swap3A_2401 = arith.index_cast %swap3A_2400 : i32 to index
    %swap3A_2402 = arith.constant 64 : index
    %swap3A_2403 = tpu.vector_load %arg13[%swap3A_2401, %swap3A_2402] {strides = array<i32>} : memref<16x128xf32, #tpu.memory_space<vmem>>, vector<1x16xf32>,
    %swap3A_2404 = vector.shape_cast %swap3A_2403 : vector<1x16xf32> to vector<16xf32>
    %swap3A_2405 = vector.shape_cast %get3A_2399 : vector<16xf32> to vector<1x16xf32>
    tpu.vector_store %arg13[%swap3A_2401, %swap3A_2402], %swap3A_2405 {strides = array<i32>} : memref<16x128xf32, #tpu.memory_space<vmem>>, vector<1x16xf32>,
    %get3A_2406 = arith.constant 80 : index
    %get3A_2407 = tpu.vector_load %arg12[%get3A_2406] {strides = array<i32>} : memref<512xf32, #tpu.memory_space<vmem>>, vector<16xf32>,
    %get3A_2408 = vector.shape_cast %get3A_2407 : vector<16xf32> to vector<16xf32>
    %swap3A_2409 = arith.constant 0 : i32
    %swap3A_2410 = arith.index_cast %swap3A_2409 : i32 to index
    %swap3A_2411 = arith.constant 80 : index
    %swap3A_2412 = tpu.vector_load %arg13[%swap3A_2410, %swap3A_2411] {strides = array<i32>} : memref<16x128xf32, #tpu.memory_space<vmem>>, vector<1x16xf32>,
    %swap3A_2413 = vector.shape_cast %swap3A_2412 : vector<1x16xf32> to vector<16xf32>
    %swap3A_2414 = vector.shape_cast %get3A_2408 : vector<16xf32> to vector<1x16xf32>
    tpu.vector_store %arg13[%swap3A_2410, %swap3A_2411], %swap3A_2414 {strides = array<i32>} : memref<16x128xf32, #tpu.memory_space<vmem>>, vector<1x16xf32>,
    %get3A_2415 = arith.constant 96 : index
    %get3A_2416 = tpu.vector_load %arg12[%get3A_2415] {strides = array<i32>} : memref<512xf32, #tpu.memory_space<vmem>>, vector<16xf32>,
    %get3A_2417 = vector.shape_cast %get3A_2416 : vector<16xf32> to vector<16xf32>
    %swap3A_2418 = arith.constant 0 : i32
    %swap3A_2419 = arith.index_cast %swap3A_2418 : i32 to index
    %swap3A_2420 = arith.constant 96 : index
    %swap3A_2421 = tpu.vector_load %arg13[%swap3A_2419, %swap3A_2420] {strides = array<i32>} : memref<16x128xf32, #tpu.memory_space<vmem>>, vector<1x16xf32>,
    %swap3A_2422 = vector.shape_cast %swap3A_2421 : vector<1x16xf32> to vector<16xf32>
    %swap3A_2423 = vector.shape_cast %get3A_2417 : vector<16xf32> to vector<1x16xf32>
    tpu.vector_store %arg13[%swap3A_2419, %swap3A_2420], %swap3A_2423 {strides = array<i32>} : memref<16x128xf32, #tpu.memory_space<vmem>>, vector<1x16xf32>,
    %get3A_2424 = arith.constant 112 : index
    %get3A_2425 = tpu.vector_load %arg12[%get3A_2424] {strides = array<i32>} : memref<512xf32, #tpu.memory_space<vmem>>, vector<16xf32>,
    %get3A_2426 = vector.shape_cast %get3A_2425 : vector<16xf32> to vector<16xf32>
    %swap3A_2427 = arith.constant 0 : i32
    %swap3A_2428 = arith.index_cast %swap3A_2427 : i32 to index
    %swap3A_2429 = arith.constant 112 : index
    %swap3A_2430 = tpu.vector_load %arg13[%swap3A_2428, %swap3A_2429] {strides = array<i32>} : memref<16x128xf32, #tpu.memory_space<vmem>>, vector<1x16xf32>,
    %swap3A_2431 = vector.shape_cast %swap3A_2430 : vector<1x16xf32> to vector<16xf32>
    %swap3A_2432 = vector.shape_cast %get3A_2426 : vector<16xf32> to vector<1x16xf32>
    tpu.vector_store %arg13[%swap3A_2428, %swap3A_2429], %swap3A_2432 {strides = array<i32>} : memref<16x128xf32, #tpu.memory_space<vmem>>, vector<1x16xf32>,
    %get3A_2433 = arith.constant 128 : index
    %get3A_2434 = tpu.vector_load %arg12[%get3A_2433] {strides = array<i32>} : memref<512xf32, #tpu.memory_space<vmem>>, vector<16xf32>,
    %get3A_2435 = vector.shape_cast %get3A_2434 : vector<16xf32> to vector<16xf32>
    %swap3A_2436 = arith.constant 1 : i32
    %swap3A_2437 = arith.index_cast %swap3A_2436 : i32 to index
    %swap3A_2438 = arith.constant 0 : index
    %swap3A_2439 = tpu.vector_load %arg13[%swap3A_2437, %swap3A_2438] {strides = array<i32>} : memref<16x128xf32, #tpu.memory_space<vmem>>, vector<1x16xf32>,
    %swap3A_2440 = vector.shape_cast %swap3A_2439 : vector<1x16xf32> to vector<16xf32>
    %swap3A_2441 = vector.shape_cast %get3A_2435 : vector<16xf32> to vector<1x16xf32>
    tpu.vector_store %arg13[%swap3A_2437, %swap3A_2438], %swap3A_2441 {strides = array<i32>} : memref<16x128xf32, #tpu.memory_space<vmem>>, vector<1x16xf32>,
    %get3A_2442 = arith.constant 144 : index
    %get3A_2443 = tpu.vector_load %arg12[%get3A_2442] {strides = array<i32>} : memref<512xf32, #tpu.memory_space<vmem>>, vector<16xf32>,
    %get3A_2444 = vector.shape_cast %get3A_2443 : vector<16xf32> to vector<16xf32>
    %swap3A_2445 = arith.constant 1 : i32
    %swap3A_2446 = arith.index_cast %swap3A_2445 : i32 to index
    %swap3A_2447 = arith.constant 16 : index
    %swap3A_2448 = tpu.vector_load %arg13[%swap3A_2446, %swap3A_2447] {strides = array<i32>} : memref<16x128xf32, #tpu.memory_space<vmem>>, vector<1x16xf32>,
    %swap3A_2449 = vector.shape_cast %swap3A_2448 : vector<1x16xf32> to vector<16xf32>
    %swap3A_2450 = vector.shape_cast %get3A_2444 : vector<16xf32> to vector<1x16xf32>
    tpu.vector_store %arg13[%swap3A_2446, %swap3A_2447], %swap3A_2450 {strides = array<i32>} : memref<16x128xf32, #tpu.memory_space<vmem>>, vector<1x16xf32>,
    %get3A_2451 = arith.constant 160 : index
    %get3A_2452 = tpu.vector_load %arg12[%get3A_2451] {strides = array<i32>} : memref<512xf32, #tpu.memory_space<vmem>>, vector<16xf32>,
    %get3A_2453 = vector.shape_cast %get3A_2452 : vector<16xf32> to vector<16xf32>
    %swap3A_2454 = arith.constant 1 : i32
    %swap3A_2455 = arith.index_cast %swap3A_2454 : i32 to index
    %swap3A_2456 = arith.constant 32 : index
    %swap3A_2457 = tpu.vector_load %arg13[%swap3A_2455, %swap3A_2456] {strides = array<i32>} : memref<16x128xf32, #tpu.memory_space<vmem>>, vector<1x16xf32>,
    %swap3A_2458 = vector.shape_cast %swap3A_2457 : vector<1x16xf32> to vector<16xf32>
    %swap3A_2459 = vector.shape_cast %get3A_2453 : vector<16xf32> to vector<1x16xf32>
    tpu.vector_store %arg13[%swap3A_2455, %swap3A_2456], %swap3A_2459 {strides = array<i32>} : memref<16x128xf32, #tpu.memory_space<vmem>>, vector<1x16xf32>,
    %get3A_2460 = arith.constant 176 : index
    %get3A_2461 = tpu.vector_load %arg12[%get3A_2460] {strides = array<i32>} : memref<512xf32, #tpu.memory_space<vmem>>, vector<16xf32>,
    %get3A_2462 = vector.shape_cast %get3A_2461 : vector<16xf32> to vector<16xf32>
    %swap3A_2463 = arith.constant 1 : i32
    %swap3A_2464 = arith.index_cast %swap3A_2463 : i32 to index
    %swap3A_2465 = arith.constant 48 : index
    %swap3A_2466 = tpu.vector_load %arg13[%swap3A_2464, %swap3A_2465] {strides = array<i32>} : memref<16x128xf32, #tpu.memory_space<vmem>>, vector<1x16xf32>,
    %swap3A_2467 = vector.shape_cast %swap3A_2466 : vector<1x16xf32> to vector<16xf32>
    %swap3A_2468 = vector.shape_cast %get3A_2462 : vector<16xf32> to vector<1x16xf32>
    tpu.vector_store %arg13[%swap3A_2464, %swap3A_2465], %swap3A_2468 {strides = array<i32>} : memref<16x128xf32, #tpu.memory_space<vmem>>, vector<1x16xf32>,
    %get3A_2469 = arith.constant 192 : index
    %get3A_2470 = tpu.vector_load %arg12[%get3A_2469] {strides = array<i32>} : memref<512xf32, #tpu.memory_space<vmem>>, vector<16xf32>,
    %get3A_2471 = vector.shape_cast %get3A_2470 : vector<16xf32> to vector<16xf32>
    %swap3A_2472 = arith.constant 1 : i32
    %swap3A_2473 = arith.index_cast %swap3A_2472 : i32 to index
    %swap3A_2474 = arith.constant 64 : index
    %swap3A_2475 = tpu.vector_load %arg13[%swap3A_2473, %swap3A_2474] {strides = array<i32>} : memref<16x128xf32, #tpu.memory_space<vmem>>, vector<1x16xf32>,
    %swap3A_2476 = vector.shape_cast %swap3A_2475 : vector<1x16xf32> to vector<16xf32>
    %swap3A_2477 = vector.shape_cast %get3A_2471 : vector<16xf32> to vector<1x16xf32>
    tpu.vector_store %arg13[%swap3A_2473, %swap3A_2474], %swap3A_2477 {strides = array<i32>} : memref<16x128xf32, #tpu.memory_space<vmem>>, vector<1x16xf32>,
    %get3A_2478 = arith.constant 208 : index
    %get3A_2479 = tpu.vector_load %arg12[%get3A_2478] {strides = array<i32>} : memref<512xf32, #tpu.memory_space<vmem>>, vector<16xf32>,
    %get3A_2480 = vector.shape_cast %get3A_2479 : vector<16xf32> to vector<16xf32>
    %swap3A_2481 = arith.constant 1 : i32
    %swap3A_2482 = arith.index_cast %swap3A_2481 : i32 to index
    %swap3A_2483 = arith.constant 80 : index
    %swap3A_2484 = tpu.vector_load %arg13[%swap3A_2482, %swap3A_2483] {strides = array<i32>} : memref<16x128xf32, #tpu.memory_space<vmem>>, vector<1x16xf32>,
    %swap3A_2485 = vector.shape_cast %swap3A_2484 : vector<1x16xf32> to vector<16xf32>
    %swap3A_2486 = vector.shape_cast %get3A_2480 : vector<16xf32> to vector<1x16xf32>
    tpu.vector_store %arg13[%swap3A_2482, %swap3A_2483], %swap3A_2486 {strides = array<i32>} : memref<16x128xf32, #tpu.memory_space<vmem>>, vector<1x16xf32>,
    %get3A_2487 = arith.constant 224 : index
    %get3A_2488 = tpu.vector_load %arg12[%get3A_2487] {strides = array<i32>} : memref<512xf32, #tpu.memory_space<vmem>>, vector<16xf32>,
    %get3A_2489 = vector.shape_cast %get3A_2488 : vector<16xf32> to vector<16xf32>
    %swap3A_2490 = arith.constant 1 : i32
    %swap3A_2491 = arith.index_cast %swap3A_2490 : i32 to index
    %swap3A_2492 = arith.constant 96 : index
    %swap3A_2493 = tpu.vector_load %arg13[%swap3A_2491, %swap3A_2492] {strides = array<i32>} : memref<16x128xf32, #tpu.memory_space<vmem>>, vector<1x16xf32>,
    %swap3A_2494 = vector.shape_cast %swap3A_2493 : vector<1x16xf32> to vector<16xf32>
    %swap3A_2495 = vector.shape_cast %get3A_2489 : vector<16xf32> to vector<1x16xf32>
    tpu.vector_store %arg13[%swap3A_2491, %swap3A_2492], %swap3A_2495 {strides = array<i32>} : memref<16x128xf32, #tpu.memory_space<vmem>>, vector<1x16xf32>,
    %get3A_2496 = arith.constant 240 : index
    %get3A_2497 = tpu.vector_load %arg12[%get3A_2496] {strides = array<i32>} : memref<512xf32, #tpu.memory_space<vmem>>, vector<16xf32>,
    %get3A_2498 = vector.shape_cast %get3A_2497 : vector<16xf32> to vector<16xf32>
    %swap3A_2499 = arith.constant 1 : i32
    %swap3A_2500 = arith.index_cast %swap3A_2499 : i32 to index
    %swap3A_2501 = arith.constant 112 : index
    %swap3A_2502 = tpu.vector_load %arg13[%swap3A_2500, %swap3A_2501] {strides = array<i32>} : memref<16x128xf32, #tpu.memory_space<vmem>>, vector<1x16xf32>,
    %swap3A_2503 = vector.shape_cast %swap3A_2502 : vector<1x16xf32> to vector<16xf32>
    %swap3A_2504 = vector.shape_cast %get3A_2498 : vector<16xf32> to vector<1x16xf32>
    tpu.vector_store %arg13[%swap3A_2500, %swap3A_2501], %swap3A_2504 {strides = array<i32>} : memref<16x128xf32, #tpu.memory_space<vmem>>, vector<1x16xf32>,
    %get3A_2505 = arith.constant 256 : index
    %get3A_2506 = tpu.vector_load %arg12[%get3A_2505] {strides = array<i32>} : memref<512xf32, #tpu.memory_space<vmem>>, vector<16xf32>,
    %get3A_2507 = vector.shape_cast %get3A_2506 : vector<16xf32> to vector<16xf32>
    %swap3A_2508 = arith.constant 2 : i32
    %swap3A_2509 = arith.index_cast %swap3A_2508 : i32 to index
    %swap3A_2510 = arith.constant 0 : index
    %swap3A_2511 = tpu.vector_load %arg13[%swap3A_2509, %swap3A_2510] {strides = array<i32>} : memref<16x128xf32, #tpu.memory_space<vmem>>, vector<1x16xf32>,
    %swap3A_2512 = vector.shape_cast %swap3A_2511 : vector<1x16xf32> to vector<16xf32>
    %swap3A_2513 = vector.shape_cast %get3A_2507 : vector<16xf32> to vector<1x16xf32>
    tpu.vector_store %arg13[%swap3A_2509, %swap3A_2510], %swap3A_2513 {strides = array<i32>} : memref<16x128xf32, #tpu.memory_space<vmem>>, vector<1x16xf32>,
    %get3A_2514 = arith.constant 272 : index
    %get3A_2515 = tpu.vector_load %arg12[%get3A_2514] {strides = array<i32>} : memref<512xf32, #tpu.memory_space<vmem>>, vector<16xf32>,
    %get3A_2516 = vector.shape_cast %get3A_2515 : vector<16xf32> to vector<16xf32>
    %swap3A_2517 = arith.constant 2 : i32
    %swap3A_2518 = arith.index_cast %swap3A_2517 : i32 to index
    %swap3A_2519 = arith.constant 16 : index
    %swap3A_2520 = tpu.vector_load %arg13[%swap3A_2518, %swap3A_2519] {strides = array<i32>} : memref<16x128xf32, #tpu.memory_space<vmem>>, vector<1x16xf32>,
    %swap3A_2521 = vector.shape_cast %swap3A_2520 : vector<1x16xf32> to vector<16xf32>
    %swap3A_2522 = vector.shape_cast %get3A_2516 : vector<16xf32> to vector<1x16xf32>
    tpu.vector_store %arg13[%swap3A_2518, %swap3A_2519], %swap3A_2522 {strides = array<i32>} : memref<16x128xf32, #tpu.memory_space<vmem>>, vector<1x16xf32>,
    %get3A_2523 = arith.constant 288 : index
    %get3A_2524 = tpu.vector_load %arg12[%get3A_2523] {strides = array<i32>} : memref<512xf32, #tpu.memory_space<vmem>>, vector<16xf32>,
    %get3A_2525 = vector.shape_cast %get3A_2524 : vector<16xf32> to vector<16xf32>
    %swap3A_2526 = arith.constant 2 : i32
    %swap3A_2527 = arith.index_cast %swap3A_2526 : i32 to index
    %swap3A_2528 = arith.constant 32 : index
    %swap3A_2529 = tpu.vector_load %arg13[%swap3A_2527, %swap3A_2528] {strides = array<i32>} : memref<16x128xf32, #tpu.memory_space<vmem>>, vector<1x16xf32>,
    %swap3A_2530 = vector.shape_cast %swap3A_2529 : vector<1x16xf32> to vector<16xf32>
    %swap3A_2531 = vector.shape_cast %get3A_2525 : vector<16xf32> to vector<1x16xf32>
    tpu.vector_store %arg13[%swap3A_2527, %swap3A_2528], %swap3A_2531 {strides = array<i32>} : memref<16x128xf32, #tpu.memory_space<vmem>>, vector<1x16xf32>,
    %get3A_2532 = arith.constant 304 : index
    %get3A_2533 = tpu.vector_load %arg12[%get3A_2532] {strides = array<i32>} : memref<512xf32, #tpu.memory_space<vmem>>, vector<16xf32>,
    %get3A_2534 = vector.shape_cast %get3A_2533 : vector<16xf32> to vector<16xf32>
    %swap3A_2535 = arith.constant 2 : i32
    %swap3A_2536 = arith.index_cast %swap3A_2535 : i32 to index
    %swap3A_2537 = arith.constant 48 : index
    %swap3A_2538 = tpu.vector_load %arg13[%swap3A_2536, %swap3A_2537] {strides = array<i32>} : memref<16x128xf32, #tpu.memory_space<vmem>>, vector<1x16xf32>,
    %swap3A_2539 = vector.shape_cast %swap3A_2538 : vector<1x16xf32> to vector<16xf32>
    %swap3A_2540 = vector.shape_cast %get3A_2534 : vector<16xf32> to vector<1x16xf32>
    tpu.vector_store %arg13[%swap3A_2536, %swap3A_2537], %swap3A_2540 {strides = array<i32>} : memref<16x128xf32, #tpu.memory_space<vmem>>, vector<1x16xf32>,
    %get3A_2541 = arith.constant 320 : index
    %get3A_2542 = tpu.vector_load %arg12[%get3A_2541] {strides = array<i32>} : memref<512xf32, #tpu.memory_space<vmem>>, vector<16xf32>,
    %get3A_2543 = vector.shape_cast %get3A_2542 : vector<16xf32> to vector<16xf32>
    %swap3A_2544 = arith.constant 2 : i32
    %swap3A_2545 = arith.index_cast %swap3A_2544 : i32 to index
    %swap3A_2546 = arith.constant 64 : index
    %swap3A_2547 = tpu.vector_load %arg13[%swap3A_2545, %swap3A_2546] {strides = array<i32>} : memref<16x128xf32, #tpu.memory_space<vmem>>, vector<1x16xf32>,
    %swap3A_2548 = vector.shape_cast %swap3A_2547 : vector<1x16xf32> to vector<16xf32>
    %swap3A_2549 = vector.shape_cast %get3A_2543 : vector<16xf32> to vector<1x16xf32>
    tpu.vector_store %arg13[%swap3A_2545, %swap3A_2546], %swap3A_2549 {strides = array<i32>} : memref<16x128xf32, #tpu.memory_space<vmem>>, vector<1x16xf32>,
    %get3A_2550 = arith.constant 336 : index
    %get3A_2551 = tpu.vector_load %arg12[%get3A_2550] {strides = array<i32>} : memref<512xf32, #tpu.memory_space<vmem>>, vector<16xf32>,
    %get3A_2552 = vector.shape_cast %get3A_2551 : vector<16xf32> to vector<16xf32>
    %swap3A_2553 = arith.constant 2 : i32
    %swap3A_2554 = arith.index_cast %swap3A_2553 : i32 to index
    %swap3A_2555 = arith.constant 80 : index
    %swap3A_2556 = tpu.vector_load %arg13[%swap3A_2554, %swap3A_2555] {strides = array<i32>} : memref<16x128xf32, #tpu.memory_space<vmem>>, vector<1x16xf32>,
    %swap3A_2557 = vector.shape_cast %swap3A_2556 : vector<1x16xf32> to vector<16xf32>
    %swap3A_2558 = vector.shape_cast %get3A_2552 : vector<16xf32> to vector<1x16xf32>
    tpu.vector_store %arg13[%swap3A_2554, %swap3A_2555], %swap3A_2558 {strides = array<i32>} : memref<16x128xf32, #tpu.memory_space<vmem>>, vector<1x16xf32>,
    %get3A_2559 = arith.constant 352 : index
    %get3A_2560 = tpu.vector_load %arg12[%get3A_2559] {strides = array<i32>} : memref<512xf32, #tpu.memory_space<vmem>>, vector<16xf32>,
    %get3A_2561 = vector.shape_cast %get3A_2560 : vector<16xf32> to vector<16xf32>
    %swap3A_2562 = arith.constant 2 : i32
    %swap3A_2563 = arith.index_cast %swap3A_2562 : i32 to index
    %swap3A_2564 = arith.constant 96 : index
    %swap3A_2565 = tpu.vector_load %arg13[%swap3A_2563, %swap3A_2564] {strides = array<i32>} : memref<16x128xf32, #tpu.memory_space<vmem>>, vector<1x16xf32>,
    %swap3A_2566 = vector.shape_cast %swap3A_2565 : vector<1x16xf32> to vector<16xf32>
    %swap3A_2567 = vector.shape_cast %get3A_2561 : vector<16xf32> to vector<1x16xf32>
    tpu.vector_store %arg13[%swap3A_2563, %swap3A_2564], %swap3A_2567 {strides = array<i32>} : memref<16x128xf32, #tpu.memory_space<vmem>>, vector<1x16xf32>,
    %get3A_2568 = arith.constant 368 : index
    %get3A_2569 = tpu.vector_load %arg12[%get3A_2568] {strides = array<i32>} : memref<512xf32, #tpu.memory_space<vmem>>, vector<16xf32>,
    %get3A_2570 = vector.shape_cast %get3A_2569 : vector<16xf32> to vector<16xf32>
    %swap3A_2571 = arith.constant 2 : i32
    %swap3A_2572 = arith.index_cast %swap3A_2571 : i32 to index
    %swap3A_2573 = arith.constant 112 : index
    %swap3A_2574 = tpu.vector_load %arg13[%swap3A_2572, %swap3A_2573] {strides = array<i32>} : memref<16x128xf32, #tpu.memory_space<vmem>>, vector<1x16xf32>,
    %swap3A_2575 = vector.shape_cast %swap3A_2574 : vector<1x16xf32> to vector<16xf32>
    %swap3A_2576 = vector.shape_cast %get3A_2570 : vector<16xf32> to vector<1x16xf32>
    tpu.vector_store %arg13[%swap3A_2572, %swap3A_2573], %swap3A_2576 {strides = array<i32>} : memref<16x128xf32, #tpu.memory_space<vmem>>, vector<1x16xf32>,
    %get3A_2577 = arith.constant 384 : index
    %get3A_2578 = tpu.vector_load %arg12[%get3A_2577] {strides = array<i32>} : memref<512xf32, #tpu.memory_space<vmem>>, vector<16xf32>,
    %get3A_2579 = vector.shape_cast %get3A_2578 : vector<16xf32> to vector<16xf32>
    %swap3A_2580 = arith.constant 3 : i32
    %swap3A_2581 = arith.index_cast %swap3A_2580 : i32 to index
    %swap3A_2582 = arith.constant 0 : index
    %swap3A_2583 = tpu.vector_load %arg13[%swap3A_2581, %swap3A_2582] {strides = array<i32>} : memref<16x128xf32, #tpu.memory_space<vmem>>, vector<1x16xf32>,
    %swap3A_2584 = vector.shape_cast %swap3A_2583 : vector<1x16xf32> to vector<16xf32>
    %swap3A_2585 = vector.shape_cast %get3A_2579 : vector<16xf32> to vector<1x16xf32>
    tpu.vector_store %arg13[%swap3A_2581, %swap3A_2582], %swap3A_2585 {strides = array<i32>} : memref<16x128xf32, #tpu.memory_space<vmem>>, vector<1x16xf32>,
    %get3A_2586 = arith.constant 400 : index
    %get3A_2587 = tpu.vector_load %arg12[%get3A_2586] {strides = array<i32>} : memref<512xf32, #tpu.memory_space<vmem>>, vector<16xf32>,
    %get3A_2588 = vector.shape_cast %get3A_2587 : vector<16xf32> to vector<16xf32>
    %swap3A_2589 = arith.constant 3 : i32
    %swap3A_2590 = arith.index_cast %swap3A_2589 : i32 to index
    %swap3A_2591 = arith.constant 16 : index
    %swap3A_2592 = tpu.vector_load %arg13[%swap3A_2590, %swap3A_2591] {strides = array<i32>} : memref<16x128xf32, #tpu.memory_space<vmem>>, vector<1x16xf32>,
    %swap3A_2593 = vector.shape_cast %swap3A_2592 : vector<1x16xf32> to vector<16xf32>
    %swap3A_2594 = vector.shape_cast %get3A_2588 : vector<16xf32> to vector<1x16xf32>
    tpu.vector_store %arg13[%swap3A_2590, %swap3A_2591], %swap3A_2594 {strides = array<i32>} : memref<16x128xf32, #tpu.memory_space<vmem>>, vector<1x16xf32>,
    %get3A_2595 = arith.constant 416 : index
    %get3A_2596 = tpu.vector_load %arg12[%get3A_2595] {strides = array<i32>} : memref<512xf32, #tpu.memory_space<vmem>>, vector<16xf32>,
    %get3A_2597 = vector.shape_cast %get3A_2596 : vector<16xf32> to vector<16xf32>
    %swap3A_2598 = arith.constant 3 : i32
    %swap3A_2599 = arith.index_cast %swap3A_2598 : i32 to index
    %swap3A_2600 = arith.constant 32 : index
    %swap3A_2601 = tpu.vector_load %arg13[%swap3A_2599, %swap3A_2600] {strides = array<i32>} : memref<16x128xf32, #tpu.memory_space<vmem>>, vector<1x16xf32>,
    %swap3A_2602 = vector.shape_cast %swap3A_2601 : vector<1x16xf32> to vector<16xf32>
    %swap3A_2603 = vector.shape_cast %get3A_2597 : vector<16xf32> to vector<1x16xf32>
    tpu.vector_store %arg13[%swap3A_2599, %swap3A_2600], %swap3A_2603 {strides = array<i32>} : memref<16x128xf32, #tpu.memory_space<vmem>>, vector<1x16xf32>,
    %get3A_2604 = arith.constant 432 : index
    %get3A_2605 = tpu.vector_load %arg12[%get3A_2604] {strides = array<i32>} : memref<512xf32, #tpu.memory_space<vmem>>, vector<16xf32>,
    %get3A_2606 = vector.shape_cast %get3A_2605 : vector<16xf32> to vector<16xf32>
    %swap3A_2607 = arith.constant 3 : i32
    %swap3A_2608 = arith.index_cast %swap3A_2607 : i32 to index
    %swap3A_2609 = arith.constant 48 : index
    %swap3A_2610 = tpu.vector_load %arg13[%swap3A_2608, %swap3A_2609] {strides = array<i32>} : memref<16x128xf32, #tpu.memory_space<vmem>>, vector<1x16xf32>,
    %swap3A_2611 = vector.shape_cast %swap3A_2610 : vector<1x16xf32> to vector<16xf32>
    %swap3A_2612 = vector.shape_cast %get3A_2606 : vector<16xf32> to vector<1x16xf32>
    tpu.vector_store %arg13[%swap3A_2608, %swap3A_2609], %swap3A_2612 {strides = array<i32>} : memref<16x128xf32, #tpu.memory_space<vmem>>, vector<1x16xf32>,
    %get3A_2613 = arith.constant 448 : index
    %get3A_2614 = tpu.vector_load %arg12[%get3A_2613] {strides = array<i32>} : memref<512xf32, #tpu.memory_space<vmem>>, vector<16xf32>,
    %get3A_2615 = vector.shape_cast %get3A_2614 : vector<16xf32> to vector<16xf32>
    %swap3A_2616 = arith.constant 3 : i32
    %swap3A_2617 = arith.index_cast %swap3A_2616 : i32 to index
    %swap3A_2618 = arith.constant 64 : index
    %swap3A_2619 = tpu.vector_load %arg13[%swap3A_2617, %swap3A_2618] {strides = array<i32>} : memref<16x128xf32, #tpu.memory_space<vmem>>, vector<1x16xf32>,
    %swap3A_2620 = vector.shape_cast %swap3A_2619 : vector<1x16xf32> to vector<16xf32>
    %swap3A_2621 = vector.shape_cast %get3A_2615 : vector<16xf32> to vector<1x16xf32>
    tpu.vector_store %arg13[%swap3A_2617, %swap3A_2618], %swap3A_2621 {strides = array<i32>} : memref<16x128xf32, #tpu.memory_space<vmem>>, vector<1x16xf32>,
    %get3A_2622 = arith.constant 464 : index
    %get3A_2623 = tpu.vector_load %arg12[%get3A_2622] {strides = array<i32>} : memref<512xf32, #tpu.memory_space<vmem>>, vector<16xf32>,
    %get3A_2624 = vector.shape_cast %get3A_2623 : vector<16xf32> to vector<16xf32>
    %swap3A_2625 = arith.constant 3 : i32
    %swap3A_2626 = arith.index_cast %swap3A_2625 : i32 to index
    %swap3A_2627 = arith.constant 80 : index
    %swap3A_2628 = tpu.vector_load %arg13[%swap3A_2626, %swap3A_2627] {strides = array<i32>} : memref<16x128xf32, #tpu.memory_space<vmem>>, vector<1x16xf32>,
    %swap3A_2629 = vector.shape_cast %swap3A_2628 : vector<1x16xf32> to vector<16xf32>
    %swap3A_2630 = vector.shape_cast %get3A_2624 : vector<16xf32> to vector<1x16xf32>
    tpu.vector_store %arg13[%swap3A_2626, %swap3A_2627], %swap3A_2630 {strides = array<i32>} : memref<16x128xf32, #tpu.memory_space<vmem>>, vector<1x16xf32>,
    %get3A_2631 = arith.constant 480 : index
    %get3A_2632 = tpu.vector_load %arg12[%get3A_2631] {strides = array<i32>} : memref<512xf32, #tpu.memory_space<vmem>>, vector<16xf32>,
    %get3A_2633 = vector.shape_cast %get3A_2632 : vector<16xf32> to vector<16xf32>
    %swap3A_2634 = arith.constant 3 : i32
    %swap3A_2635 = arith.index_cast %swap3A_2634 : i32 to index
    %swap3A_2636 = arith.constant 96 : index
    %swap3A_2637 = tpu.vector_load %arg13[%swap3A_2635, %swap3A_2636] {strides = array<i32>} : memref<16x128xf32, #tpu.memory_space<vmem>>, vector<1x16xf32>,
    %swap3A_2638 = vector.shape_cast %swap3A_2637 : vector<1x16xf32> to vector<16xf32>
    %swap3A_2639 = vector.shape_cast %get3A_2633 : vector<16xf32> to vector<1x16xf32>
    tpu.vector_store %arg13[%swap3A_2635, %swap3A_2636], %swap3A_2639 {strides = array<i32>} : memref<16x128xf32, #tpu.memory_space<vmem>>, vector<1x16xf32>,
    %get3A_2640 = arith.constant 496 : index
    %get3A_2641 = tpu.vector_load %arg12[%get3A_2640] {strides = array<i32>} : memref<512xf32, #tpu.memory_space<vmem>>, vector<16xf32>,
    %get3A_2642 = vector.shape_cast %get3A_2641 : vector<16xf32> to vector<16xf32>
    %swap3A_2643 = arith.constant 3 : i32
    %swap3A_2644 = arith.index_cast %swap3A_2643 : i32 to index
    %swap3A_2645 = arith.constant 112 : index
    %swap3A_2646 = tpu.vector_load %arg13[%swap3A_2644, %swap3A_2645] {strides = array<i32>} : memref<16x128xf32, #tpu.memory_space<vmem>>, vector<1x16xf32>,
    %swap3A_2647 = vector.shape_cast %swap3A_2646 : vector<1x16xf32> to vector<16xf32>
    %swap3A_2648 = vector.shape_cast %get3A_2642 : vector<16xf32> to vector<1x16xf32>
    tpu.vector_store %arg13[%swap3A_2644, %swap3A_2645], %swap3A_2648 {strides = array<i32>} : memref<16x128xf32, #tpu.memory_space<vmem>>, vector<1x16xf32>,
    "tpu.region"() ({
      %run_scoped3A = tpu.sem_alloc : memref<!tpu.dma_semaphore, #tpu.memory_space<semaphore_mem>>
      %dma_start3A_2655 = arith.constant 0 : i32
      %dma_start3A_2656 = arith.constant 0 : i32
      %dma_start3A_2657 = tpu.memref_slice %arg19[%dma_start3A_2655, %dma_start3A_2656] : memref<16x128xf32, #tpu.memory_space<vmem_shared>> -> memref<16x128xf32, #tpu.memory_space<vmem_shared>>
      tpu.enqueue_indirect_dma source(%arg13 : memref<16x128xf32, #tpu.memory_space<vmem>>) target(%dma_start3A_2657 : memref<16x128xf32, #tpu.memory_space<vmem_shared>>) offsets(%arg14 : memref<16xi32, #tpu.memory_space<vmem>>) semaphore(%run_scoped3A : memref<!tpu.dma_semaphore, #tpu.memory_space<semaphore_mem>>) {add = true}
      %dma_wait3A = arith.constant 0 : i32
      %dma_wait3A_2658 = arith.constant 0 : i32
      %dma_wait3A_2659 = tpu.memref_slice %arg19[%dma_wait3A, %dma_wait3A_2658] : memref<16x128xf32, #tpu.memory_space<vmem_shared>> -> memref<16x128xf32, #tpu.memory_space<vmem_shared>>
      tpu.wait_indirect_dma semaphore(%run_scoped3A : memref<!tpu.dma_semaphore, #tpu.memory_space<semaphore_mem>>) src(%arg13 : memref<16x128xf32, #tpu.memory_space<vmem>>) dst(%dma_wait3A_2659 : memref<16x128xf32, #tpu.memory_space<vmem_shared>>)
      tpu.yield
    }) : () -> ()
    %barrier3A_2649 = arith.constant 0 : index
    tpu.barrier barrier_id(%barrier3A_2649)
    %eq3A_2650 = arith.constant 0 : i32
    %eq3A_2651 = arith.cmpi eq, %arg1, %eq3A_2650 : i32
    %convert_element_type3A_2652 = arith.extui %eq3A_2651 : i1 to i32
    %cond3A_2653 = arith.constant 0 : i32
    %cond3A_2654 = arith.cmpi ne, %convert_element_type3A_2652, %cond3A_2653 : i32
    scf.if %cond3A_2654 {
      "tpu.region"() ({
        %run_scoped3A = tpu.sem_alloc : memref<!tpu.dma_semaphore, #tpu.memory_space<semaphore_mem>>
        %dma_start3A_2655 = arith.constant 0 : i32
        %dma_start3A_2656 = arith.constant 0 : i32
        %dma_start3A_2657 = tpu.memref_slice %arg5[%arg0, %dma_start3A_2655, %dma_start3A_2656] : memref<2x512x128xf32, #tpu.memory_space<hbm>> -> memref<1x512x128xf32, #tpu.memory_space<hbm>>
        %dma_start3A_2658 = tpu.memref_squeeze %dma_start3A_2657 : memref<1x512x128xf32, #tpu.memory_space<hbm>> -> memref<512x128xf32, #tpu.memory_space<hbm>>
        tpu.enqueue_dma source(%arg18 : memref<512x128xf32, #tpu.memory_space<vmem_shared>>) target(%dma_start3A_2658 : memref<512x128xf32, #tpu.memory_space<hbm>>) target_semaphore(%run_scoped3A : memref<!tpu.dma_semaphore, #tpu.memory_space<semaphore_mem>>)
        %dma_wait3A = arith.constant 0 : i32
        %dma_wait3A_2659 = arith.constant 0 : i32
        %dma_wait3A_2660 = tpu.memref_slice %arg5[%arg0, %dma_wait3A, %dma_wait3A_2659] : memref<2x512x128xf32, #tpu.memory_space<hbm>> -> memref<1x512x128xf32, #tpu.memory_space<hbm>>
        %dma_wait3A_2661 = tpu.memref_squeeze %dma_wait3A_2660 : memref<1x512x128xf32, #tpu.memory_space<hbm>> -> memref<512x128xf32, #tpu.memory_space<hbm>>
        tpu.wait_dma2 semaphore(%run_scoped3A : memref<!tpu.dma_semaphore, #tpu.memory_space<semaphore_mem>>) src(%arg18 : memref<512x128xf32, #tpu.memory_space<vmem_shared>>) dst(%dma_wait3A_2661 : memref<512x128xf32, #tpu.memory_space<hbm>>)
        tpu.yield
      }) : () -> ()
      "tpu.region"() ({
        %run_scoped3A = tpu.sem_alloc : memref<!tpu.dma_semaphore, #tpu.memory_space<semaphore_mem>>
        %dma_start3A_2655 = arith.constant 0 : i32
        %dma_start3A_2656 = arith.constant 0 : i32
        %dma_start3A_2657 = tpu.memref_slice %arg6[%arg0, %dma_start3A_2655, %dma_start3A_2656] : memref<2x4x128xf32, #tpu.memory_space<hbm>> -> memref<1x4x128xf32, #tpu.memory_space<hbm>>
        %dma_start3A_2658 = tpu.memref_squeeze %dma_start3A_2657 : memref<1x4x128xf32, #tpu.memory_space<hbm>> -> memref<4x128xf32, #tpu.memory_space<hbm>>
        %dma_start3A_2659 = arith.constant 0 : i32
        %dma_start3A_2660 = arith.constant 0 : i32
        %dma_start3A_2661 = tpu.memref_slice %arg19[%dma_start3A_2659, %dma_start3A_2660] : memref<16x128xf32, #tpu.memory_space<vmem_shared>> -> memref<4x128xf32, #tpu.memory_space<vmem_shared>>
        tpu.enqueue_dma source(%dma_start3A_2661 : memref<4x128xf32, #tpu.memory_space<vmem_shared>>) target(%dma_start3A_2658 : memref<4x128xf32, #tpu.memory_space<hbm>>) target_semaphore(%run_scoped3A : memref<!tpu.dma_semaphore, #tpu.memory_space<semaphore_mem>>)
        %dma_wait3A = arith.constant 0 : i32
        %dma_wait3A_2662 = arith.constant 0 : i32
        %dma_wait3A_2663 = tpu.memref_slice %arg6[%arg0, %dma_wait3A, %dma_wait3A_2662] : memref<2x4x128xf32, #tpu.memory_space<hbm>> -> memref<1x4x128xf32, #tpu.memory_space<hbm>>
        %dma_wait3A_2664 = tpu.memref_squeeze %dma_wait3A_2663 : memref<1x4x128xf32, #tpu.memory_space<hbm>> -> memref<4x128xf32, #tpu.memory_space<hbm>>
        %dma_wait3A_2665 = arith.constant 0 : i32
        %dma_wait3A_2666 = arith.constant 0 : i32
        %dma_wait3A_2667 = tpu.memref_slice %arg19[%dma_wait3A_2665, %dma_wait3A_2666] : memref<16x128xf32, #tpu.memory_space<vmem_shared>> -> memref<4x128xf32, #tpu.memory_space<vmem_shared>>
        tpu.wait_dma2 semaphore(%run_scoped3A : memref<!tpu.dma_semaphore, #tpu.memory_space<semaphore_mem>>) src(%dma_wait3A_2667 : memref<4x128xf32, #tpu.memory_space<vmem_shared>>) dst(%dma_wait3A_2664 : memref<4x128xf32, #tpu.memory_space<hbm>>)
        tpu.yield
      }) : () -> ()
    } else {
    }
    return
  }
}

module attributes {stable_mosaic.version = 14 : i64} {
  func.func @_mlp_body(%arg0: memref<2x512x128xf32, #tpu.memory_space<vmem>>, %arg1: memref<2x512x1xf32, #tpu.memory_space<vmem>>, %arg2: memref<128x256xf32, #tpu.memory_space<vmem>>, %arg3: memref<1x256xf32, #tpu.memory_space<vmem>>, %arg4: memref<256x10xf32, #tpu.memory_space<vmem>>, %arg5: memref<1x10xf32, #tpu.memory_space<vmem>>, %arg6: memref<512x10xf32, #tpu.memory_space<vmem>>) attributes {dimension_semantics = [], scalar_prefetch = 0 : i64, scratch_operands = 0 : i64, tpu.core_type = #tpu.core_type<tc>} {
    %get3A = arith.constant 0 : index
    %get3A_0 = arith.constant 0 : index
    %get3A_1 = arith.constant 0 : index
    %get3A_2 = vector.load %arg0[%get3A, %get3A_0, %get3A_1] : memref<2x512x128xf32, #tpu.memory_space<vmem>>, vector<1x512x128xf32>
    %get3A_3 = vector.shape_cast %get3A_2 : vector<1x512x128xf32> to vector<512x128xf32>
    %get3A_4 = arith.constant 1 : index
    %get3A_5 = arith.constant 0 : index
    %get3A_6 = arith.constant 0 : index
    %get3A_7 = vector.load %arg0[%get3A_4, %get3A_5, %get3A_6] : memref<2x512x128xf32, #tpu.memory_space<vmem>>, vector<1x512x128xf32>
    %get3A_8 = vector.shape_cast %get3A_7 : vector<1x512x128xf32> to vector<512x128xf32>
    %add3A = arith.addf %get3A_3, %get3A_8 : vector<512x128xf32>
    %get3A_9 = arith.constant 0 : index
    %get3A_10 = arith.constant 0 : index
    %get3A_11 = arith.constant 0 : index
    %get3A_12 = vector.load %arg1[%get3A_9, %get3A_10, %get3A_11] : memref<2x512x1xf32, #tpu.memory_space<vmem>>, vector<1x512x1xf32>
    %get3A_13 = vector.shape_cast %get3A_12 : vector<1x512x1xf32> to vector<512x1xf32>
    %get3A_14 = arith.constant 1 : index
    %get3A_15 = arith.constant 0 : index
    %get3A_16 = arith.constant 0 : index
    %get3A_17 = vector.load %arg1[%get3A_14, %get3A_15, %get3A_16] : memref<2x512x1xf32, #tpu.memory_space<vmem>>, vector<1x512x1xf32>
    %get3A_18 = vector.shape_cast %get3A_17 : vector<1x512x1xf32> to vector<512x1xf32>
    %add3A_19 = arith.addf %get3A_13, %get3A_18 : vector<512x1xf32>
    %max3A = arith.constant 1.000000e+00 : f32
    %max3A_20 = vector.broadcast %max3A : f32 to vector<512x1xf32>
    %max3A_21 = arith.maximumf %add3A_19, %max3A_20 : vector<512x1xf32>
    %div3A = vector.broadcast %max3A_21 : vector<512x1xf32> to vector<512x128xf32>
    %div3A_22 = arith.divf %add3A, %div3A : vector<512x128xf32>
    %get3A_23 = arith.constant 0 : index
    %get3A_24 = arith.constant 0 : index
    %get3A_25 = vector.load %arg2[%get3A_23, %get3A_24] : memref<128x256xf32, #tpu.memory_space<vmem>>, vector<128x256xf32>
    %dot_general3A = arith.constant dense<0.000000e+00> : vector<512x256xf32>
    %dot_general3A_26 = tpu.matmul %div3A_22, %get3A_25, %dot_general3A {dimension_numbers = #tpu.dot_dimension_numbers<[1], [0], [0], [1], [0, 0, 1, 1], [], []>, transpose_lhs_hint = false} : vector<512x128xf32>, vector<128x256xf32>, vector<512x256xf32> -> vector<512x256xf32>
    %get3A_27 = arith.constant 0 : index
    %get3A_28 = arith.constant 0 : index
    %get3A_29 = vector.load %arg3[%get3A_27, %get3A_28] : memref<1x256xf32, #tpu.memory_space<vmem>>, vector<1x256xf32>
    %add3A_30 = vector.broadcast %get3A_29 : vector<1x256xf32> to vector<512x256xf32>
    %add3A_31 = arith.addf %dot_general3A_26, %add3A_30 : vector<512x256xf32>
    %tanh3A = math.tanh %add3A_31 : vector<512x256xf32>
    %get3A_32 = arith.constant 0 : index
    %get3A_33 = arith.constant 0 : index
    %get3A_34 = vector.load %arg4[%get3A_32, %get3A_33] : memref<256x10xf32, #tpu.memory_space<vmem>>, vector<256x10xf32>
    %dot_general3A_35 = arith.constant dense<0.000000e+00> : vector<512x10xf32>
    %dot_general3A_36 = tpu.matmul %tanh3A, %get3A_34, %dot_general3A_35 {dimension_numbers = #tpu.dot_dimension_numbers<[1], [0], [0], [1], [0, 0, 1, 1], [], []>, transpose_lhs_hint = false} : vector<512x256xf32>, vector<256x10xf32>, vector<512x10xf32> -> vector<512x10xf32>
    %get3A_37 = arith.constant 0 : index
    %get3A_38 = arith.constant 0 : index
    %get3A_39 = vector.load %arg5[%get3A_37, %get3A_38] : memref<1x10xf32, #tpu.memory_space<vmem>>, vector<1x10xf32>
    %add3A_40 = vector.broadcast %get3A_39 : vector<1x10xf32> to vector<512x10xf32>
    %add3A_41 = arith.addf %dot_general3A_36, %add3A_40 : vector<512x10xf32>
    %swap3A = arith.constant 0 : index
    %swap3A_42 = arith.constant 0 : index
    %swap3A_43 = vector.load %arg6[%swap3A, %swap3A_42] : memref<512x10xf32, #tpu.memory_space<vmem>>, vector<512x10xf32>
    tpu.vector_store %arg6[%swap3A, %swap3A_42], %add3A_41 {strides = array<i32>} : memref<512x10xf32, #tpu.memory_space<vmem>>, vector<512x10xf32>,
    return
  }
}

</mosaic_0001>

<sc_bundles>
// kernel: kernel.4.cloned.1.call-start
scs
__scs_entry_jumppad:
0x0: {  	(pc) =	sbr.rel $0x88, $3  }
0x1: {  	(tag) =	ssettag $0x0;
	lr =	simm.s32 $0x1  }
0x2: {  	[smem:$0x3F9B] =	sst lr;
	_ =	strace $0xD0000000  }
0x3: {  	_ = 	snop  }
0x4: {  	_ = 	snop  }
0x5: {  	_ = 	snop  }
0x6: {  	_ = 	snop  }
0x7: {  	_ = 	snop  }
__scs_overlays_trampoline_lowered:
0x8: {  	[smem:$0x3FAA] =	sst s0  }
0x9: {  	[smem:$0x3FAB] =	sst s1  }
0xa: {  	[smem:$0x3FAC] =	sst s2  }
0xb: {  	[smem:$0x3FAD] =	sst s3  }
0xc: {  	[smem:$0x3FAE] =	sst s4  }
0xd: {  	[smem:$0x3FAF] =	sst s5  }
0xe: {  	[smem:$0x3FB0] =	sst s6  }
0xf: {  	[smem:$0x3FB1] =	sst s7  }
0x10: {  	[smem:$0x3FB2] =	sst s8  }
0x11: {  	[smem:$0x3FB3] =	sst s9;
	s0 =	simm.s32 @!p0 $0x0  }
0x12: {  	s1 =	sld [smem:$0x3F99];
	s0 =	simm.s32 @p0 $0x1  }
0x13: {  	[smem:$0x3FB4] =	sst s0;
	s0 =	simm.s32 @!p1 $0x0  }
0x14: {  	s2 =	sld [smem:$0x3F98];
	s0 =	simm.s32 @p1 $0x1  }
0x15: {  	[smem:$0x3FB5] =	sst s0;
	s0 =	simm.s32 @!p2 $0x0  }
0x16: {  	s3 =	sld [smem:$0x3FDB];
	s0 =	simm.s32 @p2 $0x1  }
0x17: {  	s4 =	simm.s32 $0x1BF5;
	[smem:$0x3FB7] =	sst s0  }
0x18: {  	s0 =	sld [smem:$0x3F9A];
	_ =	swait.ge [sflag:s4], $0x0  }
0x19: {  	s7 =	sld [smem:$0x3F9B]  }
0x1a: {  	s8 =	sadd.s32 $0xFFFFE003, lr  }
0x1b: {  	s9 =	sadd.s32 $0xFFFFFEF7, lr;
	s5 =	simm.s32 $0xFFFFFFFF;
	p2 =	slt.u32 s8, $0xFFFFF086  }
0x1c: {  	p1 =	slt.u32 s9, $0xF7A;
	s5 =	simm.s32 @!p2 $0x0  }
0x1d: {  	s5 =	simm.s32 @p1 $0x1;
	p0 =	seq.s32 s7, s2  }
0x1e: {  	s7 =	smul.u32 @!p0 $0xF7A, s2;
	p2 =	seq.s32 @!p0 s5, $0x0  }
0x1f: {  	s9 =	smul.u32 $0xF7A, s1;
	s8 =	simm.s32 @!p0 $0x1BF5;
	p2 =	por !p2, p0  }
0x20: {  	[sflag:s8] =	ssyncset.s32 @!p0 $0xFFFFF086;
	s6 =	sadd.s32 @!p0 s3, s7;
	s7 =	simm.s32 @!p0 $0x108  }
0x21: {  	s3 =	sadd.s32 s3, s9;
	s6 =	sadd.s32 @!p0 $0x88, s6;
	s7 =	simm.s32 @p2 $0x1082  }
0x22: {  	[simem:s7], [sflag:s8] =	dma.local @!p0 [hbm:s6], $0xF7A  }
0x23: {  	s9 =	sor.u32 $0xD0000000, s2;
	s6 =	simm.s32 $0x108;
	_ =	swait.ge @!p0 [sflag:s8], $0x0  }
0x24: {  	s3 =	sadd.s32 $0x88, s3;
	s6 =	simm.s32 @!p1 $0x1082;
	[sflag:s4] =	ssyncset.s32 $0xFFFFF086  }
0x25: {  	[simem:s6], [sflag:s4] =	dma.local [hbm:s3], $0xF7A  }
0x26: {  	[smem:$0x3F9B] =	sst s1;
	(tag) =	ssettag s2;
	_ =	strace s9  }
0x27: {  	s1 =	sld [smem:$0x3FAB]  }
0x28: {  	s2 =	sld [smem:$0x3FAC]  }
0x29: {  	s4 =	sld [smem:$0x3FAE]  }
0x2a: {  	p0 =	seq.s32 s5, $0x0;
	s5 =	sld [smem:$0x3FAF]  }
0x2b: {  	s6 =	sld [smem:$0x3FB0]  }
0x2c: {  	s7 =	sld [smem:$0x3FB1]  }
0x2d: {  	s3 =	simm.s32 $0x108;
	s8 =	sld [smem:$0x3FB2]  }
0x2e: {  	s3 =	simm.s32 @!p0 $0x1082;
	s9 =	sld [smem:$0x3FB3]  }
0x2f: {  	lr =	sadd.s32 s0, s3;
	s0 =	sld [smem:$0x3FAA]  }
0x30: {  	s3 =	sld [smem:$0x3FAD]  }
0x31: {  	[smem:$0x3FB6] =	sst s10  }
0x32: {  	s10 =	sld [smem:$0x3FB4];
	_ =	sdelay $0x3  }
0x33: {  	p0 =	seq.s32 s10, $0x1;
	s10 =	sld [smem:$0x3FB6];
	_ =	sdelay $0x3  }
0x34: {  	[smem:$0x3FB6] =	sst s10  }
0x35: {  	s10 =	sld [smem:$0x3FB5];
	_ =	sdelay $0x3  }
0x36: {  	p1 =	seq.s32 s10, $0x1;
	s10 =	sld [smem:$0x3FB6];
	_ =	sdelay $0x3  }
0x37: {  	[smem:$0x3FB6] =	sst s10  }
0x38: {  	s10 =	sld [smem:$0x3FB7]  }
0x39: {  	_ = 	snop;
	(pc) =	sbr.ind lr, $3  }
0x3a: {  	_ = 	snop  }
0x3b: {  	_ = 	snop  }
0x3c: {  	p2 =	seq.s32 s10, $0x1;
	s10 =	sld [smem:$0x3FB6]  }
0x3d: {  	_ =	shalt  }
0x3e: {  	_ =	shalt  }
0x3f: {  	_ =	shalt  }
0x40: {  	_ =	shalt  }
0x41: {  	_ =	shalt  }
0x42: {  	_ =	shalt  }
0x43: {  	_ =	shalt  }
0x44: {  	_ =	shalt  }
0x45: {  	_ =	shalt  }
0x46: {  	_ =	shalt  }
0x47: {  	_ =	shalt  }
0x48: {  	_ =	shalt  }
0x49: {  	_ =	shalt  }
0x4a: {  	_ =	shalt  }
0x4b: {  	_ =	shalt  }
0x4c: {  	_ =	shalt  }
0x4d: {  	_ =	shalt  }
0x4e: {  	_ =	shalt  }
0x4f: {  	_ =	shalt  }
0x50: {  	_ =	shalt  }
0x51: {  	_ =	shalt  }
0x52: {  	_ =	shalt  }
0x53: {  	_ =	shalt  }
0x54: {  	_ =	shalt  }
0x55: {  	_ =	shalt  }
0x56: {  	_ =	shalt  }
0x57: {  	_ =	shalt  }
0x58: {  	_ =	shalt  }
0x59: {  	_ =	shalt  }
0x5a: {  	_ =	shalt  }
0x5b: {  	_ =	shalt  }
0x5c: {  	_ =	shalt  }
0x5d: {  	_ =	shalt  }
0x5e: {  	_ =	shalt  }
0x5f: {  	_ =	shalt  }
0x60: {  	_ =	shalt  }
0x61: {  	_ =	shalt  }
0x62: {  	_ =	shalt  }
0x63: {  	_ =	shalt  }
0x64: {  	_ =	shalt  }
0x65: {  	_ =	shalt  }
0x66: {  	_ =	shalt  }
0x67: {  	_ =	shalt  }
0x68: {  	_ =	shalt  }
0x69: {  	_ =	shalt  }
0x6a: {  	_ =	shalt  }
0x6b: {  	_ =	shalt  }
0x6c: {  	_ =	shalt  }
0x6d: {  	_ =	shalt  }
0x6e: {  	_ =	shalt  }
0x6f: {  	_ =	shalt  }
0x70: {  	_ =	shalt  }
0x71: {  	_ =	shalt  }
0x72: {  	_ =	shalt  }
0x73: {  	_ =	shalt  }
0x74: {  	_ =	shalt  }
0x75: {  	_ =	shalt  }
0x76: {  	_ =	shalt  }
0x77: {  	_ =	shalt  }
0x78: {  	_ =	shalt  }
0x79: {  	_ =	shalt  }
0x7a: {  	_ =	shalt  }
0x7b: {  	_ =	shalt  }
0x7c: {  	_ =	shalt  }
0x7d: {  	_ =	shalt  }
0x7e: {  	_ =	shalt  }
0x7f: {  	_ =	shalt  }
0x80: {  	_ =	shalt  }
0x81: {  	_ =	shalt  }
0x82: {  	_ =	shalt  }
0x83: {  	_ =	shalt  }
0x84: {  	_ =	shalt  }
0x85: {  	_ =	shalt  }
0x86: {  	_ =	shalt  }
0x87: {  	_ =	shalt  }
.Lfunc_end0:
.L_simem_size_0:
called_computation_lowered:
.L_overlay_start_0:
0x88: {  	s2 =	sld [smem:$0x3FD9]  }
0x89: {  	s3 =	sld [smem:$0x3FFE];
	_ =	sdelay $0x1  }
0x8a: {  	s1 =	srdreg.scid  }
0x8b: {  	s0 =	sand.u32 $0x1, s1  }
0x8c: {  	s17 =	sshll.u32 s0, $0xA;
	s2 =	sadd.s32 s3, s2  }
0x8d: {  	s2 =	sadd.s32 s2, s17  }
0x8e: {  	[smem:$0x3FC2] =	sst s2  }
0x8f: {  	_ = 	snop  }
0x90: {  	s2 =	sld [smem:$0x3FC9]  }
0x91: {  	s18 =	sld [smem:$0x3FC8]  }
0x92: {  	s4 =	sld [smem:$0x3FD0];
	(tm) =	ssettm $0x1  }
0x93: {  	s5 =	sld [smem:$0x3FFB];
	_ =	sdelay $0x3  }
0x94: {  	_ =	strace s5  }
0x95: {  	s5 =	sld [smem:$0x3FFC];
	_ =	sdelay $0x3  }
0x96: {  	_ =	strace s5  }
0x97: {  	s5 =	sld [smem:$0x3FFD];
	_ =	sdelay $0x3  }
0x98: {  	_ =	strace s5  }
0x99: {  	_ =	strace $0x8FFFFFFF  }
0x9a: {  	s19 =	sld [smem:$0x3FDB];
	_ =	sdelay $0x1  }
0x9b: {  	s6 =	simm.s32 $_scs_section_size  }
0x9c: {  	s7 =	simm.s32 $_size__tile_overlayer_lowered;
	s8 =	simm.s32 $_tile_overlayer_lowered  }
0x9d: {  	s22 =	simm.s32 $0x1BFF;
	s21 =	sshll.u32 s8, $0x1;
	s5 =	sadd.s32 s6, s19  }
0x9e: {  	s9 =	simm.s32 $0x0;
	s20 =	sshll.u32 s7, $0x1;
	s7 =	sadd.s32 s21, s5  }
0x9f: {  	[timem:s9], [sflag:s22] =	dma.local [hbm:s7], s20  }
0xa0: {  	_ =	swait.ge [sflag:s22], s20  }
0xa1: {  	s6 =	ssub.s32 $0x0, s20;
	[sflag:s22] =	ssyncset.done $0x0  }
0xa2: {  	[sflag:s22] =	ssyncadd.s32 s6;
	_ =	sdelay $0x1  }
0xa3: {  	s23 =	simm.s32 $0x1B8B  }
0xa4: {  	_ =	swait.ge [sflag:s23], $0x1  }
0xa5: {  	[sflag:s23] =	ssyncset.done $0x0  }
0xa6: {  	s25 =	simm.s32 $0x1B8E;
	s24 =	sld [smem:$0x3FFE];
	[sflag:s23] =	ssyncadd.s32 $0xFFFFFFFF  }
0xa7: {  	s26 =	simm.s32 $execute0_lowered;
	[smem:$0x3FD2] =	sst s25  }
0xa8: {  	s7 =	sshll.u32 s26, $0x1;
	_ =	strace $0x80000046;
	[dreg:$0x1] =	wrdreg $0xFFFFFFFF  }
0xa9: {  	s28 =	simm.s32 $_size_execute0_lowered;
	s5 =	sadd.s32 s5, s7;
	[dreg:$0x0] =	wrdreg $0x0  }
0xaa: {  	s7 =	sshll.u32 s28, $0x1;
	[dreg:$0x2] =	wrdreg s5  }
0xab: {  	[dreg:$0x3] =	wrdreg s7  }
0xac: {  	[dreg:$0x4] =	wrdreg $0xC0  }
0xad: {  	_ =	task [dreg:s9], $0x5FFFF  }
0xae: {  	[dreg:$0x1] =	wrdreg $0xFFFFFFFF  }
0xaf: {  	[dreg:$0x0] =	wrdreg $0x60  }
0xb0: {  	[dreg:$0x2] =	wrdreg s2  }
0xb1: {  	[dreg:$0x3] =	wrdreg s18  }
0xb2: {  	[dreg:$0x4] =	wrdreg s24  }
0xb3: {  	[dreg:$0x5] =	wrdreg s4  }
0xb4: {  	[dreg:$0x6] =	wrdreg $0xAC000  }
0xb5: {  	[dreg:$0x7] =	wrdreg $0xBC000  }
0xb6: {  	[dreg:$0x8] =	wrdreg $0x9  }
0xb7: {  	_ =	task.clear_ibuf [dreg:s9], $0x9FFFF;
	_ =	strace $0x90000046  }
0xb8: {  	s29 =	simm.s32 $0x9;
	_ =	strace $0x80000048  }
0xb9: {  	_ =	swait.ge [sflag:s29], $0x1  }
0xba: {  	[sflag:s29] =	ssyncadd.s32 $0xFFFFFFFF  }
0xbb: {  	_ =	strace $0x90000048  }
0xbc: {  	_ =	sfence  }
0xbd: {  	s30 =	sld [smem:$0x0];
	_ =	sdelay $0x2  }
0xbe: {  	s31 =	sshll.u32 s1, $0xD;
	s1 =	sshrl.u32 s1, $0x2  }
0xbf: {  	s3 =	sand.u32 $0x4000, s31;
	s1 =	sadd.s32 s1, s30  }
0xc0: {  	s0 =	sor.u32 s3, s0;
	s1 =	sshll.u32 s1, $0x11  }
0xc1: {  	s0 =	sor.u32 s1, s0  }
0xc2: {  	s0 =	sadd.s32 $0x8F2B, s0  }
0xc3: {  	[sflag:s0] =	ssyncadd.remote.s32 $0x1  }
0xc4: {  	_ =	sfence.sel $0xFFFF  }
0xc5: {  	[dreg:$0x0] =	wrdreg $0xFFFFFFFF;
	(pc) =	sbr.abs _section_cstart, $3  }
0xc6: {  	[dreg:$0x1] =	wrdreg $0xFFFFFFFF  }
0xc7: {  	_ =	task.clear_ibuf [dreg:s9], $0x2FFFF;
	_ =	strace $0x9FFFFFFF  }
0xc8: {  	(tm) =	ssettm $0x7FFFFFFF  }
0xc9: {  	_ =	shalt  }
tec
execute0_lowered:
.L_overlay_start_1:
0x0: {  	(tag) =	ssettag $0x1  }
0x1: {  	s0 =	rddreg [dreg:$0x0]  }
0x2: {  	s2 =	rddreg [dreg:$0x1]  }
0x3: {  	s1 =	rddreg [dreg:$0x2]  }
0x4: {  	s6 =	rddreg [dreg:$0x3]  }
0x5: {  	s3 =	rddreg [dreg:$0x4]  }
0x6: {  	s4 =	rddreg [dreg:$0x5]  }
0x7: {  	s5 =	simm.s32 $0x0;
	s7 =	srdreg.scid;
	s15 =	stileid.u32  }
0x8: {  	s28 =	simm.s32 $0x3;
	s29 =	simm.s32 $0x2;
	s30 =	simm.s32 $0x0  }
0x9: {  	[smem:$0x7FF] =	sst s5;
	s16 =	sand.u32 $0x1, s7;
	s20 =	sshll.u32 s15, $0x1  }
0xa: {  	s21 =	sadd.s32 $0x1200, s1;
	s24 =	sshll.u32 s15, $0xC;
	s26 =	sadd.s32 $0x30D0, s2  }
0xb: {  	s31 =	sadd.s32 $0x186800, s0;
	_ =	strace $0x80000047;
	[dreg:$0x7] =	wrdreg s21  }
0xc: {  	s22 =	sor.u32 s16, s20;
	s23 =	sshll.u32 s16, $0xD;
	[dreg:$0x9] =	wrdreg s26  }
0xd: {  	s9 =	ssub.s32 $0x2, s16;
	s16 =	sshll.u32 s16, $0x6;
	[dreg:$0xa] =	wrdreg s31  }
0xe: {  	s21 =	simm.s32 $0x4;
	s26 =	simm.s32 $0x1;
	s8 =	smul.u32 $0xC00, s22  }
0xf: {  	s1 =	sadd.s32 s23, s1;
	s10 =	smul.u32 $0xC80, s22;
	s11 =	sshrl.u32 s9, $0x1  }
0x10: {  	p0 =	slt.u32 s22, $0xD;
	s18 =	sadd.s32 s6, s16;
	s23 =	simm.s32 $0x100  }
0x11: {  	p1 =	sne.s32 s22, $0x1F;
	s19 =	ssub.s32 s9, s11;
	s9 =	simm.s32 $0x19  }
0x12: {  	s17 =	sadd.s32 $0x1400, s1;
	s7 =	sadd.s32 $0x680, s8;
	s8 =	sadd.s32 s24, s3  }
0x13: {  	v0 =	vimm.f32 $0.0e+00;
	s9 =	simm.s32 @!p0 $0x18;
	s19 =	smax.u32 s19, $0x1;
	s24 =	simm.s32 $0x80  }
0x14: {  	vm0 =	vcmask $0x300;
	vm1 =	vcmask $0x704;
	vm2 =	vcmask $0xB08;
	s7 =	smov.u32 @p0 s10;
	[dreg:$0x8] =	wrdreg s8;
	p0 =	sne.s32 s15, $0x0  }
0x15: {  	vm3 =	vcmask $0xF0C;
	vm4 =	vcmask $0x1310;
	vm5 =	vcmask $0x1714;
	s15 =	simm.s32 $0x9B00;
	s10 =	sshrl.u32 s7, $0x3;
	s25 =	sadd.s32 $0x80, s7  }
0x16: {  	vm6 =	vcmask $0x1B18;
	vm7 =	vcmask $0x1F1C;
	vm8 =	vcmask $0x2320;
	s12 =	sshll.u32 s7, $0x4;
	s10 =	sadd.s32 s2, s10;
	s13 =	sshrl.u32 s25, $0x3  }
0x17: {  	vm9 =	vcmask $0x2724;
	vm10 =	vcmask $0x2B28;
	vm11 =	vcmask $0x2F2C;
	s14 =	sshll.u32 s25, $0x4;
	s11 =	sadd.s32 s0, s12;
	s25 =	simm.s32 $0x4100  }
0x18: {  	vm12 =	vcmask $0x3330;
	vm13 =	vcmask $0x3734;
	vm14 =	vcmask $0x3B38;
	s12 =	sadd.s32 s2, s13;
	s13 =	sadd.s32 s0, s14;
	s14 =	sadd.s32 $0xFFFFFFFF, s9  }
.LBB2_1:
0x19: {  	[tilespmem:$0x8100] =	vst v0  }
0x1a: {  	[tilespmem:$0x8110] =	vst v0  }
0x1b: {  	[tilespmem:$0x8120] =	vst v0  }
0x1c: {  	[tilespmem:$0x8130] =	vst v0  }
0x1d: {  	[tilespmem:$0x8140] =	vst v0  }
0x1e: {  	[tilespmem:$0x8150] =	vst v0  }
0x1f: {  	[tilespmem:$0x8160] =	vst v0  }
0x20: {  	[tilespmem:$0x8170] =	vst v0  }
0x21: {  	[tilespmem:$0x8180] =	vst v0  }
0x22: {  	[tilespmem:$0x8190] =	vst v0  }
0x23: {  	[tilespmem:$0x81A0] =	vst v0  }
0x24: {  	[tilespmem:$0x81B0] =	vst v0  }
0x25: {  	[tilespmem:$0x81C0] =	vst v0  }
0x26: {  	[tilespmem:$0x81D0] =	vst v0  }
0x27: {  	[tilespmem:$0x81E0] =	vst v0  }
0x28: {  	[tilespmem:$0x81F0] =	vst v0  }
0x29: {  	[tilespmem:$0x8200] =	vst v0  }
0x2a: {  	[tilespmem:$0x8210] =	vst v0  }
0x2b: {  	[tilespmem:$0x8220] =	vst v0  }
0x2c: {  	[tilespmem:$0x8230] =	vst v0  }
0x2d: {  	[tilespmem:$0x8240] =	vst v0  }
0x2e: {  	[tilespmem:$0x8250] =	vst v0  }
0x2f: {  	[tilespmem:$0x8260] =	vst v0  }
0x30: {  	[tilespmem:$0x8270] =	vst v0  }
0x31: {  	[tilespmem:$0x8280] =	vst v0  }
0x32: {  	[tilespmem:$0x8290] =	vst v0  }
0x33: {  	[tilespmem:$0x82A0] =	vst v0  }
0x34: {  	[tilespmem:$0x82B0] =	vst v0  }
0x35: {  	[tilespmem:$0x82C0] =	vst v0  }
0x36: {  	[tilespmem:$0x82D0] =	vst v0  }
0x37: {  	[tilespmem:$0x82E0] =	vst v0  }
0x38: {  	[tilespmem:$0x82F0] =	vst v0  }
0x39: {  	[tilespmem:$0x8300] =	vst v0  }
0x3a: {  	[tilespmem:$0x8310] =	vst v0  }
0x3b: {  	[tilespmem:$0x8320] =	vst v0  }
0x3c: {  	[tilespmem:$0x8330] =	vst v0  }
0x3d: {  	[tilespmem:$0x8340] =	vst v0  }
0x3e: {  	[tilespmem:$0x8350] =	vst v0  }
0x3f: {  	[tilespmem:$0x8360] =	vst v0  }
0x40: {  	[tilespmem:$0x8370] =	vst v0  }
0x41: {  	[tilespmem:$0x8380] =	vst v0  }
0x42: {  	[tilespmem:$0x8390] =	vst v0  }
0x43: {  	[tilespmem:$0x83A0] =	vst v0  }
0x44: {  	[tilespmem:$0x83B0] =	vst v0  }
0x45: {  	[tilespmem:$0x83C0] =	vst v0  }
0x46: {  	[tilespmem:$0x83D0] =	vst v0  }
0x47: {  	[tilespmem:$0x83E0] =	vst v0  }
0x48: {  	[tilespmem:$0x83F0] =	vst v0  }
0x49: {  	[tilespmem:$0x8400] =	vst v0  }
0x4a: {  	[tilespmem:$0x8410] =	vst v0  }
0x4b: {  	[tilespmem:$0x8420] =	vst v0  }
0x4c: {  	[tilespmem:$0x8430] =	vst v0  }
0x4d: {  	[tilespmem:$0x8440] =	vst v0  }
0x4e: {  	[tilespmem:$0x8450] =	vst v0  }
0x4f: {  	[tilespmem:$0x8460] =	vst v0  }
0x50: {  	[tilespmem:$0x8470] =	vst v0  }
0x51: {  	[tilespmem:$0x8480] =	vst v0  }
0x52: {  	[tilespmem:$0x8490] =	vst v0  }
0x53: {  	[tilespmem:$0x84A0] =	vst v0  }
0x54: {  	[tilespmem:$0x84B0] =	vst v0  }
0x55: {  	[tilespmem:$0x84C0] =	vst v0  }
0x56: {  	[tilespmem:$0x84D0] =	vst v0  }
0x57: {  	[tilespmem:$0x84E0] =	vst v0  }
0x58: {  	[tilespmem:$0x84F0] =	vst v0  }
0x59: {  	[tilespmem:$0x8500] =	vst v0  }
0x5a: {  	[tilespmem:$0x8510] =	vst v0  }
0x5b: {  	[tilespmem:$0x8520] =	vst v0  }
0x5c: {  	[tilespmem:$0x8530] =	vst v0  }
0x5d: {  	[tilespmem:$0x8540] =	vst v0  }
0x5e: {  	[tilespmem:$0x8550] =	vst v0  }
0x5f: {  	[tilespmem:$0x8560] =	vst v0  }
0x60: {  	[tilespmem:$0x8570] =	vst v0  }
0x61: {  	[tilespmem:$0x8580] =	vst v0  }
0x62: {  	[tilespmem:$0x8590] =	vst v0  }
0x63: {  	[tilespmem:$0x85A0] =	vst v0  }
0x64: {  	[tilespmem:$0x85B0] =	vst v0  }
0x65: {  	[tilespmem:$0x85C0] =	vst v0  }
0x66: {  	[tilespmem:$0x85D0] =	vst v0  }
0x67: {  	[tilespmem:$0x85E0] =	vst v0  }
0x68: {  	[tilespmem:$0x85F0] =	vst v0  }
0x69: {  	[tilespmem:$0x8600] =	vst v0  }
0x6a: {  	[tilespmem:$0x8610] =	vst v0  }
0x6b: {  	[tilespmem:$0x8620] =	vst v0  }
0x6c: {  	[tilespmem:$0x8630] =	vst v0  }
0x6d: {  	[tilespmem:$0x8640] =	vst v0  }
0x6e: {  	[tilespmem:$0x8650] =	vst v0  }
0x6f: {  	[tilespmem:$0x8660] =	vst v0  }
0x70: {  	[tilespmem:$0x8670] =	vst v0  }
0x71: {  	[tilespmem:$0x8680] =	vst v0  }
0x72: {  	[tilespmem:$0x8690] =	vst v0  }
0x73: {  	[tilespmem:$0x86A0] =	vst v0  }
0x74: {  	[tilespmem:$0x86B0] =	vst v0  }
0x75: {  	[tilespmem:$0x86C0] =	vst v0  }
0x76: {  	[tilespmem:$0x86D0] =	vst v0  }
0x77: {  	[tilespmem:$0x86E0] =	vst v0  }
0x78: {  	[tilespmem:$0x86F0] =	vst v0  }
0x79: {  	[tilespmem:$0x8700] =	vst v0  }
0x7a: {  	[tilespmem:$0x8710] =	vst v0  }
0x7b: {  	[tilespmem:$0x8720] =	vst v0  }
0x7c: {  	[tilespmem:$0x8730] =	vst v0  }
0x7d: {  	[tilespmem:$0x8740] =	vst v0  }
0x7e: {  	[tilespmem:$0x8750] =	vst v0  }
0x7f: {  	[tilespmem:$0x8760] =	vst v0  }
0x80: {  	[tilespmem:$0x8770] =	vst v0  }
0x81: {  	[tilespmem:$0x8780] =	vst v0  }
0x82: {  	[tilespmem:$0x8790] =	vst v0  }
0x83: {  	[tilespmem:$0x87A0] =	vst v0  }
0x84: {  	[tilespmem:$0x87B0] =	vst v0  }
0x85: {  	[tilespmem:$0x87C0] =	vst v0  }
0x86: {  	[tilespmem:$0x87D0] =	vst v0  }
0x87: {  	[tilespmem:$0x87E0] =	vst v0  }
0x88: {  	[tilespmem:$0x87F0] =	vst v0  }
0x89: {  	[tilespmem:$0x8800] =	vst v0  }
0x8a: {  	[tilespmem:$0x8810] =	vst v0  }
0x8b: {  	[tilespmem:$0x8820] =	vst v0  }
0x8c: {  	[tilespmem:$0x8830] =	vst v0  }
0x8d: {  	[tilespmem:$0x8840] =	vst v0  }
0x8e: {  	[tilespmem:$0x8850] =	vst v0  }
0x8f: {  	[tilespmem:$0x8860] =	vst v0  }
0x90: {  	[tilespmem:$0x8870] =	vst v0  }
0x91: {  	[tilespmem:$0x8880] =	vst v0  }
0x92: {  	[tilespmem:$0x8890] =	vst v0  }
0x93: {  	[tilespmem:$0x88A0] =	vst v0  }
0x94: {  	[tilespmem:$0x88B0] =	vst v0  }
0x95: {  	[tilespmem:$0x88C0] =	vst v0  }
0x96: {  	[tilespmem:$0x88D0] =	vst v0  }
0x97: {  	[tilespmem:$0x88E0] =	vst v0  }
0x98: {  	[tilespmem:$0x88F0] =	vst v0  }
0x99: {  	[tilespmem:$0x8900] =	vst v0  }
0x9a: {  	[tilespmem:$0x8910] =	vst v0  }
0x9b: {  	[tilespmem:$0x8920] =	vst v0  }
0x9c: {  	[tilespmem:$0x8930] =	vst v0  }
0x9d: {  	[tilespmem:$0x8940] =	vst v0  }
0x9e: {  	[tilespmem:$0x8950] =	vst v0  }
0x9f: {  	[tilespmem:$0x8960] =	vst v0  }
0xa0: {  	[tilespmem:$0x8970] =	vst v0  }
0xa1: {  	[tilespmem:$0x8980] =	vst v0  }
0xa2: {  	[tilespmem:$0x8990] =	vst v0  }
0xa3: {  	[tilespmem:$0x89A0] =	vst v0  }
0xa4: {  	[tilespmem:$0x89B0] =	vst v0  }
0xa5: {  	[tilespmem:$0x89C0] =	vst v0  }
0xa6: {  	[tilespmem:$0x89D0] =	vst v0  }
0xa7: {  	[tilespmem:$0x89E0] =	vst v0  }
0xa8: {  	[tilespmem:$0x89F0] =	vst v0  }
0xa9: {  	[tilespmem:$0x8A00] =	vst v0  }
0xaa: {  	[tilespmem:$0x8A10] =	vst v0  }
0xab: {  	[tilespmem:$0x8A20] =	vst v0  }
0xac: {  	[tilespmem:$0x8A30] =	vst v0  }
0xad: {  	[tilespmem:$0x8A40] =	vst v0  }
0xae: {  	[tilespmem:$0x8A50] =	vst v0  }
0xaf: {  	[tilespmem:$0x8A60] =	vst v0  }
0xb0: {  	[tilespmem:$0x8A70] =	vst v0  }
0xb1: {  	[tilespmem:$0x8A80] =	vst v0  }
0xb2: {  	[tilespmem:$0x8A90] =	vst v0  }
0xb3: {  	[tilespmem:$0x8AA0] =	vst v0  }
0xb4: {  	[tilespmem:$0x8AB0] =	vst v0  }
0xb5: {  	[tilespmem:$0x8AC0] =	vst v0  }
0xb6: {  	[tilespmem:$0x8AD0] =	vst v0  }
0xb7: {  	[tilespmem:$0x8AE0] =	vst v0  }
0xb8: {  	[tilespmem:$0x8AF0] =	vst v0  }
0xb9: {  	[tilespmem:$0x8B00] =	vst v0  }
0xba: {  	[tilespmem:$0x8B10] =	vst v0  }
0xbb: {  	[tilespmem:$0x8B20] =	vst v0  }
0xbc: {  	[tilespmem:$0x8B30] =	vst v0  }
0xbd: {  	[tilespmem:$0x8B40] =	vst v0  }
0xbe: {  	[tilespmem:$0x8B50] =	vst v0  }
0xbf: {  	[tilespmem:$0x8B60] =	vst v0  }
0xc0: {  	[tilespmem:$0x8B70] =	vst v0  }
0xc1: {  	[tilespmem:$0x8B80] =	vst v0  }
0xc2: {  	[tilespmem:$0x8B90] =	vst v0  }
0xc3: {  	[tilespmem:$0x8BA0] =	vst v0  }
0xc4: {  	[tilespmem:$0x8BB0] =	vst v0  }
0xc5: {  	[tilespmem:$0x8BC0] =	vst v0  }
0xc6: {  	[tilespmem:$0x8BD0] =	vst v0  }
0xc7: {  	[tilespmem:$0x8BE0] =	vst v0  }
0xc8: {  	[tilespmem:$0x8BF0] =	vst v0  }
0xc9: {  	[tilespmem:$0x8C00] =	vst v0  }
0xca: {  	[tilespmem:$0x8C10] =	vst v0  }
0xcb: {  	[tilespmem:$0x8C20] =	vst v0  }
0xcc: {  	[tilespmem:$0x8C30] =	vst v0  }
0xcd: {  	[tilespmem:$0x8C40] =	vst v0  }
0xce: {  	[tilespmem:$0x8C50] =	vst v0  }
0xcf: {  	[tilespmem:$0x8C60] =	vst v0  }
0xd0: {  	[tilespmem:$0x8C70] =	vst v0  }
0xd1: {  	[tilespmem:$0x8C80] =	vst v0  }
0xd2: {  	[tilespmem:$0x8C90] =	vst v0  }
0xd3: {  	[tilespmem:$0x8CA0] =	vst v0  }
0xd4: {  	[tilespmem:$0x8CB0] =	vst v0  }
0xd5: {  	[tilespmem:$0x8CC0] =	vst v0  }
0xd6: {  	[tilespmem:$0x8CD0] =	vst v0  }
0xd7: {  	[tilespmem:$0x8CE0] =	vst v0  }
0xd8: {  	[tilespmem:$0x8CF0] =	vst v0  }
0xd9: {  	[tilespmem:$0x8D00] =	vst v0  }
0xda: {  	[tilespmem:$0x8D10] =	vst v0  }
0xdb: {  	[tilespmem:$0x8D20] =	vst v0  }
0xdc: {  	[tilespmem:$0x8D30] =	vst v0  }
0xdd: {  	[tilespmem:$0x8D40] =	vst v0  }
0xde: {  	[tilespmem:$0x8D50] =	vst v0  }
0xdf: {  	[tilespmem:$0x8D60] =	vst v0  }
0xe0: {  	[tilespmem:$0x8D70] =	vst v0  }
0xe1: {  	[tilespmem:$0x8D80] =	vst v0  }
0xe2: {  	[tilespmem:$0x8D90] =	vst v0  }
0xe3: {  	[tilespmem:$0x8DA0] =	vst v0  }
0xe4: {  	[tilespmem:$0x8DB0] =	vst v0  }
0xe5: {  	[tilespmem:$0x8DC0] =	vst v0  }
0xe6: {  	[tilespmem:$0x8DD0] =	vst v0  }
0xe7: {  	[tilespmem:$0x8DE0] =	vst v0  }
0xe8: {  	[tilespmem:$0x8DF0] =	vst v0  }
0xe9: {  	[tilespmem:$0x8E00] =	vst v0  }
0xea: {  	[tilespmem:$0x8E10] =	vst v0  }
0xeb: {  	[tilespmem:$0x8E20] =	vst v0  }
0xec: {  	[tilespmem:$0x8E30] =	vst v0  }
0xed: {  	[tilespmem:$0x8E40] =	vst v0  }
0xee: {  	[tilespmem:$0x8E50] =	vst v0  }
0xef: {  	[tilespmem:$0x8E60] =	vst v0  }
0xf0: {  	[tilespmem:$0x8E70] =	vst v0  }
0xf1: {  	[tilespmem:$0x8E80] =	vst v0  }
0xf2: {  	[tilespmem:$0x8E90] =	vst v0  }
0xf3: {  	[tilespmem:$0x8EA0] =	vst v0  }
0xf4: {  	[tilespmem:$0x8EB0] =	vst v0  }
0xf5: {  	[tilespmem:$0x8EC0] =	vst v0  }
0xf6: {  	[tilespmem:$0x8ED0] =	vst v0  }
0xf7: {  	[tilespmem:$0x8EE0] =	vst v0  }
0xf8: {  	[tilespmem:$0x8EF0] =	vst v0  }
0xf9: {  	[tilespmem:$0x8F00] =	vst v0  }
0xfa: {  	[tilespmem:$0x8F10] =	vst v0  }
0xfb: {  	[tilespmem:$0x8F20] =	vst v0  }
0xfc: {  	[tilespmem:$0x8F30] =	vst v0  }
0xfd: {  	[tilespmem:$0x8F40] =	vst v0  }
0xfe: {  	[tilespmem:$0x8F50] =	vst v0  }
0xff: {  	[tilespmem:$0x8F60] =	vst v0  }
0x100: {  	[tilespmem:$0x8F70] =	vst v0  }
0x101: {  	[tilespmem:$0x8F80] =	vst v0  }
0x102: {  	[tilespmem:$0x8F90] =	vst v0  }
0x103: {  	[tilespmem:$0x8FA0] =	vst v0  }
0x104: {  	[tilespmem:$0x8FB0] =	vst v0  }
0x105: {  	[tilespmem:$0x8FC0] =	vst v0  }
0x106: {  	[tilespmem:$0x8FD0] =	vst v0  }
0x107: {  	[tilespmem:$0x8FE0] =	vst v0  }
0x108: {  	[tilespmem:$0x8FF0] =	vst v0  }
0x109: {  	[tilespmem:$0x9000] =	vst v0  }
0x10a: {  	[tilespmem:$0x9010] =	vst v0  }
0x10b: {  	[tilespmem:$0x9020] =	vst v0  }
0x10c: {  	[tilespmem:$0x9030] =	vst v0  }
0x10d: {  	[tilespmem:$0x9040] =	vst v0  }
0x10e: {  	[tilespmem:$0x9050] =	vst v0  }
0x10f: {  	[tilespmem:$0x9060] =	vst v0  }
0x110: {  	[tilespmem:$0x9070] =	vst v0  }
0x111: {  	[tilespmem:$0x9080] =	vst v0  }
0x112: {  	[tilespmem:$0x9090] =	vst v0  }
0x113: {  	[tilespmem:$0x90A0] =	vst v0  }
0x114: {  	[tilespmem:$0x90B0] =	vst v0  }
0x115: {  	[tilespmem:$0x90C0] =	vst v0  }
0x116: {  	[tilespmem:$0x90D0] =	vst v0  }
0x117: {  	[tilespmem:$0x90E0] =	vst v0  }
0x118: {  	[tilespmem:$0x90F0] =	vst v0  }
0x119: {  	[tilespmem:$0x9300] =	vst v0  }
0x11a: {  	[tilespmem:$0x9310] =	vst v0  }
0x11b: {  	[tilespmem:$0x9320] =	vst v0  }
0x11c: {  	[tilespmem:$0x9330] =	vst v0  }
0x11d: {  	[tilespmem:$0x9340] =	vst v0  }
0x11e: {  	[tilespmem:$0x9350] =	vst v0  }
0x11f: {  	[tilespmem:$0x9360] =	vst v0  }
0x120: {  	[tilespmem:$0x9370] =	vst v0  }
0x121: {  	[tilespmem:$0x9380] =	vst v0  }
0x122: {  	[tilespmem:$0x9390] =	vst v0  }
0x123: {  	[tilespmem:$0x93A0] =	vst v0  }
0x124: {  	[tilespmem:$0x93B0] =	vst v0  }
0x125: {  	[tilespmem:$0x93C0] =	vst v0  }
0x126: {  	[tilespmem:$0x93D0] =	vst v0  }
0x127: {  	[tilespmem:$0x93E0] =	vst v0  }
0x128: {  	[tilespmem:$0x93F0] =	vst v0  }
0x129: {  	[tilespmem:$0x9400] =	vst v0  }
0x12a: {  	[tilespmem:$0x9410] =	vst v0  }
0x12b: {  	[tilespmem:$0x9420] =	vst v0  }
0x12c: {  	[tilespmem:$0x9430] =	vst v0  }
0x12d: {  	[tilespmem:$0x9440] =	vst v0  }
0x12e: {  	[tilespmem:$0x9450] =	vst v0  }
0x12f: {  	[tilespmem:$0x9460] =	vst v0  }
0x130: {  	[tilespmem:$0x9470] =	vst v0  }
0x131: {  	[tilespmem:$0x9480] =	vst v0  }
0x132: {  	[tilespmem:$0x9490] =	vst v0  }
0x133: {  	[tilespmem:$0x94A0] =	vst v0  }
0x134: {  	[tilespmem:$0x94B0] =	vst v0  }
0x135: {  	[tilespmem:$0x94C0] =	vst v0  }
0x136: {  	[tilespmem:$0x94D0] =	vst v0  }
0x137: {  	[tilespmem:$0x94E0] =	vst v0  }
0x138: {  	[tilespmem:$0x94F0] =	vst v0  }
0x139: {  	[tilespmem:$0x9500] =	vst v0  }
0x13a: {  	[tilespmem:$0x9510] =	vst v0  }
0x13b: {  	[tilespmem:$0x9520] =	vst v0  }
0x13c: {  	[tilespmem:$0x9530] =	vst v0  }
0x13d: {  	[tilespmem:$0x9540] =	vst v0  }
0x13e: {  	[tilespmem:$0x9550] =	vst v0  }
0x13f: {  	[tilespmem:$0x9560] =	vst v0  }
0x140: {  	[tilespmem:$0x9570] =	vst v0  }
0x141: {  	[tilespmem:$0x9580] =	vst v0  }
0x142: {  	[tilespmem:$0x9590] =	vst v0  }
0x143: {  	[tilespmem:$0x95A0] =	vst v0  }
0x144: {  	[tilespmem:$0x95B0] =	vst v0  }
0x145: {  	[tilespmem:$0x95C0] =	vst v0  }
0x146: {  	[tilespmem:$0x95D0] =	vst v0  }
0x147: {  	[tilespmem:$0x95E0] =	vst v0  }
0x148: {  	[tilespmem:$0x95F0] =	vst v0  }
0x149: {  	[tilespmem:$0x9600] =	vst v0  }
0x14a: {  	[tilespmem:$0x9610] =	vst v0  }
0x14b: {  	[tilespmem:$0x9620] =	vst v0  }
0x14c: {  	[tilespmem:$0x9630] =	vst v0  }
0x14d: {  	[tilespmem:$0x9640] =	vst v0  }
0x14e: {  	[tilespmem:$0x9650] =	vst v0  }
0x14f: {  	[tilespmem:$0x9660] =	vst v0  }
0x150: {  	[tilespmem:$0x9670] =	vst v0  }
0x151: {  	[tilespmem:$0x9680] =	vst v0  }
0x152: {  	[tilespmem:$0x9690] =	vst v0  }
0x153: {  	[tilespmem:$0x96A0] =	vst v0  }
0x154: {  	[tilespmem:$0x96B0] =	vst v0  }
0x155: {  	[tilespmem:$0x96C0] =	vst v0  }
0x156: {  	[tilespmem:$0x96D0] =	vst v0  }
0x157: {  	[tilespmem:$0x96E0] =	vst v0  }
0x158: {  	[tilespmem:$0x96F0] =	vst v0  }
0x159: {  	[tilespmem:$0x9700] =	vst v0  }
0x15a: {  	[tilespmem:$0x9710] =	vst v0  }
0x15b: {  	[tilespmem:$0x9720] =	vst v0  }
0x15c: {  	[tilespmem:$0x9730] =	vst v0  }
0x15d: {  	[tilespmem:$0x9740] =	vst v0  }
0x15e: {  	[tilespmem:$0x9750] =	vst v0  }
0x15f: {  	[tilespmem:$0x9760] =	vst v0  }
0x160: {  	[tilespmem:$0x9770] =	vst v0  }
0x161: {  	[tilespmem:$0x9780] =	vst v0  }
0x162: {  	[tilespmem:$0x9790] =	vst v0  }
0x163: {  	[tilespmem:$0x97A0] =	vst v0  }
0x164: {  	[tilespmem:$0x97B0] =	vst v0  }
0x165: {  	[tilespmem:$0x97C0] =	vst v0  }
0x166: {  	[tilespmem:$0x97D0] =	vst v0  }
0x167: {  	[tilespmem:$0x97E0] =	vst v0  }
0x168: {  	[tilespmem:$0x97F0] =	vst v0  }
0x169: {  	[tilespmem:$0x9800] =	vst v0  }
0x16a: {  	[tilespmem:$0x9810] =	vst v0  }
0x16b: {  	[tilespmem:$0x9820] =	vst v0  }
0x16c: {  	[tilespmem:$0x9830] =	vst v0  }
0x16d: {  	[tilespmem:$0x9840] =	vst v0  }
0x16e: {  	[tilespmem:$0x9850] =	vst v0  }
0x16f: {  	[tilespmem:$0x9860] =	vst v0  }
0x170: {  	[tilespmem:$0x9870] =	vst v0  }
0x171: {  	[tilespmem:$0x9880] =	vst v0  }
0x172: {  	[tilespmem:$0x9890] =	vst v0  }
0x173: {  	[tilespmem:$0x98A0] =	vst v0  }
0x174: {  	[tilespmem:$0x98B0] =	vst v0  }
0x175: {  	[tilespmem:$0x98C0] =	vst v0  }
0x176: {  	[tilespmem:$0x98D0] =	vst v0  }
0x177: {  	[tilespmem:$0x98E0] =	vst v0  }
0x178: {  	[tilespmem:$0x98F0] =	vst v0  }
0x179: {  	[tilespmem:$0x9900] =	vst v0  }
0x17a: {  	[tilespmem:$0x9910] =	vst v0  }
0x17b: {  	[tilespmem:$0x9920] =	vst v0  }
0x17c: {  	[tilespmem:$0x9930] =	vst v0  }
0x17d: {  	[tilespmem:$0x9940] =	vst v0  }
0x17e: {  	[tilespmem:$0x9950] =	vst v0  }
0x17f: {  	[tilespmem:$0x9960] =	vst v0  }
0x180: {  	[tilespmem:$0x9970] =	vst v0  }
0x181: {  	[tilespmem:$0x9980] =	vst v0  }
0x182: {  	[tilespmem:$0x9990] =	vst v0  }
0x183: {  	[tilespmem:$0x99A0] =	vst v0  }
0x184: {  	[tilespmem:$0x99B0] =	vst v0  }
0x185: {  	[tilespmem:$0x99C0] =	vst v0  }
0x186: {  	[tilespmem:$0x99D0] =	vst v0  }
0x187: {  	[tilespmem:$0x99E0] =	vst v0  }
0x188: {  	[tilespmem:$0x99F0] =	vst v0  }
0x189: {  	[tilespmem:$0x9A00] =	vst v0  }
0x18a: {  	[tilespmem:$0x9A10] =	vst v0  }
0x18b: {  	[tilespmem:$0x9A20] =	vst v0  }
0x18c: {  	[tilespmem:$0x9A30] =	vst v0  }
0x18d: {  	[tilespmem:$0x9A40] =	vst v0  }
0x18e: {  	[tilespmem:$0x9A50] =	vst v0  }
0x18f: {  	[tilespmem:$0x9A60] =	vst v0  }
0x190: {  	[tilespmem:$0x9A70] =	vst v0  }
0x191: {  	[tilespmem:$0x9A80] =	vst v0  }
0x192: {  	[tilespmem:$0x9A90] =	vst v0  }
0x193: {  	[tilespmem:$0x9AA0] =	vst v0  }
0x194: {  	[tilespmem:$0x9AB0] =	vst v0  }
0x195: {  	[tilespmem:$0x9AC0] =	vst v0  }
0x196: {  	[tilespmem:$0x9AD0] =	vst v0  }
0x197: {  	[tilespmem:$0x9AE0] =	vst v0  }
0x198: {  	[tilespmem:$0x9AF0] =	vst v0;
	s1 =	simm.s32 $0x4;
	s6 =	simm.s32 $0x0  }
.LBB2_2:
0x199: {  	p2 =	sne.s32 s1, $0x7FC  }
0x19a: {  	[smem:s6] =	sst s5;
	s6 =	smov.u32 s1;
	s1 =	sadd.s32 $0x4, s1  }
.Ltmp0:
0x19b: {  	(pc) =	sbr.rel @p2 .LBB2_2-.Ltmp0, $2  }
0x19c: {  	_ =	sdelay $0x2  }
0x19d: {  	s6 =	sshra.s32 s6, $0x2  }
0x19e: {  	[smem:s6] =	sst s5  }
0x19f: {  	s1 =	rddreg [dreg:$0x7]  }
0x1a0: {  	[tilespmem:s15], [sflag:$0x4] =	stream.linear.gather [hbm4b:s1+s5], $0x80, $0x38;
	[tilespmem:$0xBC80] =	vst v63  }
0x1a1: {  	_ =	swait.ge [sflag:s21], $0x80  }
0x1a2: {  	[sflag:s21] =	ssyncset.done $0x0  }
0x1a3: {  	s22 =	simm.s32 $0x8100;
	s20 =	rddreg [dreg:$0x8];
	[sflag:s21] =	ssyncadd.s32 $0xFFFFFF80  }
0x1a4: {  	[spmem:s20] =	stream.linear.scatter [tilespmem:s22], [sflag:$0x4], $0x1000, $0x38;
	[tilespmem:$0xBC80] =	vst v63  }
0x1a5: {  	_ =	swait.ge [sflag:s21], $0x1000  }
0x1a6: {  	[sflag:s21] =	ssyncset.done $0x0  }
0x1a7: {  	s1 =	simm.s32 @!p0 $0x9300;
	[sflag:s21] =	ssyncadd.s32 $0xFFFFF000  }
0x1a8: {  	[spmem:s4] =	stream.linear.scatter @!p0 [tilespmem:s1], [sflag:$0x4], $0x800, $0x38;
	[tilespmem:$0xBC80] =	vst v63  }
0x1a9: {  	s1 =	simm.s32 @!p0 $0x4  }
0x1aa: {  	_ =	swait.ge @!p0 [sflag:s1], $0x800  }
0x1ab: {  	[sflag:s1] =	ssyncset.done @!p0 $0x0  }
0x1ac: {  	[sflag:s1] =	ssyncadd.s32 @!p0 $0xFFFFF800  }
0x1ad: {  	s31 =	simm.s32 $0x0;
	[bflag:$0x0] =	sbarrier.arrive $0xFFFF  }
0x1ae: {  	[tilespmem:s31], [sflag:$0x1] =	stream.linear.gather [hbm4b:s10+s31], $0x80, $0x38;
	[tilespmem:$0xBC80] =	vst v63  }
0x1af: {  	_ = 	snop  }
0x1b0: {  	[tilespmem:s23], [sflag:$0x1] =	stream.linear.gather [hbm4b:s11+s31], $0x4000, $0x38;
	[tilespmem:$0xBC80] =	vst v63  }
.Ltmp1:
0x1b1: {  	_ = 	snop;
	(pc) =	sbr.rel .LBB2_4-.Ltmp1, $4  }
0x1b2: {  	_ = 	snop  }
0x1b3: {  	[tilespmem:s24], [sflag:$0x2] =	stream.linear.gather [hbm4b:s12+s31], $0x80, $0x38;
	[tilespmem:$0xBC80] =	vst v63  }
0x1b4: {  	_ = 	snop  }
0x1b5: {  	[tilespmem:s25], [sflag:$0x2] =	stream.linear.gather [hbm4b:s13+s31], $0x4000, $0x38;
	[tilespmem:$0xBC80] =	vst v63  }
.LBB2_12:
0x1b6: {  	s1 =	sadd.s32 $0x3, s1  }
0x1b7: {  	p2 =	sge.u32 s1, s9  }
0x1b8: {  	s1 =	sshll.u32 @!p2 s1, $0x7  }
0x1b9: {  	s1 =	sadd.s32 @!p2 s7, s1  }
0x1ba: {  	s15 =	simm.s32 @!p2 $0x0;
	s6 =	sshrl.u32 @!p2 s1, $0x3  }
0x1bb: {  	s16 =	simm.s32 @!p2 $0x80;
	s1 =	sshll.u32 @!p2 s1, $0x4;
	s6 =	sadd.s32 @!p2 s2, s6  }
0x1bc: {  	[tilespmem:s16], [sflag:$0x2] =	stream.linear.gather @!p2 [hbm4b:s6+s15], $0x80, $0x38;
	[tilespmem:$0xBC80] =	vst v63  }
0x1bd: {  	s31 =	sadd.s32 $0x1, s31;
	s1 =	sadd.s32 @!p2 s0, s1;
	s6 =	simm.s32 @!p2 $0x4100  }
0x1be: {  	[tilespmem:s6], [sflag:$0x2] =	stream.linear.gather @!p2 [hbm4b:s1+s15], $0x4000, $0x38;
	[tilespmem:$0xBC80] =	vst v63  }
0x1bf: {  	p2 =	sne.s32 s31, $0xD  }
.Ltmp2:
0x1c0: {  	_ = 	snop;
	(pc) =	sbr.rel @!p2 .LBB2_13-.Ltmp2, $1  }
0x1c1: {  	_ =	sdelay $0x3  }
.LBB2_4:
0x1c2: {  	s1 =	sshll.u32 s31, $0x1  }
0x1c3: {  	p2 =	sge.u32 s1, s9  }
.Ltmp3:
0x1c4: {  	_ = 	snop;
	(pc) =	sbr.rel @p2 .LBB2_8-.Ltmp3, $1  }
0x1c5: {  	_ =	sdelay $0x3  }
0x1c6: {  	_ =	swait.ge [sflag:s26], $0x80  }
0x1c7: {  	[sflag:s26] =	ssyncset.done $0x0  }
0x1c8: {  	[sflag:s26] =	ssyncadd.s32 $0xFFFFFF80  }
0x1c9: {  	_ =	swait.ge [sflag:s26], $0x4000  }
0x1ca: {  	[sflag:s26] =	ssyncset.done $0x0  }
0x1cb: {  	s6 =	simm.s32 $0x0;
	s15 =	simm.s32 $0x0;
	[sflag:s26] =	ssyncadd.s32 $0xFFFFC000  }
0x1cc: {  	[spmem:s3] =	stream.indirect.scatter.add.f32 [tilespmem:s23], [sflag:$0x3], $0x80, s6, s24, $0xb8;
	[tilespmem:$0xBC80] =	vst v63  }
0x1cd: {  	v1 =	vld [tilespmem:s15+$0x0];
	_ =	sdelay $0x4  }
0x1ce: {  	(v2sf) =	vpush v1, $0x0;
	_ =	sdelay $0x5  }
0x1cf: {  	(v2sf) =	vpush v1, $0x1;
	_ =	sdelay $0x5  }
0x1d0: {  	(v2sf) =	vpush v1, $0x2;
	_ =	sdelay $0x2  }
0x1d1: {  	s16 =	spop (v2sf)  }
0x1d2: {  	s15 =	sld [smem:s16+$0x0];
	_ =	sdelay $0x1  }
0x1d3: {  	(v2sf) =	vpush v1, $0x3  }
0x1d4: {  	s15 =	sadd.f32 $1.000000000e+00, s15;
	_ =	sdelay $0x1  }
0x1d5: {  	s20 =	spop (v2sf);
	[smem:s16] =	sst s15  }
0x1d6: {  	s15 =	sld [smem:s20+$0x0];
	_ =	sdelay $0x1  }
0x1d7: {  	(v2sf) =	vpush v1, $0x4  }
0x1d8: {  	s15 =	sadd.f32 $1.000000000e+00, s15;
	_ =	sdelay $0x1  }
0x1d9: {  	s22 =	spop (v2sf);
	[smem:s20] =	sst s15  }
0x1da: {  	s15 =	sld [smem:s22+$0x0];
	_ =	sdelay $0x1  }
0x1db: {  	(v2sf) =	vpush v1, $0x5  }
0x1dc: {  	s15 =	sadd.f32 $1.000000000e+00, s15;
	_ =	sdelay $0x1  }
0x1dd: {  	s8 =	spop (v2sf);
	[smem:s22] =	sst s15  }
0x1de: {  	s15 =	sld [smem:s8+$0x0];
	_ =	sdelay $0x1  }
0x1df: {  	(v2sf) =	vpush v1, $0x6  }
0x1e0: {  	s15 =	sadd.f32 $1.000000000e+00, s15;
	_ =	sdelay $0x1  }
0x1e1: {  	s16 =	spop (v2sf);
	[smem:s8] =	sst s15  }
0x1e2: {  	s15 =	sld [smem:s16+$0x0];
	_ =	sdelay $0x1  }
0x1e3: {  	(v2sf) =	vpush v1, $0x7  }
0x1e4: {  	s15 =	sadd.f32 $1.000000000e+00, s15;
	_ =	sdelay $0x1  }
0x1e5: {  	s20 =	spop (v2sf);
	[smem:s16] =	sst s15  }
0x1e6: {  	s15 =	sld [smem:s20+$0x0];
	_ =	sdelay $0x1  }
0x1e7: {  	(v2sf) =	vpush v1, $0x8  }
0x1e8: {  	s15 =	sadd.f32 $1.000000000e+00, s15;
	_ =	sdelay $0x1  }
0x1e9: {  	s22 =	spop (v2sf);
	[smem:s20] =	sst s15  }
0x1ea: {  	s15 =	sld [smem:s22+$0x0];
	_ =	sdelay $0x1  }
0x1eb: {  	(v2sf) =	vpush v1, $0x9  }
0x1ec: {  	s15 =	sadd.f32 $1.000000000e+00, s15;
	_ =	sdelay $0x1  }
0x1ed: {  	s8 =	spop (v2sf);
	[smem:s22] =	sst s15  }
0x1ee: {  	s15 =	sld [smem:s8+$0x0];
	_ =	sdelay $0x1  }
0x1ef: {  	(v2sf) =	vpush v1, $0xA  }
0x1f0: {  	s15 =	sadd.f32 $1.000000000e+00, s15;
	_ =	sdelay $0x1  }
0x1f1: {  	s16 =	spop (v2sf);
	[smem:s8] =	sst s15  }
0x1f2: {  	s15 =	sld [smem:s16+$0x0];
	_ =	sdelay $0x1  }
0x1f3: {  	(v2sf) =	vpush v1, $0xB  }
0x1f4: {  	s15 =	sadd.f32 $1.000000000e+00, s15;
	_ =	sdelay $0x1  }
0x1f5: {  	s20 =	spop (v2sf);
	[smem:s16] =	sst s15  }
0x1f6: {  	s15 =	sld [smem:s20+$0x0];
	_ =	sdelay $0x1  }
0x1f7: {  	(v2sf) =	vpush v1, $0xC  }
0x1f8: {  	s15 =	sadd.f32 $1.000000000e+00, s15;
	_ =	sdelay $0x1  }
0x1f9: {  	s22 =	spop (v2sf);
	[smem:s20] =	sst s15  }
0x1fa: {  	s15 =	sld [smem:s22+$0x0];
	_ =	sdelay $0x2  }
0x1fb: {  	s15 =	sadd.f32 $1.000000000e+00, s15;
	_ =	sdelay $0x1  }
0x1fc: {  	(v2sf) =	vpush v1, $0xD;
	s8 =	spop (v2sf);
	[smem:s22] =	sst s15  }
0x1fd: {  	s15 =	sld [smem:s8+$0x0];
	_ =	sdelay $0x1  }
0x1fe: {  	(v2sf) =	vpush v1, $0xE  }
0x1ff: {  	s15 =	sadd.f32 $1.000000000e+00, s15;
	_ =	sdelay $0x1  }
0x200: {  	s16 =	spop (v2sf);
	[smem:s8] =	sst s15  }
0x201: {  	s15 =	sld [smem:s16+$0x0];
	_ =	sdelay $0x2  }
0x202: {  	s15 =	sadd.f32 $1.000000000e+00, s15;
	_ =	sdelay $0x1  }
0x203: {  	(v2sf) =	vpush v1, $0xF;
	[smem:s16] =	sst s15;
	s16 =	simm.s32 $0x10  }
0x204: {  	v1 =	vld [tilespmem:s16+$0x0];
	_ =	sdelay $0x1  }
0x205: {  	s20 =	spop (v2sf)  }
0x206: {  	s15 =	sld [smem:s20+$0x0];
	_ =	sdelay $0x1  }
0x207: {  	s22 =	spop (v2sf);
	(v2sf) =	vpush v1, $0x0  }
0x208: {  	s15 =	sadd.f32 $1.000000000e+00, s15;
	_ =	sdelay $0x1  }
0x209: {  	[smem:s20] =	sst s15  }
0x20a: {  	s15 =	sld [smem:s22+$0x0];
	_ =	sdelay $0x1  }
0x20b: {  	(v2sf) =	vpush v1, $0x1  }
0x20c: {  	s15 =	sadd.f32 $1.000000000e+00, s15;
	_ =	sdelay $0x1  }
0x20d: {  	s6 =	spop (v2sf);
	[smem:s22] =	sst s15  }
0x20e: {  	s15 =	sld [smem:s6+$0x0];
	_ =	sdelay $0x1  }
0x20f: {  	(v2sf) =	vpush v1, $0x2  }
0x210: {  	s16 =	simm.s32 $0x80;
	s15 =	sadd.f32 $1.000000000e+00, s15  }
.LBB2_6:
0x211: {  	s22 =	sadd.s32 $0x40, s16  }
0x212: {  	s20 =	spop (v2sf);
	[smem:s6] =	sst s15;
	s15 =	smov.u32 s16  }
0x213: {  	p2 =	sne.s32 s16, $0x1C0;
	s6 =	sld [smem:s20+$0x0];
	_ =	sdelay $0x1  }
0x214: {  	(v2sf) =	vpush v1, $0x3  }
0x215: {  	s6 =	sadd.f32 $1.000000000e+00, s6;
	_ =	sdelay $0x1  }
0x216: {  	[smem:s20] =	sst s6;
	s6 =	spop (v2sf)  }
0x217: {  	s16 =	sld [smem:s6+$0x0];
	_ =	sdelay $0x1  }
0x218: {  	(v2sf) =	vpush v1, $0x4  }
0x219: {  	s16 =	sadd.f32 $1.000000000e+00, s16;
	_ =	sdelay $0x1  }
0x21a: {  	[smem:s6] =	sst s16;
	s6 =	spop (v2sf)  }
0x21b: {  	s16 =	sld [smem:s6+$0x0];
	_ =	sdelay $0x1  }
0x21c: {  	(v2sf) =	vpush v1, $0x5  }
0x21d: {  	s16 =	sadd.f32 $1.000000000e+00, s16;
	_ =	sdelay $0x1  }
0x21e: {  	[smem:s6] =	sst s16;
	s6 =	spop (v2sf)  }
0x21f: {  	s16 =	sld [smem:s6+$0x0];
	_ =	sdelay $0x1  }
0x220: {  	(v2sf) =	vpush v1, $0x6  }
0x221: {  	s16 =	sadd.f32 $1.000000000e+00, s16;
	_ =	sdelay $0x1  }
0x222: {  	[smem:s6] =	sst s16;
	s6 =	spop (v2sf)  }
0x223: {  	s16 =	sld [smem:s6+$0x0];
	_ =	sdelay $0x1  }
0x224: {  	(v2sf) =	vpush v1, $0x7  }
0x225: {  	s16 =	sadd.f32 $1.000000000e+00, s16;
	_ =	sdelay $0x1  }
0x226: {  	[smem:s6] =	sst s16;
	s6 =	spop (v2sf)  }
0x227: {  	s16 =	sld [smem:s6+$0x0];
	_ =	sdelay $0x1  }
0x228: {  	(v2sf) =	vpush v1, $0x8  }
0x229: {  	s16 =	sadd.f32 $1.000000000e+00, s16;
	_ =	sdelay $0x1  }
0x22a: {  	[smem:s6] =	sst s16;
	s6 =	spop (v2sf)  }
0x22b: {  	s16 =	sld [smem:s6+$0x0];
	_ =	sdelay $0x1  }
0x22c: {  	(v2sf) =	vpush v1, $0x9  }
0x22d: {  	s16 =	sadd.f32 $1.000000000e+00, s16;
	_ =	sdelay $0x1  }
0x22e: {  	[smem:s6] =	sst s16;
	s6 =	spop (v2sf)  }
0x22f: {  	s16 =	sld [smem:s6+$0x0];
	_ =	sdelay $0x1  }
0x230: {  	(v2sf) =	vpush v1, $0xA  }
0x231: {  	s16 =	sadd.f32 $1.000000000e+00, s16;
	_ =	sdelay $0x1  }
0x232: {  	[smem:s6] =	sst s16;
	s6 =	spop (v2sf)  }
0x233: {  	s16 =	sld [smem:s6+$0x0];
	_ =	sdelay $0x1  }
0x234: {  	(v2sf) =	vpush v1, $0xB  }
0x235: {  	s16 =	sadd.f32 $1.000000000e+00, s16;
	_ =	sdelay $0x1  }
0x236: {  	[smem:s6] =	sst s16;
	s6 =	spop (v2sf)  }
0x237: {  	s16 =	sld [smem:s6+$0x0];
	_ =	sdelay $0x1  }
0x238: {  	(v2sf) =	vpush v1, $0xC  }
0x239: {  	s16 =	sadd.f32 $1.000000000e+00, s16;
	_ =	sdelay $0x1  }
0x23a: {  	[smem:s6] =	sst s16;
	s6 =	spop (v2sf)  }
0x23b: {  	s16 =	sld [smem:s6+$0x0];
	_ =	sdelay $0x1  }
0x23c: {  	(v2sf) =	vpush v1, $0xD  }
0x23d: {  	s16 =	sadd.f32 $1.000000000e+00, s16;
	_ =	sdelay $0x1  }
0x23e: {  	[smem:s6] =	sst s16;
	s6 =	spop (v2sf)  }
0x23f: {  	s16 =	sld [smem:s6+$0x0];
	_ =	sdelay $0x1  }
0x240: {  	(v2sf) =	vpush v1, $0xE  }
0x241: {  	s16 =	sadd.f32 $1.000000000e+00, s16;
	_ =	sdelay $0x1  }
0x242: {  	[smem:s6] =	sst s16;
	s6 =	spop (v2sf)  }
0x243: {  	s16 =	sld [smem:s6+$0x0];
	_ =	sdelay $0x1  }
0x244: {  	s15 =	sshra.s32 s15, $0x2;
	(v2sf) =	vpush v1, $0xF  }
0x245: {  	v1 =	vld [tilespmem:s15+$0x0];
	s15 =	sadd.f32 $1.000000000e+00, s16;
	_ =	sdelay $0x1  }
0x246: {  	[smem:s6] =	sst s15;
	s6 =	spop (v2sf)  }
0x247: {  	s15 =	sld [smem:s6+$0x0];
	_ =	sdelay $0x1  }
0x248: {  	(v2sf) =	vpush v1, $0x0  }
0x249: {  	s15 =	sadd.f32 $1.000000000e+00, s15;
	_ =	sdelay $0x1  }
0x24a: {  	[smem:s6] =	sst s15;
	s6 =	spop (v2sf)  }
0x24b: {  	s15 =	sld [smem:s6+$0x0];
	_ =	sdelay $0x1  }
0x24c: {  	(v2sf) =	vpush v1, $0x1  }
0x24d: {  	s15 =	sadd.f32 $1.000000000e+00, s15;
	_ =	sdelay $0x1  }
0x24e: {  	[smem:s6] =	sst s15  }
.Ltmp4:
0x24f: {  	s6 =	spop (v2sf);
	(pc) =	sbr.rel @p2 .LBB2_6-.Ltmp4, $3  }
0x250: {  	s15 =	sld [smem:s6+$0x0];
	_ =	sdelay $0x1  }
0x251: {  	(v2sf) =	vpush v1, $0x2  }
0x252: {  	s16 =	smov.u32 s22;
	s15 =	sadd.f32 $1.000000000e+00, s15  }
0x253: {  	_ = 	snop  }
0x254: {  	s16 =	spop (v2sf);
	[smem:s6] =	sst s15  }
0x255: {  	s6 =	sld [smem:s16+$0x0];
	_ =	sdelay $0x1  }
0x256: {  	(v2sf) =	vpush v1, $0x3  }
0x257: {  	s6 =	sadd.f32 $1.000000000e+00, s6;
	_ =	sdelay $0x1  }
0x258: {  	[smem:s16] =	sst s6;
	s16 =	spop (v2sf)  }
0x259: {  	s15 =	sld [smem:s16+$0x0];
	_ =	sdelay $0x1  }
0x25a: {  	(v2sf) =	vpush v1, $0x4  }
0x25b: {  	s15 =	sadd.f32 $1.000000000e+00, s15;
	_ =	sdelay $0x1  }
0x25c: {  	[smem:s16] =	sst s15;
	s20 =	spop (v2sf)  }
0x25d: {  	s15 =	sld [smem:s20+$0x0];
	_ =	sdelay $0x1  }
0x25e: {  	(v2sf) =	vpush v1, $0x5  }
0x25f: {  	s15 =	sadd.f32 $1.000000000e+00, s15;
	_ =	sdelay $0x1  }
0x260: {  	s22 =	spop (v2sf);
	[smem:s20] =	sst s15  }
0x261: {  	s15 =	sld [smem:s22+$0x0];
	_ =	sdelay $0x1  }
0x262: {  	(v2sf) =	vpush v1, $0x6  }
0x263: {  	s15 =	sadd.f32 $1.000000000e+00, s15;
	_ =	sdelay $0x1  }
0x264: {  	s8 =	spop (v2sf);
	[smem:s22] =	sst s15  }
0x265: {  	s15 =	sld [smem:s8+$0x0];
	_ =	sdelay $0x1  }
0x266: {  	(v2sf) =	vpush v1, $0x7  }
0x267: {  	s15 =	sadd.f32 $1.000000000e+00, s15;
	_ =	sdelay $0x1  }
0x268: {  	s16 =	spop (v2sf);
	[smem:s8] =	sst s15  }
0x269: {  	s15 =	sld [smem:s16+$0x0];
	_ =	sdelay $0x1  }
0x26a: {  	(v2sf) =	vpush v1, $0x8  }
0x26b: {  	s15 =	sadd.f32 $1.000000000e+00, s15;
	_ =	sdelay $0x1  }
0x26c: {  	s20 =	spop (v2sf);
	[smem:s16] =	sst s15  }
0x26d: {  	s15 =	sld [smem:s20+$0x0];
	_ =	sdelay $0x1  }
0x26e: {  	(v2sf) =	vpush v1, $0x9  }
0x26f: {  	s15 =	sadd.f32 $1.000000000e+00, s15;
	_ =	sdelay $0x1  }
0x270: {  	s22 =	spop (v2sf);
	[smem:s20] =	sst s15  }
0x271: {  	s15 =	sld [smem:s22+$0x0];
	_ =	sdelay $0x1  }
0x272: {  	(v2sf) =	vpush v1, $0xA  }
0x273: {  	s15 =	sadd.f32 $1.000000000e+00, s15;
	_ =	sdelay $0x1  }
0x274: {  	s8 =	spop (v2sf);
	[smem:s22] =	sst s15  }
0x275: {  	s15 =	sld [smem:s8+$0x0];
	_ =	sdelay $0x1  }
0x276: {  	(v2sf) =	vpush v1, $0xB  }
0x277: {  	s15 =	sadd.f32 $1.000000000e+00, s15;
	_ =	sdelay $0x1  }
0x278: {  	s16 =	spop (v2sf);
	[smem:s8] =	sst s15  }
0x279: {  	s15 =	sld [smem:s16+$0x0];
	_ =	sdelay $0x1  }
0x27a: {  	(v2sf) =	vpush v1, $0xC  }
0x27b: {  	s15 =	sadd.f32 $1.000000000e+00, s15;
	_ =	sdelay $0x1  }
0x27c: {  	s20 =	spop (v2sf);
	[smem:s16] =	sst s15  }
0x27d: {  	s15 =	sld [smem:s20+$0x0];
	_ =	sdelay $0x1  }
0x27e: {  	(v2sf) =	vpush v1, $0xD  }
0x27f: {  	s15 =	sadd.f32 $1.000000000e+00, s15;
	_ =	sdelay $0x1  }
0x280: {  	s22 =	spop (v2sf);
	[smem:s20] =	sst s15  }
0x281: {  	s15 =	sld [smem:s22+$0x0];
	_ =	sdelay $0x1  }
0x282: {  	(v2sf) =	vpush v1, $0xE  }
0x283: {  	s15 =	sadd.f32 $1.000000000e+00, s15;
	_ =	sdelay $0x1  }
0x284: {  	s8 =	spop (v2sf);
	[smem:s22] =	sst s15  }
0x285: {  	s15 =	sld [smem:s8+$0x0];
	_ =	sdelay $0x1  }
0x286: {  	(v2sf) =	vpush v1, $0xF  }
0x287: {  	s15 =	sadd.f32 $1.000000000e+00, s15;
	_ =	sdelay $0x1  }
0x288: {  	s16 =	spop (v2sf);
	[smem:s8] =	sst s15  }
0x289: {  	s15 =	sld [smem:s16+$0x0];
	_ =	sdelay $0x2  }
0x28a: {  	s15 =	sadd.f32 $1.000000000e+00, s15;
	_ =	sdelay $0x1  }
0x28b: {  	s20 =	spop (v2sf);
	[smem:s16] =	sst s15  }
0x28c: {  	s15 =	sld [smem:s20+$0x0];
	_ =	sdelay $0x2  }
0x28d: {  	s15 =	sadd.f32 $1.000000000e+00, s15;
	_ =	sdelay $0x1  }
0x28e: {  	s22 =	spop (v2sf);
	[smem:s20] =	sst s15  }
0x28f: {  	s15 =	sld [smem:s22+$0x0];
	_ =	sdelay $0x2  }
0x290: {  	s15 =	sadd.f32 $1.000000000e+00, s15;
	_ =	sdelay $0x1  }
0x291: {  	[smem:s22] =	sst s15  }
0x292: {  	_ =	swait.ge [sflag:s28], $0x4000  }
0x293: {  	[sflag:s28] =	ssyncset.done $0x0  }
0x294: {  	[sflag:s28] =	ssyncadd.s32 $0xFFFFC000  }
.LBB2_8:
0x295: {  	s6 =	sadd.s32 $0x2, s1  }
0x296: {  	p2 =	sge.u32 s6, s9  }
0x297: {  	s6 =	sshll.u32 @!p2 s6, $0x7  }
0x298: {  	s6 =	sadd.s32 @!p2 s7, s6  }
0x299: {  	s15 =	sshrl.u32 @!p2 s6, $0x3  }
0x29a: {  	s16 =	simm.s32 @!p2 $0x0;
	s6 =	sshll.u32 @!p2 s6, $0x4;
	s15 =	sadd.s32 @!p2 s2, s15  }
0x29b: {  	[tilespmem:s16], [sflag:$0x1] =	stream.linear.gather @!p2 [hbm4b:s15+s16], $0x80, $0x38;
	[tilespmem:$0xBC80] =	vst v63  }
0x29c: {  	s6 =	sadd.s32 @!p2 s0, s6;
	s15 =	simm.s32 @!p2 $0x100  }
0x29d: {  	[tilespmem:s15], [sflag:$0x1] =	stream.linear.gather @!p2 [hbm4b:s6+s16], $0x4000, $0x38;
	[tilespmem:$0xBC80] =	vst v63  }
0x29e: {  	p2 =	sge.u32 s1, s14  }
.Ltmp5:
0x29f: {  	_ = 	snop;
	(pc) =	sbr.rel @p2 .LBB2_12-.Ltmp5, $1  }
0x2a0: {  	_ =	sdelay $0x3  }
0x2a1: {  	_ =	swait.ge [sflag:s29], $0x80  }
0x2a2: {  	[sflag:s29] =	ssyncset.done $0x0  }
0x2a3: {  	[sflag:s29] =	ssyncadd.s32 $0xFFFFFF80  }
0x2a4: {  	_ =	swait.ge [sflag:s29], $0x4000  }
0x2a5: {  	[sflag:s29] =	ssyncset.done $0x0  }
0x2a6: {  	s6 =	simm.s32 $0x0;
	[sflag:s29] =	ssyncadd.s32 $0xFFFFC000  }
0x2a7: {  	[spmem:s3] =	stream.indirect.scatter.add.f32 [tilespmem:s25], [sflag:$0x3], $0x80, s24, s24, $0xb8;
	[tilespmem:$0xBC80] =	vst v63  }
0x2a8: {  	v1 =	vld [tilespmem:s6+$0x80];
	_ =	sdelay $0x4  }
0x2a9: {  	(v2sf) =	vpush v1, $0x0;
	_ =	sdelay $0x5  }
0x2aa: {  	(v2sf) =	vpush v1, $0x1;
	_ =	sdelay $0x5  }
0x2ab: {  	(v2sf) =	vpush v1, $0x2;
	_ =	sdelay $0x2  }
0x2ac: {  	s16 =	spop (v2sf)  }
0x2ad: {  	s15 =	sld [smem:s16+$0x0];
	_ =	sdelay $0x1  }
0x2ae: {  	(v2sf) =	vpush v1, $0x3  }
0x2af: {  	s15 =	sadd.f32 $1.000000000e+00, s15;
	_ =	sdelay $0x1  }
0x2b0: {  	s20 =	spop (v2sf);
	[smem:s16] =	sst s15  }
0x2b1: {  	s15 =	sld [smem:s20+$0x0];
	_ =	sdelay $0x1  }
0x2b2: {  	(v2sf) =	vpush v1, $0x4  }
0x2b3: {  	s15 =	sadd.f32 $1.000000000e+00, s15;
	_ =	sdelay $0x1  }
0x2b4: {  	s22 =	spop (v2sf);
	[smem:s20] =	sst s15  }
0x2b5: {  	s15 =	sld [smem:s22+$0x0];
	_ =	sdelay $0x1  }
0x2b6: {  	(v2sf) =	vpush v1, $0x5  }
0x2b7: {  	s15 =	sadd.f32 $1.000000000e+00, s15;
	_ =	sdelay $0x1  }
0x2b8: {  	s8 =	spop (v2sf);
	[smem:s22] =	sst s15  }
0x2b9: {  	s15 =	sld [smem:s8+$0x0];
	_ =	sdelay $0x1  }
0x2ba: {  	(v2sf) =	vpush v1, $0x6  }
0x2bb: {  	s15 =	sadd.f32 $1.000000000e+00, s15;
	_ =	sdelay $0x1  }
0x2bc: {  	s16 =	spop (v2sf);
	[smem:s8] =	sst s15  }
0x2bd: {  	s15 =	sld [smem:s16+$0x0];
	_ =	sdelay $0x1  }
0x2be: {  	(v2sf) =	vpush v1, $0x7  }
0x2bf: {  	s15 =	sadd.f32 $1.000000000e+00, s15;
	_ =	sdelay $0x1  }
0x2c0: {  	s20 =	spop (v2sf);
	[smem:s16] =	sst s15  }
0x2c1: {  	s15 =	sld [smem:s20+$0x0];
	_ =	sdelay $0x1  }
0x2c2: {  	(v2sf) =	vpush v1, $0x8  }
0x2c3: {  	s15 =	sadd.f32 $1.000000000e+00, s15;
	_ =	sdelay $0x1  }
0x2c4: {  	s22 =	spop (v2sf);
	[smem:s20] =	sst s15  }
0x2c5: {  	s15 =	sld [smem:s22+$0x0];
	_ =	sdelay $0x1  }
0x2c6: {  	(v2sf) =	vpush v1, $0x9  }
0x2c7: {  	s15 =	sadd.f32 $1.000000000e+00, s15;
	_ =	sdelay $0x1  }
0x2c8: {  	s8 =	spop (v2sf);
	[smem:s22] =	sst s15  }
0x2c9: {  	s15 =	sld [smem:s8+$0x0];
	_ =	sdelay $0x1  }
0x2ca: {  	(v2sf) =	vpush v1, $0xA  }
0x2cb: {  	s15 =	sadd.f32 $1.000000000e+00, s15;
	_ =	sdelay $0x1  }
0x2cc: {  	s16 =	spop (v2sf);
	[smem:s8] =	sst s15  }
0x2cd: {  	s15 =	sld [smem:s16+$0x0];
	_ =	sdelay $0x1  }
0x2ce: {  	(v2sf) =	vpush v1, $0xB  }
0x2cf: {  	s15 =	sadd.f32 $1.000000000e+00, s15;
	_ =	sdelay $0x1  }
0x2d0: {  	s20 =	spop (v2sf);
	[smem:s16] =	sst s15  }
0x2d1: {  	s15 =	sld [smem:s20+$0x0];
	_ =	sdelay $0x1  }
0x2d2: {  	(v2sf) =	vpush v1, $0xC  }
0x2d3: {  	s15 =	sadd.f32 $1.000000000e+00, s15;
	_ =	sdelay $0x1  }
0x2d4: {  	s22 =	spop (v2sf);
	[smem:s20] =	sst s15  }
0x2d5: {  	s15 =	sld [smem:s22+$0x0];
	_ =	sdelay $0x2  }
0x2d6: {  	s15 =	sadd.f32 $1.000000000e+00, s15;
	_ =	sdelay $0x1  }
0x2d7: {  	(v2sf) =	vpush v1, $0xD;
	s8 =	spop (v2sf);
	[smem:s22] =	sst s15  }
0x2d8: {  	s15 =	sld [smem:s8+$0x0];
	_ =	sdelay $0x1  }
0x2d9: {  	(v2sf) =	vpush v1, $0xE  }
0x2da: {  	s15 =	sadd.f32 $1.000000000e+00, s15;
	_ =	sdelay $0x1  }
0x2db: {  	s16 =	spop (v2sf);
	[smem:s8] =	sst s15  }
0x2dc: {  	s15 =	sld [smem:s16+$0x0];
	_ =	sdelay $0x2  }
0x2dd: {  	s15 =	sadd.f32 $1.000000000e+00, s15;
	_ =	sdelay $0x1  }
0x2de: {  	(v2sf) =	vpush v1, $0xF;
	[smem:s16] =	sst s15;
	s16 =	simm.s32 $0x10  }
0x2df: {  	v1 =	vld [tilespmem:s16+$0x80];
	_ =	sdelay $0x1  }
0x2e0: {  	s20 =	spop (v2sf)  }
0x2e1: {  	s15 =	sld [smem:s20+$0x0];
	_ =	sdelay $0x1  }
0x2e2: {  	s22 =	spop (v2sf);
	(v2sf) =	vpush v1, $0x0  }
0x2e3: {  	s15 =	sadd.f32 $1.000000000e+00, s15;
	_ =	sdelay $0x1  }
0x2e4: {  	[smem:s20] =	sst s15  }
0x2e5: {  	s15 =	sld [smem:s22+$0x0];
	_ =	sdelay $0x1  }
0x2e6: {  	(v2sf) =	vpush v1, $0x1  }
0x2e7: {  	s15 =	sadd.f32 $1.000000000e+00, s15;
	_ =	sdelay $0x1  }
0x2e8: {  	s6 =	spop (v2sf);
	[smem:s22] =	sst s15  }
0x2e9: {  	s15 =	sld [smem:s6+$0x0];
	_ =	sdelay $0x1  }
0x2ea: {  	(v2sf) =	vpush v1, $0x2  }
0x2eb: {  	s16 =	simm.s32 $0x80;
	s15 =	sadd.f32 $1.000000000e+00, s15  }
.LBB2_10:
0x2ec: {  	s22 =	sadd.s32 $0x40, s16  }
0x2ed: {  	s20 =	spop (v2sf);
	[smem:s6] =	sst s15;
	s15 =	smov.u32 s16  }
0x2ee: {  	p2 =	sne.s32 s16, $0x1C0;
	s6 =	sld [smem:s20+$0x0];
	_ =	sdelay $0x1  }
0x2ef: {  	(v2sf) =	vpush v1, $0x3  }
0x2f0: {  	s6 =	sadd.f32 $1.000000000e+00, s6;
	_ =	sdelay $0x1  }
0x2f1: {  	[smem:s20] =	sst s6;
	s6 =	spop (v2sf)  }
0x2f2: {  	s16 =	sld [smem:s6+$0x0];
	_ =	sdelay $0x1  }
0x2f3: {  	(v2sf) =	vpush v1, $0x4  }
0x2f4: {  	s16 =	sadd.f32 $1.000000000e+00, s16;
	_ =	sdelay $0x1  }
0x2f5: {  	[smem:s6] =	sst s16;
	s6 =	spop (v2sf)  }
0x2f6: {  	s16 =	sld [smem:s6+$0x0];
	_ =	sdelay $0x1  }
0x2f7: {  	(v2sf) =	vpush v1, $0x5  }
0x2f8: {  	s16 =	sadd.f32 $1.000000000e+00, s16;
	_ =	sdelay $0x1  }
0x2f9: {  	[smem:s6] =	sst s16;
	s6 =	spop (v2sf)  }
0x2fa: {  	s16 =	sld [smem:s6+$0x0];
	_ =	sdelay $0x1  }
0x2fb: {  	(v2sf) =	vpush v1, $0x6  }
0x2fc: {  	s16 =	sadd.f32 $1.000000000e+00, s16;
	_ =	sdelay $0x1  }
0x2fd: {  	[smem:s6] =	sst s16;
	s6 =	spop (v2sf)  }
0x2fe: {  	s16 =	sld [smem:s6+$0x0];
	_ =	sdelay $0x1  }
0x2ff: {  	(v2sf) =	vpush v1, $0x7  }
0x300: {  	s16 =	sadd.f32 $1.000000000e+00, s16;
	_ =	sdelay $0x1  }
0x301: {  	[smem:s6] =	sst s16;
	s6 =	spop (v2sf)  }
0x302: {  	s16 =	sld [smem:s6+$0x0];
	_ =	sdelay $0x1  }
0x303: {  	(v2sf) =	vpush v1, $0x8  }
0x304: {  	s16 =	sadd.f32 $1.000000000e+00, s16;
	_ =	sdelay $0x1  }
0x305: {  	[smem:s6] =	sst s16;
	s6 =	spop (v2sf)  }
0x306: {  	s16 =	sld [smem:s6+$0x0];
	_ =	sdelay $0x1  }
0x307: {  	(v2sf) =	vpush v1, $0x9  }
0x308: {  	s16 =	sadd.f32 $1.000000000e+00, s16;
	_ =	sdelay $0x1  }
0x309: {  	[smem:s6] =	sst s16;
	s6 =	spop (v2sf)  }
0x30a: {  	s16 =	sld [smem:s6+$0x0];
	_ =	sdelay $0x1  }
0x30b: {  	(v2sf) =	vpush v1, $0xA  }
0x30c: {  	s16 =	sadd.f32 $1.000000000e+00, s16;
	_ =	sdelay $0x1  }
0x30d: {  	[smem:s6] =	sst s16;
	s6 =	spop (v2sf)  }
0x30e: {  	s16 =	sld [smem:s6+$0x0];
	_ =	sdelay $0x1  }
0x30f: {  	(v2sf) =	vpush v1, $0xB  }
0x310: {  	s16 =	sadd.f32 $1.000000000e+00, s16;
	_ =	sdelay $0x1  }
0x311: {  	[smem:s6] =	sst s16;
	s6 =	spop (v2sf)  }
0x312: {  	s16 =	sld [smem:s6+$0x0];
	_ =	sdelay $0x1  }
0x313: {  	(v2sf) =	vpush v1, $0xC  }
0x314: {  	s16 =	sadd.f32 $1.000000000e+00, s16;
	_ =	sdelay $0x1  }
0x315: {  	[smem:s6] =	sst s16;
	s6 =	spop (v2sf)  }
0x316: {  	s16 =	sld [smem:s6+$0x0];
	_ =	sdelay $0x1  }
0x317: {  	(v2sf) =	vpush v1, $0xD  }
0x318: {  	s16 =	sadd.f32 $1.000000000e+00, s16;
	_ =	sdelay $0x1  }
0x319: {  	[smem:s6] =	sst s16;
	s6 =	spop (v2sf)  }
0x31a: {  	s16 =	sld [smem:s6+$0x0];
	_ =	sdelay $0x1  }
0x31b: {  	(v2sf) =	vpush v1, $0xE  }
0x31c: {  	s16 =	sadd.f32 $1.000000000e+00, s16;
	_ =	sdelay $0x1  }
0x31d: {  	[smem:s6] =	sst s16;
	s6 =	spop (v2sf)  }
0x31e: {  	s16 =	sld [smem:s6+$0x0];
	_ =	sdelay $0x1  }
0x31f: {  	s15 =	sshra.s32 s15, $0x2;
	(v2sf) =	vpush v1, $0xF  }
0x320: {  	v1 =	vld [tilespmem:s15+$0x80];
	s15 =	sadd.f32 $1.000000000e+00, s16;
	_ =	sdelay $0x1  }
0x321: {  	[smem:s6] =	sst s15;
	s6 =	spop (v2sf)  }
0x322: {  	s15 =	sld [smem:s6+$0x0];
	_ =	sdelay $0x1  }
0x323: {  	(v2sf) =	vpush v1, $0x0  }
0x324: {  	s15 =	sadd.f32 $1.000000000e+00, s15;
	_ =	sdelay $0x1  }
0x325: {  	[smem:s6] =	sst s15;
	s6 =	spop (v2sf)  }
0x326: {  	s15 =	sld [smem:s6+$0x0];
	_ =	sdelay $0x1  }
0x327: {  	(v2sf) =	vpush v1, $0x1  }
0x328: {  	s15 =	sadd.f32 $1.000000000e+00, s15;
	_ =	sdelay $0x1  }
0x329: {  	[smem:s6] =	sst s15  }
.Ltmp6:
0x32a: {  	s6 =	spop (v2sf);
	(pc) =	sbr.rel @p2 .LBB2_10-.Ltmp6, $3  }
0x32b: {  	s15 =	sld [smem:s6+$0x0];
	_ =	sdelay $0x1  }
0x32c: {  	(v2sf) =	vpush v1, $0x2  }
0x32d: {  	s16 =	smov.u32 s22;
	s15 =	sadd.f32 $1.000000000e+00, s15  }
0x32e: {  	_ = 	snop  }
0x32f: {  	s16 =	spop (v2sf);
	[smem:s6] =	sst s15  }
0x330: {  	s6 =	sld [smem:s16+$0x0];
	_ =	sdelay $0x1  }
0x331: {  	(v2sf) =	vpush v1, $0x3  }
0x332: {  	s6 =	sadd.f32 $1.000000000e+00, s6;
	_ =	sdelay $0x1  }
0x333: {  	[smem:s16] =	sst s6;
	s16 =	spop (v2sf)  }
0x334: {  	s15 =	sld [smem:s16+$0x0];
	_ =	sdelay $0x1  }
0x335: {  	(v2sf) =	vpush v1, $0x4  }
0x336: {  	s15 =	sadd.f32 $1.000000000e+00, s15;
	_ =	sdelay $0x1  }
0x337: {  	[smem:s16] =	sst s15;
	s20 =	spop (v2sf)  }
0x338: {  	s15 =	sld [smem:s20+$0x0];
	_ =	sdelay $0x1  }
0x339: {  	(v2sf) =	vpush v1, $0x5  }
0x33a: {  	s15 =	sadd.f32 $1.000000000e+00, s15;
	_ =	sdelay $0x1  }
0x33b: {  	s22 =	spop (v2sf);
	[smem:s20] =	sst s15  }
0x33c: {  	s15 =	sld [smem:s22+$0x0];
	_ =	sdelay $0x1  }
0x33d: {  	(v2sf) =	vpush v1, $0x6  }
0x33e: {  	s15 =	sadd.f32 $1.000000000e+00, s15;
	_ =	sdelay $0x1  }
0x33f: {  	s8 =	spop (v2sf);
	[smem:s22] =	sst s15  }
0x340: {  	s15 =	sld [smem:s8+$0x0];
	_ =	sdelay $0x1  }
0x341: {  	(v2sf) =	vpush v1, $0x7  }
0x342: {  	s15 =	sadd.f32 $1.000000000e+00, s15;
	_ =	sdelay $0x1  }
0x343: {  	s16 =	spop (v2sf);
	[smem:s8] =	sst s15  }
0x344: {  	s15 =	sld [smem:s16+$0x0];
	_ =	sdelay $0x1  }
0x345: {  	(v2sf) =	vpush v1, $0x8  }
0x346: {  	s15 =	sadd.f32 $1.000000000e+00, s15;
	_ =	sdelay $0x1  }
0x347: {  	s20 =	spop (v2sf);
	[smem:s16] =	sst s15  }
0x348: {  	s15 =	sld [smem:s20+$0x0];
	_ =	sdelay $0x1  }
0x349: {  	(v2sf) =	vpush v1, $0x9  }
0x34a: {  	s15 =	sadd.f32 $1.000000000e+00, s15;
	_ =	sdelay $0x1  }
0x34b: {  	s22 =	spop (v2sf);
	[smem:s20] =	sst s15  }
0x34c: {  	s15 =	sld [smem:s22+$0x0];
	_ =	sdelay $0x1  }
0x34d: {  	(v2sf) =	vpush v1, $0xA  }
0x34e: {  	s15 =	sadd.f32 $1.000000000e+00, s15;
	_ =	sdelay $0x1  }
0x34f: {  	s8 =	spop (v2sf);
	[smem:s22] =	sst s15  }
0x350: {  	s15 =	sld [smem:s8+$0x0];
	_ =	sdelay $0x1  }
0x351: {  	(v2sf) =	vpush v1, $0xB  }
0x352: {  	s15 =	sadd.f32 $1.000000000e+00, s15;
	_ =	sdelay $0x1  }
0x353: {  	s16 =	spop (v2sf);
	[smem:s8] =	sst s15  }
0x354: {  	s15 =	sld [smem:s16+$0x0];
	_ =	sdelay $0x1  }
0x355: {  	(v2sf) =	vpush v1, $0xC  }
0x356: {  	s15 =	sadd.f32 $1.000000000e+00, s15;
	_ =	sdelay $0x1  }
0x357: {  	s20 =	spop (v2sf);
	[smem:s16] =	sst s15  }
0x358: {  	s15 =	sld [smem:s20+$0x0];
	_ =	sdelay $0x1  }
0x359: {  	(v2sf) =	vpush v1, $0xD  }
0x35a: {  	s15 =	sadd.f32 $1.000000000e+00, s15;
	_ =	sdelay $0x1  }
0x35b: {  	s22 =	spop (v2sf);
	[smem:s20] =	sst s15  }
0x35c: {  	s15 =	sld [smem:s22+$0x0];
	_ =	sdelay $0x1  }
0x35d: {  	(v2sf) =	vpush v1, $0xE  }
0x35e: {  	s15 =	sadd.f32 $1.000000000e+00, s15;
	_ =	sdelay $0x1  }
0x35f: {  	s8 =	spop (v2sf);
	[smem:s22] =	sst s15  }
0x360: {  	s15 =	sld [smem:s8+$0x0];
	_ =	sdelay $0x1  }
0x361: {  	(v2sf) =	vpush v1, $0xF  }
0x362: {  	s15 =	sadd.f32 $1.000000000e+00, s15;
	_ =	sdelay $0x1  }
0x363: {  	s16 =	spop (v2sf);
	[smem:s8] =	sst s15  }
0x364: {  	s15 =	sld [smem:s16+$0x0];
	_ =	sdelay $0x2  }
0x365: {  	s15 =	sadd.f32 $1.000000000e+00, s15;
	_ =	sdelay $0x1  }
0x366: {  	s20 =	spop (v2sf);
	[smem:s16] =	sst s15  }
0x367: {  	s15 =	sld [smem:s20+$0x0];
	_ =	sdelay $0x2  }
0x368: {  	s15 =	sadd.f32 $1.000000000e+00, s15;
	_ =	sdelay $0x1  }
0x369: {  	s22 =	spop (v2sf);
	[smem:s20] =	sst s15  }
0x36a: {  	s15 =	sld [smem:s22+$0x0];
	_ =	sdelay $0x2  }
0x36b: {  	s15 =	sadd.f32 $1.000000000e+00, s15  }
.Ltmp7:
0x36c: {  	_ = 	snop;
	(pc) =	sbr.rel .LBB2_12-.Ltmp7, $4  }
0x36d: {  	[smem:s22] =	sst s15  }
0x36e: {  	_ =	swait.ge [sflag:s28], $0x4000  }
0x36f: {  	[sflag:s28] =	ssyncset.done $0x0  }
0x370: {  	[sflag:s28] =	ssyncadd.s32 $0xFFFFC000  }
.LBB2_13:
.Ltmp8:
0x371: {  	(pc) =	sbr.rel @p1 .LBB2_15-.Ltmp8, $1  }
0x372: {  	_ =	sdelay $0x3  }
0x373: {  	s1 =	rddreg [dreg:$0x9];
	s6 =	simm.s32 $0x9B80  }
0x374: {  	[tilespmem:s6], [sflag:$0x4] =	stream.linear.gather [hbm4b:s1+s5], $0x20, $0x38;
	[tilespmem:$0xBC80] =	vst v63  }
0x375: {  	_ =	swait.ge [sflag:s21], $0x20  }
0x376: {  	[sflag:s21] =	ssyncset.done $0x0  }
0x377: {  	s8 =	simm.s32 $0x9C00;
	s15 =	rddreg [dreg:$0xa];
	[sflag:s21] =	ssyncadd.s32 $0xFFFFFFE0  }
0x378: {  	[tilespmem:s8], [sflag:$0x4] =	stream.linear.gather [hbm4b:s15+s5], $0x1000, $0x38;
	[tilespmem:$0xBC80] =	vst v63  }
0x379: {  	_ =	swait.ge [sflag:s21], $0x1000  }
0x37a: {  	[sflag:s21] =	ssyncset.done $0x0  }
0x37b: {  	s16 =	simm.s32 $0x20;
	[sflag:s21] =	ssyncadd.s32 $0xFFFFF000  }
0x37c: {  	[spmem:s3] =	stream.indirect.scatter.add.f32 [tilespmem:s8], [sflag:$0x3], $0x80, s6, s16, $0xb8;
	[tilespmem:$0xBC80] =	vst v63  }
0x37d: {  	v1 =	vld [tilespmem:$0x9B80];
	_ =	sdelay $0x4  }
0x37e: {  	(v2sf) =	vpush v1, $0x0;
	_ =	sdelay $0x5  }
0x37f: {  	(v2sf) =	vpush v1, $0x1;
	_ =	sdelay $0x5  }
0x380: {  	(v2sf) =	vpush v1, $0x2;
	_ =	sdelay $0x2  }
0x381: {  	s20 =	spop (v2sf)  }
0x382: {  	s22 =	sld [smem:s20+$0x0];
	_ =	sdelay $0x1  }
0x383: {  	(v2sf) =	vpush v1, $0x3  }
0x384: {  	s6 =	sadd.f32 $1.000000000e+00, s22;
	_ =	sdelay $0x1  }
0x385: {  	s31 =	spop (v2sf);
	[smem:s20] =	sst s6  }
0x386: {  	s6 =	sld [smem:s31+$0x0];
	_ =	sdelay $0x1  }
0x387: {  	(v2sf) =	vpush v1, $0x4  }
0x388: {  	s6 =	sadd.f32 $1.000000000e+00, s6;
	_ =	sdelay $0x1  }
0x389: {  	s8 =	spop (v2sf);
	[smem:s31] =	sst s6  }
0x38a: {  	s6 =	sld [smem:s8+$0x0];
	_ =	sdelay $0x1  }
0x38b: {  	(v2sf) =	vpush v1, $0x5  }
0x38c: {  	s6 =	sadd.f32 $1.000000000e+00, s6;
	_ =	sdelay $0x1  }
0x38d: {  	s15 =	spop (v2sf);
	[smem:s8] =	sst s6  }
0x38e: {  	s6 =	sld [smem:s15+$0x0];
	_ =	sdelay $0x1  }
0x38f: {  	(v2sf) =	vpush v1, $0x6  }
0x390: {  	s6 =	sadd.f32 $1.000000000e+00, s6;
	_ =	sdelay $0x1  }
0x391: {  	s16 =	spop (v2sf);
	[smem:s15] =	sst s6  }
0x392: {  	s6 =	sld [smem:s16+$0x0];
	_ =	sdelay $0x1  }
0x393: {  	(v2sf) =	vpush v1, $0x7  }
0x394: {  	s6 =	sadd.f32 $1.000000000e+00, s6;
	_ =	sdelay $0x1  }
0x395: {  	s20 =	spop (v2sf);
	[smem:s16] =	sst s6  }
0x396: {  	s6 =	sld [smem:s20+$0x0];
	_ =	sdelay $0x1  }
0x397: {  	(v2sf) =	vpush v1, $0x8  }
0x398: {  	s6 =	sadd.f32 $1.000000000e+00, s6;
	_ =	sdelay $0x1  }
0x399: {  	s22 =	spop (v2sf);
	[smem:s20] =	sst s6  }
0x39a: {  	s6 =	sld [smem:s22+$0x0];
	_ =	sdelay $0x1  }
0x39b: {  	(v2sf) =	vpush v1, $0x9  }
0x39c: {  	s6 =	sadd.f32 $1.000000000e+00, s6;
	_ =	sdelay $0x1  }
0x39d: {  	s31 =	spop (v2sf);
	[smem:s22] =	sst s6  }
0x39e: {  	s6 =	sld [smem:s31+$0x0];
	_ =	sdelay $0x1  }
0x39f: {  	(v2sf) =	vpush v1, $0xA  }
0x3a0: {  	s6 =	sadd.f32 $1.000000000e+00, s6;
	_ =	sdelay $0x1  }
0x3a1: {  	s8 =	spop (v2sf);
	[smem:s31] =	sst s6  }
0x3a2: {  	s6 =	sld [smem:s8+$0x0];
	_ =	sdelay $0x1  }
0x3a3: {  	(v2sf) =	vpush v1, $0xB  }
0x3a4: {  	s6 =	sadd.f32 $1.000000000e+00, s6;
	_ =	sdelay $0x1  }
0x3a5: {  	s15 =	spop (v2sf);
	[smem:s8] =	sst s6  }
0x3a6: {  	s6 =	sld [smem:s15+$0x0];
	_ =	sdelay $0x1  }
0x3a7: {  	(v2sf) =	vpush v1, $0xC  }
0x3a8: {  	s6 =	sadd.f32 $1.000000000e+00, s6;
	_ =	sdelay $0x1  }
0x3a9: {  	s16 =	spop (v2sf);
	[smem:s15] =	sst s6  }
0x3aa: {  	s6 =	sld [smem:s16+$0x0];
	_ =	sdelay $0x1  }
0x3ab: {  	(v2sf) =	vpush v1, $0xD  }
0x3ac: {  	s6 =	sadd.f32 $1.000000000e+00, s6;
	_ =	sdelay $0x1  }
0x3ad: {  	s20 =	spop (v2sf);
	[smem:s16] =	sst s6  }
0x3ae: {  	s6 =	sld [smem:s20+$0x0];
	_ =	sdelay $0x1  }
0x3af: {  	(v2sf) =	vpush v1, $0xE  }
0x3b0: {  	s6 =	sadd.f32 $1.000000000e+00, s6;
	_ =	sdelay $0x1  }
0x3b1: {  	s22 =	spop (v2sf);
	[smem:s20] =	sst s6  }
0x3b2: {  	s6 =	sld [smem:s22+$0x0];
	_ =	sdelay $0x1  }
0x3b3: {  	(v2sf) =	vpush v1, $0xF  }
0x3b4: {  	v1 =	vld [tilespmem:$0x9B90];
	s6 =	sadd.f32 $1.000000000e+00, s6;
	_ =	sdelay $0x1  }
0x3b5: {  	s31 =	spop (v2sf);
	[smem:s22] =	sst s6  }
0x3b6: {  	s6 =	sld [smem:s31+$0x0];
	_ =	sdelay $0x1  }
0x3b7: {  	(v2sf) =	vpush v1, $0x0  }
0x3b8: {  	s6 =	sadd.f32 $1.000000000e+00, s6;
	_ =	sdelay $0x1  }
0x3b9: {  	s8 =	spop (v2sf);
	[smem:s31] =	sst s6  }
0x3ba: {  	s6 =	sld [smem:s8+$0x0];
	_ =	sdelay $0x1  }
0x3bb: {  	(v2sf) =	vpush v1, $0x1  }
0x3bc: {  	s6 =	sadd.f32 $1.000000000e+00, s6;
	_ =	sdelay $0x1  }
0x3bd: {  	s15 =	spop (v2sf);
	[smem:s8] =	sst s6  }
0x3be: {  	s6 =	sld [smem:s15+$0x0];
	_ =	sdelay $0x1  }
0x3bf: {  	(v2sf) =	vpush v1, $0x2  }
0x3c0: {  	s6 =	sadd.f32 $1.000000000e+00, s6;
	_ =	sdelay $0x1  }
0x3c1: {  	s16 =	spop (v2sf);
	[smem:s15] =	sst s6  }
0x3c2: {  	s6 =	sld [smem:s16+$0x0];
	_ =	sdelay $0x1  }
0x3c3: {  	(v2sf) =	vpush v1, $0x3  }
0x3c4: {  	s6 =	sadd.f32 $1.000000000e+00, s6;
	_ =	sdelay $0x1  }
0x3c5: {  	s20 =	spop (v2sf);
	[smem:s16] =	sst s6  }
0x3c6: {  	s6 =	sld [smem:s20+$0x0];
	_ =	sdelay $0x1  }
0x3c7: {  	(v2sf) =	vpush v1, $0x4  }
0x3c8: {  	s6 =	sadd.f32 $1.000000000e+00, s6;
	_ =	sdelay $0x1  }
0x3c9: {  	s22 =	spop (v2sf);
	[smem:s20] =	sst s6  }
0x3ca: {  	s6 =	sld [smem:s22+$0x0];
	_ =	sdelay $0x1  }
0x3cb: {  	(v2sf) =	vpush v1, $0x5  }
0x3cc: {  	s6 =	sadd.f32 $1.000000000e+00, s6;
	_ =	sdelay $0x1  }
0x3cd: {  	s31 =	spop (v2sf);
	[smem:s22] =	sst s6  }
0x3ce: {  	s6 =	sld [smem:s31+$0x0];
	_ =	sdelay $0x1  }
0x3cf: {  	(v2sf) =	vpush v1, $0x6  }
0x3d0: {  	s6 =	sadd.f32 $1.000000000e+00, s6;
	_ =	sdelay $0x1  }
0x3d1: {  	s8 =	spop (v2sf);
	[smem:s31] =	sst s6  }
0x3d2: {  	s6 =	sld [smem:s8+$0x0];
	_ =	sdelay $0x1  }
0x3d3: {  	(v2sf) =	vpush v1, $0x7  }
0x3d4: {  	s6 =	sadd.f32 $1.000000000e+00, s6;
	_ =	sdelay $0x1  }
0x3d5: {  	s15 =	spop (v2sf);
	[smem:s8] =	sst s6  }
0x3d6: {  	s6 =	sld [smem:s15+$0x0];
	_ =	sdelay $0x1  }
0x3d7: {  	(v2sf) =	vpush v1, $0x8  }
0x3d8: {  	s6 =	sadd.f32 $1.000000000e+00, s6;
	_ =	sdelay $0x1  }
0x3d9: {  	s16 =	spop (v2sf);
	[smem:s15] =	sst s6  }
0x3da: {  	s6 =	sld [smem:s16+$0x0];
	_ =	sdelay $0x1  }
0x3db: {  	(v2sf) =	vpush v1, $0x9  }
0x3dc: {  	s6 =	sadd.f32 $1.000000000e+00, s6;
	_ =	sdelay $0x1  }
0x3dd: {  	s20 =	spop (v2sf);
	[smem:s16] =	sst s6  }
0x3de: {  	s6 =	sld [smem:s20+$0x0];
	_ =	sdelay $0x1  }
0x3df: {  	(v2sf) =	vpush v1, $0xA  }
0x3e0: {  	s6 =	sadd.f32 $1.000000000e+00, s6;
	_ =	sdelay $0x1  }
0x3e1: {  	s22 =	spop (v2sf);
	[smem:s20] =	sst s6  }
0x3e2: {  	s6 =	sld [smem:s22+$0x0];
	_ =	sdelay $0x1  }
0x3e3: {  	(v2sf) =	vpush v1, $0xB  }
0x3e4: {  	s6 =	sadd.f32 $1.000000000e+00, s6;
	_ =	sdelay $0x1  }
0x3e5: {  	s31 =	spop (v2sf);
	[smem:s22] =	sst s6  }
0x3e6: {  	s6 =	sld [smem:s31+$0x0];
	_ =	sdelay $0x1  }
0x3e7: {  	(v2sf) =	vpush v1, $0xC  }
0x3e8: {  	s6 =	sadd.f32 $1.000000000e+00, s6;
	_ =	sdelay $0x1  }
0x3e9: {  	s8 =	spop (v2sf);
	[smem:s31] =	sst s6  }
0x3ea: {  	s6 =	sld [smem:s8+$0x0];
	_ =	sdelay $0x1  }
0x3eb: {  	(v2sf) =	vpush v1, $0xD  }
0x3ec: {  	s6 =	sadd.f32 $1.000000000e+00, s6;
	_ =	sdelay $0x1  }
0x3ed: {  	s15 =	spop (v2sf);
	[smem:s8] =	sst s6  }
0x3ee: {  	s6 =	sld [smem:s15+$0x0];
	_ =	sdelay $0x1  }
0x3ef: {  	(v2sf) =	vpush v1, $0xE  }
0x3f0: {  	s6 =	sadd.f32 $1.000000000e+00, s6;
	_ =	sdelay $0x1  }
0x3f1: {  	s16 =	spop (v2sf);
	[smem:s15] =	sst s6  }
0x3f2: {  	s6 =	sld [smem:s16+$0x0];
	_ =	sdelay $0x1  }
0x3f3: {  	(v2sf) =	vpush v1, $0xF  }
0x3f4: {  	s6 =	sadd.f32 $1.000000000e+00, s6;
	_ =	sdelay $0x1  }
0x3f5: {  	s20 =	spop (v2sf);
	[smem:s16] =	sst s6  }
0x3f6: {  	s6 =	sld [smem:s20+$0x0];
	_ =	sdelay $0x2  }
0x3f7: {  	s6 =	sadd.f32 $1.000000000e+00, s6;
	_ =	sdelay $0x1  }
0x3f8: {  	s22 =	spop (v2sf);
	[smem:s20] =	sst s6  }
0x3f9: {  	s6 =	sld [smem:s22+$0x0];
	_ =	sdelay $0x2  }
0x3fa: {  	s6 =	sadd.f32 $1.000000000e+00, s6;
	_ =	sdelay $0x1  }
0x3fb: {  	s31 =	spop (v2sf);
	[smem:s22] =	sst s6  }
0x3fc: {  	s6 =	sld [smem:s31+$0x0];
	_ =	sdelay $0x2  }
0x3fd: {  	s6 =	sadd.f32 $1.000000000e+00, s6;
	_ =	sdelay $0x1  }
0x3fe: {  	[smem:s31] =	sst s6  }
0x3ff: {  	_ =	swait.ge [sflag:s28], $0x1000  }
0x400: {  	[sflag:s28] =	ssyncset.done $0x0  }
0x401: {  	[sflag:s28] =	ssyncadd.s32 $0xFFFFF000  }
.LBB2_15:
0x402: {  	s1 =	sld [smem:$0xF]  }
0x403: {  	s6 =	sld [smem:$0x0]  }
0x404: {  	s15 =	sld [smem:$0x1]  }
0x405: {  	s16 =	sld [smem:$0x2];
	v1 =	vmov s1  }
0x406: {  	s8 =	sld [smem:$0x3];
	v1 =	vsel vm0, s6, v1  }
0x407: {  	s6 =	sld [smem:$0x4];
	v1 =	vsel vm1, s15, v1  }
0x408: {  	s22 =	sld [smem:$0x5];
	v1 =	vsel vm2, s16, v1  }
0x409: {  	s20 =	sld [smem:$0x6];
	v1 =	vsel vm3, s8, v1  }
0x40a: {  	s8 =	sld [smem:$0x7];
	v1 =	vsel vm4, s6, v1  }
0x40b: {  	s6 =	sld [smem:$0x8];
	v1 =	vsel vm5, s22, v1  }
0x40c: {  	s22 =	sld [smem:$0x9];
	v1 =	vsel vm6, s20, v1  }
0x40d: {  	s20 =	sld [smem:$0xA];
	v1 =	vsel vm7, s8, v1  }
0x40e: {  	s8 =	sld [smem:$0xB];
	v1 =	vsel vm8, s6, v1  }
0x40f: {  	s31 =	sld [smem:$0xC];
	v1 =	vsel vm9, s22, v1  }
0x410: {  	s1 =	simm.s32 $0x0;
	s16 =	sld [smem:$0xD];
	v1 =	vsel vm10, s20, v1  }
0x411: {  	s15 =	simm.s32 $0x10;
	s22 =	simm.s32 $0x80;
	s6 =	sld [smem:$0xE];
	v1 =	vsel vm11, s8, v1  }
.LBB2_16:
0x412: {  	p2 =	sne.s32 s22, $0x7C0;
	s8 =	sld [smem:s15+$0xF];
	v1 =	vsel vm12, s31, v1  }
0x413: {  	s20 =	sld [smem:s15+$0x0];
	v1 =	vsel vm13, s16, v1  }
0x414: {  	s16 =	sld [smem:s15+$0x1];
	v1 =	vsel vm14, s6, v1  }
0x415: {  	s6 =	sld [smem:s15+$0x2];
	v2 =	vmov s8;
	[tilespmem:s1+$0x9100] =	vst v1;
	s1 =	smov.u32 s15  }
0x416: {  	s8 =	sld [smem:s1+$0x3];
	v1 =	vsel vm0, s20, v2  }
0x417: {  	s15 =	sld [smem:s1+$0x4];
	v1 =	vsel vm1, s16, v1  }
0x418: {  	s16 =	sld [smem:s1+$0x5];
	v1 =	vsel vm2, s6, v1  }
0x419: {  	s6 =	sld [smem:s1+$0x6];
	v1 =	vsel vm3, s8, v1  }
0x41a: {  	s8 =	sld [smem:s1+$0x7];
	v1 =	vsel vm4, s15, v1  }
0x41b: {  	s15 =	sld [smem:s1+$0x8];
	v1 =	vsel vm5, s16, v1  }
0x41c: {  	s16 =	sld [smem:s1+$0x9];
	v1 =	vsel vm6, s6, v1  }
.Ltmp9:
0x41d: {  	s6 =	sld [smem:s1+$0xA];
	v1 =	vsel vm7, s8, v1;
	(pc) =	sbr.rel @p2 .LBB2_16-.Ltmp9, $4  }
0x41e: {  	s8 =	sld [smem:s1+$0xB];
	v1 =	vsel vm8, s15, v1  }
0x41f: {  	s31 =	sld [smem:s1+$0xC];
	v1 =	vsel vm9, s16, v1  }
0x420: {  	s16 =	sld [smem:s1+$0xD];
	v1 =	vsel vm10, s6, v1  }
0x421: {  	s15 =	sshra.s32 s22, $0x2;
	s22 =	sadd.s32 $0x40, s22;
	s6 =	sld [smem:s1+$0xE];
	v1 =	vsel vm11, s8, v1  }
0x422: {  	s8 =	sld [smem:s15+$0xF]  }
0x423: {  	s20 =	sld [smem:s15+$0x0]  }
0x424: {  	s22 =	sld [smem:s15+$0x1]  }
0x425: {  	v2 =	vmov s8;
	s8 =	sld [smem:s15+$0x2]  }
0x426: {  	v2 =	vsel vm0, s20, v2;
	s20 =	sld [smem:s15+$0x3]  }
0x427: {  	v2 =	vsel vm1, s22, v2;
	s22 =	sld [smem:s15+$0x4]  }
0x428: {  	v2 =	vsel vm2, s8, v2;
	s8 =	sld [smem:s15+$0x5]  }
0x429: {  	v2 =	vsel vm3, s20, v2;
	s20 =	sld [smem:s15+$0x6]  }
0x42a: {  	v2 =	vsel vm4, s22, v2;
	s22 =	sld [smem:s15+$0x7]  }
0x42b: {  	v2 =	vsel vm5, s8, v2;
	s8 =	sld [smem:s15+$0x8]  }
0x42c: {  	v2 =	vsel vm6, s20, v2;
	s20 =	sld [smem:s15+$0x9]  }
0x42d: {  	v2 =	vsel vm7, s22, v2;
	s22 =	sld [smem:s15+$0xA]  }
0x42e: {  	v2 =	vsel vm8, s8, v2;
	s8 =	sld [smem:s15+$0xB]  }
0x42f: {  	v2 =	vsel vm9, s20, v2;
	s20 =	sld [smem:s15+$0xC]  }
0x430: {  	v2 =	vsel vm10, s22, v2;
	s22 =	sld [smem:s15+$0xD]  }
0x431: {  	v1 =	vsel vm12, s31, v1;
	s31 =	sld [smem:s15+$0xE];
	v2 =	vsel vm11, s8, v2  }
0x432: {  	v1 =	vsel vm13, s16, v1;
	v2 =	vsel vm12, s20, v2  }
0x433: {  	v1 =	vsel vm14, s6, v1;
	v2 =	vsel vm13, s22, v2  }
0x434: {  	[tilespmem:s1+$0x9100] =	vst v1;
	v1 =	vsel vm14, s31, v2  }
0x435: {  	[tilespmem:s15+$0x9100] =	vst v1  }
0x436: {  	v1 =	vld [tilespmem:$0x9100]  }
0x437: {  	v2 =	vld [tilespmem:$0x9110]  }
0x438: {  	v3 =	vld [tilespmem:$0x9120]  }
0x439: {  	v4 =	vld [tilespmem:$0x9130]  }
0x43a: {  	v5 =	vld [tilespmem:$0x9140]  }
0x43b: {  	[tilespmem:$0x9300] =	vst v1;
	v1 =	vld [tilespmem:$0x9150]  }
0x43c: {  	[tilespmem:$0x9310] =	vst v2;
	v2 =	vld [tilespmem:$0x9160]  }
0x43d: {  	v54 =	vld [tilespmem:$0x9180];
	[tilespmem:$0x9320] =	vst v3  }
0x43e: {  	v55 =	vld [tilespmem:$0x9190];
	[tilespmem:$0x9330] =	vst v4  }
0x43f: {  	v3 =	vld [tilespmem:$0x9170];
	[tilespmem:$0x9340] =	vst v5  }
0x440: {  	[tilespmem:$0x9350] =	vst v1;
	v1 =	vld [tilespmem:$0x91A0]  }
0x441: {  	[tilespmem:$0x9360] =	vst v2;
	v2 =	vld [tilespmem:$0x91B0]  }
0x442: {  	v56 =	vld [tilespmem:$0x91D0];
	[tilespmem:$0x9380] =	vst v54  }
0x443: {  	v57 =	vld [tilespmem:$0x91E0];
	[tilespmem:$0x9390] =	vst v55  }
0x444: {  	[tilespmem:$0x9370] =	vst v3;
	v3 =	vld [tilespmem:$0x91C0]  }
0x445: {  	[tilespmem:$0x93A0] =	vst v1;
	v1 =	vld [tilespmem:$0x91F0]  }
0x446: {  	[tilespmem:$0x93B0] =	vst v2;
	v2 =	vld [tilespmem:$0x9200]  }
0x447: {  	v58 =	vld [tilespmem:$0x9220];
	[tilespmem:$0x93D0] =	vst v56  }
0x448: {  	v59 =	vld [tilespmem:$0x9230];
	[tilespmem:$0x93E0] =	vst v57  }
0x449: {  	[tilespmem:$0x93C0] =	vst v3;
	v3 =	vld [tilespmem:$0x9210]  }
0x44a: {  	[tilespmem:$0x93F0] =	vst v1;
	v1 =	vld [tilespmem:$0x9240]  }
0x44b: {  	[tilespmem:$0x9400] =	vst v2;
	v2 =	vld [tilespmem:$0x9250]  }
0x44c: {  	v60 =	vld [tilespmem:$0x9270];
	[tilespmem:$0x9420] =	vst v58  }
0x44d: {  	v61 =	vld [tilespmem:$0x9280];
	[tilespmem:$0x9430] =	vst v59  }
0x44e: {  	[tilespmem:$0x9410] =	vst v3;
	v3 =	vld [tilespmem:$0x9260]  }
0x44f: {  	[tilespmem:$0x9440] =	vst v1;
	v1 =	vld [tilespmem:$0x9290]  }
0x450: {  	[tilespmem:$0x9450] =	vst v2;
	v2 =	vld [tilespmem:$0x92A0]  }
0x451: {  	v62 =	vld [tilespmem:$0x92C0];
	[tilespmem:$0x9470] =	vst v60  }
0x452: {  	v63 =	vld [tilespmem:$0x92D0];
	[tilespmem:$0x9480] =	vst v61  }
0x453: {  	[tilespmem:$0x9460] =	vst v3;
	v3 =	vld [tilespmem:$0x92B0]  }
0x454: {  	[tilespmem:$0x9490] =	vst v1;
	v1 =	vld [tilespmem:$0x92E0]  }
0x455: {  	[tilespmem:$0x94A0] =	vst v2;
	v2 =	vld [tilespmem:$0x92F0]  }
0x456: {  	[tilespmem:$0x94C0] =	vst v62  }
0x457: {  	[tilespmem:$0x94D0] =	vst v63  }
0x458: {  	[tilespmem:$0x94B0] =	vst v3  }
0x459: {  	[tilespmem:$0x94E0] =	vst v1  }
0x45a: {  	s22 =	simm.s32 $0x10;
	s31 =	simm.s32 $0x9300;
	s15 =	simm.s32 $0x9B00;
	[tilespmem:$0x94F0] =	vst v2  }
0x45b: {  	[spmem:s4] =	stream.indirect.scatter.add.f32 [tilespmem:s31], [sflag:$0x4], $0x80, s15, s22, $0xb8;
	[tilespmem:$0xBC80] =	vst v63  }
0x45c: {  	_ =	swait.ge [sflag:s21], $0x800  }
0x45d: {  	[sflag:s21] =	ssyncset.done $0x0  }
0x45e: {  	[sflag:s21] =	ssyncadd.s32 $0xFFFFF800  }
0x45f: {  	s6 =	simm.s32 @!p0 $0x1C04;
	s1 =	sshrl.u32 @!p0 s3, $0x3;
	[bflag:$0x0] =	sbarrier.arrive $0xFFFF  }
0x460: {  	[hbm:s17], [sflag:s6] =	dma.local @!p0 [spmem:s1], $0x2000  }
0x461: {  	s1 =	simm.s32 @!p0 $0x4  }
0x462: {  	s30 =	sadd.s32 $0x1, s30;
	_ =	swait.ge @!p0 [sflag:s1], $0x2000  }
0x463: {  	p2 =	sne.s32 s30, s19;
	[sflag:s1] =	ssyncset.done @!p0 $0x0  }
.Ltmp10:
0x464: {  	s8 =	sshrl.u32 @!p0 s4, $0x3;
	[sflag:s1] =	ssyncadd.s32 @!p0 $0xFFFFE000;
	(pc) =	sbr.rel @p2 .LBB2_1-.Ltmp10, $4  }
0x465: {  	[hbm:s18], [sflag:s6] =	dma.local @!p0 [spmem:s8], $0x40  }
0x466: {  	_ =	swait.ge @!p0 [sflag:s1], $0x40  }
0x467: {  	[sflag:s1] =	ssyncset.done @!p0 $0x0  }
0x468: {  	[sflag:s1] =	ssyncadd.s32 @!p0 $0xFFFFFFC0  }
0x469: {  	_ =	sfence.sel $0x180000  }
0x46a: {  	[bflag:$0x0] =	sbarrier.arrive $0xFFFF  }
0x46b: {  	_ =	strace $0x90000047  }
0x46c: {  	[bflag:$0x2] =	sbarrier.arrive $0xFFFF  }
0x46d: {  	s0 =	rddreg [dreg:$0x6]  }
0x46e: {  	s0 =	sadd.s32 @!p0 $0x100000, s0  }
0x46f: {  	[sflag:s0] =	ssyncadd.tile.s32 @!p0 $0x1;
	_ =	shalt  }
.Lfunc_end2:
_tile_overlayer_lowered:
.L_overlay_start_2:
0x470: {  	(tag) =	ssettag $0x2  }
0x471: {  	s0 =	rddreg [dreg:$0x0];
	s2 =	stileid.u32  }
0x472: {  	s1 =	rddreg [dreg:$0x1];
	p0 =	sne.s32 s2, $0x0  }
0x473: {  	s3 =	rddreg [dreg:$0x2];
	[bflag:$0x3] =	sbarrier.arrive $0xFFFF;
	s2 =	simm.s32 @!p0 $0x1C04  }
0x474: {  	[timem:s3], [sflag:s2] =	dma.local @!p0 [hbm:s0], s1  }
0x475: {  	s0 =	simm.s32 @!p0 $0x4  }
0x476: {  	_ =	swait.ge @!p0 [sflag:s0], s1  }
0x477: {  	s1 =	ssub.s32 @!p0 $0x0, s1;
	[sflag:s0] =	ssyncset.done @!p0 $0x0  }
0x478: {  	[sflag:s0] =	ssyncadd.s32 @!p0 s1  }
0x479: {  	[bflag:$0x3] =	sbarrier.arrive $0xFFFF  }
0x47a: {  	_ =	shalt  }

</sc_bundles>
